<compile_context>
chip_gen: v7x
topology: tpu7x:2x2x1
jax: 0.10.2.dev20260603
libtpu: 0.0.44.dev20260713+nightly
codegen_flags: <defaults>
</compile_context>

<pallas_src>
import functools

import jax
import jax.numpy as jnp
from jax import lax
from jax.experimental import pallas as pl
from jax.experimental.pallas import tpu as pltpu
from jax.experimental.pallas import tpu_sc as plsc

IN_F = 1024
OUT_F = 4096
BLK = 256
NBLK = OUT_F // BLK
TOPK = NBLK // 4
TOK = 2048
R = 256
G = (TOK * TOPK + NBLK * (R - 1) + R - 1) // R
GPAD = 128
P = G * R
NW = 32
TPW = TOK // NW
NSUB = TPW // 16


def _router_body(x_ref, wr_ref, br_ref, dest_ref, bid_ref):
    xt = x_ref[...]
    logits = lax.dot_general(xt, wr_ref[...], (((1,), (1,)), ((), ())),
                             preferred_element_type=jnp.float32)
    logits = logits + br_ref[...]
    cols = lax.broadcasted_iota(jnp.int32, (TOK, NBLK), 1)
    work = logits
    sels = []
    for _ in range(TOPK):
        m = jnp.max(work, axis=1, keepdims=True)
        idxk = jnp.min(jnp.where(work == m, cols, NBLK), axis=1, keepdims=True)
        sel = cols == idxk
        sels.append(sel)
        work = jnp.where(sel, -jnp.inf, work)
    maskf = sels[0].astype(jnp.float32)
    for sel in sels[1:]:
        maskf = maskf + sel.astype(jnp.float32)

    counts = jnp.sum(maskf, axis=0, keepdims=True)
    ntiles = jnp.floor((counts + (R - 1)) * (1.0 / R))
    padded = ntiles * R

    tri_u = (lax.broadcasted_iota(jnp.int32, (NBLK, NBLK), 0)
             <= lax.broadcasted_iota(jnp.int32, (NBLK, NBLK), 1)
             ).astype(jnp.float32)

    def _lanecumsum(v):
        return lax.dot_general(v, tri_u, (((1,), (0,)), ((), ())),
                               preferred_element_type=jnp.float32,
                               precision=lax.Precision.HIGHEST)

    offs_incl = _lanecumsum(padded)
    offs_excl = offs_incl - padded

    CH = 256
    tri_l = (lax.broadcasted_iota(jnp.int32, (CH, CH), 0)
             >= lax.broadcasted_iota(jnp.int32, (CH, CH), 1)
             ).astype(jnp.bfloat16)
    pieces = []
    carry = jnp.zeros((1, NBLK), jnp.float32)
    for c in range(TOK // CH):
        chunk = maskf[c * CH:(c + 1) * CH, :].astype(jnp.bfloat16)
        local = lax.dot_general(tri_l, chunk, (((1,), (0,)), ((), ())),
                                preferred_element_type=jnp.float32)
        pieces.append(local + carry)
        carry = carry + local[CH - 1:CH, :]
    csum_incl = jnp.concatenate(pieces, axis=0)
    csum_excl = csum_incl - maskf
    destmat = offs_excl + csum_excl
    dcols = [jnp.sum(jnp.where(sel, destmat, 0.0), axis=1, keepdims=True)
             for sel in sels]
    dest4 = jnp.concatenate(dcols, axis=1)
    TC = 256
    eye_t = (lax.broadcasted_iota(jnp.int32, (TC, TC), 0)
             == lax.broadcasted_iota(jnp.int32, (TC, TC), 1)
             ).astype(jnp.float32)
    tchunks = []
    for c in range(TOK // TC):
        a = dest4[c * TC:(c + 1) * TC, :]
        tchunks.append(lax.dot_general(
            a, eye_t, (((0,), (0,)), ((), ())),
            preferred_element_type=jnp.float32,
            precision=lax.Precision.HIGHEST))
    dest_ref[...] = jnp.concatenate(tchunks, axis=1).astype(jnp.int32)

    cumt = _lanecumsum(ntiles)
    eye = (lax.broadcasted_iota(jnp.int32, (NBLK, NBLK), 0)
           == lax.broadcasted_iota(jnp.int32, (NBLK, NBLK), 1)
           ).astype(jnp.float32)
    cumt_col = lax.dot_general(eye, cumt, (((1,), (1,)), ((), ())),
                               preferred_element_type=jnp.float32,
                               precision=lax.Precision.HIGHEST)
    j_row = lax.broadcasted_iota(jnp.int32, (1, GPAD), 1)
    cmp = (cumt_col.astype(jnp.int32) <= j_row).astype(jnp.int32)
    bid = jnp.sum(cmp, axis=0, keepdims=True)
    bid_ref[...] = jnp.minimum(bid, NBLK - 1)


def _router(x2, Wr, br2):
    return pl.pallas_call(
        _router_body,
        out_shape=(jax.ShapeDtypeStruct((TOPK, TOK), jnp.int32),
                   jax.ShapeDtypeStruct((1, GPAD), jnp.int32)),
    )(x2, Wr, br2)


def _dispatch_body(x_hbm, destT_hbm, xg_hbm, rows_v, idx_v, sem):
    wid = lax.axis_index("c") * 16 + lax.axis_index("s")
    tok0 = wid * TPW
    pltpu.sync_copy(x_hbm.at[pl.ds(tok0, TPW), :], rows_v)
    for k in range(TOPK):
        pltpu.sync_copy(destT_hbm.at[k, pl.ds(tok0, TPW)], idx_v.at[k])
    cps = [pltpu.async_copy(rows_v, xg_hbm.at[idx_v.at[k]], sem)
           for k in range(TOPK)]
    for cp in cps:
        cp.wait()


def _dispatch(x2, dest):
    mesh = plsc.VectorSubcoreMesh(core_axis_name="c", subcore_axis_name="s")
    fn = functools.partial(
        pl.kernel,
        out_type=jax.ShapeDtypeStruct((P, IN_F), jnp.float32),
        mesh=mesh,
        scratch_types=[
            pltpu.VMEM((TPW, IN_F), jnp.float32),
            pltpu.VMEM((TOPK, TPW), jnp.int32),
            pltpu.SemaphoreType.DMA,
        ],
    )(_dispatch_body)
    return fn(x2, dest)


def _gmm_body(bid_ref, xg_ref, w1_ref, b1_ref, w2_ref, b2_ref, yg_ref):
    xt = xg_ref[...]
    h = lax.dot_general(xt, w1_ref[...], (((1,), (1,)), ((), ())),
                        preferred_element_type=jnp.float32)
    h = jnp.maximum(h + b1_ref[0], 0.0)
    yg = lax.dot_general(h, w2_ref[...], (((1,), (1,)), ((), ())),
                         preferred_element_type=jnp.float32)
    yg_ref[...] = yg + 0.25 * b2_ref[...]


def _grouped_ffn(bid, xg, W1, b1b, W2, b22):
    grid_spec = pltpu.PrefetchScalarGridSpec(
        num_scalar_prefetch=1,
        grid=(G,),
        in_specs=[
            pl.BlockSpec((R, IN_F), lambda j, b: (j, 0)),
            pl.BlockSpec((BLK, IN_F), lambda j, b: (b[0, j], 0)),
            pl.BlockSpec((1, 1, BLK), lambda j, b: (b[0, j], 0, 0)),
            pl.BlockSpec((IN_F, BLK), lambda j, b: (0, b[0, j])),
            pl.BlockSpec((1, IN_F), lambda j, b: (0, 0)),
        ],
        out_specs=pl.BlockSpec((R, IN_F), lambda j, b: (j, 0)),
    )
    return pl.pallas_call(
        _gmm_body,
        grid_spec=grid_spec,
        out_shape=jax.ShapeDtypeStruct((P, IN_F), jnp.float32),
    )(bid, xg, W1, b1b, W2, b22)


CSUB = 8
CNS = TPW // CSUB


def _combine_body(yg_hbm, destT_hbm, y_hbm, idx_v,
                  a0, a1, a2, a3, b0, b1, b2, b3,
                  gsem_a, gsem_b, wsem_a, wsem_b):
    wid = lax.axis_index("c") * 16 + lax.axis_index("s")
    tok0 = wid * TPW
    for k in range(TOPK):
        for c in range(CNS):
            pltpu.sync_copy(destT_hbm.at[k, pl.ds(tok0 + c * CSUB, CSUB)],
                            idx_v.at[k * CNS + c])
    sets = ((a0, a1, a2, a3, gsem_a, wsem_a),
            (b0, b1, b2, b3, gsem_b, wsem_b))

    def fire(sub, s):
        bufs = sets[s]
        for k in range(TOPK):
            pltpu.async_copy(yg_hbm.at[idx_v.at[k * CNS + sub]],
                             bufs[k], bufs[4])

    fire(0, 0)
    for sub in range(CNS):
        s = sub & 1
        bufs = sets[s]
        other = sets[1 - s]
        for k in range(TOPK):
            pltpu.make_async_copy(yg_hbm.at[idx_v.at[k * CNS + sub]],
                                  bufs[k], bufs[4]).wait()
        if sub + 1 < CNS:
            if sub >= 1:
                pltpu.make_async_copy(
                    other[0],
                    y_hbm.at[pl.ds(tok0 + (sub - 1) * CSUB, CSUB), :],
                    other[5]).wait()
            fire(sub + 1, 1 - s)

        @plsc.parallel_loop(0, CSUB * (IN_F // 16), unroll=8)
        def _add(i):
            r = i // (IN_F // 16)
            sl = pl.ds((i % (IN_F // 16)) * 16, 16)
            bufs[0][r, sl] = (bufs[0][r, sl] + bufs[1][r, sl]
                              + bufs[2][r, sl] + bufs[3][r, sl])

        pltpu.async_copy(bufs[0],
                         y_hbm.at[pl.ds(tok0 + sub * CSUB, CSUB), :],
                         bufs[5])
    for sub in (CNS - 2, CNS - 1):
        bufs = sets[sub & 1]
        pltpu.make_async_copy(bufs[0],
                              y_hbm.at[pl.ds(tok0 + sub * CSUB, CSUB), :],
                              bufs[5]).wait()


def _combine(yg, dest):
    mesh = plsc.VectorSubcoreMesh(core_axis_name="c", subcore_axis_name="s")
    fn = functools.partial(
        pl.kernel,
        out_type=jax.ShapeDtypeStruct((TOK, IN_F), jnp.float32),
        mesh=mesh,
        scratch_types=(
            [pltpu.VMEM((TOPK * CNS, CSUB), jnp.int32)]
            + [pltpu.VMEM((CSUB, IN_F), jnp.float32) for _ in range(8)]
            + [pltpu.SemaphoreType.DMA for _ in range(4)]
        ),
    )(_combine_body)
    return fn(yg, dest)


def kernel(x, Wr, br, W1, b1, W2, b2):
    x2 = x.reshape(TOK, IN_F)
    br2 = br.reshape(1, NBLK)
    b1b = b1.reshape(NBLK, 1, BLK)
    b22 = b2.reshape(1, IN_F)

    dest, bid = _router(x2, Wr, br2)
    xg = _dispatch(x2, dest)
    yg = _grouped_ffn(bid, xg, W1, b1b, W2, b22)
    y = _combine(yg, dest)
    return y.reshape(x.shape)

# --- scband reference (transcript-rebuilt; emitter-appended) ---
"""Pipeline reference for scband-routed-ffn-5738076307889 (READ-ONLY COPY).

The authoritative reference and input builder live on the scoring server;
editing this copy changes nothing except your own understanding.
"""

import jax, jax.numpy as jnp
import numpy as np

IN_FEATURES = 1024
OUT_FEATURES = 4096
BLOCK_SIZE = 256
N_BLOCKS = OUT_FEATURES // BLOCK_SIZE
TOP_K = N_BLOCKS // 4
TOKENS = 2048


def setup_inputs(seed: int = 0) -> dict:
    key = jax.random.key(seed)
    ks = jax.random.split(key, 8)
    s1 = 1.0 / np.sqrt(IN_FEATURES)
    s2 = 1.0 / np.sqrt(OUT_FEATURES)
    x = jax.random.normal(ks[0], (TOKENS, IN_FEATURES), dtype=jnp.float32)
    Wr = jax.random.uniform(ks[1], (N_BLOCKS, IN_FEATURES), jnp.float32, -s1, s1)
    br = jax.random.uniform(ks[2], (N_BLOCKS,), jnp.float32, -s1, s1)
    W1 = jax.random.uniform(ks[3], (OUT_FEATURES, IN_FEATURES), jnp.float32, -s1, s1)
    b1 = jax.random.uniform(ks[4], (OUT_FEATURES,), jnp.float32, -s1, s1)
    W2 = jax.random.uniform(ks[5], (IN_FEATURES, OUT_FEATURES), jnp.float32, -s2, s2)
    b2 = jax.random.uniform(ks[6], (IN_FEATURES,), jnp.float32, -s2, s2)
    return {"x": x, "Wr": Wr, "br": br, "W1": W1, "b1": b1, "W2": W2, "b2": b2}


def reference(x, Wr, br, W1, b1, W2, b2):
    x_shape = x.shape
    x2 = x.reshape(-1, IN_FEATURES)
    # router: Linear(in_features, n_blocks) + softmax
    logits = x2 @ Wr.T + br[None, :]
    prob = jax.nn.softmax(logits, axis=-1)
    _, idx = jax.lax.top_k(prob, TOP_K)  # [T, TOP_K]
    # token-to-block membership mask (equivalent to the torch per-block boolean gather)
    mask = jnp.sum(jax.nn.one_hot(idx, N_BLOCKS, dtype=x2.dtype), axis=1)  # [T, N_BLOCKS]
    # fc1 weights reshaped into blocks: [N_BLOCKS, BLOCK_SIZE, IN_FEATURES]
    W1b = W1.reshape(N_BLOCKS, BLOCK_SIZE, IN_FEATURES)
    b1b = b1.reshape(N_BLOCKS, BLOCK_SIZE)
    # fc2 weights reshaped: [IN, N_BLOCKS, BLOCK_SIZE] -> [N_BLOCKS, BLOCK_SIZE, IN]
    W2b = jnp.transpose(W2.reshape(IN_FEATURES, N_BLOCKS, BLOCK_SIZE), (1, 2, 0))
    # per-block FFN: h_i = relu(x @ W1_i^T + b1_i); y += mask_i * (h_i @ W2_i)
    h = jax.nn.relu(jnp.einsum('td,nbd->tnb', x2, W1b) + b1b[None, :, :])
    h = h * mask[:, :, None]
    y = jnp.einsum('tnb,nbd->td', h, W2b) + b2[None, :]
    return y.reshape(x_shape)

if __name__ == "__main__":
    import jax
    _d = setup_inputs()
    print(jax.jit(kernel)(*tuple(_d.values())))

</pallas_src>

<mosaic_0001>
#map = affine_map<(d0, d1) -> (0, 0)>
module attributes {stable_mosaic.version = 14 : i64} {
  func.func @_dispatch_body(%arg0: i32, %arg1: i32, %arg2: memref<2048x1024xf32, #tpu.memory_space<hbm>>, %arg3: memref<4x2048xi32, #tpu.memory_space<hbm>>, %arg4: memref<12288x1024xf32, #tpu.memory_space<hbm>>, %arg5: memref<64x1024xf32, #tpu.memory_space<vmem>>, %arg6: memref<4x64xi32, #tpu.memory_space<vmem>>, %arg7: memref<!tpu.dma_semaphore, #tpu.memory_space<semaphore_mem>>) attributes {dimension_semantics = [#tpu.dimension_semantics<core_parallel>, #tpu.dimension_semantics<subcore_parallel>], iteration_bounds = array<i64: 2, 16>, scalar_prefetch = 0 : i64, scratch_operands = 3 : i64, tpu.core_type = #tpu.core_type<sc_vector_subcore>, window_params = [{transform_indices = #map}, {transform_indices = #map}, {transform_indices = #map}]} {
    %mul3A = arith.constant 16 : i32
    %mul3A_0 = arith.muli %arg0, %mul3A : i32
    %add3A = arith.addi %mul3A_0, %arg1 : i32
    %mul3A_1 = arith.constant 64 : i32
    %mul3A_2 = arith.muli %add3A, %mul3A_1 : i32
    "tpu.region"() ({
      %run_scoped3A_64 = tpu.sem_alloc : memref<!tpu.dma_semaphore, #tpu.memory_space<semaphore_mem>>
      %dma_start3A_65 = arith.constant 0 : i32
      %dma_start3A_66 = tpu.memref_slice %arg2[%mul3A_2, %dma_start3A_65] : memref<2048x1024xf32, #tpu.memory_space<hbm>> -> memref<64x1024xf32, #tpu.memory_space<hbm>>
      %dma_start3A_67 = arith.constant 0 : i32
      %dma_start3A_68 = tpu.memref_slice %arg2[%mul3A_2, %dma_start3A_67] : memref<2048x1024xf32, #tpu.memory_space<hbm>> -> memref<64x1024xf32, #tpu.memory_space<hbm>>
      tpu.enqueue_dma source(%dma_start3A_68 : memref<64x1024xf32, #tpu.memory_space<hbm>>) target(%arg5 : memref<64x1024xf32, #tpu.memory_space<vmem>>) target_semaphore(%run_scoped3A_64 : memref<!tpu.dma_semaphore, #tpu.memory_space<semaphore_mem>>)
      %dma_wait3A_69 = arith.constant 0 : i32
      %dma_wait3A_70 = tpu.memref_slice %arg2[%mul3A_2, %dma_wait3A_69] : memref<2048x1024xf32, #tpu.memory_space<hbm>> -> memref<64x1024xf32, #tpu.memory_space<hbm>>
      %dma_wait3A_71 = arith.constant 0 : i32
      %dma_wait3A_72 = tpu.memref_slice %arg2[%mul3A_2, %dma_wait3A_71] : memref<2048x1024xf32, #tpu.memory_space<hbm>> -> memref<64x1024xf32, #tpu.memory_space<hbm>>
      tpu.wait_dma2 semaphore(%run_scoped3A_64 : memref<!tpu.dma_semaphore, #tpu.memory_space<semaphore_mem>>) src(%dma_wait3A_72 : memref<64x1024xf32, #tpu.memory_space<hbm>>) dst(%arg5 : memref<64x1024xf32, #tpu.memory_space<vmem>>)
      tpu.yield
    }) : () -> ()
    %run_scoped3A = arith.constant 0 : i32
    %run_scoped3A_3 = arith.constant 0 : i32
    "tpu.region"() ({
      %run_scoped3A_64 = tpu.sem_alloc : memref<!tpu.dma_semaphore, #tpu.memory_space<semaphore_mem>>
      %dma_start3A_65 = arith.constant 0 : i32
      %dma_start3A_66 = tpu.memref_slice %arg6[%run_scoped3A_3, %dma_start3A_65] : memref<4x64xi32, #tpu.memory_space<vmem>> -> memref<1x64xi32, #tpu.memory_space<vmem>>
      %dma_start3A_67 = tpu.memref_squeeze %dma_start3A_66 : memref<1x64xi32, #tpu.memory_space<vmem>> -> memref<64xi32, #tpu.memory_space<vmem>>
      %dma_start3A_68 = tpu.memref_slice %arg3[%run_scoped3A, %mul3A_2] : memref<4x2048xi32, #tpu.memory_space<hbm>> -> memref<1x64xi32, #tpu.memory_space<hbm>>
      %dma_start3A_69 = tpu.memref_squeeze %dma_start3A_68 : memref<1x64xi32, #tpu.memory_space<hbm>> -> memref<64xi32, #tpu.memory_space<hbm>>
      %dma_start3A_70 = arith.constant 0 : i32
      %dma_start3A_71 = tpu.memref_slice %arg6[%run_scoped3A_3, %dma_start3A_70] : memref<4x64xi32, #tpu.memory_space<vmem>> -> memref<1x64xi32, #tpu.memory_space<vmem>>
      %dma_start3A_72 = tpu.memref_squeeze %dma_start3A_71 : memref<1x64xi32, #tpu.memory_space<vmem>> -> memref<64xi32, #tpu.memory_space<vmem>>
      %dma_start3A_73 = tpu.memref_slice %arg3[%run_scoped3A, %mul3A_2] : memref<4x2048xi32, #tpu.memory_space<hbm>> -> memref<1x64xi32, #tpu.memory_space<hbm>>
      %dma_start3A_74 = tpu.memref_squeeze %dma_start3A_73 : memref<1x64xi32, #tpu.memory_space<hbm>> -> memref<64xi32, #tpu.memory_space<hbm>>
      tpu.enqueue_dma source(%dma_start3A_74 : memref<64xi32, #tpu.memory_space<hbm>>) target(%dma_start3A_72 : memref<64xi32, #tpu.memory_space<vmem>>) target_semaphore(%run_scoped3A_64 : memref<!tpu.dma_semaphore, #tpu.memory_space<semaphore_mem>>)
      %dma_wait3A_75 = arith.constant 0 : i32
      %dma_wait3A_76 = tpu.memref_slice %arg6[%run_scoped3A_3, %dma_wait3A_75] : memref<4x64xi32, #tpu.memory_space<vmem>> -> memref<1x64xi32, #tpu.memory_space<vmem>>
      %dma_wait3A_77 = tpu.memref_squeeze %dma_wait3A_76 : memref<1x64xi32, #tpu.memory_space<vmem>> -> memref<64xi32, #tpu.memory_space<vmem>>
      %dma_wait3A_78 = tpu.memref_slice %arg3[%run_scoped3A, %mul3A_2] : memref<4x2048xi32, #tpu.memory_space<hbm>> -> memref<1x64xi32, #tpu.memory_space<hbm>>
      %dma_wait3A_79 = tpu.memref_squeeze %dma_wait3A_78 : memref<1x64xi32, #tpu.memory_space<hbm>> -> memref<64xi32, #tpu.memory_space<hbm>>
      %dma_wait3A_80 = arith.constant 0 : i32
      %dma_wait3A_81 = tpu.memref_slice %arg6[%run_scoped3A_3, %dma_wait3A_80] : memref<4x64xi32, #tpu.memory_space<vmem>> -> memref<1x64xi32, #tpu.memory_space<vmem>>
      %dma_wait3A_82 = tpu.memref_squeeze %dma_wait3A_81 : memref<1x64xi32, #tpu.memory_space<vmem>> -> memref<64xi32, #tpu.memory_space<vmem>>
      %dma_wait3A_83 = tpu.memref_slice %arg3[%run_scoped3A, %mul3A_2] : memref<4x2048xi32, #tpu.memory_space<hbm>> -> memref<1x64xi32, #tpu.memory_space<hbm>>
      %dma_wait3A_84 = tpu.memref_squeeze %dma_wait3A_83 : memref<1x64xi32, #tpu.memory_space<hbm>> -> memref<64xi32, #tpu.memory_space<hbm>>
      tpu.wait_dma2 semaphore(%run_scoped3A_64 : memref<!tpu.dma_semaphore, #tpu.memory_space<semaphore_mem>>) src(%dma_wait3A_84 : memref<64xi32, #tpu.memory_space<hbm>>) dst(%dma_wait3A_82 : memref<64xi32, #tpu.memory_space<vmem>>)
      tpu.yield
    }) : () -> ()
    %run_scoped3A_4 = arith.constant 1 : i32
    %run_scoped3A_5 = arith.constant 1 : i32
    "tpu.region"() ({
      %run_scoped3A_64 = tpu.sem_alloc : memref<!tpu.dma_semaphore, #tpu.memory_space<semaphore_mem>>
      %dma_start3A_65 = arith.constant 0 : i32
      %dma_start3A_66 = tpu.memref_slice %arg6[%run_scoped3A_5, %dma_start3A_65] : memref<4x64xi32, #tpu.memory_space<vmem>> -> memref<1x64xi32, #tpu.memory_space<vmem>>
      %dma_start3A_67 = tpu.memref_squeeze %dma_start3A_66 : memref<1x64xi32, #tpu.memory_space<vmem>> -> memref<64xi32, #tpu.memory_space<vmem>>
      %dma_start3A_68 = tpu.memref_slice %arg3[%run_scoped3A_4, %mul3A_2] : memref<4x2048xi32, #tpu.memory_space<hbm>> -> memref<1x64xi32, #tpu.memory_space<hbm>>
      %dma_start3A_69 = tpu.memref_squeeze %dma_start3A_68 : memref<1x64xi32, #tpu.memory_space<hbm>> -> memref<64xi32, #tpu.memory_space<hbm>>
      %dma_start3A_70 = arith.constant 0 : i32
      %dma_start3A_71 = tpu.memref_slice %arg6[%run_scoped3A_5, %dma_start3A_70] : memref<4x64xi32, #tpu.memory_space<vmem>> -> memref<1x64xi32, #tpu.memory_space<vmem>>
      %dma_start3A_72 = tpu.memref_squeeze %dma_start3A_71 : memref<1x64xi32, #tpu.memory_space<vmem>> -> memref<64xi32, #tpu.memory_space<vmem>>
      %dma_start3A_73 = tpu.memref_slice %arg3[%run_scoped3A_4, %mul3A_2] : memref<4x2048xi32, #tpu.memory_space<hbm>> -> memref<1x64xi32, #tpu.memory_space<hbm>>
      %dma_start3A_74 = tpu.memref_squeeze %dma_start3A_73 : memref<1x64xi32, #tpu.memory_space<hbm>> -> memref<64xi32, #tpu.memory_space<hbm>>
      tpu.enqueue_dma source(%dma_start3A_74 : memref<64xi32, #tpu.memory_space<hbm>>) target(%dma_start3A_72 : memref<64xi32, #tpu.memory_space<vmem>>) target_semaphore(%run_scoped3A_64 : memref<!tpu.dma_semaphore, #tpu.memory_space<semaphore_mem>>)
      %dma_wait3A_75 = arith.constant 0 : i32
      %dma_wait3A_76 = tpu.memref_slice %arg6[%run_scoped3A_5, %dma_wait3A_75] : memref<4x64xi32, #tpu.memory_space<vmem>> -> memref<1x64xi32, #tpu.memory_space<vmem>>
      %dma_wait3A_77 = tpu.memref_squeeze %dma_wait3A_76 : memref<1x64xi32, #tpu.memory_space<vmem>> -> memref<64xi32, #tpu.memory_space<vmem>>
      %dma_wait3A_78 = tpu.memref_slice %arg3[%run_scoped3A_4, %mul3A_2] : memref<4x2048xi32, #tpu.memory_space<hbm>> -> memref<1x64xi32, #tpu.memory_space<hbm>>
      %dma_wait3A_79 = tpu.memref_squeeze %dma_wait3A_78 : memref<1x64xi32, #tpu.memory_space<hbm>> -> memref<64xi32, #tpu.memory_space<hbm>>
      %dma_wait3A_80 = arith.constant 0 : i32
      %dma_wait3A_81 = tpu.memref_slice %arg6[%run_scoped3A_5, %dma_wait3A_80] : memref<4x64xi32, #tpu.memory_space<vmem>> -> memref<1x64xi32, #tpu.memory_space<vmem>>
      %dma_wait3A_82 = tpu.memref_squeeze %dma_wait3A_81 : memref<1x64xi32, #tpu.memory_space<vmem>> -> memref<64xi32, #tpu.memory_space<vmem>>
      %dma_wait3A_83 = tpu.memref_slice %arg3[%run_scoped3A_4, %mul3A_2] : memref<4x2048xi32, #tpu.memory_space<hbm>> -> memref<1x64xi32, #tpu.memory_space<hbm>>
      %dma_wait3A_84 = tpu.memref_squeeze %dma_wait3A_83 : memref<1x64xi32, #tpu.memory_space<hbm>> -> memref<64xi32, #tpu.memory_space<hbm>>
      tpu.wait_dma2 semaphore(%run_scoped3A_64 : memref<!tpu.dma_semaphore, #tpu.memory_space<semaphore_mem>>) src(%dma_wait3A_84 : memref<64xi32, #tpu.memory_space<hbm>>) dst(%dma_wait3A_82 : memref<64xi32, #tpu.memory_space<vmem>>)
      tpu.yield
    }) : () -> ()
    %run_scoped3A_6 = arith.constant 2 : i32
    %run_scoped3A_7 = arith.constant 2 : i32
    "tpu.region"() ({
      %run_scoped3A_64 = tpu.sem_alloc : memref<!tpu.dma_semaphore, #tpu.memory_space<semaphore_mem>>
      %dma_start3A_65 = arith.constant 0 : i32
      %dma_start3A_66 = tpu.memref_slice %arg6[%run_scoped3A_7, %dma_start3A_65] : memref<4x64xi32, #tpu.memory_space<vmem>> -> memref<1x64xi32, #tpu.memory_space<vmem>>
      %dma_start3A_67 = tpu.memref_squeeze %dma_start3A_66 : memref<1x64xi32, #tpu.memory_space<vmem>> -> memref<64xi32, #tpu.memory_space<vmem>>
      %dma_start3A_68 = tpu.memref_slice %arg3[%run_scoped3A_6, %mul3A_2] : memref<4x2048xi32, #tpu.memory_space<hbm>> -> memref<1x64xi32, #tpu.memory_space<hbm>>
      %dma_start3A_69 = tpu.memref_squeeze %dma_start3A_68 : memref<1x64xi32, #tpu.memory_space<hbm>> -> memref<64xi32, #tpu.memory_space<hbm>>
      %dma_start3A_70 = arith.constant 0 : i32
      %dma_start3A_71 = tpu.memref_slice %arg6[%run_scoped3A_7, %dma_start3A_70] : memref<4x64xi32, #tpu.memory_space<vmem>> -> memref<1x64xi32, #tpu.memory_space<vmem>>
      %dma_start3A_72 = tpu.memref_squeeze %dma_start3A_71 : memref<1x64xi32, #tpu.memory_space<vmem>> -> memref<64xi32, #tpu.memory_space<vmem>>
      %dma_start3A_73 = tpu.memref_slice %arg3[%run_scoped3A_6, %mul3A_2] : memref<4x2048xi32, #tpu.memory_space<hbm>> -> memref<1x64xi32, #tpu.memory_space<hbm>>
      %dma_start3A_74 = tpu.memref_squeeze %dma_start3A_73 : memref<1x64xi32, #tpu.memory_space<hbm>> -> memref<64xi32, #tpu.memory_space<hbm>>
      tpu.enqueue_dma source(%dma_start3A_74 : memref<64xi32, #tpu.memory_space<hbm>>) target(%dma_start3A_72 : memref<64xi32, #tpu.memory_space<vmem>>) target_semaphore(%run_scoped3A_64 : memref<!tpu.dma_semaphore, #tpu.memory_space<semaphore_mem>>)
      %dma_wait3A_75 = arith.constant 0 : i32
      %dma_wait3A_76 = tpu.memref_slice %arg6[%run_scoped3A_7, %dma_wait3A_75] : memref<4x64xi32, #tpu.memory_space<vmem>> -> memref<1x64xi32, #tpu.memory_space<vmem>>
      %dma_wait3A_77 = tpu.memref_squeeze %dma_wait3A_76 : memref<1x64xi32, #tpu.memory_space<vmem>> -> memref<64xi32, #tpu.memory_space<vmem>>
      %dma_wait3A_78 = tpu.memref_slice %arg3[%run_scoped3A_6, %mul3A_2] : memref<4x2048xi32, #tpu.memory_space<hbm>> -> memref<1x64xi32, #tpu.memory_space<hbm>>
      %dma_wait3A_79 = tpu.memref_squeeze %dma_wait3A_78 : memref<1x64xi32, #tpu.memory_space<hbm>> -> memref<64xi32, #tpu.memory_space<hbm>>
      %dma_wait3A_80 = arith.constant 0 : i32
      %dma_wait3A_81 = tpu.memref_slice %arg6[%run_scoped3A_7, %dma_wait3A_80] : memref<4x64xi32, #tpu.memory_space<vmem>> -> memref<1x64xi32, #tpu.memory_space<vmem>>
      %dma_wait3A_82 = tpu.memref_squeeze %dma_wait3A_81 : memref<1x64xi32, #tpu.memory_space<vmem>> -> memref<64xi32, #tpu.memory_space<vmem>>
      %dma_wait3A_83 = tpu.memref_slice %arg3[%run_scoped3A_6, %mul3A_2] : memref<4x2048xi32, #tpu.memory_space<hbm>> -> memref<1x64xi32, #tpu.memory_space<hbm>>
      %dma_wait3A_84 = tpu.memref_squeeze %dma_wait3A_83 : memref<1x64xi32, #tpu.memory_space<hbm>> -> memref<64xi32, #tpu.memory_space<hbm>>
      tpu.wait_dma2 semaphore(%run_scoped3A_64 : memref<!tpu.dma_semaphore, #tpu.memory_space<semaphore_mem>>) src(%dma_wait3A_84 : memref<64xi32, #tpu.memory_space<hbm>>) dst(%dma_wait3A_82 : memref<64xi32, #tpu.memory_space<vmem>>)
      tpu.yield
    }) : () -> ()
    %run_scoped3A_8 = arith.constant 3 : i32
    %run_scoped3A_9 = arith.constant 3 : i32
    "tpu.region"() ({
      %run_scoped3A_64 = tpu.sem_alloc : memref<!tpu.dma_semaphore, #tpu.memory_space<semaphore_mem>>
      %dma_start3A_65 = arith.constant 0 : i32
      %dma_start3A_66 = tpu.memref_slice %arg6[%run_scoped3A_9, %dma_start3A_65] : memref<4x64xi32, #tpu.memory_space<vmem>> -> memref<1x64xi32, #tpu.memory_space<vmem>>
      %dma_start3A_67 = tpu.memref_squeeze %dma_start3A_66 : memref<1x64xi32, #tpu.memory_space<vmem>> -> memref<64xi32, #tpu.memory_space<vmem>>
      %dma_start3A_68 = tpu.memref_slice %arg3[%run_scoped3A_8, %mul3A_2] : memref<4x2048xi32, #tpu.memory_space<hbm>> -> memref<1x64xi32, #tpu.memory_space<hbm>>
      %dma_start3A_69 = tpu.memref_squeeze %dma_start3A_68 : memref<1x64xi32, #tpu.memory_space<hbm>> -> memref<64xi32, #tpu.memory_space<hbm>>
      %dma_start3A_70 = arith.constant 0 : i32
      %dma_start3A_71 = tpu.memref_slice %arg6[%run_scoped3A_9, %dma_start3A_70] : memref<4x64xi32, #tpu.memory_space<vmem>> -> memref<1x64xi32, #tpu.memory_space<vmem>>
      %dma_start3A_72 = tpu.memref_squeeze %dma_start3A_71 : memref<1x64xi32, #tpu.memory_space<vmem>> -> memref<64xi32, #tpu.memory_space<vmem>>
      %dma_start3A_73 = tpu.memref_slice %arg3[%run_scoped3A_8, %mul3A_2] : memref<4x2048xi32, #tpu.memory_space<hbm>> -> memref<1x64xi32, #tpu.memory_space<hbm>>
      %dma_start3A_74 = tpu.memref_squeeze %dma_start3A_73 : memref<1x64xi32, #tpu.memory_space<hbm>> -> memref<64xi32, #tpu.memory_space<hbm>>
      tpu.enqueue_dma source(%dma_start3A_74 : memref<64xi32, #tpu.memory_space<hbm>>) target(%dma_start3A_72 : memref<64xi32, #tpu.memory_space<vmem>>) target_semaphore(%run_scoped3A_64 : memref<!tpu.dma_semaphore, #tpu.memory_space<semaphore_mem>>)
      %dma_wait3A_75 = arith.constant 0 : i32
      %dma_wait3A_76 = tpu.memref_slice %arg6[%run_scoped3A_9, %dma_wait3A_75] : memref<4x64xi32, #tpu.memory_space<vmem>> -> memref<1x64xi32, #tpu.memory_space<vmem>>
      %dma_wait3A_77 = tpu.memref_squeeze %dma_wait3A_76 : memref<1x64xi32, #tpu.memory_space<vmem>> -> memref<64xi32, #tpu.memory_space<vmem>>
      %dma_wait3A_78 = tpu.memref_slice %arg3[%run_scoped3A_8, %mul3A_2] : memref<4x2048xi32, #tpu.memory_space<hbm>> -> memref<1x64xi32, #tpu.memory_space<hbm>>
      %dma_wait3A_79 = tpu.memref_squeeze %dma_wait3A_78 : memref<1x64xi32, #tpu.memory_space<hbm>> -> memref<64xi32, #tpu.memory_space<hbm>>
      %dma_wait3A_80 = arith.constant 0 : i32
      %dma_wait3A_81 = tpu.memref_slice %arg6[%run_scoped3A_9, %dma_wait3A_80] : memref<4x64xi32, #tpu.memory_space<vmem>> -> memref<1x64xi32, #tpu.memory_space<vmem>>
      %dma_wait3A_82 = tpu.memref_squeeze %dma_wait3A_81 : memref<1x64xi32, #tpu.memory_space<vmem>> -> memref<64xi32, #tpu.memory_space<vmem>>
      %dma_wait3A_83 = tpu.memref_slice %arg3[%run_scoped3A_8, %mul3A_2] : memref<4x2048xi32, #tpu.memory_space<hbm>> -> memref<1x64xi32, #tpu.memory_space<hbm>>
      %dma_wait3A_84 = tpu.memref_squeeze %dma_wait3A_83 : memref<1x64xi32, #tpu.memory_space<hbm>> -> memref<64xi32, #tpu.memory_space<hbm>>
      tpu.wait_dma2 semaphore(%run_scoped3A_64 : memref<!tpu.dma_semaphore, #tpu.memory_space<semaphore_mem>>) src(%dma_wait3A_84 : memref<64xi32, #tpu.memory_space<hbm>>) dst(%dma_wait3A_82 : memref<64xi32, #tpu.memory_space<vmem>>)
      tpu.yield
    }) : () -> ()
    %dma_start3A = arith.constant 0 : i32
    %dma_start3A_10 = arith.constant 0 : i32
    %dma_start3A_11 = tpu.memref_slice %arg6[%dma_start3A, %dma_start3A_10] : memref<4x64xi32, #tpu.memory_space<vmem>> -> memref<1x64xi32, #tpu.memory_space<vmem>>
    %dma_start3A_12 = tpu.memref_squeeze %dma_start3A_11 : memref<1x64xi32, #tpu.memory_space<vmem>> -> memref<64xi32, #tpu.memory_space<vmem>>
    %dma_start3A_13 = arith.constant 0 : i32
    %dma_start3A_14 = arith.constant 0 : i32
    %dma_start3A_15 = tpu.memref_slice %arg4[%dma_start3A_13, %dma_start3A_14] : memref<12288x1024xf32, #tpu.memory_space<hbm>> -> memref<12288x1024xf32, #tpu.memory_space<hbm>>
    tpu.enqueue_indirect_dma source(%arg5 : memref<64x1024xf32, #tpu.memory_space<vmem>>) target(%dma_start3A_15 : memref<12288x1024xf32, #tpu.memory_space<hbm>>) offsets(%dma_start3A_12 : memref<64xi32, #tpu.memory_space<vmem>>) semaphore(%arg7 : memref<!tpu.dma_semaphore, #tpu.memory_space<semaphore_mem>>)
    %dma_start3A_16 = arith.constant 1 : i32
    %dma_start3A_17 = arith.constant 0 : i32
    %dma_start3A_18 = tpu.memref_slice %arg6[%dma_start3A_16, %dma_start3A_17] : memref<4x64xi32, #tpu.memory_space<vmem>> -> memref<1x64xi32, #tpu.memory_space<vmem>>
    %dma_start3A_19 = tpu.memref_squeeze %dma_start3A_18 : memref<1x64xi32, #tpu.memory_space<vmem>> -> memref<64xi32, #tpu.memory_space<vmem>>
    %dma_start3A_20 = arith.constant 0 : i32
    %dma_start3A_21 = arith.constant 0 : i32
    %dma_start3A_22 = tpu.memref_slice %arg4[%dma_start3A_20, %dma_start3A_21] : memref<12288x1024xf32, #tpu.memory_space<hbm>> -> memref<12288x1024xf32, #tpu.memory_space<hbm>>
    tpu.enqueue_indirect_dma source(%arg5 : memref<64x1024xf32, #tpu.memory_space<vmem>>) target(%dma_start3A_22 : memref<12288x1024xf32, #tpu.memory_space<hbm>>) offsets(%dma_start3A_19 : memref<64xi32, #tpu.memory_space<vmem>>) semaphore(%arg7 : memref<!tpu.dma_semaphore, #tpu.memory_space<semaphore_mem>>)
    %dma_start3A_23 = arith.constant 2 : i32
    %dma_start3A_24 = arith.constant 0 : i32
    %dma_start3A_25 = tpu.memref_slice %arg6[%dma_start3A_23, %dma_start3A_24] : memref<4x64xi32, #tpu.memory_space<vmem>> -> memref<1x64xi32, #tpu.memory_space<vmem>>
    %dma_start3A_26 = tpu.memref_squeeze %dma_start3A_25 : memref<1x64xi32, #tpu.memory_space<vmem>> -> memref<64xi32, #tpu.memory_space<vmem>>
    %dma_start3A_27 = arith.constant 0 : i32
    %dma_start3A_28 = arith.constant 0 : i32
    %dma_start3A_29 = tpu.memref_slice %arg4[%dma_start3A_27, %dma_start3A_28] : memref<12288x1024xf32, #tpu.memory_space<hbm>> -> memref<12288x1024xf32, #tpu.memory_space<hbm>>
    tpu.enqueue_indirect_dma source(%arg5 : memref<64x1024xf32, #tpu.memory_space<vmem>>) target(%dma_start3A_29 : memref<12288x1024xf32, #tpu.memory_space<hbm>>) offsets(%dma_start3A_26 : memref<64xi32, #tpu.memory_space<vmem>>) semaphore(%arg7 : memref<!tpu.dma_semaphore, #tpu.memory_space<semaphore_mem>>)
    %dma_start3A_30 = arith.constant 3 : i32
    %dma_start3A_31 = arith.constant 0 : i32
    %dma_start3A_32 = tpu.memref_slice %arg6[%dma_start3A_30, %dma_start3A_31] : memref<4x64xi32, #tpu.memory_space<vmem>> -> memref<1x64xi32, #tpu.memory_space<vmem>>
    %dma_start3A_33 = tpu.memref_squeeze %dma_start3A_32 : memref<1x64xi32, #tpu.memory_space<vmem>> -> memref<64xi32, #tpu.memory_space<vmem>>
    %dma_start3A_34 = arith.constant 0 : i32
    %dma_start3A_35 = arith.constant 0 : i32
    %dma_start3A_36 = tpu.memref_slice %arg4[%dma_start3A_34, %dma_start3A_35] : memref<12288x1024xf32, #tpu.memory_space<hbm>> -> memref<12288x1024xf32, #tpu.memory_space<hbm>>
    tpu.enqueue_indirect_dma source(%arg5 : memref<64x1024xf32, #tpu.memory_space<vmem>>) target(%dma_start3A_36 : memref<12288x1024xf32, #tpu.memory_space<hbm>>) offsets(%dma_start3A_33 : memref<64xi32, #tpu.memory_space<vmem>>) semaphore(%arg7 : memref<!tpu.dma_semaphore, #tpu.memory_space<semaphore_mem>>)
    %dma_wait3A = arith.constant 0 : i32
    %dma_wait3A_37 = arith.constant 0 : i32
    %dma_wait3A_38 = tpu.memref_slice %arg6[%dma_wait3A, %dma_wait3A_37] : memref<4x64xi32, #tpu.memory_space<vmem>> -> memref<1x64xi32, #tpu.memory_space<vmem>>
    %dma_wait3A_39 = tpu.memref_squeeze %dma_wait3A_38 : memref<1x64xi32, #tpu.memory_space<vmem>> -> memref<64xi32, #tpu.memory_space<vmem>>
    %dma_wait3A_40 = arith.constant 0 : i32
    %dma_wait3A_41 = arith.constant 0 : i32
    %dma_wait3A_42 = tpu.memref_slice %arg4[%dma_wait3A_40, %dma_wait3A_41] : memref<12288x1024xf32, #tpu.memory_space<hbm>> -> memref<12288x1024xf32, #tpu.memory_space<hbm>>
    tpu.wait_indirect_dma semaphore(%arg7 : memref<!tpu.dma_semaphore, #tpu.memory_space<semaphore_mem>>) src(%arg5 : memref<64x1024xf32, #tpu.memory_space<vmem>>) dst(%dma_wait3A_42 : memref<12288x1024xf32, #tpu.memory_space<hbm>>)
    %dma_wait3A_43 = arith.constant 1 : i32
    %dma_wait3A_44 = arith.constant 0 : i32
    %dma_wait3A_45 = tpu.memref_slice %arg6[%dma_wait3A_43, %dma_wait3A_44] : memref<4x64xi32, #tpu.memory_space<vmem>> -> memref<1x64xi32, #tpu.memory_space<vmem>>
    %dma_wait3A_46 = tpu.memref_squeeze %dma_wait3A_45 : memref<1x64xi32, #tpu.memory_space<vmem>> -> memref<64xi32, #tpu.memory_space<vmem>>
    %dma_wait3A_47 = arith.constant 0 : i32
    %dma_wait3A_48 = arith.constant 0 : i32
    %dma_wait3A_49 = tpu.memref_slice %arg4[%dma_wait3A_47, %dma_wait3A_48] : memref<12288x1024xf32, #tpu.memory_space<hbm>> -> memref<12288x1024xf32, #tpu.memory_space<hbm>>
    tpu.wait_indirect_dma semaphore(%arg7 : memref<!tpu.dma_semaphore, #tpu.memory_space<semaphore_mem>>) src(%arg5 : memref<64x1024xf32, #tpu.memory_space<vmem>>) dst(%dma_wait3A_49 : memref<12288x1024xf32, #tpu.memory_space<hbm>>)
    %dma_wait3A_50 = arith.constant 2 : i32
    %dma_wait3A_51 = arith.constant 0 : i32
    %dma_wait3A_52 = tpu.memref_slice %arg6[%dma_wait3A_50, %dma_wait3A_51] : memref<4x64xi32, #tpu.memory_space<vmem>> -> memref<1x64xi32, #tpu.memory_space<vmem>>
    %dma_wait3A_53 = tpu.memref_squeeze %dma_wait3A_52 : memref<1x64xi32, #tpu.memory_space<vmem>> -> memref<64xi32, #tpu.memory_space<vmem>>
    %dma_wait3A_54 = arith.constant 0 : i32
    %dma_wait3A_55 = arith.constant 0 : i32
    %dma_wait3A_56 = tpu.memref_slice %arg4[%dma_wait3A_54, %dma_wait3A_55] : memref<12288x1024xf32, #tpu.memory_space<hbm>> -> memref<12288x1024xf32, #tpu.memory_space<hbm>>
    tpu.wait_indirect_dma semaphore(%arg7 : memref<!tpu.dma_semaphore, #tpu.memory_space<semaphore_mem>>) src(%arg5 : memref<64x1024xf32, #tpu.memory_space<vmem>>) dst(%dma_wait3A_56 : memref<12288x1024xf32, #tpu.memory_space<hbm>>)
    %dma_wait3A_57 = arith.constant 3 : i32
    %dma_wait3A_58 = arith.constant 0 : i32
    %dma_wait3A_59 = tpu.memref_slice %arg6[%dma_wait3A_57, %dma_wait3A_58] : memref<4x64xi32, #tpu.memory_space<vmem>> -> memref<1x64xi32, #tpu.memory_space<vmem>>
    %dma_wait3A_60 = tpu.memref_squeeze %dma_wait3A_59 : memref<1x64xi32, #tpu.memory_space<vmem>> -> memref<64xi32, #tpu.memory_space<vmem>>
    %dma_wait3A_61 = arith.constant 0 : i32
    %dma_wait3A_62 = arith.constant 0 : i32
    %dma_wait3A_63 = tpu.memref_slice %arg4[%dma_wait3A_61, %dma_wait3A_62] : memref<12288x1024xf32, #tpu.memory_space<hbm>> -> memref<12288x1024xf32, #tpu.memory_space<hbm>>
    tpu.wait_indirect_dma semaphore(%arg7 : memref<!tpu.dma_semaphore, #tpu.memory_space<semaphore_mem>>) src(%arg5 : memref<64x1024xf32, #tpu.memory_space<vmem>>) dst(%dma_wait3A_63 : memref<12288x1024xf32, #tpu.memory_space<hbm>>)
    return
  }
}

#map = affine_map<(d0, d1) -> (0, 0)>
module attributes {stable_mosaic.version = 14 : i64} {
  func.func @_combine_body(%arg0: i32, %arg1: i32, %arg2: memref<12288x1024xf32, #tpu.memory_space<hbm>>, %arg3: memref<4x2048xi32, #tpu.memory_space<hbm>>, %arg4: memref<2048x1024xf32, #tpu.memory_space<hbm>>, %arg5: memref<32x8xi32, #tpu.memory_space<vmem>>, %arg6: memref<8x1024xf32, #tpu.memory_space<vmem>>, %arg7: memref<8x1024xf32, #tpu.memory_space<vmem>>, %arg8: memref<8x1024xf32, #tpu.memory_space<vmem>>, %arg9: memref<8x1024xf32, #tpu.memory_space<vmem>>, %arg10: memref<8x1024xf32, #tpu.memory_space<vmem>>, %arg11: memref<8x1024xf32, #tpu.memory_space<vmem>>, %arg12: memref<8x1024xf32, #tpu.memory_space<vmem>>, %arg13: memref<8x1024xf32, #tpu.memory_space<vmem>>, %arg14: memref<!tpu.dma_semaphore, #tpu.memory_space<semaphore_mem>>, %arg15: memref<!tpu.dma_semaphore, #tpu.memory_space<semaphore_mem>>, %arg16: memref<!tpu.dma_semaphore, #tpu.memory_space<semaphore_mem>>, %arg17: memref<!tpu.dma_semaphore, #tpu.memory_space<semaphore_mem>>) attributes {dimension_semantics = [#tpu.dimension_semantics<core_parallel>, #tpu.dimension_semantics<subcore_parallel>], iteration_bounds = array<i64: 2, 16>, scalar_prefetch = 0 : i64, scratch_operands = 13 : i64, tpu.core_type = #tpu.core_type<sc_vector_subcore>, window_params = [{transform_indices = #map}, {transform_indices = #map}, {transform_indices = #map}]} {
    %mul3A = arith.constant 16 : i32
    %mul3A_0 = arith.muli %arg0, %mul3A : i32
    %add3A = arith.addi %mul3A_0, %arg1 : i32
    %mul3A_1 = arith.constant 64 : i32
    %mul3A_2 = arith.muli %add3A, %mul3A_1 : i32
    %add3A_3 = arith.constant 0 : i32
    %add3A_4 = arith.addi %mul3A_2, %add3A_3 : i32
    %run_scoped3A = arith.constant 0 : i32
    %run_scoped3A_5 = arith.constant 0 : i32
    "tpu.region"() ({
      %run_scoped3A_695 = tpu.sem_alloc : memref<!tpu.dma_semaphore, #tpu.memory_space<semaphore_mem>>
      %dma_start3A_696 = arith.constant 0 : i32
      %dma_start3A_697 = tpu.memref_slice %arg5[%run_scoped3A_5, %dma_start3A_696] : memref<32x8xi32, #tpu.memory_space<vmem>> -> memref<1x8xi32, #tpu.memory_space<vmem>>
      %dma_start3A_698 = tpu.memref_squeeze %dma_start3A_697 : memref<1x8xi32, #tpu.memory_space<vmem>> -> memref<8xi32, #tpu.memory_space<vmem>>
      %dma_start3A_699 = tpu.memref_slice %arg3[%run_scoped3A, %add3A_4] : memref<4x2048xi32, #tpu.memory_space<hbm>> -> memref<1x8xi32, #tpu.memory_space<hbm>>
      %dma_start3A_700 = tpu.memref_squeeze %dma_start3A_699 : memref<1x8xi32, #tpu.memory_space<hbm>> -> memref<8xi32, #tpu.memory_space<hbm>>
      %dma_start3A_701 = arith.constant 0 : i32
      %dma_start3A_702 = tpu.memref_slice %arg5[%run_scoped3A_5, %dma_start3A_701] : memref<32x8xi32, #tpu.memory_space<vmem>> -> memref<1x8xi32, #tpu.memory_space<vmem>>
      %dma_start3A_703 = tpu.memref_squeeze %dma_start3A_702 : memref<1x8xi32, #tpu.memory_space<vmem>> -> memref<8xi32, #tpu.memory_space<vmem>>
      %dma_start3A_704 = tpu.memref_slice %arg3[%run_scoped3A, %add3A_4] : memref<4x2048xi32, #tpu.memory_space<hbm>> -> memref<1x8xi32, #tpu.memory_space<hbm>>
      %dma_start3A_705 = tpu.memref_squeeze %dma_start3A_704 : memref<1x8xi32, #tpu.memory_space<hbm>> -> memref<8xi32, #tpu.memory_space<hbm>>
      tpu.enqueue_dma source(%dma_start3A_705 : memref<8xi32, #tpu.memory_space<hbm>>) target(%dma_start3A_703 : memref<8xi32, #tpu.memory_space<vmem>>) target_semaphore(%run_scoped3A_695 : memref<!tpu.dma_semaphore, #tpu.memory_space<semaphore_mem>>)
      %dma_wait3A_706 = arith.constant 0 : i32
      %dma_wait3A_707 = tpu.memref_slice %arg5[%run_scoped3A_5, %dma_wait3A_706] : memref<32x8xi32, #tpu.memory_space<vmem>> -> memref<1x8xi32, #tpu.memory_space<vmem>>
      %dma_wait3A_708 = tpu.memref_squeeze %dma_wait3A_707 : memref<1x8xi32, #tpu.memory_space<vmem>> -> memref<8xi32, #tpu.memory_space<vmem>>
      %dma_wait3A_709 = tpu.memref_slice %arg3[%run_scoped3A, %add3A_4] : memref<4x2048xi32, #tpu.memory_space<hbm>> -> memref<1x8xi32, #tpu.memory_space<hbm>>
      %dma_wait3A_710 = tpu.memref_squeeze %dma_wait3A_709 : memref<1x8xi32, #tpu.memory_space<hbm>> -> memref<8xi32, #tpu.memory_space<hbm>>
      %dma_wait3A_711 = arith.constant 0 : i32
      %dma_wait3A_712 = tpu.memref_slice %arg5[%run_scoped3A_5, %dma_wait3A_711] : memref<32x8xi32, #tpu.memory_space<vmem>> -> memref<1x8xi32, #tpu.memory_space<vmem>>
      %dma_wait3A_713 = tpu.memref_squeeze %dma_wait3A_712 : memref<1x8xi32, #tpu.memory_space<vmem>> -> memref<8xi32, #tpu.memory_space<vmem>>
      %dma_wait3A_714 = tpu.memref_slice %arg3[%run_scoped3A, %add3A_4] : memref<4x2048xi32, #tpu.memory_space<hbm>> -> memref<1x8xi32, #tpu.memory_space<hbm>>
      %dma_wait3A_715 = tpu.memref_squeeze %dma_wait3A_714 : memref<1x8xi32, #tpu.memory_space<hbm>> -> memref<8xi32, #tpu.memory_space<hbm>>
      tpu.wait_dma2 semaphore(%run_scoped3A_695 : memref<!tpu.dma_semaphore, #tpu.memory_space<semaphore_mem>>) src(%dma_wait3A_715 : memref<8xi32, #tpu.memory_space<hbm>>) dst(%dma_wait3A_713 : memref<8xi32, #tpu.memory_space<vmem>>)
      tpu.yield
    }) : () -> ()
    %add3A_6 = arith.constant 8 : i32
    %add3A_7 = arith.addi %mul3A_2, %add3A_6 : i32
    %run_scoped3A_8 = arith.constant 0 : i32
    %run_scoped3A_9 = arith.constant 1 : i32
    "tpu.region"() ({
      %run_scoped3A_695 = tpu.sem_alloc : memref<!tpu.dma_semaphore, #tpu.memory_space<semaphore_mem>>
      %dma_start3A_696 = arith.constant 0 : i32
      %dma_start3A_697 = tpu.memref_slice %arg5[%run_scoped3A_9, %dma_start3A_696] : memref<32x8xi32, #tpu.memory_space<vmem>> -> memref<1x8xi32, #tpu.memory_space<vmem>>
      %dma_start3A_698 = tpu.memref_squeeze %dma_start3A_697 : memref<1x8xi32, #tpu.memory_space<vmem>> -> memref<8xi32, #tpu.memory_space<vmem>>
      %dma_start3A_699 = tpu.memref_slice %arg3[%run_scoped3A_8, %add3A_7] : memref<4x2048xi32, #tpu.memory_space<hbm>> -> memref<1x8xi32, #tpu.memory_space<hbm>>
      %dma_start3A_700 = tpu.memref_squeeze %dma_start3A_699 : memref<1x8xi32, #tpu.memory_space<hbm>> -> memref<8xi32, #tpu.memory_space<hbm>>
      %dma_start3A_701 = arith.constant 0 : i32
      %dma_start3A_702 = tpu.memref_slice %arg5[%run_scoped3A_9, %dma_start3A_701] : memref<32x8xi32, #tpu.memory_space<vmem>> -> memref<1x8xi32, #tpu.memory_space<vmem>>
      %dma_start3A_703 = tpu.memref_squeeze %dma_start3A_702 : memref<1x8xi32, #tpu.memory_space<vmem>> -> memref<8xi32, #tpu.memory_space<vmem>>
      %dma_start3A_704 = tpu.memref_slice %arg3[%run_scoped3A_8, %add3A_7] : memref<4x2048xi32, #tpu.memory_space<hbm>> -> memref<1x8xi32, #tpu.memory_space<hbm>>
      %dma_start3A_705 = tpu.memref_squeeze %dma_start3A_704 : memref<1x8xi32, #tpu.memory_space<hbm>> -> memref<8xi32, #tpu.memory_space<hbm>>
      tpu.enqueue_dma source(%dma_start3A_705 : memref<8xi32, #tpu.memory_space<hbm>>) target(%dma_start3A_703 : memref<8xi32, #tpu.memory_space<vmem>>) target_semaphore(%run_scoped3A_695 : memref<!tpu.dma_semaphore, #tpu.memory_space<semaphore_mem>>)
      %dma_wait3A_706 = arith.constant 0 : i32
      %dma_wait3A_707 = tpu.memref_slice %arg5[%run_scoped3A_9, %dma_wait3A_706] : memref<32x8xi32, #tpu.memory_space<vmem>> -> memref<1x8xi32, #tpu.memory_space<vmem>>
      %dma_wait3A_708 = tpu.memref_squeeze %dma_wait3A_707 : memref<1x8xi32, #tpu.memory_space<vmem>> -> memref<8xi32, #tpu.memory_space<vmem>>
      %dma_wait3A_709 = tpu.memref_slice %arg3[%run_scoped3A_8, %add3A_7] : memref<4x2048xi32, #tpu.memory_space<hbm>> -> memref<1x8xi32, #tpu.memory_space<hbm>>
      %dma_wait3A_710 = tpu.memref_squeeze %dma_wait3A_709 : memref<1x8xi32, #tpu.memory_space<hbm>> -> memref<8xi32, #tpu.memory_space<hbm>>
      %dma_wait3A_711 = arith.constant 0 : i32
      %dma_wait3A_712 = tpu.memref_slice %arg5[%run_scoped3A_9, %dma_wait3A_711] : memref<32x8xi32, #tpu.memory_space<vmem>> -> memref<1x8xi32, #tpu.memory_space<vmem>>
      %dma_wait3A_713 = tpu.memref_squeeze %dma_wait3A_712 : memref<1x8xi32, #tpu.memory_space<vmem>> -> memref<8xi32, #tpu.memory_space<vmem>>
      %dma_wait3A_714 = tpu.memref_slice %arg3[%run_scoped3A_8, %add3A_7] : memref<4x2048xi32, #tpu.memory_space<hbm>> -> memref<1x8xi32, #tpu.memory_space<hbm>>
      %dma_wait3A_715 = tpu.memref_squeeze %dma_wait3A_714 : memref<1x8xi32, #tpu.memory_space<hbm>> -> memref<8xi32, #tpu.memory_space<hbm>>
      tpu.wait_dma2 semaphore(%run_scoped3A_695 : memref<!tpu.dma_semaphore, #tpu.memory_space<semaphore_mem>>) src(%dma_wait3A_715 : memref<8xi32, #tpu.memory_space<hbm>>) dst(%dma_wait3A_713 : memref<8xi32, #tpu.memory_space<vmem>>)
      tpu.yield
    }) : () -> ()
    %add3A_10 = arith.constant 16 : i32
    %add3A_11 = arith.addi %mul3A_2, %add3A_10 : i32
    %run_scoped3A_12 = arith.constant 0 : i32
    %run_scoped3A_13 = arith.constant 2 : i32
    "tpu.region"() ({
      %run_scoped3A_695 = tpu.sem_alloc : memref<!tpu.dma_semaphore, #tpu.memory_space<semaphore_mem>>
      %dma_start3A_696 = arith.constant 0 : i32
      %dma_start3A_697 = tpu.memref_slice %arg5[%run_scoped3A_13, %dma_start3A_696] : memref<32x8xi32, #tpu.memory_space<vmem>> -> memref<1x8xi32, #tpu.memory_space<vmem>>
      %dma_start3A_698 = tpu.memref_squeeze %dma_start3A_697 : memref<1x8xi32, #tpu.memory_space<vmem>> -> memref<8xi32, #tpu.memory_space<vmem>>
      %dma_start3A_699 = tpu.memref_slice %arg3[%run_scoped3A_12, %add3A_11] : memref<4x2048xi32, #tpu.memory_space<hbm>> -> memref<1x8xi32, #tpu.memory_space<hbm>>
      %dma_start3A_700 = tpu.memref_squeeze %dma_start3A_699 : memref<1x8xi32, #tpu.memory_space<hbm>> -> memref<8xi32, #tpu.memory_space<hbm>>
      %dma_start3A_701 = arith.constant 0 : i32
      %dma_start3A_702 = tpu.memref_slice %arg5[%run_scoped3A_13, %dma_start3A_701] : memref<32x8xi32, #tpu.memory_space<vmem>> -> memref<1x8xi32, #tpu.memory_space<vmem>>
      %dma_start3A_703 = tpu.memref_squeeze %dma_start3A_702 : memref<1x8xi32, #tpu.memory_space<vmem>> -> memref<8xi32, #tpu.memory_space<vmem>>
      %dma_start3A_704 = tpu.memref_slice %arg3[%run_scoped3A_12, %add3A_11] : memref<4x2048xi32, #tpu.memory_space<hbm>> -> memref<1x8xi32, #tpu.memory_space<hbm>>
      %dma_start3A_705 = tpu.memref_squeeze %dma_start3A_704 : memref<1x8xi32, #tpu.memory_space<hbm>> -> memref<8xi32, #tpu.memory_space<hbm>>
      tpu.enqueue_dma source(%dma_start3A_705 : memref<8xi32, #tpu.memory_space<hbm>>) target(%dma_start3A_703 : memref<8xi32, #tpu.memory_space<vmem>>) target_semaphore(%run_scoped3A_695 : memref<!tpu.dma_semaphore, #tpu.memory_space<semaphore_mem>>)
      %dma_wait3A_706 = arith.constant 0 : i32
      %dma_wait3A_707 = tpu.memref_slice %arg5[%run_scoped3A_13, %dma_wait3A_706] : memref<32x8xi32, #tpu.memory_space<vmem>> -> memref<1x8xi32, #tpu.memory_space<vmem>>
      %dma_wait3A_708 = tpu.memref_squeeze %dma_wait3A_707 : memref<1x8xi32, #tpu.memory_space<vmem>> -> memref<8xi32, #tpu.memory_space<vmem>>
      %dma_wait3A_709 = tpu.memref_slice %arg3[%run_scoped3A_12, %add3A_11] : memref<4x2048xi32, #tpu.memory_space<hbm>> -> memref<1x8xi32, #tpu.memory_space<hbm>>
      %dma_wait3A_710 = tpu.memref_squeeze %dma_wait3A_709 : memref<1x8xi32, #tpu.memory_space<hbm>> -> memref<8xi32, #tpu.memory_space<hbm>>
      %dma_wait3A_711 = arith.constant 0 : i32
      %dma_wait3A_712 = tpu.memref_slice %arg5[%run_scoped3A_13, %dma_wait3A_711] : memref<32x8xi32, #tpu.memory_space<vmem>> -> memref<1x8xi32, #tpu.memory_space<vmem>>
      %dma_wait3A_713 = tpu.memref_squeeze %dma_wait3A_712 : memref<1x8xi32, #tpu.memory_space<vmem>> -> memref<8xi32, #tpu.memory_space<vmem>>
      %dma_wait3A_714 = tpu.memref_slice %arg3[%run_scoped3A_12, %add3A_11] : memref<4x2048xi32, #tpu.memory_space<hbm>> -> memref<1x8xi32, #tpu.memory_space<hbm>>
      %dma_wait3A_715 = tpu.memref_squeeze %dma_wait3A_714 : memref<1x8xi32, #tpu.memory_space<hbm>> -> memref<8xi32, #tpu.memory_space<hbm>>
      tpu.wait_dma2 semaphore(%run_scoped3A_695 : memref<!tpu.dma_semaphore, #tpu.memory_space<semaphore_mem>>) src(%dma_wait3A_715 : memref<8xi32, #tpu.memory_space<hbm>>) dst(%dma_wait3A_713 : memref<8xi32, #tpu.memory_space<vmem>>)
      tpu.yield
    }) : () -> ()
    %add3A_14 = arith.constant 24 : i32
    %add3A_15 = arith.addi %mul3A_2, %add3A_14 : i32
    %run_scoped3A_16 = arith.constant 0 : i32
    %run_scoped3A_17 = arith.constant 3 : i32
    "tpu.region"() ({
      %run_scoped3A_695 = tpu.sem_alloc : memref<!tpu.dma_semaphore, #tpu.memory_space<semaphore_mem>>
      %dma_start3A_696 = arith.constant 0 : i32
      %dma_start3A_697 = tpu.memref_slice %arg5[%run_scoped3A_17, %dma_start3A_696] : memref<32x8xi32, #tpu.memory_space<vmem>> -> memref<1x8xi32, #tpu.memory_space<vmem>>
      %dma_start3A_698 = tpu.memref_squeeze %dma_start3A_697 : memref<1x8xi32, #tpu.memory_space<vmem>> -> memref<8xi32, #tpu.memory_space<vmem>>
      %dma_start3A_699 = tpu.memref_slice %arg3[%run_scoped3A_16, %add3A_15] : memref<4x2048xi32, #tpu.memory_space<hbm>> -> memref<1x8xi32, #tpu.memory_space<hbm>>
      %dma_start3A_700 = tpu.memref_squeeze %dma_start3A_699 : memref<1x8xi32, #tpu.memory_space<hbm>> -> memref<8xi32, #tpu.memory_space<hbm>>
      %dma_start3A_701 = arith.constant 0 : i32
      %dma_start3A_702 = tpu.memref_slice %arg5[%run_scoped3A_17, %dma_start3A_701] : memref<32x8xi32, #tpu.memory_space<vmem>> -> memref<1x8xi32, #tpu.memory_space<vmem>>
      %dma_start3A_703 = tpu.memref_squeeze %dma_start3A_702 : memref<1x8xi32, #tpu.memory_space<vmem>> -> memref<8xi32, #tpu.memory_space<vmem>>
      %dma_start3A_704 = tpu.memref_slice %arg3[%run_scoped3A_16, %add3A_15] : memref<4x2048xi32, #tpu.memory_space<hbm>> -> memref<1x8xi32, #tpu.memory_space<hbm>>
      %dma_start3A_705 = tpu.memref_squeeze %dma_start3A_704 : memref<1x8xi32, #tpu.memory_space<hbm>> -> memref<8xi32, #tpu.memory_space<hbm>>
      tpu.enqueue_dma source(%dma_start3A_705 : memref<8xi32, #tpu.memory_space<hbm>>) target(%dma_start3A_703 : memref<8xi32, #tpu.memory_space<vmem>>) target_semaphore(%run_scoped3A_695 : memref<!tpu.dma_semaphore, #tpu.memory_space<semaphore_mem>>)
      %dma_wait3A_706 = arith.constant 0 : i32
      %dma_wait3A_707 = tpu.memref_slice %arg5[%run_scoped3A_17, %dma_wait3A_706] : memref<32x8xi32, #tpu.memory_space<vmem>> -> memref<1x8xi32, #tpu.memory_space<vmem>>
      %dma_wait3A_708 = tpu.memref_squeeze %dma_wait3A_707 : memref<1x8xi32, #tpu.memory_space<vmem>> -> memref<8xi32, #tpu.memory_space<vmem>>
      %dma_wait3A_709 = tpu.memref_slice %arg3[%run_scoped3A_16, %add3A_15] : memref<4x2048xi32, #tpu.memory_space<hbm>> -> memref<1x8xi32, #tpu.memory_space<hbm>>
      %dma_wait3A_710 = tpu.memref_squeeze %dma_wait3A_709 : memref<1x8xi32, #tpu.memory_space<hbm>> -> memref<8xi32, #tpu.memory_space<hbm>>
      %dma_wait3A_711 = arith.constant 0 : i32
      %dma_wait3A_712 = tpu.memref_slice %arg5[%run_scoped3A_17, %dma_wait3A_711] : memref<32x8xi32, #tpu.memory_space<vmem>> -> memref<1x8xi32, #tpu.memory_space<vmem>>
      %dma_wait3A_713 = tpu.memref_squeeze %dma_wait3A_712 : memref<1x8xi32, #tpu.memory_space<vmem>> -> memref<8xi32, #tpu.memory_space<vmem>>
      %dma_wait3A_714 = tpu.memref_slice %arg3[%run_scoped3A_16, %add3A_15] : memref<4x2048xi32, #tpu.memory_space<hbm>> -> memref<1x8xi32, #tpu.memory_space<hbm>>
      %dma_wait3A_715 = tpu.memref_squeeze %dma_wait3A_714 : memref<1x8xi32, #tpu.memory_space<hbm>> -> memref<8xi32, #tpu.memory_space<hbm>>
      tpu.wait_dma2 semaphore(%run_scoped3A_695 : memref<!tpu.dma_semaphore, #tpu.memory_space<semaphore_mem>>) src(%dma_wait3A_715 : memref<8xi32, #tpu.memory_space<hbm>>) dst(%dma_wait3A_713 : memref<8xi32, #tpu.memory_space<vmem>>)
      tpu.yield
    }) : () -> ()
    %add3A_18 = arith.constant 32 : i32
    %add3A_19 = arith.addi %mul3A_2, %add3A_18 : i32
    %run_scoped3A_20 = arith.constant 0 : i32
    %run_scoped3A_21 = arith.constant 4 : i32
    "tpu.region"() ({
      %run_scoped3A_695 = tpu.sem_alloc : memref<!tpu.dma_semaphore, #tpu.memory_space<semaphore_mem>>
      %dma_start3A_696 = arith.constant 0 : i32
      %dma_start3A_697 = tpu.memref_slice %arg5[%run_scoped3A_21, %dma_start3A_696] : memref<32x8xi32, #tpu.memory_space<vmem>> -> memref<1x8xi32, #tpu.memory_space<vmem>>
      %dma_start3A_698 = tpu.memref_squeeze %dma_start3A_697 : memref<1x8xi32, #tpu.memory_space<vmem>> -> memref<8xi32, #tpu.memory_space<vmem>>
      %dma_start3A_699 = tpu.memref_slice %arg3[%run_scoped3A_20, %add3A_19] : memref<4x2048xi32, #tpu.memory_space<hbm>> -> memref<1x8xi32, #tpu.memory_space<hbm>>
      %dma_start3A_700 = tpu.memref_squeeze %dma_start3A_699 : memref<1x8xi32, #tpu.memory_space<hbm>> -> memref<8xi32, #tpu.memory_space<hbm>>
      %dma_start3A_701 = arith.constant 0 : i32
      %dma_start3A_702 = tpu.memref_slice %arg5[%run_scoped3A_21, %dma_start3A_701] : memref<32x8xi32, #tpu.memory_space<vmem>> -> memref<1x8xi32, #tpu.memory_space<vmem>>
      %dma_start3A_703 = tpu.memref_squeeze %dma_start3A_702 : memref<1x8xi32, #tpu.memory_space<vmem>> -> memref<8xi32, #tpu.memory_space<vmem>>
      %dma_start3A_704 = tpu.memref_slice %arg3[%run_scoped3A_20, %add3A_19] : memref<4x2048xi32, #tpu.memory_space<hbm>> -> memref<1x8xi32, #tpu.memory_space<hbm>>
      %dma_start3A_705 = tpu.memref_squeeze %dma_start3A_704 : memref<1x8xi32, #tpu.memory_space<hbm>> -> memref<8xi32, #tpu.memory_space<hbm>>
      tpu.enqueue_dma source(%dma_start3A_705 : memref<8xi32, #tpu.memory_space<hbm>>) target(%dma_start3A_703 : memref<8xi32, #tpu.memory_space<vmem>>) target_semaphore(%run_scoped3A_695 : memref<!tpu.dma_semaphore, #tpu.memory_space<semaphore_mem>>)
      %dma_wait3A_706 = arith.constant 0 : i32
      %dma_wait3A_707 = tpu.memref_slice %arg5[%run_scoped3A_21, %dma_wait3A_706] : memref<32x8xi32, #tpu.memory_space<vmem>> -> memref<1x8xi32, #tpu.memory_space<vmem>>
      %dma_wait3A_708 = tpu.memref_squeeze %dma_wait3A_707 : memref<1x8xi32, #tpu.memory_space<vmem>> -> memref<8xi32, #tpu.memory_space<vmem>>
      %dma_wait3A_709 = tpu.memref_slice %arg3[%run_scoped3A_20, %add3A_19] : memref<4x2048xi32, #tpu.memory_space<hbm>> -> memref<1x8xi32, #tpu.memory_space<hbm>>
      %dma_wait3A_710 = tpu.memref_squeeze %dma_wait3A_709 : memref<1x8xi32, #tpu.memory_space<hbm>> -> memref<8xi32, #tpu.memory_space<hbm>>
      %dma_wait3A_711 = arith.constant 0 : i32
      %dma_wait3A_712 = tpu.memref_slice %arg5[%run_scoped3A_21, %dma_wait3A_711] : memref<32x8xi32, #tpu.memory_space<vmem>> -> memref<1x8xi32, #tpu.memory_space<vmem>>
      %dma_wait3A_713 = tpu.memref_squeeze %dma_wait3A_712 : memref<1x8xi32, #tpu.memory_space<vmem>> -> memref<8xi32, #tpu.memory_space<vmem>>
      %dma_wait3A_714 = tpu.memref_slice %arg3[%run_scoped3A_20, %add3A_19] : memref<4x2048xi32, #tpu.memory_space<hbm>> -> memref<1x8xi32, #tpu.memory_space<hbm>>
      %dma_wait3A_715 = tpu.memref_squeeze %dma_wait3A_714 : memref<1x8xi32, #tpu.memory_space<hbm>> -> memref<8xi32, #tpu.memory_space<hbm>>
      tpu.wait_dma2 semaphore(%run_scoped3A_695 : memref<!tpu.dma_semaphore, #tpu.memory_space<semaphore_mem>>) src(%dma_wait3A_715 : memref<8xi32, #tpu.memory_space<hbm>>) dst(%dma_wait3A_713 : memref<8xi32, #tpu.memory_space<vmem>>)
      tpu.yield
    }) : () -> ()
    %add3A_22 = arith.constant 40 : i32
    %add3A_23 = arith.addi %mul3A_2, %add3A_22 : i32
    %run_scoped3A_24 = arith.constant 0 : i32
    %run_scoped3A_25 = arith.constant 5 : i32
    "tpu.region"() ({
      %run_scoped3A_695 = tpu.sem_alloc : memref<!tpu.dma_semaphore, #tpu.memory_space<semaphore_mem>>
      %dma_start3A_696 = arith.constant 0 : i32
      %dma_start3A_697 = tpu.memref_slice %arg5[%run_scoped3A_25, %dma_start3A_696] : memref<32x8xi32, #tpu.memory_space<vmem>> -> memref<1x8xi32, #tpu.memory_space<vmem>>
      %dma_start3A_698 = tpu.memref_squeeze %dma_start3A_697 : memref<1x8xi32, #tpu.memory_space<vmem>> -> memref<8xi32, #tpu.memory_space<vmem>>
      %dma_start3A_699 = tpu.memref_slice %arg3[%run_scoped3A_24, %add3A_23] : memref<4x2048xi32, #tpu.memory_space<hbm>> -> memref<1x8xi32, #tpu.memory_space<hbm>>
      %dma_start3A_700 = tpu.memref_squeeze %dma_start3A_699 : memref<1x8xi32, #tpu.memory_space<hbm>> -> memref<8xi32, #tpu.memory_space<hbm>>
      %dma_start3A_701 = arith.constant 0 : i32
      %dma_start3A_702 = tpu.memref_slice %arg5[%run_scoped3A_25, %dma_start3A_701] : memref<32x8xi32, #tpu.memory_space<vmem>> -> memref<1x8xi32, #tpu.memory_space<vmem>>
      %dma_start3A_703 = tpu.memref_squeeze %dma_start3A_702 : memref<1x8xi32, #tpu.memory_space<vmem>> -> memref<8xi32, #tpu.memory_space<vmem>>
      %dma_start3A_704 = tpu.memref_slice %arg3[%run_scoped3A_24, %add3A_23] : memref<4x2048xi32, #tpu.memory_space<hbm>> -> memref<1x8xi32, #tpu.memory_space<hbm>>
      %dma_start3A_705 = tpu.memref_squeeze %dma_start3A_704 : memref<1x8xi32, #tpu.memory_space<hbm>> -> memref<8xi32, #tpu.memory_space<hbm>>
      tpu.enqueue_dma source(%dma_start3A_705 : memref<8xi32, #tpu.memory_space<hbm>>) target(%dma_start3A_703 : memref<8xi32, #tpu.memory_space<vmem>>) target_semaphore(%run_scoped3A_695 : memref<!tpu.dma_semaphore, #tpu.memory_space<semaphore_mem>>)
      %dma_wait3A_706 = arith.constant 0 : i32
      %dma_wait3A_707 = tpu.memref_slice %arg5[%run_scoped3A_25, %dma_wait3A_706] : memref<32x8xi32, #tpu.memory_space<vmem>> -> memref<1x8xi32, #tpu.memory_space<vmem>>
      %dma_wait3A_708 = tpu.memref_squeeze %dma_wait3A_707 : memref<1x8xi32, #tpu.memory_space<vmem>> -> memref<8xi32, #tpu.memory_space<vmem>>
      %dma_wait3A_709 = tpu.memref_slice %arg3[%run_scoped3A_24, %add3A_23] : memref<4x2048xi32, #tpu.memory_space<hbm>> -> memref<1x8xi32, #tpu.memory_space<hbm>>
      %dma_wait3A_710 = tpu.memref_squeeze %dma_wait3A_709 : memref<1x8xi32, #tpu.memory_space<hbm>> -> memref<8xi32, #tpu.memory_space<hbm>>
      %dma_wait3A_711 = arith.constant 0 : i32
      %dma_wait3A_712 = tpu.memref_slice %arg5[%run_scoped3A_25, %dma_wait3A_711] : memref<32x8xi32, #tpu.memory_space<vmem>> -> memref<1x8xi32, #tpu.memory_space<vmem>>
      %dma_wait3A_713 = tpu.memref_squeeze %dma_wait3A_712 : memref<1x8xi32, #tpu.memory_space<vmem>> -> memref<8xi32, #tpu.memory_space<vmem>>
      %dma_wait3A_714 = tpu.memref_slice %arg3[%run_scoped3A_24, %add3A_23] : memref<4x2048xi32, #tpu.memory_space<hbm>> -> memref<1x8xi32, #tpu.memory_space<hbm>>
      %dma_wait3A_715 = tpu.memref_squeeze %dma_wait3A_714 : memref<1x8xi32, #tpu.memory_space<hbm>> -> memref<8xi32, #tpu.memory_space<hbm>>
      tpu.wait_dma2 semaphore(%run_scoped3A_695 : memref<!tpu.dma_semaphore, #tpu.memory_space<semaphore_mem>>) src(%dma_wait3A_715 : memref<8xi32, #tpu.memory_space<hbm>>) dst(%dma_wait3A_713 : memref<8xi32, #tpu.memory_space<vmem>>)
      tpu.yield
    }) : () -> ()
    %add3A_26 = arith.constant 48 : i32
    %add3A_27 = arith.addi %mul3A_2, %add3A_26 : i32
    %run_scoped3A_28 = arith.constant 0 : i32
    %run_scoped3A_29 = arith.constant 6 : i32
    "tpu.region"() ({
      %run_scoped3A_695 = tpu.sem_alloc : memref<!tpu.dma_semaphore, #tpu.memory_space<semaphore_mem>>
      %dma_start3A_696 = arith.constant 0 : i32
      %dma_start3A_697 = tpu.memref_slice %arg5[%run_scoped3A_29, %dma_start3A_696] : memref<32x8xi32, #tpu.memory_space<vmem>> -> memref<1x8xi32, #tpu.memory_space<vmem>>
      %dma_start3A_698 = tpu.memref_squeeze %dma_start3A_697 : memref<1x8xi32, #tpu.memory_space<vmem>> -> memref<8xi32, #tpu.memory_space<vmem>>
      %dma_start3A_699 = tpu.memref_slice %arg3[%run_scoped3A_28, %add3A_27] : memref<4x2048xi32, #tpu.memory_space<hbm>> -> memref<1x8xi32, #tpu.memory_space<hbm>>
      %dma_start3A_700 = tpu.memref_squeeze %dma_start3A_699 : memref<1x8xi32, #tpu.memory_space<hbm>> -> memref<8xi32, #tpu.memory_space<hbm>>
      %dma_start3A_701 = arith.constant 0 : i32
      %dma_start3A_702 = tpu.memref_slice %arg5[%run_scoped3A_29, %dma_start3A_701] : memref<32x8xi32, #tpu.memory_space<vmem>> -> memref<1x8xi32, #tpu.memory_space<vmem>>
      %dma_start3A_703 = tpu.memref_squeeze %dma_start3A_702 : memref<1x8xi32, #tpu.memory_space<vmem>> -> memref<8xi32, #tpu.memory_space<vmem>>
      %dma_start3A_704 = tpu.memref_slice %arg3[%run_scoped3A_28, %add3A_27] : memref<4x2048xi32, #tpu.memory_space<hbm>> -> memref<1x8xi32, #tpu.memory_space<hbm>>
      %dma_start3A_705 = tpu.memref_squeeze %dma_start3A_704 : memref<1x8xi32, #tpu.memory_space<hbm>> -> memref<8xi32, #tpu.memory_space<hbm>>
      tpu.enqueue_dma source(%dma_start3A_705 : memref<8xi32, #tpu.memory_space<hbm>>) target(%dma_start3A_703 : memref<8xi32, #tpu.memory_space<vmem>>) target_semaphore(%run_scoped3A_695 : memref<!tpu.dma_semaphore, #tpu.memory_space<semaphore_mem>>)
      %dma_wait3A_706 = arith.constant 0 : i32
      %dma_wait3A_707 = tpu.memref_slice %arg5[%run_scoped3A_29, %dma_wait3A_706] : memref<32x8xi32, #tpu.memory_space<vmem>> -> memref<1x8xi32, #tpu.memory_space<vmem>>
      %dma_wait3A_708 = tpu.memref_squeeze %dma_wait3A_707 : memref<1x8xi32, #tpu.memory_space<vmem>> -> memref<8xi32, #tpu.memory_space<vmem>>
      %dma_wait3A_709 = tpu.memref_slice %arg3[%run_scoped3A_28, %add3A_27] : memref<4x2048xi32, #tpu.memory_space<hbm>> -> memref<1x8xi32, #tpu.memory_space<hbm>>
      %dma_wait3A_710 = tpu.memref_squeeze %dma_wait3A_709 : memref<1x8xi32, #tpu.memory_space<hbm>> -> memref<8xi32, #tpu.memory_space<hbm>>
      %dma_wait3A_711 = arith.constant 0 : i32
      %dma_wait3A_712 = tpu.memref_slice %arg5[%run_scoped3A_29, %dma_wait3A_711] : memref<32x8xi32, #tpu.memory_space<vmem>> -> memref<1x8xi32, #tpu.memory_space<vmem>>
      %dma_wait3A_713 = tpu.memref_squeeze %dma_wait3A_712 : memref<1x8xi32, #tpu.memory_space<vmem>> -> memref<8xi32, #tpu.memory_space<vmem>>
      %dma_wait3A_714 = tpu.memref_slice %arg3[%run_scoped3A_28, %add3A_27] : memref<4x2048xi32, #tpu.memory_space<hbm>> -> memref<1x8xi32, #tpu.memory_space<hbm>>
      %dma_wait3A_715 = tpu.memref_squeeze %dma_wait3A_714 : memref<1x8xi32, #tpu.memory_space<hbm>> -> memref<8xi32, #tpu.memory_space<hbm>>
      tpu.wait_dma2 semaphore(%run_scoped3A_695 : memref<!tpu.dma_semaphore, #tpu.memory_space<semaphore_mem>>) src(%dma_wait3A_715 : memref<8xi32, #tpu.memory_space<hbm>>) dst(%dma_wait3A_713 : memref<8xi32, #tpu.memory_space<vmem>>)
      tpu.yield
    }) : () -> ()
    %add3A_30 = arith.constant 56 : i32
    %add3A_31 = arith.addi %mul3A_2, %add3A_30 : i32
    %run_scoped3A_32 = arith.constant 0 : i32
    %run_scoped3A_33 = arith.constant 7 : i32
    "tpu.region"() ({
      %run_scoped3A_695 = tpu.sem_alloc : memref<!tpu.dma_semaphore, #tpu.memory_space<semaphore_mem>>
      %dma_start3A_696 = arith.constant 0 : i32
      %dma_start3A_697 = tpu.memref_slice %arg5[%run_scoped3A_33, %dma_start3A_696] : memref<32x8xi32, #tpu.memory_space<vmem>> -> memref<1x8xi32, #tpu.memory_space<vmem>>
      %dma_start3A_698 = tpu.memref_squeeze %dma_start3A_697 : memref<1x8xi32, #tpu.memory_space<vmem>> -> memref<8xi32, #tpu.memory_space<vmem>>
      %dma_start3A_699 = tpu.memref_slice %arg3[%run_scoped3A_32, %add3A_31] : memref<4x2048xi32, #tpu.memory_space<hbm>> -> memref<1x8xi32, #tpu.memory_space<hbm>>
      %dma_start3A_700 = tpu.memref_squeeze %dma_start3A_699 : memref<1x8xi32, #tpu.memory_space<hbm>> -> memref<8xi32, #tpu.memory_space<hbm>>
      %dma_start3A_701 = arith.constant 0 : i32
      %dma_start3A_702 = tpu.memref_slice %arg5[%run_scoped3A_33, %dma_start3A_701] : memref<32x8xi32, #tpu.memory_space<vmem>> -> memref<1x8xi32, #tpu.memory_space<vmem>>
      %dma_start3A_703 = tpu.memref_squeeze %dma_start3A_702 : memref<1x8xi32, #tpu.memory_space<vmem>> -> memref<8xi32, #tpu.memory_space<vmem>>
      %dma_start3A_704 = tpu.memref_slice %arg3[%run_scoped3A_32, %add3A_31] : memref<4x2048xi32, #tpu.memory_space<hbm>> -> memref<1x8xi32, #tpu.memory_space<hbm>>
      %dma_start3A_705 = tpu.memref_squeeze %dma_start3A_704 : memref<1x8xi32, #tpu.memory_space<hbm>> -> memref<8xi32, #tpu.memory_space<hbm>>
      tpu.enqueue_dma source(%dma_start3A_705 : memref<8xi32, #tpu.memory_space<hbm>>) target(%dma_start3A_703 : memref<8xi32, #tpu.memory_space<vmem>>) target_semaphore(%run_scoped3A_695 : memref<!tpu.dma_semaphore, #tpu.memory_space<semaphore_mem>>)
      %dma_wait3A_706 = arith.constant 0 : i32
      %dma_wait3A_707 = tpu.memref_slice %arg5[%run_scoped3A_33, %dma_wait3A_706] : memref<32x8xi32, #tpu.memory_space<vmem>> -> memref<1x8xi32, #tpu.memory_space<vmem>>
      %dma_wait3A_708 = tpu.memref_squeeze %dma_wait3A_707 : memref<1x8xi32, #tpu.memory_space<vmem>> -> memref<8xi32, #tpu.memory_space<vmem>>
      %dma_wait3A_709 = tpu.memref_slice %arg3[%run_scoped3A_32, %add3A_31] : memref<4x2048xi32, #tpu.memory_space<hbm>> -> memref<1x8xi32, #tpu.memory_space<hbm>>
      %dma_wait3A_710 = tpu.memref_squeeze %dma_wait3A_709 : memref<1x8xi32, #tpu.memory_space<hbm>> -> memref<8xi32, #tpu.memory_space<hbm>>
      %dma_wait3A_711 = arith.constant 0 : i32
      %dma_wait3A_712 = tpu.memref_slice %arg5[%run_scoped3A_33, %dma_wait3A_711] : memref<32x8xi32, #tpu.memory_space<vmem>> -> memref<1x8xi32, #tpu.memory_space<vmem>>
      %dma_wait3A_713 = tpu.memref_squeeze %dma_wait3A_712 : memref<1x8xi32, #tpu.memory_space<vmem>> -> memref<8xi32, #tpu.memory_space<vmem>>
      %dma_wait3A_714 = tpu.memref_slice %arg3[%run_scoped3A_32, %add3A_31] : memref<4x2048xi32, #tpu.memory_space<hbm>> -> memref<1x8xi32, #tpu.memory_space<hbm>>
      %dma_wait3A_715 = tpu.memref_squeeze %dma_wait3A_714 : memref<1x8xi32, #tpu.memory_space<hbm>> -> memref<8xi32, #tpu.memory_space<hbm>>
      tpu.wait_dma2 semaphore(%run_scoped3A_695 : memref<!tpu.dma_semaphore, #tpu.memory_space<semaphore_mem>>) src(%dma_wait3A_715 : memref<8xi32, #tpu.memory_space<hbm>>) dst(%dma_wait3A_713 : memref<8xi32, #tpu.memory_space<vmem>>)
      tpu.yield
    }) : () -> ()
    %add3A_34 = arith.constant 0 : i32
    %add3A_35 = arith.addi %mul3A_2, %add3A_34 : i32
    %run_scoped3A_36 = arith.constant 1 : i32
    %run_scoped3A_37 = arith.constant 8 : i32
    "tpu.region"() ({
      %run_scoped3A_695 = tpu.sem_alloc : memref<!tpu.dma_semaphore, #tpu.memory_space<semaphore_mem>>
      %dma_start3A_696 = arith.constant 0 : i32
      %dma_start3A_697 = tpu.memref_slice %arg5[%run_scoped3A_37, %dma_start3A_696] : memref<32x8xi32, #tpu.memory_space<vmem>> -> memref<1x8xi32, #tpu.memory_space<vmem>>
      %dma_start3A_698 = tpu.memref_squeeze %dma_start3A_697 : memref<1x8xi32, #tpu.memory_space<vmem>> -> memref<8xi32, #tpu.memory_space<vmem>>
      %dma_start3A_699 = tpu.memref_slice %arg3[%run_scoped3A_36, %add3A_35] : memref<4x2048xi32, #tpu.memory_space<hbm>> -> memref<1x8xi32, #tpu.memory_space<hbm>>
      %dma_start3A_700 = tpu.memref_squeeze %dma_start3A_699 : memref<1x8xi32, #tpu.memory_space<hbm>> -> memref<8xi32, #tpu.memory_space<hbm>>
      %dma_start3A_701 = arith.constant 0 : i32
      %dma_start3A_702 = tpu.memref_slice %arg5[%run_scoped3A_37, %dma_start3A_701] : memref<32x8xi32, #tpu.memory_space<vmem>> -> memref<1x8xi32, #tpu.memory_space<vmem>>
      %dma_start3A_703 = tpu.memref_squeeze %dma_start3A_702 : memref<1x8xi32, #tpu.memory_space<vmem>> -> memref<8xi32, #tpu.memory_space<vmem>>
      %dma_start3A_704 = tpu.memref_slice %arg3[%run_scoped3A_36, %add3A_35] : memref<4x2048xi32, #tpu.memory_space<hbm>> -> memref<1x8xi32, #tpu.memory_space<hbm>>
      %dma_start3A_705 = tpu.memref_squeeze %dma_start3A_704 : memref<1x8xi32, #tpu.memory_space<hbm>> -> memref<8xi32, #tpu.memory_space<hbm>>
      tpu.enqueue_dma source(%dma_start3A_705 : memref<8xi32, #tpu.memory_space<hbm>>) target(%dma_start3A_703 : memref<8xi32, #tpu.memory_space<vmem>>) target_semaphore(%run_scoped3A_695 : memref<!tpu.dma_semaphore, #tpu.memory_space<semaphore_mem>>)
      %dma_wait3A_706 = arith.constant 0 : i32
      %dma_wait3A_707 = tpu.memref_slice %arg5[%run_scoped3A_37, %dma_wait3A_706] : memref<32x8xi32, #tpu.memory_space<vmem>> -> memref<1x8xi32, #tpu.memory_space<vmem>>
      %dma_wait3A_708 = tpu.memref_squeeze %dma_wait3A_707 : memref<1x8xi32, #tpu.memory_space<vmem>> -> memref<8xi32, #tpu.memory_space<vmem>>
      %dma_wait3A_709 = tpu.memref_slice %arg3[%run_scoped3A_36, %add3A_35] : memref<4x2048xi32, #tpu.memory_space<hbm>> -> memref<1x8xi32, #tpu.memory_space<hbm>>
      %dma_wait3A_710 = tpu.memref_squeeze %dma_wait3A_709 : memref<1x8xi32, #tpu.memory_space<hbm>> -> memref<8xi32, #tpu.memory_space<hbm>>
      %dma_wait3A_711 = arith.constant 0 : i32
      %dma_wait3A_712 = tpu.memref_slice %arg5[%run_scoped3A_37, %dma_wait3A_711] : memref<32x8xi32, #tpu.memory_space<vmem>> -> memref<1x8xi32, #tpu.memory_space<vmem>>
      %dma_wait3A_713 = tpu.memref_squeeze %dma_wait3A_712 : memref<1x8xi32, #tpu.memory_space<vmem>> -> memref<8xi32, #tpu.memory_space<vmem>>
      %dma_wait3A_714 = tpu.memref_slice %arg3[%run_scoped3A_36, %add3A_35] : memref<4x2048xi32, #tpu.memory_space<hbm>> -> memref<1x8xi32, #tpu.memory_space<hbm>>
      %dma_wait3A_715 = tpu.memref_squeeze %dma_wait3A_714 : memref<1x8xi32, #tpu.memory_space<hbm>> -> memref<8xi32, #tpu.memory_space<hbm>>
      tpu.wait_dma2 semaphore(%run_scoped3A_695 : memref<!tpu.dma_semaphore, #tpu.memory_space<semaphore_mem>>) src(%dma_wait3A_715 : memref<8xi32, #tpu.memory_space<hbm>>) dst(%dma_wait3A_713 : memref<8xi32, #tpu.memory_space<vmem>>)
      tpu.yield
    }) : () -> ()
    %add3A_38 = arith.constant 8 : i32
    %add3A_39 = arith.addi %mul3A_2, %add3A_38 : i32
    %run_scoped3A_40 = arith.constant 1 : i32
    %run_scoped3A_41 = arith.constant 9 : i32
    "tpu.region"() ({
      %run_scoped3A_695 = tpu.sem_alloc : memref<!tpu.dma_semaphore, #tpu.memory_space<semaphore_mem>>
      %dma_start3A_696 = arith.constant 0 : i32
      %dma_start3A_697 = tpu.memref_slice %arg5[%run_scoped3A_41, %dma_start3A_696] : memref<32x8xi32, #tpu.memory_space<vmem>> -> memref<1x8xi32, #tpu.memory_space<vmem>>
      %dma_start3A_698 = tpu.memref_squeeze %dma_start3A_697 : memref<1x8xi32, #tpu.memory_space<vmem>> -> memref<8xi32, #tpu.memory_space<vmem>>
      %dma_start3A_699 = tpu.memref_slice %arg3[%run_scoped3A_40, %add3A_39] : memref<4x2048xi32, #tpu.memory_space<hbm>> -> memref<1x8xi32, #tpu.memory_space<hbm>>
      %dma_start3A_700 = tpu.memref_squeeze %dma_start3A_699 : memref<1x8xi32, #tpu.memory_space<hbm>> -> memref<8xi32, #tpu.memory_space<hbm>>
      %dma_start3A_701 = arith.constant 0 : i32
      %dma_start3A_702 = tpu.memref_slice %arg5[%run_scoped3A_41, %dma_start3A_701] : memref<32x8xi32, #tpu.memory_space<vmem>> -> memref<1x8xi32, #tpu.memory_space<vmem>>
      %dma_start3A_703 = tpu.memref_squeeze %dma_start3A_702 : memref<1x8xi32, #tpu.memory_space<vmem>> -> memref<8xi32, #tpu.memory_space<vmem>>
      %dma_start3A_704 = tpu.memref_slice %arg3[%run_scoped3A_40, %add3A_39] : memref<4x2048xi32, #tpu.memory_space<hbm>> -> memref<1x8xi32, #tpu.memory_space<hbm>>
      %dma_start3A_705 = tpu.memref_squeeze %dma_start3A_704 : memref<1x8xi32, #tpu.memory_space<hbm>> -> memref<8xi32, #tpu.memory_space<hbm>>
      tpu.enqueue_dma source(%dma_start3A_705 : memref<8xi32, #tpu.memory_space<hbm>>) target(%dma_start3A_703 : memref<8xi32, #tpu.memory_space<vmem>>) target_semaphore(%run_scoped3A_695 : memref<!tpu.dma_semaphore, #tpu.memory_space<semaphore_mem>>)
      %dma_wait3A_706 = arith.constant 0 : i32
      %dma_wait3A_707 = tpu.memref_slice %arg5[%run_scoped3A_41, %dma_wait3A_706] : memref<32x8xi32, #tpu.memory_space<vmem>> -> memref<1x8xi32, #tpu.memory_space<vmem>>
      %dma_wait3A_708 = tpu.memref_squeeze %dma_wait3A_707 : memref<1x8xi32, #tpu.memory_space<vmem>> -> memref<8xi32, #tpu.memory_space<vmem>>
      %dma_wait3A_709 = tpu.memref_slice %arg3[%run_scoped3A_40, %add3A_39] : memref<4x2048xi32, #tpu.memory_space<hbm>> -> memref<1x8xi32, #tpu.memory_space<hbm>>
      %dma_wait3A_710 = tpu.memref_squeeze %dma_wait3A_709 : memref<1x8xi32, #tpu.memory_space<hbm>> -> memref<8xi32, #tpu.memory_space<hbm>>
      %dma_wait3A_711 = arith.constant 0 : i32
      %dma_wait3A_712 = tpu.memref_slice %arg5[%run_scoped3A_41, %dma_wait3A_711] : memref<32x8xi32, #tpu.memory_space<vmem>> -> memref<1x8xi32, #tpu.memory_space<vmem>>
      %dma_wait3A_713 = tpu.memref_squeeze %dma_wait3A_712 : memref<1x8xi32, #tpu.memory_space<vmem>> -> memref<8xi32, #tpu.memory_space<vmem>>
      %dma_wait3A_714 = tpu.memref_slice %arg3[%run_scoped3A_40, %add3A_39] : memref<4x2048xi32, #tpu.memory_space<hbm>> -> memref<1x8xi32, #tpu.memory_space<hbm>>
      %dma_wait3A_715 = tpu.memref_squeeze %dma_wait3A_714 : memref<1x8xi32, #tpu.memory_space<hbm>> -> memref<8xi32, #tpu.memory_space<hbm>>
      tpu.wait_dma2 semaphore(%run_scoped3A_695 : memref<!tpu.dma_semaphore, #tpu.memory_space<semaphore_mem>>) src(%dma_wait3A_715 : memref<8xi32, #tpu.memory_space<hbm>>) dst(%dma_wait3A_713 : memref<8xi32, #tpu.memory_space<vmem>>)
      tpu.yield
    }) : () -> ()
    %add3A_42 = arith.constant 16 : i32
    %add3A_43 = arith.addi %mul3A_2, %add3A_42 : i32
    %run_scoped3A_44 = arith.constant 1 : i32
    %run_scoped3A_45 = arith.constant 10 : i32
    "tpu.region"() ({
      %run_scoped3A_695 = tpu.sem_alloc : memref<!tpu.dma_semaphore, #tpu.memory_space<semaphore_mem>>
      %dma_start3A_696 = arith.constant 0 : i32
      %dma_start3A_697 = tpu.memref_slice %arg5[%run_scoped3A_45, %dma_start3A_696] : memref<32x8xi32, #tpu.memory_space<vmem>> -> memref<1x8xi32, #tpu.memory_space<vmem>>
      %dma_start3A_698 = tpu.memref_squeeze %dma_start3A_697 : memref<1x8xi32, #tpu.memory_space<vmem>> -> memref<8xi32, #tpu.memory_space<vmem>>
      %dma_start3A_699 = tpu.memref_slice %arg3[%run_scoped3A_44, %add3A_43] : memref<4x2048xi32, #tpu.memory_space<hbm>> -> memref<1x8xi32, #tpu.memory_space<hbm>>
      %dma_start3A_700 = tpu.memref_squeeze %dma_start3A_699 : memref<1x8xi32, #tpu.memory_space<hbm>> -> memref<8xi32, #tpu.memory_space<hbm>>
      %dma_start3A_701 = arith.constant 0 : i32
      %dma_start3A_702 = tpu.memref_slice %arg5[%run_scoped3A_45, %dma_start3A_701] : memref<32x8xi32, #tpu.memory_space<vmem>> -> memref<1x8xi32, #tpu.memory_space<vmem>>
      %dma_start3A_703 = tpu.memref_squeeze %dma_start3A_702 : memref<1x8xi32, #tpu.memory_space<vmem>> -> memref<8xi32, #tpu.memory_space<vmem>>
      %dma_start3A_704 = tpu.memref_slice %arg3[%run_scoped3A_44, %add3A_43] : memref<4x2048xi32, #tpu.memory_space<hbm>> -> memref<1x8xi32, #tpu.memory_space<hbm>>
      %dma_start3A_705 = tpu.memref_squeeze %dma_start3A_704 : memref<1x8xi32, #tpu.memory_space<hbm>> -> memref<8xi32, #tpu.memory_space<hbm>>
      tpu.enqueue_dma source(%dma_start3A_705 : memref<8xi32, #tpu.memory_space<hbm>>) target(%dma_start3A_703 : memref<8xi32, #tpu.memory_space<vmem>>) target_semaphore(%run_scoped3A_695 : memref<!tpu.dma_semaphore, #tpu.memory_space<semaphore_mem>>)
      %dma_wait3A_706 = arith.constant 0 : i32
      %dma_wait3A_707 = tpu.memref_slice %arg5[%run_scoped3A_45, %dma_wait3A_706] : memref<32x8xi32, #tpu.memory_space<vmem>> -> memref<1x8xi32, #tpu.memory_space<vmem>>
      %dma_wait3A_708 = tpu.memref_squeeze %dma_wait3A_707 : memref<1x8xi32, #tpu.memory_space<vmem>> -> memref<8xi32, #tpu.memory_space<vmem>>
      %dma_wait3A_709 = tpu.memref_slice %arg3[%run_scoped3A_44, %add3A_43] : memref<4x2048xi32, #tpu.memory_space<hbm>> -> memref<1x8xi32, #tpu.memory_space<hbm>>
      %dma_wait3A_710 = tpu.memref_squeeze %dma_wait3A_709 : memref<1x8xi32, #tpu.memory_space<hbm>> -> memref<8xi32, #tpu.memory_space<hbm>>
      %dma_wait3A_711 = arith.constant 0 : i32
      %dma_wait3A_712 = tpu.memref_slice %arg5[%run_scoped3A_45, %dma_wait3A_711] : memref<32x8xi32, #tpu.memory_space<vmem>> -> memref<1x8xi32, #tpu.memory_space<vmem>>
      %dma_wait3A_713 = tpu.memref_squeeze %dma_wait3A_712 : memref<1x8xi32, #tpu.memory_space<vmem>> -> memref<8xi32, #tpu.memory_space<vmem>>
      %dma_wait3A_714 = tpu.memref_slice %arg3[%run_scoped3A_44, %add3A_43] : memref<4x2048xi32, #tpu.memory_space<hbm>> -> memref<1x8xi32, #tpu.memory_space<hbm>>
      %dma_wait3A_715 = tpu.memref_squeeze %dma_wait3A_714 : memref<1x8xi32, #tpu.memory_space<hbm>> -> memref<8xi32, #tpu.memory_space<hbm>>
      tpu.wait_dma2 semaphore(%run_scoped3A_695 : memref<!tpu.dma_semaphore, #tpu.memory_space<semaphore_mem>>) src(%dma_wait3A_715 : memref<8xi32, #tpu.memory_space<hbm>>) dst(%dma_wait3A_713 : memref<8xi32, #tpu.memory_space<vmem>>)
      tpu.yield
    }) : () -> ()
    %add3A_46 = arith.constant 24 : i32
    %add3A_47 = arith.addi %mul3A_2, %add3A_46 : i32
    %run_scoped3A_48 = arith.constant 1 : i32
    %run_scoped3A_49 = arith.constant 11 : i32
    "tpu.region"() ({
      %run_scoped3A_695 = tpu.sem_alloc : memref<!tpu.dma_semaphore, #tpu.memory_space<semaphore_mem>>
      %dma_start3A_696 = arith.constant 0 : i32
      %dma_start3A_697 = tpu.memref_slice %arg5[%run_scoped3A_49, %dma_start3A_696] : memref<32x8xi32, #tpu.memory_space<vmem>> -> memref<1x8xi32, #tpu.memory_space<vmem>>
      %dma_start3A_698 = tpu.memref_squeeze %dma_start3A_697 : memref<1x8xi32, #tpu.memory_space<vmem>> -> memref<8xi32, #tpu.memory_space<vmem>>
      %dma_start3A_699 = tpu.memref_slice %arg3[%run_scoped3A_48, %add3A_47] : memref<4x2048xi32, #tpu.memory_space<hbm>> -> memref<1x8xi32, #tpu.memory_space<hbm>>
      %dma_start3A_700 = tpu.memref_squeeze %dma_start3A_699 : memref<1x8xi32, #tpu.memory_space<hbm>> -> memref<8xi32, #tpu.memory_space<hbm>>
      %dma_start3A_701 = arith.constant 0 : i32
      %dma_start3A_702 = tpu.memref_slice %arg5[%run_scoped3A_49, %dma_start3A_701] : memref<32x8xi32, #tpu.memory_space<vmem>> -> memref<1x8xi32, #tpu.memory_space<vmem>>
      %dma_start3A_703 = tpu.memref_squeeze %dma_start3A_702 : memref<1x8xi32, #tpu.memory_space<vmem>> -> memref<8xi32, #tpu.memory_space<vmem>>
      %dma_start3A_704 = tpu.memref_slice %arg3[%run_scoped3A_48, %add3A_47] : memref<4x2048xi32, #tpu.memory_space<hbm>> -> memref<1x8xi32, #tpu.memory_space<hbm>>
      %dma_start3A_705 = tpu.memref_squeeze %dma_start3A_704 : memref<1x8xi32, #tpu.memory_space<hbm>> -> memref<8xi32, #tpu.memory_space<hbm>>
      tpu.enqueue_dma source(%dma_start3A_705 : memref<8xi32, #tpu.memory_space<hbm>>) target(%dma_start3A_703 : memref<8xi32, #tpu.memory_space<vmem>>) target_semaphore(%run_scoped3A_695 : memref<!tpu.dma_semaphore, #tpu.memory_space<semaphore_mem>>)
      %dma_wait3A_706 = arith.constant 0 : i32
      %dma_wait3A_707 = tpu.memref_slice %arg5[%run_scoped3A_49, %dma_wait3A_706] : memref<32x8xi32, #tpu.memory_space<vmem>> -> memref<1x8xi32, #tpu.memory_space<vmem>>
      %dma_wait3A_708 = tpu.memref_squeeze %dma_wait3A_707 : memref<1x8xi32, #tpu.memory_space<vmem>> -> memref<8xi32, #tpu.memory_space<vmem>>
      %dma_wait3A_709 = tpu.memref_slice %arg3[%run_scoped3A_48, %add3A_47] : memref<4x2048xi32, #tpu.memory_space<hbm>> -> memref<1x8xi32, #tpu.memory_space<hbm>>
      %dma_wait3A_710 = tpu.memref_squeeze %dma_wait3A_709 : memref<1x8xi32, #tpu.memory_space<hbm>> -> memref<8xi32, #tpu.memory_space<hbm>>
      %dma_wait3A_711 = arith.constant 0 : i32
      %dma_wait3A_712 = tpu.memref_slice %arg5[%run_scoped3A_49, %dma_wait3A_711] : memref<32x8xi32, #tpu.memory_space<vmem>> -> memref<1x8xi32, #tpu.memory_space<vmem>>
      %dma_wait3A_713 = tpu.memref_squeeze %dma_wait3A_712 : memref<1x8xi32, #tpu.memory_space<vmem>> -> memref<8xi32, #tpu.memory_space<vmem>>
      %dma_wait3A_714 = tpu.memref_slice %arg3[%run_scoped3A_48, %add3A_47] : memref<4x2048xi32, #tpu.memory_space<hbm>> -> memref<1x8xi32, #tpu.memory_space<hbm>>
      %dma_wait3A_715 = tpu.memref_squeeze %dma_wait3A_714 : memref<1x8xi32, #tpu.memory_space<hbm>> -> memref<8xi32, #tpu.memory_space<hbm>>
      tpu.wait_dma2 semaphore(%run_scoped3A_695 : memref<!tpu.dma_semaphore, #tpu.memory_space<semaphore_mem>>) src(%dma_wait3A_715 : memref<8xi32, #tpu.memory_space<hbm>>) dst(%dma_wait3A_713 : memref<8xi32, #tpu.memory_space<vmem>>)
      tpu.yield
    }) : () -> ()
    %add3A_50 = arith.constant 32 : i32
    %add3A_51 = arith.addi %mul3A_2, %add3A_50 : i32
    %run_scoped3A_52 = arith.constant 1 : i32
    %run_scoped3A_53 = arith.constant 12 : i32
    "tpu.region"() ({
      %run_scoped3A_695 = tpu.sem_alloc : memref<!tpu.dma_semaphore, #tpu.memory_space<semaphore_mem>>
      %dma_start3A_696 = arith.constant 0 : i32
      %dma_start3A_697 = tpu.memref_slice %arg5[%run_scoped3A_53, %dma_start3A_696] : memref<32x8xi32, #tpu.memory_space<vmem>> -> memref<1x8xi32, #tpu.memory_space<vmem>>
      %dma_start3A_698 = tpu.memref_squeeze %dma_start3A_697 : memref<1x8xi32, #tpu.memory_space<vmem>> -> memref<8xi32, #tpu.memory_space<vmem>>
      %dma_start3A_699 = tpu.memref_slice %arg3[%run_scoped3A_52, %add3A_51] : memref<4x2048xi32, #tpu.memory_space<hbm>> -> memref<1x8xi32, #tpu.memory_space<hbm>>
      %dma_start3A_700 = tpu.memref_squeeze %dma_start3A_699 : memref<1x8xi32, #tpu.memory_space<hbm>> -> memref<8xi32, #tpu.memory_space<hbm>>
      %dma_start3A_701 = arith.constant 0 : i32
      %dma_start3A_702 = tpu.memref_slice %arg5[%run_scoped3A_53, %dma_start3A_701] : memref<32x8xi32, #tpu.memory_space<vmem>> -> memref<1x8xi32, #tpu.memory_space<vmem>>
      %dma_start3A_703 = tpu.memref_squeeze %dma_start3A_702 : memref<1x8xi32, #tpu.memory_space<vmem>> -> memref<8xi32, #tpu.memory_space<vmem>>
      %dma_start3A_704 = tpu.memref_slice %arg3[%run_scoped3A_52, %add3A_51] : memref<4x2048xi32, #tpu.memory_space<hbm>> -> memref<1x8xi32, #tpu.memory_space<hbm>>
      %dma_start3A_705 = tpu.memref_squeeze %dma_start3A_704 : memref<1x8xi32, #tpu.memory_space<hbm>> -> memref<8xi32, #tpu.memory_space<hbm>>
      tpu.enqueue_dma source(%dma_start3A_705 : memref<8xi32, #tpu.memory_space<hbm>>) target(%dma_start3A_703 : memref<8xi32, #tpu.memory_space<vmem>>) target_semaphore(%run_scoped3A_695 : memref<!tpu.dma_semaphore, #tpu.memory_space<semaphore_mem>>)
      %dma_wait3A_706 = arith.constant 0 : i32
      %dma_wait3A_707 = tpu.memref_slice %arg5[%run_scoped3A_53, %dma_wait3A_706] : memref<32x8xi32, #tpu.memory_space<vmem>> -> memref<1x8xi32, #tpu.memory_space<vmem>>
      %dma_wait3A_708 = tpu.memref_squeeze %dma_wait3A_707 : memref<1x8xi32, #tpu.memory_space<vmem>> -> memref<8xi32, #tpu.memory_space<vmem>>
      %dma_wait3A_709 = tpu.memref_slice %arg3[%run_scoped3A_52, %add3A_51] : memref<4x2048xi32, #tpu.memory_space<hbm>> -> memref<1x8xi32, #tpu.memory_space<hbm>>
      %dma_wait3A_710 = tpu.memref_squeeze %dma_wait3A_709 : memref<1x8xi32, #tpu.memory_space<hbm>> -> memref<8xi32, #tpu.memory_space<hbm>>
      %dma_wait3A_711 = arith.constant 0 : i32
      %dma_wait3A_712 = tpu.memref_slice %arg5[%run_scoped3A_53, %dma_wait3A_711] : memref<32x8xi32, #tpu.memory_space<vmem>> -> memref<1x8xi32, #tpu.memory_space<vmem>>
      %dma_wait3A_713 = tpu.memref_squeeze %dma_wait3A_712 : memref<1x8xi32, #tpu.memory_space<vmem>> -> memref<8xi32, #tpu.memory_space<vmem>>
      %dma_wait3A_714 = tpu.memref_slice %arg3[%run_scoped3A_52, %add3A_51] : memref<4x2048xi32, #tpu.memory_space<hbm>> -> memref<1x8xi32, #tpu.memory_space<hbm>>
      %dma_wait3A_715 = tpu.memref_squeeze %dma_wait3A_714 : memref<1x8xi32, #tpu.memory_space<hbm>> -> memref<8xi32, #tpu.memory_space<hbm>>
      tpu.wait_dma2 semaphore(%run_scoped3A_695 : memref<!tpu.dma_semaphore, #tpu.memory_space<semaphore_mem>>) src(%dma_wait3A_715 : memref<8xi32, #tpu.memory_space<hbm>>) dst(%dma_wait3A_713 : memref<8xi32, #tpu.memory_space<vmem>>)
      tpu.yield
    }) : () -> ()
    %add3A_54 = arith.constant 40 : i32
    %add3A_55 = arith.addi %mul3A_2, %add3A_54 : i32
    %run_scoped3A_56 = arith.constant 1 : i32
    %run_scoped3A_57 = arith.constant 13 : i32
    "tpu.region"() ({
      %run_scoped3A_695 = tpu.sem_alloc : memref<!tpu.dma_semaphore, #tpu.memory_space<semaphore_mem>>
      %dma_start3A_696 = arith.constant 0 : i32
      %dma_start3A_697 = tpu.memref_slice %arg5[%run_scoped3A_57, %dma_start3A_696] : memref<32x8xi32, #tpu.memory_space<vmem>> -> memref<1x8xi32, #tpu.memory_space<vmem>>
      %dma_start3A_698 = tpu.memref_squeeze %dma_start3A_697 : memref<1x8xi32, #tpu.memory_space<vmem>> -> memref<8xi32, #tpu.memory_space<vmem>>
      %dma_start3A_699 = tpu.memref_slice %arg3[%run_scoped3A_56, %add3A_55] : memref<4x2048xi32, #tpu.memory_space<hbm>> -> memref<1x8xi32, #tpu.memory_space<hbm>>
      %dma_start3A_700 = tpu.memref_squeeze %dma_start3A_699 : memref<1x8xi32, #tpu.memory_space<hbm>> -> memref<8xi32, #tpu.memory_space<hbm>>
      %dma_start3A_701 = arith.constant 0 : i32
      %dma_start3A_702 = tpu.memref_slice %arg5[%run_scoped3A_57, %dma_start3A_701] : memref<32x8xi32, #tpu.memory_space<vmem>> -> memref<1x8xi32, #tpu.memory_space<vmem>>
      %dma_start3A_703 = tpu.memref_squeeze %dma_start3A_702 : memref<1x8xi32, #tpu.memory_space<vmem>> -> memref<8xi32, #tpu.memory_space<vmem>>
      %dma_start3A_704 = tpu.memref_slice %arg3[%run_scoped3A_56, %add3A_55] : memref<4x2048xi32, #tpu.memory_space<hbm>> -> memref<1x8xi32, #tpu.memory_space<hbm>>
      %dma_start3A_705 = tpu.memref_squeeze %dma_start3A_704 : memref<1x8xi32, #tpu.memory_space<hbm>> -> memref<8xi32, #tpu.memory_space<hbm>>
      tpu.enqueue_dma source(%dma_start3A_705 : memref<8xi32, #tpu.memory_space<hbm>>) target(%dma_start3A_703 : memref<8xi32, #tpu.memory_space<vmem>>) target_semaphore(%run_scoped3A_695 : memref<!tpu.dma_semaphore, #tpu.memory_space<semaphore_mem>>)
      %dma_wait3A_706 = arith.constant 0 : i32
      %dma_wait3A_707 = tpu.memref_slice %arg5[%run_scoped3A_57, %dma_wait3A_706] : memref<32x8xi32, #tpu.memory_space<vmem>> -> memref<1x8xi32, #tpu.memory_space<vmem>>
      %dma_wait3A_708 = tpu.memref_squeeze %dma_wait3A_707 : memref<1x8xi32, #tpu.memory_space<vmem>> -> memref<8xi32, #tpu.memory_space<vmem>>
      %dma_wait3A_709 = tpu.memref_slice %arg3[%run_scoped3A_56, %add3A_55] : memref<4x2048xi32, #tpu.memory_space<hbm>> -> memref<1x8xi32, #tpu.memory_space<hbm>>
      %dma_wait3A_710 = tpu.memref_squeeze %dma_wait3A_709 : memref<1x8xi32, #tpu.memory_space<hbm>> -> memref<8xi32, #tpu.memory_space<hbm>>
      %dma_wait3A_711 = arith.constant 0 : i32
      %dma_wait3A_712 = tpu.memref_slice %arg5[%run_scoped3A_57, %dma_wait3A_711] : memref<32x8xi32, #tpu.memory_space<vmem>> -> memref<1x8xi32, #tpu.memory_space<vmem>>
      %dma_wait3A_713 = tpu.memref_squeeze %dma_wait3A_712 : memref<1x8xi32, #tpu.memory_space<vmem>> -> memref<8xi32, #tpu.memory_space<vmem>>
      %dma_wait3A_714 = tpu.memref_slice %arg3[%run_scoped3A_56, %add3A_55] : memref<4x2048xi32, #tpu.memory_space<hbm>> -> memref<1x8xi32, #tpu.memory_space<hbm>>
      %dma_wait3A_715 = tpu.memref_squeeze %dma_wait3A_714 : memref<1x8xi32, #tpu.memory_space<hbm>> -> memref<8xi32, #tpu.memory_space<hbm>>
      tpu.wait_dma2 semaphore(%run_scoped3A_695 : memref<!tpu.dma_semaphore, #tpu.memory_space<semaphore_mem>>) src(%dma_wait3A_715 : memref<8xi32, #tpu.memory_space<hbm>>) dst(%dma_wait3A_713 : memref<8xi32, #tpu.memory_space<vmem>>)
      tpu.yield
    }) : () -> ()
    %add3A_58 = arith.constant 48 : i32
    %add3A_59 = arith.addi %mul3A_2, %add3A_58 : i32
    %run_scoped3A_60 = arith.constant 1 : i32
    %run_scoped3A_61 = arith.constant 14 : i32
    "tpu.region"() ({
      %run_scoped3A_695 = tpu.sem_alloc : memref<!tpu.dma_semaphore, #tpu.memory_space<semaphore_mem>>
      %dma_start3A_696 = arith.constant 0 : i32
      %dma_start3A_697 = tpu.memref_slice %arg5[%run_scoped3A_61, %dma_start3A_696] : memref<32x8xi32, #tpu.memory_space<vmem>> -> memref<1x8xi32, #tpu.memory_space<vmem>>
      %dma_start3A_698 = tpu.memref_squeeze %dma_start3A_697 : memref<1x8xi32, #tpu.memory_space<vmem>> -> memref<8xi32, #tpu.memory_space<vmem>>
      %dma_start3A_699 = tpu.memref_slice %arg3[%run_scoped3A_60, %add3A_59] : memref<4x2048xi32, #tpu.memory_space<hbm>> -> memref<1x8xi32, #tpu.memory_space<hbm>>
      %dma_start3A_700 = tpu.memref_squeeze %dma_start3A_699 : memref<1x8xi32, #tpu.memory_space<hbm>> -> memref<8xi32, #tpu.memory_space<hbm>>
      %dma_start3A_701 = arith.constant 0 : i32
      %dma_start3A_702 = tpu.memref_slice %arg5[%run_scoped3A_61, %dma_start3A_701] : memref<32x8xi32, #tpu.memory_space<vmem>> -> memref<1x8xi32, #tpu.memory_space<vmem>>
      %dma_start3A_703 = tpu.memref_squeeze %dma_start3A_702 : memref<1x8xi32, #tpu.memory_space<vmem>> -> memref<8xi32, #tpu.memory_space<vmem>>
      %dma_start3A_704 = tpu.memref_slice %arg3[%run_scoped3A_60, %add3A_59] : memref<4x2048xi32, #tpu.memory_space<hbm>> -> memref<1x8xi32, #tpu.memory_space<hbm>>
      %dma_start3A_705 = tpu.memref_squeeze %dma_start3A_704 : memref<1x8xi32, #tpu.memory_space<hbm>> -> memref<8xi32, #tpu.memory_space<hbm>>
      tpu.enqueue_dma source(%dma_start3A_705 : memref<8xi32, #tpu.memory_space<hbm>>) target(%dma_start3A_703 : memref<8xi32, #tpu.memory_space<vmem>>) target_semaphore(%run_scoped3A_695 : memref<!tpu.dma_semaphore, #tpu.memory_space<semaphore_mem>>)
      %dma_wait3A_706 = arith.constant 0 : i32
      %dma_wait3A_707 = tpu.memref_slice %arg5[%run_scoped3A_61, %dma_wait3A_706] : memref<32x8xi32, #tpu.memory_space<vmem>> -> memref<1x8xi32, #tpu.memory_space<vmem>>
      %dma_wait3A_708 = tpu.memref_squeeze %dma_wait3A_707 : memref<1x8xi32, #tpu.memory_space<vmem>> -> memref<8xi32, #tpu.memory_space<vmem>>
      %dma_wait3A_709 = tpu.memref_slice %arg3[%run_scoped3A_60, %add3A_59] : memref<4x2048xi32, #tpu.memory_space<hbm>> -> memref<1x8xi32, #tpu.memory_space<hbm>>
      %dma_wait3A_710 = tpu.memref_squeeze %dma_wait3A_709 : memref<1x8xi32, #tpu.memory_space<hbm>> -> memref<8xi32, #tpu.memory_space<hbm>>
      %dma_wait3A_711 = arith.constant 0 : i32
      %dma_wait3A_712 = tpu.memref_slice %arg5[%run_scoped3A_61, %dma_wait3A_711] : memref<32x8xi32, #tpu.memory_space<vmem>> -> memref<1x8xi32, #tpu.memory_space<vmem>>
      %dma_wait3A_713 = tpu.memref_squeeze %dma_wait3A_712 : memref<1x8xi32, #tpu.memory_space<vmem>> -> memref<8xi32, #tpu.memory_space<vmem>>
      %dma_wait3A_714 = tpu.memref_slice %arg3[%run_scoped3A_60, %add3A_59] : memref<4x2048xi32, #tpu.memory_space<hbm>> -> memref<1x8xi32, #tpu.memory_space<hbm>>
      %dma_wait3A_715 = tpu.memref_squeeze %dma_wait3A_714 : memref<1x8xi32, #tpu.memory_space<hbm>> -> memref<8xi32, #tpu.memory_space<hbm>>
      tpu.wait_dma2 semaphore(%run_scoped3A_695 : memref<!tpu.dma_semaphore, #tpu.memory_space<semaphore_mem>>) src(%dma_wait3A_715 : memref<8xi32, #tpu.memory_space<hbm>>) dst(%dma_wait3A_713 : memref<8xi32, #tpu.memory_space<vmem>>)
      tpu.yield
    }) : () -> ()
    %add3A_62 = arith.constant 56 : i32
    %add3A_63 = arith.addi %mul3A_2, %add3A_62 : i32
    %run_scoped3A_64 = arith.constant 1 : i32
    %run_scoped3A_65 = arith.constant 15 : i32
    "tpu.region"() ({
      %run_scoped3A_695 = tpu.sem_alloc : memref<!tpu.dma_semaphore, #tpu.memory_space<semaphore_mem>>
      %dma_start3A_696 = arith.constant 0 : i32
      %dma_start3A_697 = tpu.memref_slice %arg5[%run_scoped3A_65, %dma_start3A_696] : memref<32x8xi32, #tpu.memory_space<vmem>> -> memref<1x8xi32, #tpu.memory_space<vmem>>
      %dma_start3A_698 = tpu.memref_squeeze %dma_start3A_697 : memref<1x8xi32, #tpu.memory_space<vmem>> -> memref<8xi32, #tpu.memory_space<vmem>>
      %dma_start3A_699 = tpu.memref_slice %arg3[%run_scoped3A_64, %add3A_63] : memref<4x2048xi32, #tpu.memory_space<hbm>> -> memref<1x8xi32, #tpu.memory_space<hbm>>
      %dma_start3A_700 = tpu.memref_squeeze %dma_start3A_699 : memref<1x8xi32, #tpu.memory_space<hbm>> -> memref<8xi32, #tpu.memory_space<hbm>>
      %dma_start3A_701 = arith.constant 0 : i32
      %dma_start3A_702 = tpu.memref_slice %arg5[%run_scoped3A_65, %dma_start3A_701] : memref<32x8xi32, #tpu.memory_space<vmem>> -> memref<1x8xi32, #tpu.memory_space<vmem>>
      %dma_start3A_703 = tpu.memref_squeeze %dma_start3A_702 : memref<1x8xi32, #tpu.memory_space<vmem>> -> memref<8xi32, #tpu.memory_space<vmem>>
      %dma_start3A_704 = tpu.memref_slice %arg3[%run_scoped3A_64, %add3A_63] : memref<4x2048xi32, #tpu.memory_space<hbm>> -> memref<1x8xi32, #tpu.memory_space<hbm>>
      %dma_start3A_705 = tpu.memref_squeeze %dma_start3A_704 : memref<1x8xi32, #tpu.memory_space<hbm>> -> memref<8xi32, #tpu.memory_space<hbm>>
      tpu.enqueue_dma source(%dma_start3A_705 : memref<8xi32, #tpu.memory_space<hbm>>) target(%dma_start3A_703 : memref<8xi32, #tpu.memory_space<vmem>>) target_semaphore(%run_scoped3A_695 : memref<!tpu.dma_semaphore, #tpu.memory_space<semaphore_mem>>)
      %dma_wait3A_706 = arith.constant 0 : i32
      %dma_wait3A_707 = tpu.memref_slice %arg5[%run_scoped3A_65, %dma_wait3A_706] : memref<32x8xi32, #tpu.memory_space<vmem>> -> memref<1x8xi32, #tpu.memory_space<vmem>>
      %dma_wait3A_708 = tpu.memref_squeeze %dma_wait3A_707 : memref<1x8xi32, #tpu.memory_space<vmem>> -> memref<8xi32, #tpu.memory_space<vmem>>
      %dma_wait3A_709 = tpu.memref_slice %arg3[%run_scoped3A_64, %add3A_63] : memref<4x2048xi32, #tpu.memory_space<hbm>> -> memref<1x8xi32, #tpu.memory_space<hbm>>
      %dma_wait3A_710 = tpu.memref_squeeze %dma_wait3A_709 : memref<1x8xi32, #tpu.memory_space<hbm>> -> memref<8xi32, #tpu.memory_space<hbm>>
      %dma_wait3A_711 = arith.constant 0 : i32
      %dma_wait3A_712 = tpu.memref_slice %arg5[%run_scoped3A_65, %dma_wait3A_711] : memref<32x8xi32, #tpu.memory_space<vmem>> -> memref<1x8xi32, #tpu.memory_space<vmem>>
      %dma_wait3A_713 = tpu.memref_squeeze %dma_wait3A_712 : memref<1x8xi32, #tpu.memory_space<vmem>> -> memref<8xi32, #tpu.memory_space<vmem>>
      %dma_wait3A_714 = tpu.memref_slice %arg3[%run_scoped3A_64, %add3A_63] : memref<4x2048xi32, #tpu.memory_space<hbm>> -> memref<1x8xi32, #tpu.memory_space<hbm>>
      %dma_wait3A_715 = tpu.memref_squeeze %dma_wait3A_714 : memref<1x8xi32, #tpu.memory_space<hbm>> -> memref<8xi32, #tpu.memory_space<hbm>>
      tpu.wait_dma2 semaphore(%run_scoped3A_695 : memref<!tpu.dma_semaphore, #tpu.memory_space<semaphore_mem>>) src(%dma_wait3A_715 : memref<8xi32, #tpu.memory_space<hbm>>) dst(%dma_wait3A_713 : memref<8xi32, #tpu.memory_space<vmem>>)
      tpu.yield
    }) : () -> ()
    %add3A_66 = arith.constant 0 : i32
    %add3A_67 = arith.addi %mul3A_2, %add3A_66 : i32
    %run_scoped3A_68 = arith.constant 2 : i32
    %run_scoped3A_69 = arith.constant 16 : i32
    "tpu.region"() ({
      %run_scoped3A_695 = tpu.sem_alloc : memref<!tpu.dma_semaphore, #tpu.memory_space<semaphore_mem>>
      %dma_start3A_696 = arith.constant 0 : i32
      %dma_start3A_697 = tpu.memref_slice %arg5[%run_scoped3A_69, %dma_start3A_696] : memref<32x8xi32, #tpu.memory_space<vmem>> -> memref<1x8xi32, #tpu.memory_space<vmem>>
      %dma_start3A_698 = tpu.memref_squeeze %dma_start3A_697 : memref<1x8xi32, #tpu.memory_space<vmem>> -> memref<8xi32, #tpu.memory_space<vmem>>
      %dma_start3A_699 = tpu.memref_slice %arg3[%run_scoped3A_68, %add3A_67] : memref<4x2048xi32, #tpu.memory_space<hbm>> -> memref<1x8xi32, #tpu.memory_space<hbm>>
      %dma_start3A_700 = tpu.memref_squeeze %dma_start3A_699 : memref<1x8xi32, #tpu.memory_space<hbm>> -> memref<8xi32, #tpu.memory_space<hbm>>
      %dma_start3A_701 = arith.constant 0 : i32
      %dma_start3A_702 = tpu.memref_slice %arg5[%run_scoped3A_69, %dma_start3A_701] : memref<32x8xi32, #tpu.memory_space<vmem>> -> memref<1x8xi32, #tpu.memory_space<vmem>>
      %dma_start3A_703 = tpu.memref_squeeze %dma_start3A_702 : memref<1x8xi32, #tpu.memory_space<vmem>> -> memref<8xi32, #tpu.memory_space<vmem>>
      %dma_start3A_704 = tpu.memref_slice %arg3[%run_scoped3A_68, %add3A_67] : memref<4x2048xi32, #tpu.memory_space<hbm>> -> memref<1x8xi32, #tpu.memory_space<hbm>>
      %dma_start3A_705 = tpu.memref_squeeze %dma_start3A_704 : memref<1x8xi32, #tpu.memory_space<hbm>> -> memref<8xi32, #tpu.memory_space<hbm>>
      tpu.enqueue_dma source(%dma_start3A_705 : memref<8xi32, #tpu.memory_space<hbm>>) target(%dma_start3A_703 : memref<8xi32, #tpu.memory_space<vmem>>) target_semaphore(%run_scoped3A_695 : memref<!tpu.dma_semaphore, #tpu.memory_space<semaphore_mem>>)
      %dma_wait3A_706 = arith.constant 0 : i32
      %dma_wait3A_707 = tpu.memref_slice %arg5[%run_scoped3A_69, %dma_wait3A_706] : memref<32x8xi32, #tpu.memory_space<vmem>> -> memref<1x8xi32, #tpu.memory_space<vmem>>
      %dma_wait3A_708 = tpu.memref_squeeze %dma_wait3A_707 : memref<1x8xi32, #tpu.memory_space<vmem>> -> memref<8xi32, #tpu.memory_space<vmem>>
      %dma_wait3A_709 = tpu.memref_slice %arg3[%run_scoped3A_68, %add3A_67] : memref<4x2048xi32, #tpu.memory_space<hbm>> -> memref<1x8xi32, #tpu.memory_space<hbm>>
      %dma_wait3A_710 = tpu.memref_squeeze %dma_wait3A_709 : memref<1x8xi32, #tpu.memory_space<hbm>> -> memref<8xi32, #tpu.memory_space<hbm>>
      %dma_wait3A_711 = arith.constant 0 : i32
      %dma_wait3A_712 = tpu.memref_slice %arg5[%run_scoped3A_69, %dma_wait3A_711] : memref<32x8xi32, #tpu.memory_space<vmem>> -> memref<1x8xi32, #tpu.memory_space<vmem>>
      %dma_wait3A_713 = tpu.memref_squeeze %dma_wait3A_712 : memref<1x8xi32, #tpu.memory_space<vmem>> -> memref<8xi32, #tpu.memory_space<vmem>>
      %dma_wait3A_714 = tpu.memref_slice %arg3[%run_scoped3A_68, %add3A_67] : memref<4x2048xi32, #tpu.memory_space<hbm>> -> memref<1x8xi32, #tpu.memory_space<hbm>>
      %dma_wait3A_715 = tpu.memref_squeeze %dma_wait3A_714 : memref<1x8xi32, #tpu.memory_space<hbm>> -> memref<8xi32, #tpu.memory_space<hbm>>
      tpu.wait_dma2 semaphore(%run_scoped3A_695 : memref<!tpu.dma_semaphore, #tpu.memory_space<semaphore_mem>>) src(%dma_wait3A_715 : memref<8xi32, #tpu.memory_space<hbm>>) dst(%dma_wait3A_713 : memref<8xi32, #tpu.memory_space<vmem>>)
      tpu.yield
    }) : () -> ()
    %add3A_70 = arith.constant 8 : i32
    %add3A_71 = arith.addi %mul3A_2, %add3A_70 : i32
    %run_scoped3A_72 = arith.constant 2 : i32
    %run_scoped3A_73 = arith.constant 17 : i32
    "tpu.region"() ({
      %run_scoped3A_695 = tpu.sem_alloc : memref<!tpu.dma_semaphore, #tpu.memory_space<semaphore_mem>>
      %dma_start3A_696 = arith.constant 0 : i32
      %dma_start3A_697 = tpu.memref_slice %arg5[%run_scoped3A_73, %dma_start3A_696] : memref<32x8xi32, #tpu.memory_space<vmem>> -> memref<1x8xi32, #tpu.memory_space<vmem>>
      %dma_start3A_698 = tpu.memref_squeeze %dma_start3A_697 : memref<1x8xi32, #tpu.memory_space<vmem>> -> memref<8xi32, #tpu.memory_space<vmem>>
      %dma_start3A_699 = tpu.memref_slice %arg3[%run_scoped3A_72, %add3A_71] : memref<4x2048xi32, #tpu.memory_space<hbm>> -> memref<1x8xi32, #tpu.memory_space<hbm>>
      %dma_start3A_700 = tpu.memref_squeeze %dma_start3A_699 : memref<1x8xi32, #tpu.memory_space<hbm>> -> memref<8xi32, #tpu.memory_space<hbm>>
      %dma_start3A_701 = arith.constant 0 : i32
      %dma_start3A_702 = tpu.memref_slice %arg5[%run_scoped3A_73, %dma_start3A_701] : memref<32x8xi32, #tpu.memory_space<vmem>> -> memref<1x8xi32, #tpu.memory_space<vmem>>
      %dma_start3A_703 = tpu.memref_squeeze %dma_start3A_702 : memref<1x8xi32, #tpu.memory_space<vmem>> -> memref<8xi32, #tpu.memory_space<vmem>>
      %dma_start3A_704 = tpu.memref_slice %arg3[%run_scoped3A_72, %add3A_71] : memref<4x2048xi32, #tpu.memory_space<hbm>> -> memref<1x8xi32, #tpu.memory_space<hbm>>
      %dma_start3A_705 = tpu.memref_squeeze %dma_start3A_704 : memref<1x8xi32, #tpu.memory_space<hbm>> -> memref<8xi32, #tpu.memory_space<hbm>>
      tpu.enqueue_dma source(%dma_start3A_705 : memref<8xi32, #tpu.memory_space<hbm>>) target(%dma_start3A_703 : memref<8xi32, #tpu.memory_space<vmem>>) target_semaphore(%run_scoped3A_695 : memref<!tpu.dma_semaphore, #tpu.memory_space<semaphore_mem>>)
      %dma_wait3A_706 = arith.constant 0 : i32
      %dma_wait3A_707 = tpu.memref_slice %arg5[%run_scoped3A_73, %dma_wait3A_706] : memref<32x8xi32, #tpu.memory_space<vmem>> -> memref<1x8xi32, #tpu.memory_space<vmem>>
      %dma_wait3A_708 = tpu.memref_squeeze %dma_wait3A_707 : memref<1x8xi32, #tpu.memory_space<vmem>> -> memref<8xi32, #tpu.memory_space<vmem>>
      %dma_wait3A_709 = tpu.memref_slice %arg3[%run_scoped3A_72, %add3A_71] : memref<4x2048xi32, #tpu.memory_space<hbm>> -> memref<1x8xi32, #tpu.memory_space<hbm>>
      %dma_wait3A_710 = tpu.memref_squeeze %dma_wait3A_709 : memref<1x8xi32, #tpu.memory_space<hbm>> -> memref<8xi32, #tpu.memory_space<hbm>>
      %dma_wait3A_711 = arith.constant 0 : i32
      %dma_wait3A_712 = tpu.memref_slice %arg5[%run_scoped3A_73, %dma_wait3A_711] : memref<32x8xi32, #tpu.memory_space<vmem>> -> memref<1x8xi32, #tpu.memory_space<vmem>>
      %dma_wait3A_713 = tpu.memref_squeeze %dma_wait3A_712 : memref<1x8xi32, #tpu.memory_space<vmem>> -> memref<8xi32, #tpu.memory_space<vmem>>
      %dma_wait3A_714 = tpu.memref_slice %arg3[%run_scoped3A_72, %add3A_71] : memref<4x2048xi32, #tpu.memory_space<hbm>> -> memref<1x8xi32, #tpu.memory_space<hbm>>
      %dma_wait3A_715 = tpu.memref_squeeze %dma_wait3A_714 : memref<1x8xi32, #tpu.memory_space<hbm>> -> memref<8xi32, #tpu.memory_space<hbm>>
      tpu.wait_dma2 semaphore(%run_scoped3A_695 : memref<!tpu.dma_semaphore, #tpu.memory_space<semaphore_mem>>) src(%dma_wait3A_715 : memref<8xi32, #tpu.memory_space<hbm>>) dst(%dma_wait3A_713 : memref<8xi32, #tpu.memory_space<vmem>>)
      tpu.yield
    }) : () -> ()
    %add3A_74 = arith.constant 16 : i32
    %add3A_75 = arith.addi %mul3A_2, %add3A_74 : i32
    %run_scoped3A_76 = arith.constant 2 : i32
    %run_scoped3A_77 = arith.constant 18 : i32
    "tpu.region"() ({
      %run_scoped3A_695 = tpu.sem_alloc : memref<!tpu.dma_semaphore, #tpu.memory_space<semaphore_mem>>
      %dma_start3A_696 = arith.constant 0 : i32
      %dma_start3A_697 = tpu.memref_slice %arg5[%run_scoped3A_77, %dma_start3A_696] : memref<32x8xi32, #tpu.memory_space<vmem>> -> memref<1x8xi32, #tpu.memory_space<vmem>>
      %dma_start3A_698 = tpu.memref_squeeze %dma_start3A_697 : memref<1x8xi32, #tpu.memory_space<vmem>> -> memref<8xi32, #tpu.memory_space<vmem>>
      %dma_start3A_699 = tpu.memref_slice %arg3[%run_scoped3A_76, %add3A_75] : memref<4x2048xi32, #tpu.memory_space<hbm>> -> memref<1x8xi32, #tpu.memory_space<hbm>>
      %dma_start3A_700 = tpu.memref_squeeze %dma_start3A_699 : memref<1x8xi32, #tpu.memory_space<hbm>> -> memref<8xi32, #tpu.memory_space<hbm>>
      %dma_start3A_701 = arith.constant 0 : i32
      %dma_start3A_702 = tpu.memref_slice %arg5[%run_scoped3A_77, %dma_start3A_701] : memref<32x8xi32, #tpu.memory_space<vmem>> -> memref<1x8xi32, #tpu.memory_space<vmem>>
      %dma_start3A_703 = tpu.memref_squeeze %dma_start3A_702 : memref<1x8xi32, #tpu.memory_space<vmem>> -> memref<8xi32, #tpu.memory_space<vmem>>
      %dma_start3A_704 = tpu.memref_slice %arg3[%run_scoped3A_76, %add3A_75] : memref<4x2048xi32, #tpu.memory_space<hbm>> -> memref<1x8xi32, #tpu.memory_space<hbm>>
      %dma_start3A_705 = tpu.memref_squeeze %dma_start3A_704 : memref<1x8xi32, #tpu.memory_space<hbm>> -> memref<8xi32, #tpu.memory_space<hbm>>
      tpu.enqueue_dma source(%dma_start3A_705 : memref<8xi32, #tpu.memory_space<hbm>>) target(%dma_start3A_703 : memref<8xi32, #tpu.memory_space<vmem>>) target_semaphore(%run_scoped3A_695 : memref<!tpu.dma_semaphore, #tpu.memory_space<semaphore_mem>>)
      %dma_wait3A_706 = arith.constant 0 : i32
      %dma_wait3A_707 = tpu.memref_slice %arg5[%run_scoped3A_77, %dma_wait3A_706] : memref<32x8xi32, #tpu.memory_space<vmem>> -> memref<1x8xi32, #tpu.memory_space<vmem>>
      %dma_wait3A_708 = tpu.memref_squeeze %dma_wait3A_707 : memref<1x8xi32, #tpu.memory_space<vmem>> -> memref<8xi32, #tpu.memory_space<vmem>>
      %dma_wait3A_709 = tpu.memref_slice %arg3[%run_scoped3A_76, %add3A_75] : memref<4x2048xi32, #tpu.memory_space<hbm>> -> memref<1x8xi32, #tpu.memory_space<hbm>>
      %dma_wait3A_710 = tpu.memref_squeeze %dma_wait3A_709 : memref<1x8xi32, #tpu.memory_space<hbm>> -> memref<8xi32, #tpu.memory_space<hbm>>
      %dma_wait3A_711 = arith.constant 0 : i32
      %dma_wait3A_712 = tpu.memref_slice %arg5[%run_scoped3A_77, %dma_wait3A_711] : memref<32x8xi32, #tpu.memory_space<vmem>> -> memref<1x8xi32, #tpu.memory_space<vmem>>
      %dma_wait3A_713 = tpu.memref_squeeze %dma_wait3A_712 : memref<1x8xi32, #tpu.memory_space<vmem>> -> memref<8xi32, #tpu.memory_space<vmem>>
      %dma_wait3A_714 = tpu.memref_slice %arg3[%run_scoped3A_76, %add3A_75] : memref<4x2048xi32, #tpu.memory_space<hbm>> -> memref<1x8xi32, #tpu.memory_space<hbm>>
      %dma_wait3A_715 = tpu.memref_squeeze %dma_wait3A_714 : memref<1x8xi32, #tpu.memory_space<hbm>> -> memref<8xi32, #tpu.memory_space<hbm>>
      tpu.wait_dma2 semaphore(%run_scoped3A_695 : memref<!tpu.dma_semaphore, #tpu.memory_space<semaphore_mem>>) src(%dma_wait3A_715 : memref<8xi32, #tpu.memory_space<hbm>>) dst(%dma_wait3A_713 : memref<8xi32, #tpu.memory_space<vmem>>)
      tpu.yield
    }) : () -> ()
    %add3A_78 = arith.constant 24 : i32
    %add3A_79 = arith.addi %mul3A_2, %add3A_78 : i32
    %run_scoped3A_80 = arith.constant 2 : i32
    %run_scoped3A_81 = arith.constant 19 : i32
    "tpu.region"() ({
      %run_scoped3A_695 = tpu.sem_alloc : memref<!tpu.dma_semaphore, #tpu.memory_space<semaphore_mem>>
      %dma_start3A_696 = arith.constant 0 : i32
      %dma_start3A_697 = tpu.memref_slice %arg5[%run_scoped3A_81, %dma_start3A_696] : memref<32x8xi32, #tpu.memory_space<vmem>> -> memref<1x8xi32, #tpu.memory_space<vmem>>
      %dma_start3A_698 = tpu.memref_squeeze %dma_start3A_697 : memref<1x8xi32, #tpu.memory_space<vmem>> -> memref<8xi32, #tpu.memory_space<vmem>>
      %dma_start3A_699 = tpu.memref_slice %arg3[%run_scoped3A_80, %add3A_79] : memref<4x2048xi32, #tpu.memory_space<hbm>> -> memref<1x8xi32, #tpu.memory_space<hbm>>
      %dma_start3A_700 = tpu.memref_squeeze %dma_start3A_699 : memref<1x8xi32, #tpu.memory_space<hbm>> -> memref<8xi32, #tpu.memory_space<hbm>>
      %dma_start3A_701 = arith.constant 0 : i32
      %dma_start3A_702 = tpu.memref_slice %arg5[%run_scoped3A_81, %dma_start3A_701] : memref<32x8xi32, #tpu.memory_space<vmem>> -> memref<1x8xi32, #tpu.memory_space<vmem>>
      %dma_start3A_703 = tpu.memref_squeeze %dma_start3A_702 : memref<1x8xi32, #tpu.memory_space<vmem>> -> memref<8xi32, #tpu.memory_space<vmem>>
      %dma_start3A_704 = tpu.memref_slice %arg3[%run_scoped3A_80, %add3A_79] : memref<4x2048xi32, #tpu.memory_space<hbm>> -> memref<1x8xi32, #tpu.memory_space<hbm>>
      %dma_start3A_705 = tpu.memref_squeeze %dma_start3A_704 : memref<1x8xi32, #tpu.memory_space<hbm>> -> memref<8xi32, #tpu.memory_space<hbm>>
      tpu.enqueue_dma source(%dma_start3A_705 : memref<8xi32, #tpu.memory_space<hbm>>) target(%dma_start3A_703 : memref<8xi32, #tpu.memory_space<vmem>>) target_semaphore(%run_scoped3A_695 : memref<!tpu.dma_semaphore, #tpu.memory_space<semaphore_mem>>)
      %dma_wait3A_706 = arith.constant 0 : i32
      %dma_wait3A_707 = tpu.memref_slice %arg5[%run_scoped3A_81, %dma_wait3A_706] : memref<32x8xi32, #tpu.memory_space<vmem>> -> memref<1x8xi32, #tpu.memory_space<vmem>>
      %dma_wait3A_708 = tpu.memref_squeeze %dma_wait3A_707 : memref<1x8xi32, #tpu.memory_space<vmem>> -> memref<8xi32, #tpu.memory_space<vmem>>
      %dma_wait3A_709 = tpu.memref_slice %arg3[%run_scoped3A_80, %add3A_79] : memref<4x2048xi32, #tpu.memory_space<hbm>> -> memref<1x8xi32, #tpu.memory_space<hbm>>
      %dma_wait3A_710 = tpu.memref_squeeze %dma_wait3A_709 : memref<1x8xi32, #tpu.memory_space<hbm>> -> memref<8xi32, #tpu.memory_space<hbm>>
      %dma_wait3A_711 = arith.constant 0 : i32
      %dma_wait3A_712 = tpu.memref_slice %arg5[%run_scoped3A_81, %dma_wait3A_711] : memref<32x8xi32, #tpu.memory_space<vmem>> -> memref<1x8xi32, #tpu.memory_space<vmem>>
      %dma_wait3A_713 = tpu.memref_squeeze %dma_wait3A_712 : memref<1x8xi32, #tpu.memory_space<vmem>> -> memref<8xi32, #tpu.memory_space<vmem>>
      %dma_wait3A_714 = tpu.memref_slice %arg3[%run_scoped3A_80, %add3A_79] : memref<4x2048xi32, #tpu.memory_space<hbm>> -> memref<1x8xi32, #tpu.memory_space<hbm>>
      %dma_wait3A_715 = tpu.memref_squeeze %dma_wait3A_714 : memref<1x8xi32, #tpu.memory_space<hbm>> -> memref<8xi32, #tpu.memory_space<hbm>>
      tpu.wait_dma2 semaphore(%run_scoped3A_695 : memref<!tpu.dma_semaphore, #tpu.memory_space<semaphore_mem>>) src(%dma_wait3A_715 : memref<8xi32, #tpu.memory_space<hbm>>) dst(%dma_wait3A_713 : memref<8xi32, #tpu.memory_space<vmem>>)
      tpu.yield
    }) : () -> ()
    %add3A_82 = arith.constant 32 : i32
    %add3A_83 = arith.addi %mul3A_2, %add3A_82 : i32
    %run_scoped3A_84 = arith.constant 2 : i32
    %run_scoped3A_85 = arith.constant 20 : i32
    "tpu.region"() ({
      %run_scoped3A_695 = tpu.sem_alloc : memref<!tpu.dma_semaphore, #tpu.memory_space<semaphore_mem>>
      %dma_start3A_696 = arith.constant 0 : i32
      %dma_start3A_697 = tpu.memref_slice %arg5[%run_scoped3A_85, %dma_start3A_696] : memref<32x8xi32, #tpu.memory_space<vmem>> -> memref<1x8xi32, #tpu.memory_space<vmem>>
      %dma_start3A_698 = tpu.memref_squeeze %dma_start3A_697 : memref<1x8xi32, #tpu.memory_space<vmem>> -> memref<8xi32, #tpu.memory_space<vmem>>
      %dma_start3A_699 = tpu.memref_slice %arg3[%run_scoped3A_84, %add3A_83] : memref<4x2048xi32, #tpu.memory_space<hbm>> -> memref<1x8xi32, #tpu.memory_space<hbm>>
      %dma_start3A_700 = tpu.memref_squeeze %dma_start3A_699 : memref<1x8xi32, #tpu.memory_space<hbm>> -> memref<8xi32, #tpu.memory_space<hbm>>
      %dma_start3A_701 = arith.constant 0 : i32
      %dma_start3A_702 = tpu.memref_slice %arg5[%run_scoped3A_85, %dma_start3A_701] : memref<32x8xi32, #tpu.memory_space<vmem>> -> memref<1x8xi32, #tpu.memory_space<vmem>>
      %dma_start3A_703 = tpu.memref_squeeze %dma_start3A_702 : memref<1x8xi32, #tpu.memory_space<vmem>> -> memref<8xi32, #tpu.memory_space<vmem>>
      %dma_start3A_704 = tpu.memref_slice %arg3[%run_scoped3A_84, %add3A_83] : memref<4x2048xi32, #tpu.memory_space<hbm>> -> memref<1x8xi32, #tpu.memory_space<hbm>>
      %dma_start3A_705 = tpu.memref_squeeze %dma_start3A_704 : memref<1x8xi32, #tpu.memory_space<hbm>> -> memref<8xi32, #tpu.memory_space<hbm>>
      tpu.enqueue_dma source(%dma_start3A_705 : memref<8xi32, #tpu.memory_space<hbm>>) target(%dma_start3A_703 : memref<8xi32, #tpu.memory_space<vmem>>) target_semaphore(%run_scoped3A_695 : memref<!tpu.dma_semaphore, #tpu.memory_space<semaphore_mem>>)
      %dma_wait3A_706 = arith.constant 0 : i32
      %dma_wait3A_707 = tpu.memref_slice %arg5[%run_scoped3A_85, %dma_wait3A_706] : memref<32x8xi32, #tpu.memory_space<vmem>> -> memref<1x8xi32, #tpu.memory_space<vmem>>
      %dma_wait3A_708 = tpu.memref_squeeze %dma_wait3A_707 : memref<1x8xi32, #tpu.memory_space<vmem>> -> memref<8xi32, #tpu.memory_space<vmem>>
      %dma_wait3A_709 = tpu.memref_slice %arg3[%run_scoped3A_84, %add3A_83] : memref<4x2048xi32, #tpu.memory_space<hbm>> -> memref<1x8xi32, #tpu.memory_space<hbm>>
      %dma_wait3A_710 = tpu.memref_squeeze %dma_wait3A_709 : memref<1x8xi32, #tpu.memory_space<hbm>> -> memref<8xi32, #tpu.memory_space<hbm>>
      %dma_wait3A_711 = arith.constant 0 : i32
      %dma_wait3A_712 = tpu.memref_slice %arg5[%run_scoped3A_85, %dma_wait3A_711] : memref<32x8xi32, #tpu.memory_space<vmem>> -> memref<1x8xi32, #tpu.memory_space<vmem>>
      %dma_wait3A_713 = tpu.memref_squeeze %dma_wait3A_712 : memref<1x8xi32, #tpu.memory_space<vmem>> -> memref<8xi32, #tpu.memory_space<vmem>>
      %dma_wait3A_714 = tpu.memref_slice %arg3[%run_scoped3A_84, %add3A_83] : memref<4x2048xi32, #tpu.memory_space<hbm>> -> memref<1x8xi32, #tpu.memory_space<hbm>>
      %dma_wait3A_715 = tpu.memref_squeeze %dma_wait3A_714 : memref<1x8xi32, #tpu.memory_space<hbm>> -> memref<8xi32, #tpu.memory_space<hbm>>
      tpu.wait_dma2 semaphore(%run_scoped3A_695 : memref<!tpu.dma_semaphore, #tpu.memory_space<semaphore_mem>>) src(%dma_wait3A_715 : memref<8xi32, #tpu.memory_space<hbm>>) dst(%dma_wait3A_713 : memref<8xi32, #tpu.memory_space<vmem>>)
      tpu.yield
    }) : () -> ()
    %add3A_86 = arith.constant 40 : i32
    %add3A_87 = arith.addi %mul3A_2, %add3A_86 : i32
    %run_scoped3A_88 = arith.constant 2 : i32
    %run_scoped3A_89 = arith.constant 21 : i32
    "tpu.region"() ({
      %run_scoped3A_695 = tpu.sem_alloc : memref<!tpu.dma_semaphore, #tpu.memory_space<semaphore_mem>>
      %dma_start3A_696 = arith.constant 0 : i32
      %dma_start3A_697 = tpu.memref_slice %arg5[%run_scoped3A_89, %dma_start3A_696] : memref<32x8xi32, #tpu.memory_space<vmem>> -> memref<1x8xi32, #tpu.memory_space<vmem>>
      %dma_start3A_698 = tpu.memref_squeeze %dma_start3A_697 : memref<1x8xi32, #tpu.memory_space<vmem>> -> memref<8xi32, #tpu.memory_space<vmem>>
      %dma_start3A_699 = tpu.memref_slice %arg3[%run_scoped3A_88, %add3A_87] : memref<4x2048xi32, #tpu.memory_space<hbm>> -> memref<1x8xi32, #tpu.memory_space<hbm>>
      %dma_start3A_700 = tpu.memref_squeeze %dma_start3A_699 : memref<1x8xi32, #tpu.memory_space<hbm>> -> memref<8xi32, #tpu.memory_space<hbm>>
      %dma_start3A_701 = arith.constant 0 : i32
      %dma_start3A_702 = tpu.memref_slice %arg5[%run_scoped3A_89, %dma_start3A_701] : memref<32x8xi32, #tpu.memory_space<vmem>> -> memref<1x8xi32, #tpu.memory_space<vmem>>
      %dma_start3A_703 = tpu.memref_squeeze %dma_start3A_702 : memref<1x8xi32, #tpu.memory_space<vmem>> -> memref<8xi32, #tpu.memory_space<vmem>>
      %dma_start3A_704 = tpu.memref_slice %arg3[%run_scoped3A_88, %add3A_87] : memref<4x2048xi32, #tpu.memory_space<hbm>> -> memref<1x8xi32, #tpu.memory_space<hbm>>
      %dma_start3A_705 = tpu.memref_squeeze %dma_start3A_704 : memref<1x8xi32, #tpu.memory_space<hbm>> -> memref<8xi32, #tpu.memory_space<hbm>>
      tpu.enqueue_dma source(%dma_start3A_705 : memref<8xi32, #tpu.memory_space<hbm>>) target(%dma_start3A_703 : memref<8xi32, #tpu.memory_space<vmem>>) target_semaphore(%run_scoped3A_695 : memref<!tpu.dma_semaphore, #tpu.memory_space<semaphore_mem>>)
      %dma_wait3A_706 = arith.constant 0 : i32
      %dma_wait3A_707 = tpu.memref_slice %arg5[%run_scoped3A_89, %dma_wait3A_706] : memref<32x8xi32, #tpu.memory_space<vmem>> -> memref<1x8xi32, #tpu.memory_space<vmem>>
      %dma_wait3A_708 = tpu.memref_squeeze %dma_wait3A_707 : memref<1x8xi32, #tpu.memory_space<vmem>> -> memref<8xi32, #tpu.memory_space<vmem>>
      %dma_wait3A_709 = tpu.memref_slice %arg3[%run_scoped3A_88, %add3A_87] : memref<4x2048xi32, #tpu.memory_space<hbm>> -> memref<1x8xi32, #tpu.memory_space<hbm>>
      %dma_wait3A_710 = tpu.memref_squeeze %dma_wait3A_709 : memref<1x8xi32, #tpu.memory_space<hbm>> -> memref<8xi32, #tpu.memory_space<hbm>>
      %dma_wait3A_711 = arith.constant 0 : i32
      %dma_wait3A_712 = tpu.memref_slice %arg5[%run_scoped3A_89, %dma_wait3A_711] : memref<32x8xi32, #tpu.memory_space<vmem>> -> memref<1x8xi32, #tpu.memory_space<vmem>>
      %dma_wait3A_713 = tpu.memref_squeeze %dma_wait3A_712 : memref<1x8xi32, #tpu.memory_space<vmem>> -> memref<8xi32, #tpu.memory_space<vmem>>
      %dma_wait3A_714 = tpu.memref_slice %arg3[%run_scoped3A_88, %add3A_87] : memref<4x2048xi32, #tpu.memory_space<hbm>> -> memref<1x8xi32, #tpu.memory_space<hbm>>
      %dma_wait3A_715 = tpu.memref_squeeze %dma_wait3A_714 : memref<1x8xi32, #tpu.memory_space<hbm>> -> memref<8xi32, #tpu.memory_space<hbm>>
      tpu.wait_dma2 semaphore(%run_scoped3A_695 : memref<!tpu.dma_semaphore, #tpu.memory_space<semaphore_mem>>) src(%dma_wait3A_715 : memref<8xi32, #tpu.memory_space<hbm>>) dst(%dma_wait3A_713 : memref<8xi32, #tpu.memory_space<vmem>>)
      tpu.yield
    }) : () -> ()
    %add3A_90 = arith.constant 48 : i32
    %add3A_91 = arith.addi %mul3A_2, %add3A_90 : i32
    %run_scoped3A_92 = arith.constant 2 : i32
    %run_scoped3A_93 = arith.constant 22 : i32
    "tpu.region"() ({
      %run_scoped3A_695 = tpu.sem_alloc : memref<!tpu.dma_semaphore, #tpu.memory_space<semaphore_mem>>
      %dma_start3A_696 = arith.constant 0 : i32
      %dma_start3A_697 = tpu.memref_slice %arg5[%run_scoped3A_93, %dma_start3A_696] : memref<32x8xi32, #tpu.memory_space<vmem>> -> memref<1x8xi32, #tpu.memory_space<vmem>>
      %dma_start3A_698 = tpu.memref_squeeze %dma_start3A_697 : memref<1x8xi32, #tpu.memory_space<vmem>> -> memref<8xi32, #tpu.memory_space<vmem>>
      %dma_start3A_699 = tpu.memref_slice %arg3[%run_scoped3A_92, %add3A_91] : memref<4x2048xi32, #tpu.memory_space<hbm>> -> memref<1x8xi32, #tpu.memory_space<hbm>>
      %dma_start3A_700 = tpu.memref_squeeze %dma_start3A_699 : memref<1x8xi32, #tpu.memory_space<hbm>> -> memref<8xi32, #tpu.memory_space<hbm>>
      %dma_start3A_701 = arith.constant 0 : i32
      %dma_start3A_702 = tpu.memref_slice %arg5[%run_scoped3A_93, %dma_start3A_701] : memref<32x8xi32, #tpu.memory_space<vmem>> -> memref<1x8xi32, #tpu.memory_space<vmem>>
      %dma_start3A_703 = tpu.memref_squeeze %dma_start3A_702 : memref<1x8xi32, #tpu.memory_space<vmem>> -> memref<8xi32, #tpu.memory_space<vmem>>
      %dma_start3A_704 = tpu.memref_slice %arg3[%run_scoped3A_92, %add3A_91] : memref<4x2048xi32, #tpu.memory_space<hbm>> -> memref<1x8xi32, #tpu.memory_space<hbm>>
      %dma_start3A_705 = tpu.memref_squeeze %dma_start3A_704 : memref<1x8xi32, #tpu.memory_space<hbm>> -> memref<8xi32, #tpu.memory_space<hbm>>
      tpu.enqueue_dma source(%dma_start3A_705 : memref<8xi32, #tpu.memory_space<hbm>>) target(%dma_start3A_703 : memref<8xi32, #tpu.memory_space<vmem>>) target_semaphore(%run_scoped3A_695 : memref<!tpu.dma_semaphore, #tpu.memory_space<semaphore_mem>>)
      %dma_wait3A_706 = arith.constant 0 : i32
      %dma_wait3A_707 = tpu.memref_slice %arg5[%run_scoped3A_93, %dma_wait3A_706] : memref<32x8xi32, #tpu.memory_space<vmem>> -> memref<1x8xi32, #tpu.memory_space<vmem>>
      %dma_wait3A_708 = tpu.memref_squeeze %dma_wait3A_707 : memref<1x8xi32, #tpu.memory_space<vmem>> -> memref<8xi32, #tpu.memory_space<vmem>>
      %dma_wait3A_709 = tpu.memref_slice %arg3[%run_scoped3A_92, %add3A_91] : memref<4x2048xi32, #tpu.memory_space<hbm>> -> memref<1x8xi32, #tpu.memory_space<hbm>>
      %dma_wait3A_710 = tpu.memref_squeeze %dma_wait3A_709 : memref<1x8xi32, #tpu.memory_space<hbm>> -> memref<8xi32, #tpu.memory_space<hbm>>
      %dma_wait3A_711 = arith.constant 0 : i32
      %dma_wait3A_712 = tpu.memref_slice %arg5[%run_scoped3A_93, %dma_wait3A_711] : memref<32x8xi32, #tpu.memory_space<vmem>> -> memref<1x8xi32, #tpu.memory_space<vmem>>
      %dma_wait3A_713 = tpu.memref_squeeze %dma_wait3A_712 : memref<1x8xi32, #tpu.memory_space<vmem>> -> memref<8xi32, #tpu.memory_space<vmem>>
      %dma_wait3A_714 = tpu.memref_slice %arg3[%run_scoped3A_92, %add3A_91] : memref<4x2048xi32, #tpu.memory_space<hbm>> -> memref<1x8xi32, #tpu.memory_space<hbm>>
      %dma_wait3A_715 = tpu.memref_squeeze %dma_wait3A_714 : memref<1x8xi32, #tpu.memory_space<hbm>> -> memref<8xi32, #tpu.memory_space<hbm>>
      tpu.wait_dma2 semaphore(%run_scoped3A_695 : memref<!tpu.dma_semaphore, #tpu.memory_space<semaphore_mem>>) src(%dma_wait3A_715 : memref<8xi32, #tpu.memory_space<hbm>>) dst(%dma_wait3A_713 : memref<8xi32, #tpu.memory_space<vmem>>)
      tpu.yield
    }) : () -> ()
    %add3A_94 = arith.constant 56 : i32
    %add3A_95 = arith.addi %mul3A_2, %add3A_94 : i32
    %run_scoped3A_96 = arith.constant 2 : i32
    %run_scoped3A_97 = arith.constant 23 : i32
    "tpu.region"() ({
      %run_scoped3A_695 = tpu.sem_alloc : memref<!tpu.dma_semaphore, #tpu.memory_space<semaphore_mem>>
      %dma_start3A_696 = arith.constant 0 : i32
      %dma_start3A_697 = tpu.memref_slice %arg5[%run_scoped3A_97, %dma_start3A_696] : memref<32x8xi32, #tpu.memory_space<vmem>> -> memref<1x8xi32, #tpu.memory_space<vmem>>
      %dma_start3A_698 = tpu.memref_squeeze %dma_start3A_697 : memref<1x8xi32, #tpu.memory_space<vmem>> -> memref<8xi32, #tpu.memory_space<vmem>>
      %dma_start3A_699 = tpu.memref_slice %arg3[%run_scoped3A_96, %add3A_95] : memref<4x2048xi32, #tpu.memory_space<hbm>> -> memref<1x8xi32, #tpu.memory_space<hbm>>
      %dma_start3A_700 = tpu.memref_squeeze %dma_start3A_699 : memref<1x8xi32, #tpu.memory_space<hbm>> -> memref<8xi32, #tpu.memory_space<hbm>>
      %dma_start3A_701 = arith.constant 0 : i32
      %dma_start3A_702 = tpu.memref_slice %arg5[%run_scoped3A_97, %dma_start3A_701] : memref<32x8xi32, #tpu.memory_space<vmem>> -> memref<1x8xi32, #tpu.memory_space<vmem>>
      %dma_start3A_703 = tpu.memref_squeeze %dma_start3A_702 : memref<1x8xi32, #tpu.memory_space<vmem>> -> memref<8xi32, #tpu.memory_space<vmem>>
      %dma_start3A_704 = tpu.memref_slice %arg3[%run_scoped3A_96, %add3A_95] : memref<4x2048xi32, #tpu.memory_space<hbm>> -> memref<1x8xi32, #tpu.memory_space<hbm>>
      %dma_start3A_705 = tpu.memref_squeeze %dma_start3A_704 : memref<1x8xi32, #tpu.memory_space<hbm>> -> memref<8xi32, #tpu.memory_space<hbm>>
      tpu.enqueue_dma source(%dma_start3A_705 : memref<8xi32, #tpu.memory_space<hbm>>) target(%dma_start3A_703 : memref<8xi32, #tpu.memory_space<vmem>>) target_semaphore(%run_scoped3A_695 : memref<!tpu.dma_semaphore, #tpu.memory_space<semaphore_mem>>)
      %dma_wait3A_706 = arith.constant 0 : i32
      %dma_wait3A_707 = tpu.memref_slice %arg5[%run_scoped3A_97, %dma_wait3A_706] : memref<32x8xi32, #tpu.memory_space<vmem>> -> memref<1x8xi32, #tpu.memory_space<vmem>>
      %dma_wait3A_708 = tpu.memref_squeeze %dma_wait3A_707 : memref<1x8xi32, #tpu.memory_space<vmem>> -> memref<8xi32, #tpu.memory_space<vmem>>
      %dma_wait3A_709 = tpu.memref_slice %arg3[%run_scoped3A_96, %add3A_95] : memref<4x2048xi32, #tpu.memory_space<hbm>> -> memref<1x8xi32, #tpu.memory_space<hbm>>
      %dma_wait3A_710 = tpu.memref_squeeze %dma_wait3A_709 : memref<1x8xi32, #tpu.memory_space<hbm>> -> memref<8xi32, #tpu.memory_space<hbm>>
      %dma_wait3A_711 = arith.constant 0 : i32
      %dma_wait3A_712 = tpu.memref_slice %arg5[%run_scoped3A_97, %dma_wait3A_711] : memref<32x8xi32, #tpu.memory_space<vmem>> -> memref<1x8xi32, #tpu.memory_space<vmem>>
      %dma_wait3A_713 = tpu.memref_squeeze %dma_wait3A_712 : memref<1x8xi32, #tpu.memory_space<vmem>> -> memref<8xi32, #tpu.memory_space<vmem>>
      %dma_wait3A_714 = tpu.memref_slice %arg3[%run_scoped3A_96, %add3A_95] : memref<4x2048xi32, #tpu.memory_space<hbm>> -> memref<1x8xi32, #tpu.memory_space<hbm>>
      %dma_wait3A_715 = tpu.memref_squeeze %dma_wait3A_714 : memref<1x8xi32, #tpu.memory_space<hbm>> -> memref<8xi32, #tpu.memory_space<hbm>>
      tpu.wait_dma2 semaphore(%run_scoped3A_695 : memref<!tpu.dma_semaphore, #tpu.memory_space<semaphore_mem>>) src(%dma_wait3A_715 : memref<8xi32, #tpu.memory_space<hbm>>) dst(%dma_wait3A_713 : memref<8xi32, #tpu.memory_space<vmem>>)
      tpu.yield
    }) : () -> ()
    %add3A_98 = arith.constant 0 : i32
    %add3A_99 = arith.addi %mul3A_2, %add3A_98 : i32
    %run_scoped3A_100 = arith.constant 3 : i32
    %run_scoped3A_101 = arith.constant 24 : i32
    "tpu.region"() ({
      %run_scoped3A_695 = tpu.sem_alloc : memref<!tpu.dma_semaphore, #tpu.memory_space<semaphore_mem>>
      %dma_start3A_696 = arith.constant 0 : i32
      %dma_start3A_697 = tpu.memref_slice %arg5[%run_scoped3A_101, %dma_start3A_696] : memref<32x8xi32, #tpu.memory_space<vmem>> -> memref<1x8xi32, #tpu.memory_space<vmem>>
      %dma_start3A_698 = tpu.memref_squeeze %dma_start3A_697 : memref<1x8xi32, #tpu.memory_space<vmem>> -> memref<8xi32, #tpu.memory_space<vmem>>
      %dma_start3A_699 = tpu.memref_slice %arg3[%run_scoped3A_100, %add3A_99] : memref<4x2048xi32, #tpu.memory_space<hbm>> -> memref<1x8xi32, #tpu.memory_space<hbm>>
      %dma_start3A_700 = tpu.memref_squeeze %dma_start3A_699 : memref<1x8xi32, #tpu.memory_space<hbm>> -> memref<8xi32, #tpu.memory_space<hbm>>
      %dma_start3A_701 = arith.constant 0 : i32
      %dma_start3A_702 = tpu.memref_slice %arg5[%run_scoped3A_101, %dma_start3A_701] : memref<32x8xi32, #tpu.memory_space<vmem>> -> memref<1x8xi32, #tpu.memory_space<vmem>>
      %dma_start3A_703 = tpu.memref_squeeze %dma_start3A_702 : memref<1x8xi32, #tpu.memory_space<vmem>> -> memref<8xi32, #tpu.memory_space<vmem>>
      %dma_start3A_704 = tpu.memref_slice %arg3[%run_scoped3A_100, %add3A_99] : memref<4x2048xi32, #tpu.memory_space<hbm>> -> memref<1x8xi32, #tpu.memory_space<hbm>>
      %dma_start3A_705 = tpu.memref_squeeze %dma_start3A_704 : memref<1x8xi32, #tpu.memory_space<hbm>> -> memref<8xi32, #tpu.memory_space<hbm>>
      tpu.enqueue_dma source(%dma_start3A_705 : memref<8xi32, #tpu.memory_space<hbm>>) target(%dma_start3A_703 : memref<8xi32, #tpu.memory_space<vmem>>) target_semaphore(%run_scoped3A_695 : memref<!tpu.dma_semaphore, #tpu.memory_space<semaphore_mem>>)
      %dma_wait3A_706 = arith.constant 0 : i32
      %dma_wait3A_707 = tpu.memref_slice %arg5[%run_scoped3A_101, %dma_wait3A_706] : memref<32x8xi32, #tpu.memory_space<vmem>> -> memref<1x8xi32, #tpu.memory_space<vmem>>
      %dma_wait3A_708 = tpu.memref_squeeze %dma_wait3A_707 : memref<1x8xi32, #tpu.memory_space<vmem>> -> memref<8xi32, #tpu.memory_space<vmem>>
      %dma_wait3A_709 = tpu.memref_slice %arg3[%run_scoped3A_100, %add3A_99] : memref<4x2048xi32, #tpu.memory_space<hbm>> -> memref<1x8xi32, #tpu.memory_space<hbm>>
      %dma_wait3A_710 = tpu.memref_squeeze %dma_wait3A_709 : memref<1x8xi32, #tpu.memory_space<hbm>> -> memref<8xi32, #tpu.memory_space<hbm>>
      %dma_wait3A_711 = arith.constant 0 : i32
      %dma_wait3A_712 = tpu.memref_slice %arg5[%run_scoped3A_101, %dma_wait3A_711] : memref<32x8xi32, #tpu.memory_space<vmem>> -> memref<1x8xi32, #tpu.memory_space<vmem>>
      %dma_wait3A_713 = tpu.memref_squeeze %dma_wait3A_712 : memref<1x8xi32, #tpu.memory_space<vmem>> -> memref<8xi32, #tpu.memory_space<vmem>>
      %dma_wait3A_714 = tpu.memref_slice %arg3[%run_scoped3A_100, %add3A_99] : memref<4x2048xi32, #tpu.memory_space<hbm>> -> memref<1x8xi32, #tpu.memory_space<hbm>>
      %dma_wait3A_715 = tpu.memref_squeeze %dma_wait3A_714 : memref<1x8xi32, #tpu.memory_space<hbm>> -> memref<8xi32, #tpu.memory_space<hbm>>
      tpu.wait_dma2 semaphore(%run_scoped3A_695 : memref<!tpu.dma_semaphore, #tpu.memory_space<semaphore_mem>>) src(%dma_wait3A_715 : memref<8xi32, #tpu.memory_space<hbm>>) dst(%dma_wait3A_713 : memref<8xi32, #tpu.memory_space<vmem>>)
      tpu.yield
    }) : () -> ()
    %add3A_102 = arith.constant 8 : i32
    %add3A_103 = arith.addi %mul3A_2, %add3A_102 : i32
    %run_scoped3A_104 = arith.constant 3 : i32
    %run_scoped3A_105 = arith.constant 25 : i32
    "tpu.region"() ({
      %run_scoped3A_695 = tpu.sem_alloc : memref<!tpu.dma_semaphore, #tpu.memory_space<semaphore_mem>>
      %dma_start3A_696 = arith.constant 0 : i32
      %dma_start3A_697 = tpu.memref_slice %arg5[%run_scoped3A_105, %dma_start3A_696] : memref<32x8xi32, #tpu.memory_space<vmem>> -> memref<1x8xi32, #tpu.memory_space<vmem>>
      %dma_start3A_698 = tpu.memref_squeeze %dma_start3A_697 : memref<1x8xi32, #tpu.memory_space<vmem>> -> memref<8xi32, #tpu.memory_space<vmem>>
      %dma_start3A_699 = tpu.memref_slice %arg3[%run_scoped3A_104, %add3A_103] : memref<4x2048xi32, #tpu.memory_space<hbm>> -> memref<1x8xi32, #tpu.memory_space<hbm>>
      %dma_start3A_700 = tpu.memref_squeeze %dma_start3A_699 : memref<1x8xi32, #tpu.memory_space<hbm>> -> memref<8xi32, #tpu.memory_space<hbm>>
      %dma_start3A_701 = arith.constant 0 : i32
      %dma_start3A_702 = tpu.memref_slice %arg5[%run_scoped3A_105, %dma_start3A_701] : memref<32x8xi32, #tpu.memory_space<vmem>> -> memref<1x8xi32, #tpu.memory_space<vmem>>
      %dma_start3A_703 = tpu.memref_squeeze %dma_start3A_702 : memref<1x8xi32, #tpu.memory_space<vmem>> -> memref<8xi32, #tpu.memory_space<vmem>>
      %dma_start3A_704 = tpu.memref_slice %arg3[%run_scoped3A_104, %add3A_103] : memref<4x2048xi32, #tpu.memory_space<hbm>> -> memref<1x8xi32, #tpu.memory_space<hbm>>
      %dma_start3A_705 = tpu.memref_squeeze %dma_start3A_704 : memref<1x8xi32, #tpu.memory_space<hbm>> -> memref<8xi32, #tpu.memory_space<hbm>>
      tpu.enqueue_dma source(%dma_start3A_705 : memref<8xi32, #tpu.memory_space<hbm>>) target(%dma_start3A_703 : memref<8xi32, #tpu.memory_space<vmem>>) target_semaphore(%run_scoped3A_695 : memref<!tpu.dma_semaphore, #tpu.memory_space<semaphore_mem>>)
      %dma_wait3A_706 = arith.constant 0 : i32
      %dma_wait3A_707 = tpu.memref_slice %arg5[%run_scoped3A_105, %dma_wait3A_706] : memref<32x8xi32, #tpu.memory_space<vmem>> -> memref<1x8xi32, #tpu.memory_space<vmem>>
      %dma_wait3A_708 = tpu.memref_squeeze %dma_wait3A_707 : memref<1x8xi32, #tpu.memory_space<vmem>> -> memref<8xi32, #tpu.memory_space<vmem>>
      %dma_wait3A_709 = tpu.memref_slice %arg3[%run_scoped3A_104, %add3A_103] : memref<4x2048xi32, #tpu.memory_space<hbm>> -> memref<1x8xi32, #tpu.memory_space<hbm>>
      %dma_wait3A_710 = tpu.memref_squeeze %dma_wait3A_709 : memref<1x8xi32, #tpu.memory_space<hbm>> -> memref<8xi32, #tpu.memory_space<hbm>>
      %dma_wait3A_711 = arith.constant 0 : i32
      %dma_wait3A_712 = tpu.memref_slice %arg5[%run_scoped3A_105, %dma_wait3A_711] : memref<32x8xi32, #tpu.memory_space<vmem>> -> memref<1x8xi32, #tpu.memory_space<vmem>>
      %dma_wait3A_713 = tpu.memref_squeeze %dma_wait3A_712 : memref<1x8xi32, #tpu.memory_space<vmem>> -> memref<8xi32, #tpu.memory_space<vmem>>
      %dma_wait3A_714 = tpu.memref_slice %arg3[%run_scoped3A_104, %add3A_103] : memref<4x2048xi32, #tpu.memory_space<hbm>> -> memref<1x8xi32, #tpu.memory_space<hbm>>
      %dma_wait3A_715 = tpu.memref_squeeze %dma_wait3A_714 : memref<1x8xi32, #tpu.memory_space<hbm>> -> memref<8xi32, #tpu.memory_space<hbm>>
      tpu.wait_dma2 semaphore(%run_scoped3A_695 : memref<!tpu.dma_semaphore, #tpu.memory_space<semaphore_mem>>) src(%dma_wait3A_715 : memref<8xi32, #tpu.memory_space<hbm>>) dst(%dma_wait3A_713 : memref<8xi32, #tpu.memory_space<vmem>>)
      tpu.yield
    }) : () -> ()
    %add3A_106 = arith.constant 16 : i32
    %add3A_107 = arith.addi %mul3A_2, %add3A_106 : i32
    %run_scoped3A_108 = arith.constant 3 : i32
    %run_scoped3A_109 = arith.constant 26 : i32
    "tpu.region"() ({
      %run_scoped3A_695 = tpu.sem_alloc : memref<!tpu.dma_semaphore, #tpu.memory_space<semaphore_mem>>
      %dma_start3A_696 = arith.constant 0 : i32
      %dma_start3A_697 = tpu.memref_slice %arg5[%run_scoped3A_109, %dma_start3A_696] : memref<32x8xi32, #tpu.memory_space<vmem>> -> memref<1x8xi32, #tpu.memory_space<vmem>>
      %dma_start3A_698 = tpu.memref_squeeze %dma_start3A_697 : memref<1x8xi32, #tpu.memory_space<vmem>> -> memref<8xi32, #tpu.memory_space<vmem>>
      %dma_start3A_699 = tpu.memref_slice %arg3[%run_scoped3A_108, %add3A_107] : memref<4x2048xi32, #tpu.memory_space<hbm>> -> memref<1x8xi32, #tpu.memory_space<hbm>>
      %dma_start3A_700 = tpu.memref_squeeze %dma_start3A_699 : memref<1x8xi32, #tpu.memory_space<hbm>> -> memref<8xi32, #tpu.memory_space<hbm>>
      %dma_start3A_701 = arith.constant 0 : i32
      %dma_start3A_702 = tpu.memref_slice %arg5[%run_scoped3A_109, %dma_start3A_701] : memref<32x8xi32, #tpu.memory_space<vmem>> -> memref<1x8xi32, #tpu.memory_space<vmem>>
      %dma_start3A_703 = tpu.memref_squeeze %dma_start3A_702 : memref<1x8xi32, #tpu.memory_space<vmem>> -> memref<8xi32, #tpu.memory_space<vmem>>
      %dma_start3A_704 = tpu.memref_slice %arg3[%run_scoped3A_108, %add3A_107] : memref<4x2048xi32, #tpu.memory_space<hbm>> -> memref<1x8xi32, #tpu.memory_space<hbm>>
      %dma_start3A_705 = tpu.memref_squeeze %dma_start3A_704 : memref<1x8xi32, #tpu.memory_space<hbm>> -> memref<8xi32, #tpu.memory_space<hbm>>
      tpu.enqueue_dma source(%dma_start3A_705 : memref<8xi32, #tpu.memory_space<hbm>>) target(%dma_start3A_703 : memref<8xi32, #tpu.memory_space<vmem>>) target_semaphore(%run_scoped3A_695 : memref<!tpu.dma_semaphore, #tpu.memory_space<semaphore_mem>>)
      %dma_wait3A_706 = arith.constant 0 : i32
      %dma_wait3A_707 = tpu.memref_slice %arg5[%run_scoped3A_109, %dma_wait3A_706] : memref<32x8xi32, #tpu.memory_space<vmem>> -> memref<1x8xi32, #tpu.memory_space<vmem>>
      %dma_wait3A_708 = tpu.memref_squeeze %dma_wait3A_707 : memref<1x8xi32, #tpu.memory_space<vmem>> -> memref<8xi32, #tpu.memory_space<vmem>>
      %dma_wait3A_709 = tpu.memref_slice %arg3[%run_scoped3A_108, %add3A_107] : memref<4x2048xi32, #tpu.memory_space<hbm>> -> memref<1x8xi32, #tpu.memory_space<hbm>>
      %dma_wait3A_710 = tpu.memref_squeeze %dma_wait3A_709 : memref<1x8xi32, #tpu.memory_space<hbm>> -> memref<8xi32, #tpu.memory_space<hbm>>
      %dma_wait3A_711 = arith.constant 0 : i32
      %dma_wait3A_712 = tpu.memref_slice %arg5[%run_scoped3A_109, %dma_wait3A_711] : memref<32x8xi32, #tpu.memory_space<vmem>> -> memref<1x8xi32, #tpu.memory_space<vmem>>
      %dma_wait3A_713 = tpu.memref_squeeze %dma_wait3A_712 : memref<1x8xi32, #tpu.memory_space<vmem>> -> memref<8xi32, #tpu.memory_space<vmem>>
      %dma_wait3A_714 = tpu.memref_slice %arg3[%run_scoped3A_108, %add3A_107] : memref<4x2048xi32, #tpu.memory_space<hbm>> -> memref<1x8xi32, #tpu.memory_space<hbm>>
      %dma_wait3A_715 = tpu.memref_squeeze %dma_wait3A_714 : memref<1x8xi32, #tpu.memory_space<hbm>> -> memref<8xi32, #tpu.memory_space<hbm>>
      tpu.wait_dma2 semaphore(%run_scoped3A_695 : memref<!tpu.dma_semaphore, #tpu.memory_space<semaphore_mem>>) src(%dma_wait3A_715 : memref<8xi32, #tpu.memory_space<hbm>>) dst(%dma_wait3A_713 : memref<8xi32, #tpu.memory_space<vmem>>)
      tpu.yield
    }) : () -> ()
    %add3A_110 = arith.constant 24 : i32
    %add3A_111 = arith.addi %mul3A_2, %add3A_110 : i32
    %run_scoped3A_112 = arith.constant 3 : i32
    %run_scoped3A_113 = arith.constant 27 : i32
    "tpu.region"() ({
      %run_scoped3A_695 = tpu.sem_alloc : memref<!tpu.dma_semaphore, #tpu.memory_space<semaphore_mem>>
      %dma_start3A_696 = arith.constant 0 : i32
      %dma_start3A_697 = tpu.memref_slice %arg5[%run_scoped3A_113, %dma_start3A_696] : memref<32x8xi32, #tpu.memory_space<vmem>> -> memref<1x8xi32, #tpu.memory_space<vmem>>
      %dma_start3A_698 = tpu.memref_squeeze %dma_start3A_697 : memref<1x8xi32, #tpu.memory_space<vmem>> -> memref<8xi32, #tpu.memory_space<vmem>>
      %dma_start3A_699 = tpu.memref_slice %arg3[%run_scoped3A_112, %add3A_111] : memref<4x2048xi32, #tpu.memory_space<hbm>> -> memref<1x8xi32, #tpu.memory_space<hbm>>
      %dma_start3A_700 = tpu.memref_squeeze %dma_start3A_699 : memref<1x8xi32, #tpu.memory_space<hbm>> -> memref<8xi32, #tpu.memory_space<hbm>>
      %dma_start3A_701 = arith.constant 0 : i32
      %dma_start3A_702 = tpu.memref_slice %arg5[%run_scoped3A_113, %dma_start3A_701] : memref<32x8xi32, #tpu.memory_space<vmem>> -> memref<1x8xi32, #tpu.memory_space<vmem>>
      %dma_start3A_703 = tpu.memref_squeeze %dma_start3A_702 : memref<1x8xi32, #tpu.memory_space<vmem>> -> memref<8xi32, #tpu.memory_space<vmem>>
      %dma_start3A_704 = tpu.memref_slice %arg3[%run_scoped3A_112, %add3A_111] : memref<4x2048xi32, #tpu.memory_space<hbm>> -> memref<1x8xi32, #tpu.memory_space<hbm>>
      %dma_start3A_705 = tpu.memref_squeeze %dma_start3A_704 : memref<1x8xi32, #tpu.memory_space<hbm>> -> memref<8xi32, #tpu.memory_space<hbm>>
      tpu.enqueue_dma source(%dma_start3A_705 : memref<8xi32, #tpu.memory_space<hbm>>) target(%dma_start3A_703 : memref<8xi32, #tpu.memory_space<vmem>>) target_semaphore(%run_scoped3A_695 : memref<!tpu.dma_semaphore, #tpu.memory_space<semaphore_mem>>)
      %dma_wait3A_706 = arith.constant 0 : i32
      %dma_wait3A_707 = tpu.memref_slice %arg5[%run_scoped3A_113, %dma_wait3A_706] : memref<32x8xi32, #tpu.memory_space<vmem>> -> memref<1x8xi32, #tpu.memory_space<vmem>>
      %dma_wait3A_708 = tpu.memref_squeeze %dma_wait3A_707 : memref<1x8xi32, #tpu.memory_space<vmem>> -> memref<8xi32, #tpu.memory_space<vmem>>
      %dma_wait3A_709 = tpu.memref_slice %arg3[%run_scoped3A_112, %add3A_111] : memref<4x2048xi32, #tpu.memory_space<hbm>> -> memref<1x8xi32, #tpu.memory_space<hbm>>
      %dma_wait3A_710 = tpu.memref_squeeze %dma_wait3A_709 : memref<1x8xi32, #tpu.memory_space<hbm>> -> memref<8xi32, #tpu.memory_space<hbm>>
      %dma_wait3A_711 = arith.constant 0 : i32
      %dma_wait3A_712 = tpu.memref_slice %arg5[%run_scoped3A_113, %dma_wait3A_711] : memref<32x8xi32, #tpu.memory_space<vmem>> -> memref<1x8xi32, #tpu.memory_space<vmem>>
      %dma_wait3A_713 = tpu.memref_squeeze %dma_wait3A_712 : memref<1x8xi32, #tpu.memory_space<vmem>> -> memref<8xi32, #tpu.memory_space<vmem>>
      %dma_wait3A_714 = tpu.memref_slice %arg3[%run_scoped3A_112, %add3A_111] : memref<4x2048xi32, #tpu.memory_space<hbm>> -> memref<1x8xi32, #tpu.memory_space<hbm>>
      %dma_wait3A_715 = tpu.memref_squeeze %dma_wait3A_714 : memref<1x8xi32, #tpu.memory_space<hbm>> -> memref<8xi32, #tpu.memory_space<hbm>>
      tpu.wait_dma2 semaphore(%run_scoped3A_695 : memref<!tpu.dma_semaphore, #tpu.memory_space<semaphore_mem>>) src(%dma_wait3A_715 : memref<8xi32, #tpu.memory_space<hbm>>) dst(%dma_wait3A_713 : memref<8xi32, #tpu.memory_space<vmem>>)
      tpu.yield
    }) : () -> ()
    %add3A_114 = arith.constant 32 : i32
    %add3A_115 = arith.addi %mul3A_2, %add3A_114 : i32
    %run_scoped3A_116 = arith.constant 3 : i32
    %run_scoped3A_117 = arith.constant 28 : i32
    "tpu.region"() ({
      %run_scoped3A_695 = tpu.sem_alloc : memref<!tpu.dma_semaphore, #tpu.memory_space<semaphore_mem>>
      %dma_start3A_696 = arith.constant 0 : i32
      %dma_start3A_697 = tpu.memref_slice %arg5[%run_scoped3A_117, %dma_start3A_696] : memref<32x8xi32, #tpu.memory_space<vmem>> -> memref<1x8xi32, #tpu.memory_space<vmem>>
      %dma_start3A_698 = tpu.memref_squeeze %dma_start3A_697 : memref<1x8xi32, #tpu.memory_space<vmem>> -> memref<8xi32, #tpu.memory_space<vmem>>
      %dma_start3A_699 = tpu.memref_slice %arg3[%run_scoped3A_116, %add3A_115] : memref<4x2048xi32, #tpu.memory_space<hbm>> -> memref<1x8xi32, #tpu.memory_space<hbm>>
      %dma_start3A_700 = tpu.memref_squeeze %dma_start3A_699 : memref<1x8xi32, #tpu.memory_space<hbm>> -> memref<8xi32, #tpu.memory_space<hbm>>
      %dma_start3A_701 = arith.constant 0 : i32
      %dma_start3A_702 = tpu.memref_slice %arg5[%run_scoped3A_117, %dma_start3A_701] : memref<32x8xi32, #tpu.memory_space<vmem>> -> memref<1x8xi32, #tpu.memory_space<vmem>>
      %dma_start3A_703 = tpu.memref_squeeze %dma_start3A_702 : memref<1x8xi32, #tpu.memory_space<vmem>> -> memref<8xi32, #tpu.memory_space<vmem>>
      %dma_start3A_704 = tpu.memref_slice %arg3[%run_scoped3A_116, %add3A_115] : memref<4x2048xi32, #tpu.memory_space<hbm>> -> memref<1x8xi32, #tpu.memory_space<hbm>>
      %dma_start3A_705 = tpu.memref_squeeze %dma_start3A_704 : memref<1x8xi32, #tpu.memory_space<hbm>> -> memref<8xi32, #tpu.memory_space<hbm>>
      tpu.enqueue_dma source(%dma_start3A_705 : memref<8xi32, #tpu.memory_space<hbm>>) target(%dma_start3A_703 : memref<8xi32, #tpu.memory_space<vmem>>) target_semaphore(%run_scoped3A_695 : memref<!tpu.dma_semaphore, #tpu.memory_space<semaphore_mem>>)
      %dma_wait3A_706 = arith.constant 0 : i32
      %dma_wait3A_707 = tpu.memref_slice %arg5[%run_scoped3A_117, %dma_wait3A_706] : memref<32x8xi32, #tpu.memory_space<vmem>> -> memref<1x8xi32, #tpu.memory_space<vmem>>
      %dma_wait3A_708 = tpu.memref_squeeze %dma_wait3A_707 : memref<1x8xi32, #tpu.memory_space<vmem>> -> memref<8xi32, #tpu.memory_space<vmem>>
      %dma_wait3A_709 = tpu.memref_slice %arg3[%run_scoped3A_116, %add3A_115] : memref<4x2048xi32, #tpu.memory_space<hbm>> -> memref<1x8xi32, #tpu.memory_space<hbm>>
      %dma_wait3A_710 = tpu.memref_squeeze %dma_wait3A_709 : memref<1x8xi32, #tpu.memory_space<hbm>> -> memref<8xi32, #tpu.memory_space<hbm>>
      %dma_wait3A_711 = arith.constant 0 : i32
      %dma_wait3A_712 = tpu.memref_slice %arg5[%run_scoped3A_117, %dma_wait3A_711] : memref<32x8xi32, #tpu.memory_space<vmem>> -> memref<1x8xi32, #tpu.memory_space<vmem>>
      %dma_wait3A_713 = tpu.memref_squeeze %dma_wait3A_712 : memref<1x8xi32, #tpu.memory_space<vmem>> -> memref<8xi32, #tpu.memory_space<vmem>>
      %dma_wait3A_714 = tpu.memref_slice %arg3[%run_scoped3A_116, %add3A_115] : memref<4x2048xi32, #tpu.memory_space<hbm>> -> memref<1x8xi32, #tpu.memory_space<hbm>>
      %dma_wait3A_715 = tpu.memref_squeeze %dma_wait3A_714 : memref<1x8xi32, #tpu.memory_space<hbm>> -> memref<8xi32, #tpu.memory_space<hbm>>
      tpu.wait_dma2 semaphore(%run_scoped3A_695 : memref<!tpu.dma_semaphore, #tpu.memory_space<semaphore_mem>>) src(%dma_wait3A_715 : memref<8xi32, #tpu.memory_space<hbm>>) dst(%dma_wait3A_713 : memref<8xi32, #tpu.memory_space<vmem>>)
      tpu.yield
    }) : () -> ()
    %add3A_118 = arith.constant 40 : i32
    %add3A_119 = arith.addi %mul3A_2, %add3A_118 : i32
    %run_scoped3A_120 = arith.constant 3 : i32
    %run_scoped3A_121 = arith.constant 29 : i32
    "tpu.region"() ({
      %run_scoped3A_695 = tpu.sem_alloc : memref<!tpu.dma_semaphore, #tpu.memory_space<semaphore_mem>>
      %dma_start3A_696 = arith.constant 0 : i32
      %dma_start3A_697 = tpu.memref_slice %arg5[%run_scoped3A_121, %dma_start3A_696] : memref<32x8xi32, #tpu.memory_space<vmem>> -> memref<1x8xi32, #tpu.memory_space<vmem>>
      %dma_start3A_698 = tpu.memref_squeeze %dma_start3A_697 : memref<1x8xi32, #tpu.memory_space<vmem>> -> memref<8xi32, #tpu.memory_space<vmem>>
      %dma_start3A_699 = tpu.memref_slice %arg3[%run_scoped3A_120, %add3A_119] : memref<4x2048xi32, #tpu.memory_space<hbm>> -> memref<1x8xi32, #tpu.memory_space<hbm>>
      %dma_start3A_700 = tpu.memref_squeeze %dma_start3A_699 : memref<1x8xi32, #tpu.memory_space<hbm>> -> memref<8xi32, #tpu.memory_space<hbm>>
      %dma_start3A_701 = arith.constant 0 : i32
      %dma_start3A_702 = tpu.memref_slice %arg5[%run_scoped3A_121, %dma_start3A_701] : memref<32x8xi32, #tpu.memory_space<vmem>> -> memref<1x8xi32, #tpu.memory_space<vmem>>
      %dma_start3A_703 = tpu.memref_squeeze %dma_start3A_702 : memref<1x8xi32, #tpu.memory_space<vmem>> -> memref<8xi32, #tpu.memory_space<vmem>>
      %dma_start3A_704 = tpu.memref_slice %arg3[%run_scoped3A_120, %add3A_119] : memref<4x2048xi32, #tpu.memory_space<hbm>> -> memref<1x8xi32, #tpu.memory_space<hbm>>
      %dma_start3A_705 = tpu.memref_squeeze %dma_start3A_704 : memref<1x8xi32, #tpu.memory_space<hbm>> -> memref<8xi32, #tpu.memory_space<hbm>>
      tpu.enqueue_dma source(%dma_start3A_705 : memref<8xi32, #tpu.memory_space<hbm>>) target(%dma_start3A_703 : memref<8xi32, #tpu.memory_space<vmem>>) target_semaphore(%run_scoped3A_695 : memref<!tpu.dma_semaphore, #tpu.memory_space<semaphore_mem>>)
      %dma_wait3A_706 = arith.constant 0 : i32
      %dma_wait3A_707 = tpu.memref_slice %arg5[%run_scoped3A_121, %dma_wait3A_706] : memref<32x8xi32, #tpu.memory_space<vmem>> -> memref<1x8xi32, #tpu.memory_space<vmem>>
      %dma_wait3A_708 = tpu.memref_squeeze %dma_wait3A_707 : memref<1x8xi32, #tpu.memory_space<vmem>> -> memref<8xi32, #tpu.memory_space<vmem>>
      %dma_wait3A_709 = tpu.memref_slice %arg3[%run_scoped3A_120, %add3A_119] : memref<4x2048xi32, #tpu.memory_space<hbm>> -> memref<1x8xi32, #tpu.memory_space<hbm>>
      %dma_wait3A_710 = tpu.memref_squeeze %dma_wait3A_709 : memref<1x8xi32, #tpu.memory_space<hbm>> -> memref<8xi32, #tpu.memory_space<hbm>>
      %dma_wait3A_711 = arith.constant 0 : i32
      %dma_wait3A_712 = tpu.memref_slice %arg5[%run_scoped3A_121, %dma_wait3A_711] : memref<32x8xi32, #tpu.memory_space<vmem>> -> memref<1x8xi32, #tpu.memory_space<vmem>>
      %dma_wait3A_713 = tpu.memref_squeeze %dma_wait3A_712 : memref<1x8xi32, #tpu.memory_space<vmem>> -> memref<8xi32, #tpu.memory_space<vmem>>
      %dma_wait3A_714 = tpu.memref_slice %arg3[%run_scoped3A_120, %add3A_119] : memref<4x2048xi32, #tpu.memory_space<hbm>> -> memref<1x8xi32, #tpu.memory_space<hbm>>
      %dma_wait3A_715 = tpu.memref_squeeze %dma_wait3A_714 : memref<1x8xi32, #tpu.memory_space<hbm>> -> memref<8xi32, #tpu.memory_space<hbm>>
      tpu.wait_dma2 semaphore(%run_scoped3A_695 : memref<!tpu.dma_semaphore, #tpu.memory_space<semaphore_mem>>) src(%dma_wait3A_715 : memref<8xi32, #tpu.memory_space<hbm>>) dst(%dma_wait3A_713 : memref<8xi32, #tpu.memory_space<vmem>>)
      tpu.yield
    }) : () -> ()
    %add3A_122 = arith.constant 48 : i32
    %add3A_123 = arith.addi %mul3A_2, %add3A_122 : i32
    %run_scoped3A_124 = arith.constant 3 : i32
    %run_scoped3A_125 = arith.constant 30 : i32
    "tpu.region"() ({
      %run_scoped3A_695 = tpu.sem_alloc : memref<!tpu.dma_semaphore, #tpu.memory_space<semaphore_mem>>
      %dma_start3A_696 = arith.constant 0 : i32
      %dma_start3A_697 = tpu.memref_slice %arg5[%run_scoped3A_125, %dma_start3A_696] : memref<32x8xi32, #tpu.memory_space<vmem>> -> memref<1x8xi32, #tpu.memory_space<vmem>>
      %dma_start3A_698 = tpu.memref_squeeze %dma_start3A_697 : memref<1x8xi32, #tpu.memory_space<vmem>> -> memref<8xi32, #tpu.memory_space<vmem>>
      %dma_start3A_699 = tpu.memref_slice %arg3[%run_scoped3A_124, %add3A_123] : memref<4x2048xi32, #tpu.memory_space<hbm>> -> memref<1x8xi32, #tpu.memory_space<hbm>>
      %dma_start3A_700 = tpu.memref_squeeze %dma_start3A_699 : memref<1x8xi32, #tpu.memory_space<hbm>> -> memref<8xi32, #tpu.memory_space<hbm>>
      %dma_start3A_701 = arith.constant 0 : i32
      %dma_start3A_702 = tpu.memref_slice %arg5[%run_scoped3A_125, %dma_start3A_701] : memref<32x8xi32, #tpu.memory_space<vmem>> -> memref<1x8xi32, #tpu.memory_space<vmem>>
      %dma_start3A_703 = tpu.memref_squeeze %dma_start3A_702 : memref<1x8xi32, #tpu.memory_space<vmem>> -> memref<8xi32, #tpu.memory_space<vmem>>
      %dma_start3A_704 = tpu.memref_slice %arg3[%run_scoped3A_124, %add3A_123] : memref<4x2048xi32, #tpu.memory_space<hbm>> -> memref<1x8xi32, #tpu.memory_space<hbm>>
      %dma_start3A_705 = tpu.memref_squeeze %dma_start3A_704 : memref<1x8xi32, #tpu.memory_space<hbm>> -> memref<8xi32, #tpu.memory_space<hbm>>
      tpu.enqueue_dma source(%dma_start3A_705 : memref<8xi32, #tpu.memory_space<hbm>>) target(%dma_start3A_703 : memref<8xi32, #tpu.memory_space<vmem>>) target_semaphore(%run_scoped3A_695 : memref<!tpu.dma_semaphore, #tpu.memory_space<semaphore_mem>>)
      %dma_wait3A_706 = arith.constant 0 : i32
      %dma_wait3A_707 = tpu.memref_slice %arg5[%run_scoped3A_125, %dma_wait3A_706] : memref<32x8xi32, #tpu.memory_space<vmem>> -> memref<1x8xi32, #tpu.memory_space<vmem>>
      %dma_wait3A_708 = tpu.memref_squeeze %dma_wait3A_707 : memref<1x8xi32, #tpu.memory_space<vmem>> -> memref<8xi32, #tpu.memory_space<vmem>>
      %dma_wait3A_709 = tpu.memref_slice %arg3[%run_scoped3A_124, %add3A_123] : memref<4x2048xi32, #tpu.memory_space<hbm>> -> memref<1x8xi32, #tpu.memory_space<hbm>>
      %dma_wait3A_710 = tpu.memref_squeeze %dma_wait3A_709 : memref<1x8xi32, #tpu.memory_space<hbm>> -> memref<8xi32, #tpu.memory_space<hbm>>
      %dma_wait3A_711 = arith.constant 0 : i32
      %dma_wait3A_712 = tpu.memref_slice %arg5[%run_scoped3A_125, %dma_wait3A_711] : memref<32x8xi32, #tpu.memory_space<vmem>> -> memref<1x8xi32, #tpu.memory_space<vmem>>
      %dma_wait3A_713 = tpu.memref_squeeze %dma_wait3A_712 : memref<1x8xi32, #tpu.memory_space<vmem>> -> memref<8xi32, #tpu.memory_space<vmem>>
      %dma_wait3A_714 = tpu.memref_slice %arg3[%run_scoped3A_124, %add3A_123] : memref<4x2048xi32, #tpu.memory_space<hbm>> -> memref<1x8xi32, #tpu.memory_space<hbm>>
      %dma_wait3A_715 = tpu.memref_squeeze %dma_wait3A_714 : memref<1x8xi32, #tpu.memory_space<hbm>> -> memref<8xi32, #tpu.memory_space<hbm>>
      tpu.wait_dma2 semaphore(%run_scoped3A_695 : memref<!tpu.dma_semaphore, #tpu.memory_space<semaphore_mem>>) src(%dma_wait3A_715 : memref<8xi32, #tpu.memory_space<hbm>>) dst(%dma_wait3A_713 : memref<8xi32, #tpu.memory_space<vmem>>)
      tpu.yield
    }) : () -> ()
    %add3A_126 = arith.constant 56 : i32
    %add3A_127 = arith.addi %mul3A_2, %add3A_126 : i32
    %run_scoped3A_128 = arith.constant 3 : i32
    %run_scoped3A_129 = arith.constant 31 : i32
    "tpu.region"() ({
      %run_scoped3A_695 = tpu.sem_alloc : memref<!tpu.dma_semaphore, #tpu.memory_space<semaphore_mem>>
      %dma_start3A_696 = arith.constant 0 : i32
      %dma_start3A_697 = tpu.memref_slice %arg5[%run_scoped3A_129, %dma_start3A_696] : memref<32x8xi32, #tpu.memory_space<vmem>> -> memref<1x8xi32, #tpu.memory_space<vmem>>
      %dma_start3A_698 = tpu.memref_squeeze %dma_start3A_697 : memref<1x8xi32, #tpu.memory_space<vmem>> -> memref<8xi32, #tpu.memory_space<vmem>>
      %dma_start3A_699 = tpu.memref_slice %arg3[%run_scoped3A_128, %add3A_127] : memref<4x2048xi32, #tpu.memory_space<hbm>> -> memref<1x8xi32, #tpu.memory_space<hbm>>
      %dma_start3A_700 = tpu.memref_squeeze %dma_start3A_699 : memref<1x8xi32, #tpu.memory_space<hbm>> -> memref<8xi32, #tpu.memory_space<hbm>>
      %dma_start3A_701 = arith.constant 0 : i32
      %dma_start3A_702 = tpu.memref_slice %arg5[%run_scoped3A_129, %dma_start3A_701] : memref<32x8xi32, #tpu.memory_space<vmem>> -> memref<1x8xi32, #tpu.memory_space<vmem>>
      %dma_start3A_703 = tpu.memref_squeeze %dma_start3A_702 : memref<1x8xi32, #tpu.memory_space<vmem>> -> memref<8xi32, #tpu.memory_space<vmem>>
      %dma_start3A_704 = tpu.memref_slice %arg3[%run_scoped3A_128, %add3A_127] : memref<4x2048xi32, #tpu.memory_space<hbm>> -> memref<1x8xi32, #tpu.memory_space<hbm>>
      %dma_start3A_705 = tpu.memref_squeeze %dma_start3A_704 : memref<1x8xi32, #tpu.memory_space<hbm>> -> memref<8xi32, #tpu.memory_space<hbm>>
      tpu.enqueue_dma source(%dma_start3A_705 : memref<8xi32, #tpu.memory_space<hbm>>) target(%dma_start3A_703 : memref<8xi32, #tpu.memory_space<vmem>>) target_semaphore(%run_scoped3A_695 : memref<!tpu.dma_semaphore, #tpu.memory_space<semaphore_mem>>)
      %dma_wait3A_706 = arith.constant 0 : i32
      %dma_wait3A_707 = tpu.memref_slice %arg5[%run_scoped3A_129, %dma_wait3A_706] : memref<32x8xi32, #tpu.memory_space<vmem>> -> memref<1x8xi32, #tpu.memory_space<vmem>>
      %dma_wait3A_708 = tpu.memref_squeeze %dma_wait3A_707 : memref<1x8xi32, #tpu.memory_space<vmem>> -> memref<8xi32, #tpu.memory_space<vmem>>
      %dma_wait3A_709 = tpu.memref_slice %arg3[%run_scoped3A_128, %add3A_127] : memref<4x2048xi32, #tpu.memory_space<hbm>> -> memref<1x8xi32, #tpu.memory_space<hbm>>
      %dma_wait3A_710 = tpu.memref_squeeze %dma_wait3A_709 : memref<1x8xi32, #tpu.memory_space<hbm>> -> memref<8xi32, #tpu.memory_space<hbm>>
      %dma_wait3A_711 = arith.constant 0 : i32
      %dma_wait3A_712 = tpu.memref_slice %arg5[%run_scoped3A_129, %dma_wait3A_711] : memref<32x8xi32, #tpu.memory_space<vmem>> -> memref<1x8xi32, #tpu.memory_space<vmem>>
      %dma_wait3A_713 = tpu.memref_squeeze %dma_wait3A_712 : memref<1x8xi32, #tpu.memory_space<vmem>> -> memref<8xi32, #tpu.memory_space<vmem>>
      %dma_wait3A_714 = tpu.memref_slice %arg3[%run_scoped3A_128, %add3A_127] : memref<4x2048xi32, #tpu.memory_space<hbm>> -> memref<1x8xi32, #tpu.memory_space<hbm>>
      %dma_wait3A_715 = tpu.memref_squeeze %dma_wait3A_714 : memref<1x8xi32, #tpu.memory_space<hbm>> -> memref<8xi32, #tpu.memory_space<hbm>>
      tpu.wait_dma2 semaphore(%run_scoped3A_695 : memref<!tpu.dma_semaphore, #tpu.memory_space<semaphore_mem>>) src(%dma_wait3A_715 : memref<8xi32, #tpu.memory_space<hbm>>) dst(%dma_wait3A_713 : memref<8xi32, #tpu.memory_space<vmem>>)
      tpu.yield
    }) : () -> ()
    %dma_start3A = arith.constant 0 : i32
    %dma_start3A_130 = arith.constant 0 : i32
    %dma_start3A_131 = tpu.memref_slice %arg5[%dma_start3A, %dma_start3A_130] : memref<32x8xi32, #tpu.memory_space<vmem>> -> memref<1x8xi32, #tpu.memory_space<vmem>>
    %dma_start3A_132 = tpu.memref_squeeze %dma_start3A_131 : memref<1x8xi32, #tpu.memory_space<vmem>> -> memref<8xi32, #tpu.memory_space<vmem>>
    %dma_start3A_133 = arith.constant 0 : i32
    %dma_start3A_134 = arith.constant 0 : i32
    %dma_start3A_135 = tpu.memref_slice %arg2[%dma_start3A_133, %dma_start3A_134] : memref<12288x1024xf32, #tpu.memory_space<hbm>> -> memref<12288x1024xf32, #tpu.memory_space<hbm>>
    tpu.enqueue_indirect_dma source(%dma_start3A_135 : memref<12288x1024xf32, #tpu.memory_space<hbm>>) target(%arg6 : memref<8x1024xf32, #tpu.memory_space<vmem>>) offsets(%dma_start3A_132 : memref<8xi32, #tpu.memory_space<vmem>>) semaphore(%arg14 : memref<!tpu.dma_semaphore, #tpu.memory_space<semaphore_mem>>)
    %dma_start3A_136 = arith.constant 8 : i32
    %dma_start3A_137 = arith.constant 0 : i32
    %dma_start3A_138 = tpu.memref_slice %arg5[%dma_start3A_136, %dma_start3A_137] : memref<32x8xi32, #tpu.memory_space<vmem>> -> memref<1x8xi32, #tpu.memory_space<vmem>>
    %dma_start3A_139 = tpu.memref_squeeze %dma_start3A_138 : memref<1x8xi32, #tpu.memory_space<vmem>> -> memref<8xi32, #tpu.memory_space<vmem>>
    %dma_start3A_140 = arith.constant 0 : i32
    %dma_start3A_141 = arith.constant 0 : i32
    %dma_start3A_142 = tpu.memref_slice %arg2[%dma_start3A_140, %dma_start3A_141] : memref<12288x1024xf32, #tpu.memory_space<hbm>> -> memref<12288x1024xf32, #tpu.memory_space<hbm>>
    tpu.enqueue_indirect_dma source(%dma_start3A_142 : memref<12288x1024xf32, #tpu.memory_space<hbm>>) target(%arg7 : memref<8x1024xf32, #tpu.memory_space<vmem>>) offsets(%dma_start3A_139 : memref<8xi32, #tpu.memory_space<vmem>>) semaphore(%arg14 : memref<!tpu.dma_semaphore, #tpu.memory_space<semaphore_mem>>)
    %dma_start3A_143 = arith.constant 16 : i32
    %dma_start3A_144 = arith.constant 0 : i32
    %dma_start3A_145 = tpu.memref_slice %arg5[%dma_start3A_143, %dma_start3A_144] : memref<32x8xi32, #tpu.memory_space<vmem>> -> memref<1x8xi32, #tpu.memory_space<vmem>>
    %dma_start3A_146 = tpu.memref_squeeze %dma_start3A_145 : memref<1x8xi32, #tpu.memory_space<vmem>> -> memref<8xi32, #tpu.memory_space<vmem>>
    %dma_start3A_147 = arith.constant 0 : i32
    %dma_start3A_148 = arith.constant 0 : i32
    %dma_start3A_149 = tpu.memref_slice %arg2[%dma_start3A_147, %dma_start3A_148] : memref<12288x1024xf32, #tpu.memory_space<hbm>> -> memref<12288x1024xf32, #tpu.memory_space<hbm>>
    tpu.enqueue_indirect_dma source(%dma_start3A_149 : memref<12288x1024xf32, #tpu.memory_space<hbm>>) target(%arg8 : memref<8x1024xf32, #tpu.memory_space<vmem>>) offsets(%dma_start3A_146 : memref<8xi32, #tpu.memory_space<vmem>>) semaphore(%arg14 : memref<!tpu.dma_semaphore, #tpu.memory_space<semaphore_mem>>)
    %dma_start3A_150 = arith.constant 24 : i32
    %dma_start3A_151 = arith.constant 0 : i32
    %dma_start3A_152 = tpu.memref_slice %arg5[%dma_start3A_150, %dma_start3A_151] : memref<32x8xi32, #tpu.memory_space<vmem>> -> memref<1x8xi32, #tpu.memory_space<vmem>>
    %dma_start3A_153 = tpu.memref_squeeze %dma_start3A_152 : memref<1x8xi32, #tpu.memory_space<vmem>> -> memref<8xi32, #tpu.memory_space<vmem>>
    %dma_start3A_154 = arith.constant 0 : i32
    %dma_start3A_155 = arith.constant 0 : i32
    %dma_start3A_156 = tpu.memref_slice %arg2[%dma_start3A_154, %dma_start3A_155] : memref<12288x1024xf32, #tpu.memory_space<hbm>> -> memref<12288x1024xf32, #tpu.memory_space<hbm>>
    tpu.enqueue_indirect_dma source(%dma_start3A_156 : memref<12288x1024xf32, #tpu.memory_space<hbm>>) target(%arg9 : memref<8x1024xf32, #tpu.memory_space<vmem>>) offsets(%dma_start3A_153 : memref<8xi32, #tpu.memory_space<vmem>>) semaphore(%arg14 : memref<!tpu.dma_semaphore, #tpu.memory_space<semaphore_mem>>)
    %dma_wait3A = arith.constant 0 : i32
    %dma_wait3A_157 = arith.constant 0 : i32
    %dma_wait3A_158 = tpu.memref_slice %arg5[%dma_wait3A, %dma_wait3A_157] : memref<32x8xi32, #tpu.memory_space<vmem>> -> memref<1x8xi32, #tpu.memory_space<vmem>>
    %dma_wait3A_159 = tpu.memref_squeeze %dma_wait3A_158 : memref<1x8xi32, #tpu.memory_space<vmem>> -> memref<8xi32, #tpu.memory_space<vmem>>
    %dma_wait3A_160 = arith.constant 0 : i32
    %dma_wait3A_161 = arith.constant 0 : i32
    %dma_wait3A_162 = tpu.memref_slice %arg2[%dma_wait3A_160, %dma_wait3A_161] : memref<12288x1024xf32, #tpu.memory_space<hbm>> -> memref<12288x1024xf32, #tpu.memory_space<hbm>>
    tpu.wait_indirect_dma semaphore(%arg14 : memref<!tpu.dma_semaphore, #tpu.memory_space<semaphore_mem>>) src(%dma_wait3A_162 : memref<12288x1024xf32, #tpu.memory_space<hbm>>) dst(%arg6 : memref<8x1024xf32, #tpu.memory_space<vmem>>)
    %dma_wait3A_163 = arith.constant 8 : i32
    %dma_wait3A_164 = arith.constant 0 : i32
    %dma_wait3A_165 = tpu.memref_slice %arg5[%dma_wait3A_163, %dma_wait3A_164] : memref<32x8xi32, #tpu.memory_space<vmem>> -> memref<1x8xi32, #tpu.memory_space<vmem>>
    %dma_wait3A_166 = tpu.memref_squeeze %dma_wait3A_165 : memref<1x8xi32, #tpu.memory_space<vmem>> -> memref<8xi32, #tpu.memory_space<vmem>>
    %dma_wait3A_167 = arith.constant 0 : i32
    %dma_wait3A_168 = arith.constant 0 : i32
    %dma_wait3A_169 = tpu.memref_slice %arg2[%dma_wait3A_167, %dma_wait3A_168] : memref<12288x1024xf32, #tpu.memory_space<hbm>> -> memref<12288x1024xf32, #tpu.memory_space<hbm>>
    tpu.wait_indirect_dma semaphore(%arg14 : memref<!tpu.dma_semaphore, #tpu.memory_space<semaphore_mem>>) src(%dma_wait3A_169 : memref<12288x1024xf32, #tpu.memory_space<hbm>>) dst(%arg7 : memref<8x1024xf32, #tpu.memory_space<vmem>>)
    %dma_wait3A_170 = arith.constant 16 : i32
    %dma_wait3A_171 = arith.constant 0 : i32
    %dma_wait3A_172 = tpu.memref_slice %arg5[%dma_wait3A_170, %dma_wait3A_171] : memref<32x8xi32, #tpu.memory_space<vmem>> -> memref<1x8xi32, #tpu.memory_space<vmem>>
    %dma_wait3A_173 = tpu.memref_squeeze %dma_wait3A_172 : memref<1x8xi32, #tpu.memory_space<vmem>> -> memref<8xi32, #tpu.memory_space<vmem>>
    %dma_wait3A_174 = arith.constant 0 : i32
    %dma_wait3A_175 = arith.constant 0 : i32
    %dma_wait3A_176 = tpu.memref_slice %arg2[%dma_wait3A_174, %dma_wait3A_175] : memref<12288x1024xf32, #tpu.memory_space<hbm>> -> memref<12288x1024xf32, #tpu.memory_space<hbm>>
    tpu.wait_indirect_dma semaphore(%arg14 : memref<!tpu.dma_semaphore, #tpu.memory_space<semaphore_mem>>) src(%dma_wait3A_176 : memref<12288x1024xf32, #tpu.memory_space<hbm>>) dst(%arg8 : memref<8x1024xf32, #tpu.memory_space<vmem>>)
    %dma_wait3A_177 = arith.constant 24 : i32
    %dma_wait3A_178 = arith.constant 0 : i32
    %dma_wait3A_179 = tpu.memref_slice %arg5[%dma_wait3A_177, %dma_wait3A_178] : memref<32x8xi32, #tpu.memory_space<vmem>> -> memref<1x8xi32, #tpu.memory_space<vmem>>
    %dma_wait3A_180 = tpu.memref_squeeze %dma_wait3A_179 : memref<1x8xi32, #tpu.memory_space<vmem>> -> memref<8xi32, #tpu.memory_space<vmem>>
    %dma_wait3A_181 = arith.constant 0 : i32
    %dma_wait3A_182 = arith.constant 0 : i32
    %dma_wait3A_183 = tpu.memref_slice %arg2[%dma_wait3A_181, %dma_wait3A_182] : memref<12288x1024xf32, #tpu.memory_space<hbm>> -> memref<12288x1024xf32, #tpu.memory_space<hbm>>
    tpu.wait_indirect_dma semaphore(%arg14 : memref<!tpu.dma_semaphore, #tpu.memory_space<semaphore_mem>>) src(%dma_wait3A_183 : memref<12288x1024xf32, #tpu.memory_space<hbm>>) dst(%arg9 : memref<8x1024xf32, #tpu.memory_space<vmem>>)
    %dma_start3A_184 = arith.constant 1 : i32
    %dma_start3A_185 = arith.constant 0 : i32
    %dma_start3A_186 = tpu.memref_slice %arg5[%dma_start3A_184, %dma_start3A_185] : memref<32x8xi32, #tpu.memory_space<vmem>> -> memref<1x8xi32, #tpu.memory_space<vmem>>
    %dma_start3A_187 = tpu.memref_squeeze %dma_start3A_186 : memref<1x8xi32, #tpu.memory_space<vmem>> -> memref<8xi32, #tpu.memory_space<vmem>>
    %dma_start3A_188 = arith.constant 0 : i32
    %dma_start3A_189 = arith.constant 0 : i32
    %dma_start3A_190 = tpu.memref_slice %arg2[%dma_start3A_188, %dma_start3A_189] : memref<12288x1024xf32, #tpu.memory_space<hbm>> -> memref<12288x1024xf32, #tpu.memory_space<hbm>>
    tpu.enqueue_indirect_dma source(%dma_start3A_190 : memref<12288x1024xf32, #tpu.memory_space<hbm>>) target(%arg10 : memref<8x1024xf32, #tpu.memory_space<vmem>>) offsets(%dma_start3A_187 : memref<8xi32, #tpu.memory_space<vmem>>) semaphore(%arg15 : memref<!tpu.dma_semaphore, #tpu.memory_space<semaphore_mem>>)
    %dma_start3A_191 = arith.constant 9 : i32
    %dma_start3A_192 = arith.constant 0 : i32
    %dma_start3A_193 = tpu.memref_slice %arg5[%dma_start3A_191, %dma_start3A_192] : memref<32x8xi32, #tpu.memory_space<vmem>> -> memref<1x8xi32, #tpu.memory_space<vmem>>
    %dma_start3A_194 = tpu.memref_squeeze %dma_start3A_193 : memref<1x8xi32, #tpu.memory_space<vmem>> -> memref<8xi32, #tpu.memory_space<vmem>>
    %dma_start3A_195 = arith.constant 0 : i32
    %dma_start3A_196 = arith.constant 0 : i32
    %dma_start3A_197 = tpu.memref_slice %arg2[%dma_start3A_195, %dma_start3A_196] : memref<12288x1024xf32, #tpu.memory_space<hbm>> -> memref<12288x1024xf32, #tpu.memory_space<hbm>>
    tpu.enqueue_indirect_dma source(%dma_start3A_197 : memref<12288x1024xf32, #tpu.memory_space<hbm>>) target(%arg11 : memref<8x1024xf32, #tpu.memory_space<vmem>>) offsets(%dma_start3A_194 : memref<8xi32, #tpu.memory_space<vmem>>) semaphore(%arg15 : memref<!tpu.dma_semaphore, #tpu.memory_space<semaphore_mem>>)
    %dma_start3A_198 = arith.constant 17 : i32
    %dma_start3A_199 = arith.constant 0 : i32
    %dma_start3A_200 = tpu.memref_slice %arg5[%dma_start3A_198, %dma_start3A_199] : memref<32x8xi32, #tpu.memory_space<vmem>> -> memref<1x8xi32, #tpu.memory_space<vmem>>
    %dma_start3A_201 = tpu.memref_squeeze %dma_start3A_200 : memref<1x8xi32, #tpu.memory_space<vmem>> -> memref<8xi32, #tpu.memory_space<vmem>>
    %dma_start3A_202 = arith.constant 0 : i32
    %dma_start3A_203 = arith.constant 0 : i32
    %dma_start3A_204 = tpu.memref_slice %arg2[%dma_start3A_202, %dma_start3A_203] : memref<12288x1024xf32, #tpu.memory_space<hbm>> -> memref<12288x1024xf32, #tpu.memory_space<hbm>>
    tpu.enqueue_indirect_dma source(%dma_start3A_204 : memref<12288x1024xf32, #tpu.memory_space<hbm>>) target(%arg12 : memref<8x1024xf32, #tpu.memory_space<vmem>>) offsets(%dma_start3A_201 : memref<8xi32, #tpu.memory_space<vmem>>) semaphore(%arg15 : memref<!tpu.dma_semaphore, #tpu.memory_space<semaphore_mem>>)
    %dma_start3A_205 = arith.constant 25 : i32
    %dma_start3A_206 = arith.constant 0 : i32
    %dma_start3A_207 = tpu.memref_slice %arg5[%dma_start3A_205, %dma_start3A_206] : memref<32x8xi32, #tpu.memory_space<vmem>> -> memref<1x8xi32, #tpu.memory_space<vmem>>
    %dma_start3A_208 = tpu.memref_squeeze %dma_start3A_207 : memref<1x8xi32, #tpu.memory_space<vmem>> -> memref<8xi32, #tpu.memory_space<vmem>>
    %dma_start3A_209 = arith.constant 0 : i32
    %dma_start3A_210 = arith.constant 0 : i32
    %dma_start3A_211 = tpu.memref_slice %arg2[%dma_start3A_209, %dma_start3A_210] : memref<12288x1024xf32, #tpu.memory_space<hbm>> -> memref<12288x1024xf32, #tpu.memory_space<hbm>>
    tpu.enqueue_indirect_dma source(%dma_start3A_211 : memref<12288x1024xf32, #tpu.memory_space<hbm>>) target(%arg13 : memref<8x1024xf32, #tpu.memory_space<vmem>>) offsets(%dma_start3A_208 : memref<8xi32, #tpu.memory_space<vmem>>) semaphore(%arg15 : memref<!tpu.dma_semaphore, #tpu.memory_space<semaphore_mem>>)
    %parallel_loop3A = arith.constant 0 : i32
    %parallel_loop3A_212 = arith.constant 512 : i32
    %parallel_loop3A_213 = arith.constant 1 : i32
    scf.for %parallel_loop3A_695 = %parallel_loop3A to %parallel_loop3A_212 step %parallel_loop3A_213  : i32 {
      %parallel_loop3A_696 = arith.constant 64 : i32
      %parallel_loop3A_697 = arith.divsi %parallel_loop3A_695, %parallel_loop3A_696 : i32
      %parallel_loop3A_698 = arith.constant 0 : i32
      %parallel_loop3A_699 = arith.cmpi sgt, %parallel_loop3A_695, %parallel_loop3A_698 : i32
      %parallel_loop3A_700 = arith.extui %parallel_loop3A_699 : i1 to i32
      %parallel_loop3A_701 = arith.constant 0 : i32
      %parallel_loop3A_702 = arith.cmpi slt, %parallel_loop3A_695, %parallel_loop3A_701 : i32
      %parallel_loop3A_703 = arith.extui %parallel_loop3A_702 : i1 to i32
      %parallel_loop3A_704 = arith.subi %parallel_loop3A_700, %parallel_loop3A_703 : i32
      %parallel_loop3A_705 = arith.constant 0 : i32
      %parallel_loop3A_706 = arith.cmpi sgt, %parallel_loop3A_696, %parallel_loop3A_705 : i32
      %parallel_loop3A_707 = arith.extui %parallel_loop3A_706 : i1 to i32
      %parallel_loop3A_708 = arith.constant 0 : i32
      %parallel_loop3A_709 = arith.cmpi slt, %parallel_loop3A_696, %parallel_loop3A_708 : i32
      %parallel_loop3A_710 = arith.extui %parallel_loop3A_709 : i1 to i32
      %parallel_loop3A_711 = arith.subi %parallel_loop3A_707, %parallel_loop3A_710 : i32
      %parallel_loop3A_712 = arith.cmpi ne, %parallel_loop3A_704, %parallel_loop3A_711 : i32
      %parallel_loop3A_713 = arith.remsi %parallel_loop3A_695, %parallel_loop3A_696 : i32
      %parallel_loop3A_714 = arith.constant 0 : i32
      %parallel_loop3A_715 = arith.cmpi ne, %parallel_loop3A_713, %parallel_loop3A_714 : i32
      %parallel_loop3A_716 = arith.andi %parallel_loop3A_712, %parallel_loop3A_715 : i1
      %parallel_loop3A_717 = arith.constant 1 : i32
      %parallel_loop3A_718 = arith.subi %parallel_loop3A_697, %parallel_loop3A_717 : i32
      %parallel_loop3A_719 = arith.select %parallel_loop3A_716, %parallel_loop3A_718, %parallel_loop3A_697 : i32
      %parallel_loop3A_720 = arith.constant 64 : i32
      %parallel_loop3A_721 = arith.constant 0 : i32
      %parallel_loop3A_722 = arith.cmpi eq, %parallel_loop3A_720, %parallel_loop3A_721 : i32
      %parallel_loop3A_723 = arith.constant 1 : i32
      %parallel_loop3A_724 = arith.select %parallel_loop3A_722, %parallel_loop3A_723, %parallel_loop3A_720 : i32
      %parallel_loop3A_725 = arith.remsi %parallel_loop3A_695, %parallel_loop3A_724 : i32
      %parallel_loop3A_726 = arith.constant 0 : i32
      %parallel_loop3A_727 = arith.cmpi ne, %parallel_loop3A_725, %parallel_loop3A_726 : i32
      %parallel_loop3A_728 = arith.constant 0 : i32
      %parallel_loop3A_729 = arith.cmpi slt, %parallel_loop3A_725, %parallel_loop3A_728 : i32
      %parallel_loop3A_730 = arith.constant 0 : i32
      %parallel_loop3A_731 = arith.cmpi slt, %parallel_loop3A_724, %parallel_loop3A_730 : i32
      %parallel_loop3A_732 = arith.xori %parallel_loop3A_729, %parallel_loop3A_731 : i1
      %parallel_loop3A_733 = arith.andi %parallel_loop3A_732, %parallel_loop3A_727 : i1
      %parallel_loop3A_734 = arith.addi %parallel_loop3A_725, %parallel_loop3A_724 : i32
      %parallel_loop3A_735 = arith.select %parallel_loop3A_733, %parallel_loop3A_734, %parallel_loop3A_725 : i32
      %parallel_loop3A_736 = arith.constant 16 : i32
      %parallel_loop3A_737 = arith.muli %parallel_loop3A_735, %parallel_loop3A_736 : i32
      %parallel_loop3A_738 = arith.index_cast %parallel_loop3A_719 : i32 to index
      %parallel_loop3A_739 = arith.index_cast %parallel_loop3A_737 : i32 to index
      %parallel_loop3A_740 = tpu.vector_load %arg6[%parallel_loop3A_738, %parallel_loop3A_739] {strides = array<i32>} : memref<8x1024xf32, #tpu.memory_space<vmem>>, vector<1x16xf32>,
      %parallel_loop3A_741 = vector.shape_cast %parallel_loop3A_740 : vector<1x16xf32> to vector<16xf32>
      %parallel_loop3A_742 = arith.index_cast %parallel_loop3A_719 : i32 to index
      %parallel_loop3A_743 = arith.index_cast %parallel_loop3A_737 : i32 to index
      %parallel_loop3A_744 = tpu.vector_load %arg7[%parallel_loop3A_742, %parallel_loop3A_743] {strides = array<i32>} : memref<8x1024xf32, #tpu.memory_space<vmem>>, vector<1x16xf32>,
      %parallel_loop3A_745 = vector.shape_cast %parallel_loop3A_744 : vector<1x16xf32> to vector<16xf32>
      %parallel_loop3A_746 = arith.addf %parallel_loop3A_741, %parallel_loop3A_745 : vector<16xf32>
      %parallel_loop3A_747 = arith.index_cast %parallel_loop3A_719 : i32 to index
      %parallel_loop3A_748 = arith.index_cast %parallel_loop3A_737 : i32 to index
      %parallel_loop3A_749 = tpu.vector_load %arg8[%parallel_loop3A_747, %parallel_loop3A_748] {strides = array<i32>} : memref<8x1024xf32, #tpu.memory_space<vmem>>, vector<1x16xf32>,
      %parallel_loop3A_750 = vector.shape_cast %parallel_loop3A_749 : vector<1x16xf32> to vector<16xf32>
      %parallel_loop3A_751 = arith.addf %parallel_loop3A_746, %parallel_loop3A_750 : vector<16xf32>
      %parallel_loop3A_752 = arith.index_cast %parallel_loop3A_719 : i32 to index
      %parallel_loop3A_753 = arith.index_cast %parallel_loop3A_737 : i32 to index
      %parallel_loop3A_754 = tpu.vector_load %arg9[%parallel_loop3A_752, %parallel_loop3A_753] {strides = array<i32>} : memref<8x1024xf32, #tpu.memory_space<vmem>>, vector<1x16xf32>,
      %parallel_loop3A_755 = vector.shape_cast %parallel_loop3A_754 : vector<1x16xf32> to vector<16xf32>
      %parallel_loop3A_756 = arith.addf %parallel_loop3A_751, %parallel_loop3A_755 : vector<16xf32>
      %parallel_loop3A_757 = arith.index_cast %parallel_loop3A_719 : i32 to index
      %parallel_loop3A_758 = arith.index_cast %parallel_loop3A_737 : i32 to index
      %parallel_loop3A_759 = tpu.vector_load %arg6[%parallel_loop3A_757, %parallel_loop3A_758] {strides = array<i32>} : memref<8x1024xf32, #tpu.memory_space<vmem>>, vector<1x16xf32>,
      %parallel_loop3A_760 = vector.shape_cast %parallel_loop3A_759 : vector<1x16xf32> to vector<16xf32>
      %parallel_loop3A_761 = vector.shape_cast %parallel_loop3A_756 : vector<16xf32> to vector<1x16xf32>
      tpu.vector_store %arg6[%parallel_loop3A_757, %parallel_loop3A_758], %parallel_loop3A_761 {strides = array<i32>} : memref<8x1024xf32, #tpu.memory_space<vmem>>, vector<1x16xf32>,
    } {sc.loop_unroll_factor = 8 : i64, sc.parallel_access}
    %add3A_214 = arith.constant 0 : i32
    %add3A_215 = arith.addi %mul3A_2, %add3A_214 : i32
    %dma_start3A_216 = arith.constant 0 : i32
    %dma_start3A_217 = tpu.memref_slice %arg4[%add3A_215, %dma_start3A_216] : memref<2048x1024xf32, #tpu.memory_space<hbm>> -> memref<8x1024xf32, #tpu.memory_space<hbm>>
    %dma_start3A_218 = arith.constant 0 : i32
    %dma_start3A_219 = tpu.memref_slice %arg4[%add3A_215, %dma_start3A_218] : memref<2048x1024xf32, #tpu.memory_space<hbm>> -> memref<8x1024xf32, #tpu.memory_space<hbm>>
    tpu.enqueue_dma source(%arg6 : memref<8x1024xf32, #tpu.memory_space<vmem>>) target(%dma_start3A_219 : memref<8x1024xf32, #tpu.memory_space<hbm>>) target_semaphore(%arg16 : memref<!tpu.dma_semaphore, #tpu.memory_space<semaphore_mem>>)
    %dma_wait3A_220 = arith.constant 1 : i32
    %dma_wait3A_221 = arith.constant 0 : i32
    %dma_wait3A_222 = tpu.memref_slice %arg5[%dma_wait3A_220, %dma_wait3A_221] : memref<32x8xi32, #tpu.memory_space<vmem>> -> memref<1x8xi32, #tpu.memory_space<vmem>>
    %dma_wait3A_223 = tpu.memref_squeeze %dma_wait3A_222 : memref<1x8xi32, #tpu.memory_space<vmem>> -> memref<8xi32, #tpu.memory_space<vmem>>
    %dma_wait3A_224 = arith.constant 0 : i32
    %dma_wait3A_225 = arith.constant 0 : i32
    %dma_wait3A_226 = tpu.memref_slice %arg2[%dma_wait3A_224, %dma_wait3A_225] : memref<12288x1024xf32, #tpu.memory_space<hbm>> -> memref<12288x1024xf32, #tpu.memory_space<hbm>>
    tpu.wait_indirect_dma semaphore(%arg15 : memref<!tpu.dma_semaphore, #tpu.memory_space<semaphore_mem>>) src(%dma_wait3A_226 : memref<12288x1024xf32, #tpu.memory_space<hbm>>) dst(%arg10 : memref<8x1024xf32, #tpu.memory_space<vmem>>)
    %dma_wait3A_227 = arith.constant 9 : i32
    %dma_wait3A_228 = arith.constant 0 : i32
    %dma_wait3A_229 = tpu.memref_slice %arg5[%dma_wait3A_227, %dma_wait3A_228] : memref<32x8xi32, #tpu.memory_space<vmem>> -> memref<1x8xi32, #tpu.memory_space<vmem>>
    %dma_wait3A_230 = tpu.memref_squeeze %dma_wait3A_229 : memref<1x8xi32, #tpu.memory_space<vmem>> -> memref<8xi32, #tpu.memory_space<vmem>>
    %dma_wait3A_231 = arith.constant 0 : i32
    %dma_wait3A_232 = arith.constant 0 : i32
    %dma_wait3A_233 = tpu.memref_slice %arg2[%dma_wait3A_231, %dma_wait3A_232] : memref<12288x1024xf32, #tpu.memory_space<hbm>> -> memref<12288x1024xf32, #tpu.memory_space<hbm>>
    tpu.wait_indirect_dma semaphore(%arg15 : memref<!tpu.dma_semaphore, #tpu.memory_space<semaphore_mem>>) src(%dma_wait3A_233 : memref<12288x1024xf32, #tpu.memory_space<hbm>>) dst(%arg11 : memref<8x1024xf32, #tpu.memory_space<vmem>>)
    %dma_wait3A_234 = arith.constant 17 : i32
    %dma_wait3A_235 = arith.constant 0 : i32
    %dma_wait3A_236 = tpu.memref_slice %arg5[%dma_wait3A_234, %dma_wait3A_235] : memref<32x8xi32, #tpu.memory_space<vmem>> -> memref<1x8xi32, #tpu.memory_space<vmem>>
    %dma_wait3A_237 = tpu.memref_squeeze %dma_wait3A_236 : memref<1x8xi32, #tpu.memory_space<vmem>> -> memref<8xi32, #tpu.memory_space<vmem>>
    %dma_wait3A_238 = arith.constant 0 : i32
    %dma_wait3A_239 = arith.constant 0 : i32
    %dma_wait3A_240 = tpu.memref_slice %arg2[%dma_wait3A_238, %dma_wait3A_239] : memref<12288x1024xf32, #tpu.memory_space<hbm>> -> memref<12288x1024xf32, #tpu.memory_space<hbm>>
    tpu.wait_indirect_dma semaphore(%arg15 : memref<!tpu.dma_semaphore, #tpu.memory_space<semaphore_mem>>) src(%dma_wait3A_240 : memref<12288x1024xf32, #tpu.memory_space<hbm>>) dst(%arg12 : memref<8x1024xf32, #tpu.memory_space<vmem>>)
    %dma_wait3A_241 = arith.constant 25 : i32
    %dma_wait3A_242 = arith.constant 0 : i32
    %dma_wait3A_243 = tpu.memref_slice %arg5[%dma_wait3A_241, %dma_wait3A_242] : memref<32x8xi32, #tpu.memory_space<vmem>> -> memref<1x8xi32, #tpu.memory_space<vmem>>
    %dma_wait3A_244 = tpu.memref_squeeze %dma_wait3A_243 : memref<1x8xi32, #tpu.memory_space<vmem>> -> memref<8xi32, #tpu.memory_space<vmem>>
    %dma_wait3A_245 = arith.constant 0 : i32
    %dma_wait3A_246 = arith.constant 0 : i32
    %dma_wait3A_247 = tpu.memref_slice %arg2[%dma_wait3A_245, %dma_wait3A_246] : memref<12288x1024xf32, #tpu.memory_space<hbm>> -> memref<12288x1024xf32, #tpu.memory_space<hbm>>
    tpu.wait_indirect_dma semaphore(%arg15 : memref<!tpu.dma_semaphore, #tpu.memory_space<semaphore_mem>>) src(%dma_wait3A_247 : memref<12288x1024xf32, #tpu.memory_space<hbm>>) dst(%arg13 : memref<8x1024xf32, #tpu.memory_space<vmem>>)
    %add3A_248 = arith.constant 0 : i32
    %add3A_249 = arith.addi %mul3A_2, %add3A_248 : i32
    %dma_wait3A_250 = arith.constant 0 : i32
    %dma_wait3A_251 = tpu.memref_slice %arg4[%add3A_249, %dma_wait3A_250] : memref<2048x1024xf32, #tpu.memory_space<hbm>> -> memref<8x1024xf32, #tpu.memory_space<hbm>>
    %dma_wait3A_252 = arith.constant 0 : i32
    %dma_wait3A_253 = tpu.memref_slice %arg4[%add3A_249, %dma_wait3A_252] : memref<2048x1024xf32, #tpu.memory_space<hbm>> -> memref<8x1024xf32, #tpu.memory_space<hbm>>
    tpu.wait_dma2 semaphore(%arg16 : memref<!tpu.dma_semaphore, #tpu.memory_space<semaphore_mem>>) src(%arg6 : memref<8x1024xf32, #tpu.memory_space<vmem>>) dst(%dma_wait3A_253 : memref<8x1024xf32, #tpu.memory_space<hbm>>)
    %dma_start3A_254 = arith.constant 2 : i32
    %dma_start3A_255 = arith.constant 0 : i32
    %dma_start3A_256 = tpu.memref_slice %arg5[%dma_start3A_254, %dma_start3A_255] : memref<32x8xi32, #tpu.memory_space<vmem>> -> memref<1x8xi32, #tpu.memory_space<vmem>>
    %dma_start3A_257 = tpu.memref_squeeze %dma_start3A_256 : memref<1x8xi32, #tpu.memory_space<vmem>> -> memref<8xi32, #tpu.memory_space<vmem>>
    %dma_start3A_258 = arith.constant 0 : i32
    %dma_start3A_259 = arith.constant 0 : i32
    %dma_start3A_260 = tpu.memref_slice %arg2[%dma_start3A_258, %dma_start3A_259] : memref<12288x1024xf32, #tpu.memory_space<hbm>> -> memref<12288x1024xf32, #tpu.memory_space<hbm>>
    tpu.enqueue_indirect_dma source(%dma_start3A_260 : memref<12288x1024xf32, #tpu.memory_space<hbm>>) target(%arg6 : memref<8x1024xf32, #tpu.memory_space<vmem>>) offsets(%dma_start3A_257 : memref<8xi32, #tpu.memory_space<vmem>>) semaphore(%arg14 : memref<!tpu.dma_semaphore, #tpu.memory_space<semaphore_mem>>)
    %dma_start3A_261 = arith.constant 10 : i32
    %dma_start3A_262 = arith.constant 0 : i32
    %dma_start3A_263 = tpu.memref_slice %arg5[%dma_start3A_261, %dma_start3A_262] : memref<32x8xi32, #tpu.memory_space<vmem>> -> memref<1x8xi32, #tpu.memory_space<vmem>>
    %dma_start3A_264 = tpu.memref_squeeze %dma_start3A_263 : memref<1x8xi32, #tpu.memory_space<vmem>> -> memref<8xi32, #tpu.memory_space<vmem>>
    %dma_start3A_265 = arith.constant 0 : i32
    %dma_start3A_266 = arith.constant 0 : i32
    %dma_start3A_267 = tpu.memref_slice %arg2[%dma_start3A_265, %dma_start3A_266] : memref<12288x1024xf32, #tpu.memory_space<hbm>> -> memref<12288x1024xf32, #tpu.memory_space<hbm>>
    tpu.enqueue_indirect_dma source(%dma_start3A_267 : memref<12288x1024xf32, #tpu.memory_space<hbm>>) target(%arg7 : memref<8x1024xf32, #tpu.memory_space<vmem>>) offsets(%dma_start3A_264 : memref<8xi32, #tpu.memory_space<vmem>>) semaphore(%arg14 : memref<!tpu.dma_semaphore, #tpu.memory_space<semaphore_mem>>)
    %dma_start3A_268 = arith.constant 18 : i32
    %dma_start3A_269 = arith.constant 0 : i32
    %dma_start3A_270 = tpu.memref_slice %arg5[%dma_start3A_268, %dma_start3A_269] : memref<32x8xi32, #tpu.memory_space<vmem>> -> memref<1x8xi32, #tpu.memory_space<vmem>>
    %dma_start3A_271 = tpu.memref_squeeze %dma_start3A_270 : memref<1x8xi32, #tpu.memory_space<vmem>> -> memref<8xi32, #tpu.memory_space<vmem>>
    %dma_start3A_272 = arith.constant 0 : i32
    %dma_start3A_273 = arith.constant 0 : i32
    %dma_start3A_274 = tpu.memref_slice %arg2[%dma_start3A_272, %dma_start3A_273] : memref<12288x1024xf32, #tpu.memory_space<hbm>> -> memref<12288x1024xf32, #tpu.memory_space<hbm>>
    tpu.enqueue_indirect_dma source(%dma_start3A_274 : memref<12288x1024xf32, #tpu.memory_space<hbm>>) target(%arg8 : memref<8x1024xf32, #tpu.memory_space<vmem>>) offsets(%dma_start3A_271 : memref<8xi32, #tpu.memory_space<vmem>>) semaphore(%arg14 : memref<!tpu.dma_semaphore, #tpu.memory_space<semaphore_mem>>)
    %dma_start3A_275 = arith.constant 26 : i32
    %dma_start3A_276 = arith.constant 0 : i32
    %dma_start3A_277 = tpu.memref_slice %arg5[%dma_start3A_275, %dma_start3A_276] : memref<32x8xi32, #tpu.memory_space<vmem>> -> memref<1x8xi32, #tpu.memory_space<vmem>>
    %dma_start3A_278 = tpu.memref_squeeze %dma_start3A_277 : memref<1x8xi32, #tpu.memory_space<vmem>> -> memref<8xi32, #tpu.memory_space<vmem>>
    %dma_start3A_279 = arith.constant 0 : i32
    %dma_start3A_280 = arith.constant 0 : i32
    %dma_start3A_281 = tpu.memref_slice %arg2[%dma_start3A_279, %dma_start3A_280] : memref<12288x1024xf32, #tpu.memory_space<hbm>> -> memref<12288x1024xf32, #tpu.memory_space<hbm>>
    tpu.enqueue_indirect_dma source(%dma_start3A_281 : memref<12288x1024xf32, #tpu.memory_space<hbm>>) target(%arg9 : memref<8x1024xf32, #tpu.memory_space<vmem>>) offsets(%dma_start3A_278 : memref<8xi32, #tpu.memory_space<vmem>>) semaphore(%arg14 : memref<!tpu.dma_semaphore, #tpu.memory_space<semaphore_mem>>)
    %parallel_loop3A_282 = arith.constant 0 : i32
    %parallel_loop3A_283 = arith.constant 512 : i32
    %parallel_loop3A_284 = arith.constant 1 : i32
    scf.for %parallel_loop3A_695 = %parallel_loop3A_282 to %parallel_loop3A_283 step %parallel_loop3A_284  : i32 {
      %parallel_loop3A_696 = arith.constant 64 : i32
      %parallel_loop3A_697 = arith.divsi %parallel_loop3A_695, %parallel_loop3A_696 : i32
      %parallel_loop3A_698 = arith.constant 0 : i32
      %parallel_loop3A_699 = arith.cmpi sgt, %parallel_loop3A_695, %parallel_loop3A_698 : i32
      %parallel_loop3A_700 = arith.extui %parallel_loop3A_699 : i1 to i32
      %parallel_loop3A_701 = arith.constant 0 : i32
      %parallel_loop3A_702 = arith.cmpi slt, %parallel_loop3A_695, %parallel_loop3A_701 : i32
      %parallel_loop3A_703 = arith.extui %parallel_loop3A_702 : i1 to i32
      %parallel_loop3A_704 = arith.subi %parallel_loop3A_700, %parallel_loop3A_703 : i32
      %parallel_loop3A_705 = arith.constant 0 : i32
      %parallel_loop3A_706 = arith.cmpi sgt, %parallel_loop3A_696, %parallel_loop3A_705 : i32
      %parallel_loop3A_707 = arith.extui %parallel_loop3A_706 : i1 to i32
      %parallel_loop3A_708 = arith.constant 0 : i32
      %parallel_loop3A_709 = arith.cmpi slt, %parallel_loop3A_696, %parallel_loop3A_708 : i32
      %parallel_loop3A_710 = arith.extui %parallel_loop3A_709 : i1 to i32
      %parallel_loop3A_711 = arith.subi %parallel_loop3A_707, %parallel_loop3A_710 : i32
      %parallel_loop3A_712 = arith.cmpi ne, %parallel_loop3A_704, %parallel_loop3A_711 : i32
      %parallel_loop3A_713 = arith.remsi %parallel_loop3A_695, %parallel_loop3A_696 : i32
      %parallel_loop3A_714 = arith.constant 0 : i32
      %parallel_loop3A_715 = arith.cmpi ne, %parallel_loop3A_713, %parallel_loop3A_714 : i32
      %parallel_loop3A_716 = arith.andi %parallel_loop3A_712, %parallel_loop3A_715 : i1
      %parallel_loop3A_717 = arith.constant 1 : i32
      %parallel_loop3A_718 = arith.subi %parallel_loop3A_697, %parallel_loop3A_717 : i32
      %parallel_loop3A_719 = arith.select %parallel_loop3A_716, %parallel_loop3A_718, %parallel_loop3A_697 : i32
      %parallel_loop3A_720 = arith.constant 64 : i32
      %parallel_loop3A_721 = arith.constant 0 : i32
      %parallel_loop3A_722 = arith.cmpi eq, %parallel_loop3A_720, %parallel_loop3A_721 : i32
      %parallel_loop3A_723 = arith.constant 1 : i32
      %parallel_loop3A_724 = arith.select %parallel_loop3A_722, %parallel_loop3A_723, %parallel_loop3A_720 : i32
      %parallel_loop3A_725 = arith.remsi %parallel_loop3A_695, %parallel_loop3A_724 : i32
      %parallel_loop3A_726 = arith.constant 0 : i32
      %parallel_loop3A_727 = arith.cmpi ne, %parallel_loop3A_725, %parallel_loop3A_726 : i32
      %parallel_loop3A_728 = arith.constant 0 : i32
      %parallel_loop3A_729 = arith.cmpi slt, %parallel_loop3A_725, %parallel_loop3A_728 : i32
      %parallel_loop3A_730 = arith.constant 0 : i32
      %parallel_loop3A_731 = arith.cmpi slt, %parallel_loop3A_724, %parallel_loop3A_730 : i32
      %parallel_loop3A_732 = arith.xori %parallel_loop3A_729, %parallel_loop3A_731 : i1
      %parallel_loop3A_733 = arith.andi %parallel_loop3A_732, %parallel_loop3A_727 : i1
      %parallel_loop3A_734 = arith.addi %parallel_loop3A_725, %parallel_loop3A_724 : i32
      %parallel_loop3A_735 = arith.select %parallel_loop3A_733, %parallel_loop3A_734, %parallel_loop3A_725 : i32
      %parallel_loop3A_736 = arith.constant 16 : i32
      %parallel_loop3A_737 = arith.muli %parallel_loop3A_735, %parallel_loop3A_736 : i32
      %parallel_loop3A_738 = arith.index_cast %parallel_loop3A_719 : i32 to index
      %parallel_loop3A_739 = arith.index_cast %parallel_loop3A_737 : i32 to index
      %parallel_loop3A_740 = tpu.vector_load %arg10[%parallel_loop3A_738, %parallel_loop3A_739] {strides = array<i32>} : memref<8x1024xf32, #tpu.memory_space<vmem>>, vector<1x16xf32>,
      %parallel_loop3A_741 = vector.shape_cast %parallel_loop3A_740 : vector<1x16xf32> to vector<16xf32>
      %parallel_loop3A_742 = arith.index_cast %parallel_loop3A_719 : i32 to index
      %parallel_loop3A_743 = arith.index_cast %parallel_loop3A_737 : i32 to index
      %parallel_loop3A_744 = tpu.vector_load %arg11[%parallel_loop3A_742, %parallel_loop3A_743] {strides = array<i32>} : memref<8x1024xf32, #tpu.memory_space<vmem>>, vector<1x16xf32>,
      %parallel_loop3A_745 = vector.shape_cast %parallel_loop3A_744 : vector<1x16xf32> to vector<16xf32>
      %parallel_loop3A_746 = arith.addf %parallel_loop3A_741, %parallel_loop3A_745 : vector<16xf32>
      %parallel_loop3A_747 = arith.index_cast %parallel_loop3A_719 : i32 to index
      %parallel_loop3A_748 = arith.index_cast %parallel_loop3A_737 : i32 to index
      %parallel_loop3A_749 = tpu.vector_load %arg12[%parallel_loop3A_747, %parallel_loop3A_748] {strides = array<i32>} : memref<8x1024xf32, #tpu.memory_space<vmem>>, vector<1x16xf32>,
      %parallel_loop3A_750 = vector.shape_cast %parallel_loop3A_749 : vector<1x16xf32> to vector<16xf32>
      %parallel_loop3A_751 = arith.addf %parallel_loop3A_746, %parallel_loop3A_750 : vector<16xf32>
      %parallel_loop3A_752 = arith.index_cast %parallel_loop3A_719 : i32 to index
      %parallel_loop3A_753 = arith.index_cast %parallel_loop3A_737 : i32 to index
      %parallel_loop3A_754 = tpu.vector_load %arg13[%parallel_loop3A_752, %parallel_loop3A_753] {strides = array<i32>} : memref<8x1024xf32, #tpu.memory_space<vmem>>, vector<1x16xf32>,
      %parallel_loop3A_755 = vector.shape_cast %parallel_loop3A_754 : vector<1x16xf32> to vector<16xf32>
      %parallel_loop3A_756 = arith.addf %parallel_loop3A_751, %parallel_loop3A_755 : vector<16xf32>
      %parallel_loop3A_757 = arith.index_cast %parallel_loop3A_719 : i32 to index
      %parallel_loop3A_758 = arith.index_cast %parallel_loop3A_737 : i32 to index
      %parallel_loop3A_759 = tpu.vector_load %arg10[%parallel_loop3A_757, %parallel_loop3A_758] {strides = array<i32>} : memref<8x1024xf32, #tpu.memory_space<vmem>>, vector<1x16xf32>,
      %parallel_loop3A_760 = vector.shape_cast %parallel_loop3A_759 : vector<1x16xf32> to vector<16xf32>
      %parallel_loop3A_761 = vector.shape_cast %parallel_loop3A_756 : vector<16xf32> to vector<1x16xf32>
      tpu.vector_store %arg10[%parallel_loop3A_757, %parallel_loop3A_758], %parallel_loop3A_761 {strides = array<i32>} : memref<8x1024xf32, #tpu.memory_space<vmem>>, vector<1x16xf32>,
    } {sc.loop_unroll_factor = 8 : i64, sc.parallel_access}
    %add3A_285 = arith.constant 8 : i32
    %add3A_286 = arith.addi %mul3A_2, %add3A_285 : i32
    %dma_start3A_287 = arith.constant 0 : i32
    %dma_start3A_288 = tpu.memref_slice %arg4[%add3A_286, %dma_start3A_287] : memref<2048x1024xf32, #tpu.memory_space<hbm>> -> memref<8x1024xf32, #tpu.memory_space<hbm>>
    %dma_start3A_289 = arith.constant 0 : i32
    %dma_start3A_290 = tpu.memref_slice %arg4[%add3A_286, %dma_start3A_289] : memref<2048x1024xf32, #tpu.memory_space<hbm>> -> memref<8x1024xf32, #tpu.memory_space<hbm>>
    tpu.enqueue_dma source(%arg10 : memref<8x1024xf32, #tpu.memory_space<vmem>>) target(%dma_start3A_290 : memref<8x1024xf32, #tpu.memory_space<hbm>>) target_semaphore(%arg17 : memref<!tpu.dma_semaphore, #tpu.memory_space<semaphore_mem>>)
    %dma_wait3A_291 = arith.constant 2 : i32
    %dma_wait3A_292 = arith.constant 0 : i32
    %dma_wait3A_293 = tpu.memref_slice %arg5[%dma_wait3A_291, %dma_wait3A_292] : memref<32x8xi32, #tpu.memory_space<vmem>> -> memref<1x8xi32, #tpu.memory_space<vmem>>
    %dma_wait3A_294 = tpu.memref_squeeze %dma_wait3A_293 : memref<1x8xi32, #tpu.memory_space<vmem>> -> memref<8xi32, #tpu.memory_space<vmem>>
    %dma_wait3A_295 = arith.constant 0 : i32
    %dma_wait3A_296 = arith.constant 0 : i32
    %dma_wait3A_297 = tpu.memref_slice %arg2[%dma_wait3A_295, %dma_wait3A_296] : memref<12288x1024xf32, #tpu.memory_space<hbm>> -> memref<12288x1024xf32, #tpu.memory_space<hbm>>
    tpu.wait_indirect_dma semaphore(%arg14 : memref<!tpu.dma_semaphore, #tpu.memory_space<semaphore_mem>>) src(%dma_wait3A_297 : memref<12288x1024xf32, #tpu.memory_space<hbm>>) dst(%arg6 : memref<8x1024xf32, #tpu.memory_space<vmem>>)
    %dma_wait3A_298 = arith.constant 10 : i32
    %dma_wait3A_299 = arith.constant 0 : i32
    %dma_wait3A_300 = tpu.memref_slice %arg5[%dma_wait3A_298, %dma_wait3A_299] : memref<32x8xi32, #tpu.memory_space<vmem>> -> memref<1x8xi32, #tpu.memory_space<vmem>>
    %dma_wait3A_301 = tpu.memref_squeeze %dma_wait3A_300 : memref<1x8xi32, #tpu.memory_space<vmem>> -> memref<8xi32, #tpu.memory_space<vmem>>
    %dma_wait3A_302 = arith.constant 0 : i32
    %dma_wait3A_303 = arith.constant 0 : i32
    %dma_wait3A_304 = tpu.memref_slice %arg2[%dma_wait3A_302, %dma_wait3A_303] : memref<12288x1024xf32, #tpu.memory_space<hbm>> -> memref<12288x1024xf32, #tpu.memory_space<hbm>>
    tpu.wait_indirect_dma semaphore(%arg14 : memref<!tpu.dma_semaphore, #tpu.memory_space<semaphore_mem>>) src(%dma_wait3A_304 : memref<12288x1024xf32, #tpu.memory_space<hbm>>) dst(%arg7 : memref<8x1024xf32, #tpu.memory_space<vmem>>)
    %dma_wait3A_305 = arith.constant 18 : i32
    %dma_wait3A_306 = arith.constant 0 : i32
    %dma_wait3A_307 = tpu.memref_slice %arg5[%dma_wait3A_305, %dma_wait3A_306] : memref<32x8xi32, #tpu.memory_space<vmem>> -> memref<1x8xi32, #tpu.memory_space<vmem>>
    %dma_wait3A_308 = tpu.memref_squeeze %dma_wait3A_307 : memref<1x8xi32, #tpu.memory_space<vmem>> -> memref<8xi32, #tpu.memory_space<vmem>>
    %dma_wait3A_309 = arith.constant 0 : i32
    %dma_wait3A_310 = arith.constant 0 : i32
    %dma_wait3A_311 = tpu.memref_slice %arg2[%dma_wait3A_309, %dma_wait3A_310] : memref<12288x1024xf32, #tpu.memory_space<hbm>> -> memref<12288x1024xf32, #tpu.memory_space<hbm>>
    tpu.wait_indirect_dma semaphore(%arg14 : memref<!tpu.dma_semaphore, #tpu.memory_space<semaphore_mem>>) src(%dma_wait3A_311 : memref<12288x1024xf32, #tpu.memory_space<hbm>>) dst(%arg8 : memref<8x1024xf32, #tpu.memory_space<vmem>>)
    %dma_wait3A_312 = arith.constant 26 : i32
    %dma_wait3A_313 = arith.constant 0 : i32
    %dma_wait3A_314 = tpu.memref_slice %arg5[%dma_wait3A_312, %dma_wait3A_313] : memref<32x8xi32, #tpu.memory_space<vmem>> -> memref<1x8xi32, #tpu.memory_space<vmem>>
    %dma_wait3A_315 = tpu.memref_squeeze %dma_wait3A_314 : memref<1x8xi32, #tpu.memory_space<vmem>> -> memref<8xi32, #tpu.memory_space<vmem>>
    %dma_wait3A_316 = arith.constant 0 : i32
    %dma_wait3A_317 = arith.constant 0 : i32
    %dma_wait3A_318 = tpu.memref_slice %arg2[%dma_wait3A_316, %dma_wait3A_317] : memref<12288x1024xf32, #tpu.memory_space<hbm>> -> memref<12288x1024xf32, #tpu.memory_space<hbm>>
    tpu.wait_indirect_dma semaphore(%arg14 : memref<!tpu.dma_semaphore, #tpu.memory_space<semaphore_mem>>) src(%dma_wait3A_318 : memref<12288x1024xf32, #tpu.memory_space<hbm>>) dst(%arg9 : memref<8x1024xf32, #tpu.memory_space<vmem>>)
    %add3A_319 = arith.constant 8 : i32
    %add3A_320 = arith.addi %mul3A_2, %add3A_319 : i32
    %dma_wait3A_321 = arith.constant 0 : i32
    %dma_wait3A_322 = tpu.memref_slice %arg4[%add3A_320, %dma_wait3A_321] : memref<2048x1024xf32, #tpu.memory_space<hbm>> -> memref<8x1024xf32, #tpu.memory_space<hbm>>
    %dma_wait3A_323 = arith.constant 0 : i32
    %dma_wait3A_324 = tpu.memref_slice %arg4[%add3A_320, %dma_wait3A_323] : memref<2048x1024xf32, #tpu.memory_space<hbm>> -> memref<8x1024xf32, #tpu.memory_space<hbm>>
    tpu.wait_dma2 semaphore(%arg17 : memref<!tpu.dma_semaphore, #tpu.memory_space<semaphore_mem>>) src(%arg10 : memref<8x1024xf32, #tpu.memory_space<vmem>>) dst(%dma_wait3A_324 : memref<8x1024xf32, #tpu.memory_space<hbm>>)
    %dma_start3A_325 = arith.constant 3 : i32
    %dma_start3A_326 = arith.constant 0 : i32
    %dma_start3A_327 = tpu.memref_slice %arg5[%dma_start3A_325, %dma_start3A_326] : memref<32x8xi32, #tpu.memory_space<vmem>> -> memref<1x8xi32, #tpu.memory_space<vmem>>
    %dma_start3A_328 = tpu.memref_squeeze %dma_start3A_327 : memref<1x8xi32, #tpu.memory_space<vmem>> -> memref<8xi32, #tpu.memory_space<vmem>>
    %dma_start3A_329 = arith.constant 0 : i32
    %dma_start3A_330 = arith.constant 0 : i32
    %dma_start3A_331 = tpu.memref_slice %arg2[%dma_start3A_329, %dma_start3A_330] : memref<12288x1024xf32, #tpu.memory_space<hbm>> -> memref<12288x1024xf32, #tpu.memory_space<hbm>>
    tpu.enqueue_indirect_dma source(%dma_start3A_331 : memref<12288x1024xf32, #tpu.memory_space<hbm>>) target(%arg10 : memref<8x1024xf32, #tpu.memory_space<vmem>>) offsets(%dma_start3A_328 : memref<8xi32, #tpu.memory_space<vmem>>) semaphore(%arg15 : memref<!tpu.dma_semaphore, #tpu.memory_space<semaphore_mem>>)
    %dma_start3A_332 = arith.constant 11 : i32
    %dma_start3A_333 = arith.constant 0 : i32
    %dma_start3A_334 = tpu.memref_slice %arg5[%dma_start3A_332, %dma_start3A_333] : memref<32x8xi32, #tpu.memory_space<vmem>> -> memref<1x8xi32, #tpu.memory_space<vmem>>
    %dma_start3A_335 = tpu.memref_squeeze %dma_start3A_334 : memref<1x8xi32, #tpu.memory_space<vmem>> -> memref<8xi32, #tpu.memory_space<vmem>>
    %dma_start3A_336 = arith.constant 0 : i32
    %dma_start3A_337 = arith.constant 0 : i32
    %dma_start3A_338 = tpu.memref_slice %arg2[%dma_start3A_336, %dma_start3A_337] : memref<12288x1024xf32, #tpu.memory_space<hbm>> -> memref<12288x1024xf32, #tpu.memory_space<hbm>>
    tpu.enqueue_indirect_dma source(%dma_start3A_338 : memref<12288x1024xf32, #tpu.memory_space<hbm>>) target(%arg11 : memref<8x1024xf32, #tpu.memory_space<vmem>>) offsets(%dma_start3A_335 : memref<8xi32, #tpu.memory_space<vmem>>) semaphore(%arg15 : memref<!tpu.dma_semaphore, #tpu.memory_space<semaphore_mem>>)
    %dma_start3A_339 = arith.constant 19 : i32
    %dma_start3A_340 = arith.constant 0 : i32
    %dma_start3A_341 = tpu.memref_slice %arg5[%dma_start3A_339, %dma_start3A_340] : memref<32x8xi32, #tpu.memory_space<vmem>> -> memref<1x8xi32, #tpu.memory_space<vmem>>
    %dma_start3A_342 = tpu.memref_squeeze %dma_start3A_341 : memref<1x8xi32, #tpu.memory_space<vmem>> -> memref<8xi32, #tpu.memory_space<vmem>>
    %dma_start3A_343 = arith.constant 0 : i32
    %dma_start3A_344 = arith.constant 0 : i32
    %dma_start3A_345 = tpu.memref_slice %arg2[%dma_start3A_343, %dma_start3A_344] : memref<12288x1024xf32, #tpu.memory_space<hbm>> -> memref<12288x1024xf32, #tpu.memory_space<hbm>>
    tpu.enqueue_indirect_dma source(%dma_start3A_345 : memref<12288x1024xf32, #tpu.memory_space<hbm>>) target(%arg12 : memref<8x1024xf32, #tpu.memory_space<vmem>>) offsets(%dma_start3A_342 : memref<8xi32, #tpu.memory_space<vmem>>) semaphore(%arg15 : memref<!tpu.dma_semaphore, #tpu.memory_space<semaphore_mem>>)
    %dma_start3A_346 = arith.constant 27 : i32
    %dma_start3A_347 = arith.constant 0 : i32
    %dma_start3A_348 = tpu.memref_slice %arg5[%dma_start3A_346, %dma_start3A_347] : memref<32x8xi32, #tpu.memory_space<vmem>> -> memref<1x8xi32, #tpu.memory_space<vmem>>
    %dma_start3A_349 = tpu.memref_squeeze %dma_start3A_348 : memref<1x8xi32, #tpu.memory_space<vmem>> -> memref<8xi32, #tpu.memory_space<vmem>>
    %dma_start3A_350 = arith.constant 0 : i32
    %dma_start3A_351 = arith.constant 0 : i32
    %dma_start3A_352 = tpu.memref_slice %arg2[%dma_start3A_350, %dma_start3A_351] : memref<12288x1024xf32, #tpu.memory_space<hbm>> -> memref<12288x1024xf32, #tpu.memory_space<hbm>>
    tpu.enqueue_indirect_dma source(%dma_start3A_352 : memref<12288x1024xf32, #tpu.memory_space<hbm>>) target(%arg13 : memref<8x1024xf32, #tpu.memory_space<vmem>>) offsets(%dma_start3A_349 : memref<8xi32, #tpu.memory_space<vmem>>) semaphore(%arg15 : memref<!tpu.dma_semaphore, #tpu.memory_space<semaphore_mem>>)
    %parallel_loop3A_353 = arith.constant 0 : i32
    %parallel_loop3A_354 = arith.constant 512 : i32
    %parallel_loop3A_355 = arith.constant 1 : i32
    scf.for %parallel_loop3A_695 = %parallel_loop3A_353 to %parallel_loop3A_354 step %parallel_loop3A_355  : i32 {
      %parallel_loop3A_696 = arith.constant 64 : i32
      %parallel_loop3A_697 = arith.divsi %parallel_loop3A_695, %parallel_loop3A_696 : i32
      %parallel_loop3A_698 = arith.constant 0 : i32
      %parallel_loop3A_699 = arith.cmpi sgt, %parallel_loop3A_695, %parallel_loop3A_698 : i32
      %parallel_loop3A_700 = arith.extui %parallel_loop3A_699 : i1 to i32
      %parallel_loop3A_701 = arith.constant 0 : i32
      %parallel_loop3A_702 = arith.cmpi slt, %parallel_loop3A_695, %parallel_loop3A_701 : i32
      %parallel_loop3A_703 = arith.extui %parallel_loop3A_702 : i1 to i32
      %parallel_loop3A_704 = arith.subi %parallel_loop3A_700, %parallel_loop3A_703 : i32
      %parallel_loop3A_705 = arith.constant 0 : i32
      %parallel_loop3A_706 = arith.cmpi sgt, %parallel_loop3A_696, %parallel_loop3A_705 : i32
      %parallel_loop3A_707 = arith.extui %parallel_loop3A_706 : i1 to i32
      %parallel_loop3A_708 = arith.constant 0 : i32
      %parallel_loop3A_709 = arith.cmpi slt, %parallel_loop3A_696, %parallel_loop3A_708 : i32
      %parallel_loop3A_710 = arith.extui %parallel_loop3A_709 : i1 to i32
      %parallel_loop3A_711 = arith.subi %parallel_loop3A_707, %parallel_loop3A_710 : i32
      %parallel_loop3A_712 = arith.cmpi ne, %parallel_loop3A_704, %parallel_loop3A_711 : i32
      %parallel_loop3A_713 = arith.remsi %parallel_loop3A_695, %parallel_loop3A_696 : i32
      %parallel_loop3A_714 = arith.constant 0 : i32
      %parallel_loop3A_715 = arith.cmpi ne, %parallel_loop3A_713, %parallel_loop3A_714 : i32
      %parallel_loop3A_716 = arith.andi %parallel_loop3A_712, %parallel_loop3A_715 : i1
      %parallel_loop3A_717 = arith.constant 1 : i32
      %parallel_loop3A_718 = arith.subi %parallel_loop3A_697, %parallel_loop3A_717 : i32
      %parallel_loop3A_719 = arith.select %parallel_loop3A_716, %parallel_loop3A_718, %parallel_loop3A_697 : i32
      %parallel_loop3A_720 = arith.constant 64 : i32
      %parallel_loop3A_721 = arith.constant 0 : i32
      %parallel_loop3A_722 = arith.cmpi eq, %parallel_loop3A_720, %parallel_loop3A_721 : i32
      %parallel_loop3A_723 = arith.constant 1 : i32
      %parallel_loop3A_724 = arith.select %parallel_loop3A_722, %parallel_loop3A_723, %parallel_loop3A_720 : i32
      %parallel_loop3A_725 = arith.remsi %parallel_loop3A_695, %parallel_loop3A_724 : i32
      %parallel_loop3A_726 = arith.constant 0 : i32
      %parallel_loop3A_727 = arith.cmpi ne, %parallel_loop3A_725, %parallel_loop3A_726 : i32
      %parallel_loop3A_728 = arith.constant 0 : i32
      %parallel_loop3A_729 = arith.cmpi slt, %parallel_loop3A_725, %parallel_loop3A_728 : i32
      %parallel_loop3A_730 = arith.constant 0 : i32
      %parallel_loop3A_731 = arith.cmpi slt, %parallel_loop3A_724, %parallel_loop3A_730 : i32
      %parallel_loop3A_732 = arith.xori %parallel_loop3A_729, %parallel_loop3A_731 : i1
      %parallel_loop3A_733 = arith.andi %parallel_loop3A_732, %parallel_loop3A_727 : i1
      %parallel_loop3A_734 = arith.addi %parallel_loop3A_725, %parallel_loop3A_724 : i32
      %parallel_loop3A_735 = arith.select %parallel_loop3A_733, %parallel_loop3A_734, %parallel_loop3A_725 : i32
      %parallel_loop3A_736 = arith.constant 16 : i32
      %parallel_loop3A_737 = arith.muli %parallel_loop3A_735, %parallel_loop3A_736 : i32
      %parallel_loop3A_738 = arith.index_cast %parallel_loop3A_719 : i32 to index
      %parallel_loop3A_739 = arith.index_cast %parallel_loop3A_737 : i32 to index
      %parallel_loop3A_740 = tpu.vector_load %arg6[%parallel_loop3A_738, %parallel_loop3A_739] {strides = array<i32>} : memref<8x1024xf32, #tpu.memory_space<vmem>>, vector<1x16xf32>,
      %parallel_loop3A_741 = vector.shape_cast %parallel_loop3A_740 : vector<1x16xf32> to vector<16xf32>
      %parallel_loop3A_742 = arith.index_cast %parallel_loop3A_719 : i32 to index
      %parallel_loop3A_743 = arith.index_cast %parallel_loop3A_737 : i32 to index
      %parallel_loop3A_744 = tpu.vector_load %arg7[%parallel_loop3A_742, %parallel_loop3A_743] {strides = array<i32>} : memref<8x1024xf32, #tpu.memory_space<vmem>>, vector<1x16xf32>,
      %parallel_loop3A_745 = vector.shape_cast %parallel_loop3A_744 : vector<1x16xf32> to vector<16xf32>
      %parallel_loop3A_746 = arith.addf %parallel_loop3A_741, %parallel_loop3A_745 : vector<16xf32>
      %parallel_loop3A_747 = arith.index_cast %parallel_loop3A_719 : i32 to index
      %parallel_loop3A_748 = arith.index_cast %parallel_loop3A_737 : i32 to index
      %parallel_loop3A_749 = tpu.vector_load %arg8[%parallel_loop3A_747, %parallel_loop3A_748] {strides = array<i32>} : memref<8x1024xf32, #tpu.memory_space<vmem>>, vector<1x16xf32>,
      %parallel_loop3A_750 = vector.shape_cast %parallel_loop3A_749 : vector<1x16xf32> to vector<16xf32>
      %parallel_loop3A_751 = arith.addf %parallel_loop3A_746, %parallel_loop3A_750 : vector<16xf32>
      %parallel_loop3A_752 = arith.index_cast %parallel_loop3A_719 : i32 to index
      %parallel_loop3A_753 = arith.index_cast %parallel_loop3A_737 : i32 to index
      %parallel_loop3A_754 = tpu.vector_load %arg9[%parallel_loop3A_752, %parallel_loop3A_753] {strides = array<i32>} : memref<8x1024xf32, #tpu.memory_space<vmem>>, vector<1x16xf32>,
      %parallel_loop3A_755 = vector.shape_cast %parallel_loop3A_754 : vector<1x16xf32> to vector<16xf32>
      %parallel_loop3A_756 = arith.addf %parallel_loop3A_751, %parallel_loop3A_755 : vector<16xf32>
      %parallel_loop3A_757 = arith.index_cast %parallel_loop3A_719 : i32 to index
      %parallel_loop3A_758 = arith.index_cast %parallel_loop3A_737 : i32 to index
      %parallel_loop3A_759 = tpu.vector_load %arg6[%parallel_loop3A_757, %parallel_loop3A_758] {strides = array<i32>} : memref<8x1024xf32, #tpu.memory_space<vmem>>, vector<1x16xf32>,
      %parallel_loop3A_760 = vector.shape_cast %parallel_loop3A_759 : vector<1x16xf32> to vector<16xf32>
      %parallel_loop3A_761 = vector.shape_cast %parallel_loop3A_756 : vector<16xf32> to vector<1x16xf32>
      tpu.vector_store %arg6[%parallel_loop3A_757, %parallel_loop3A_758], %parallel_loop3A_761 {strides = array<i32>} : memref<8x1024xf32, #tpu.memory_space<vmem>>, vector<1x16xf32>,
    } {sc.loop_unroll_factor = 8 : i64, sc.parallel_access}
    %add3A_356 = arith.constant 16 : i32
    %add3A_357 = arith.addi %mul3A_2, %add3A_356 : i32
    %dma_start3A_358 = arith.constant 0 : i32
    %dma_start3A_359 = tpu.memref_slice %arg4[%add3A_357, %dma_start3A_358] : memref<2048x1024xf32, #tpu.memory_space<hbm>> -> memref<8x1024xf32, #tpu.memory_space<hbm>>
    %dma_start3A_360 = arith.constant 0 : i32
    %dma_start3A_361 = tpu.memref_slice %arg4[%add3A_357, %dma_start3A_360] : memref<2048x1024xf32, #tpu.memory_space<hbm>> -> memref<8x1024xf32, #tpu.memory_space<hbm>>
    tpu.enqueue_dma source(%arg6 : memref<8x1024xf32, #tpu.memory_space<vmem>>) target(%dma_start3A_361 : memref<8x1024xf32, #tpu.memory_space<hbm>>) target_semaphore(%arg16 : memref<!tpu.dma_semaphore, #tpu.memory_space<semaphore_mem>>)
    %dma_wait3A_362 = arith.constant 3 : i32
    %dma_wait3A_363 = arith.constant 0 : i32
    %dma_wait3A_364 = tpu.memref_slice %arg5[%dma_wait3A_362, %dma_wait3A_363] : memref<32x8xi32, #tpu.memory_space<vmem>> -> memref<1x8xi32, #tpu.memory_space<vmem>>
    %dma_wait3A_365 = tpu.memref_squeeze %dma_wait3A_364 : memref<1x8xi32, #tpu.memory_space<vmem>> -> memref<8xi32, #tpu.memory_space<vmem>>
    %dma_wait3A_366 = arith.constant 0 : i32
    %dma_wait3A_367 = arith.constant 0 : i32
    %dma_wait3A_368 = tpu.memref_slice %arg2[%dma_wait3A_366, %dma_wait3A_367] : memref<12288x1024xf32, #tpu.memory_space<hbm>> -> memref<12288x1024xf32, #tpu.memory_space<hbm>>
    tpu.wait_indirect_dma semaphore(%arg15 : memref<!tpu.dma_semaphore, #tpu.memory_space<semaphore_mem>>) src(%dma_wait3A_368 : memref<12288x1024xf32, #tpu.memory_space<hbm>>) dst(%arg10 : memref<8x1024xf32, #tpu.memory_space<vmem>>)
    %dma_wait3A_369 = arith.constant 11 : i32
    %dma_wait3A_370 = arith.constant 0 : i32
    %dma_wait3A_371 = tpu.memref_slice %arg5[%dma_wait3A_369, %dma_wait3A_370] : memref<32x8xi32, #tpu.memory_space<vmem>> -> memref<1x8xi32, #tpu.memory_space<vmem>>
    %dma_wait3A_372 = tpu.memref_squeeze %dma_wait3A_371 : memref<1x8xi32, #tpu.memory_space<vmem>> -> memref<8xi32, #tpu.memory_space<vmem>>
    %dma_wait3A_373 = arith.constant 0 : i32
    %dma_wait3A_374 = arith.constant 0 : i32
    %dma_wait3A_375 = tpu.memref_slice %arg2[%dma_wait3A_373, %dma_wait3A_374] : memref<12288x1024xf32, #tpu.memory_space<hbm>> -> memref<12288x1024xf32, #tpu.memory_space<hbm>>
    tpu.wait_indirect_dma semaphore(%arg15 : memref<!tpu.dma_semaphore, #tpu.memory_space<semaphore_mem>>) src(%dma_wait3A_375 : memref<12288x1024xf32, #tpu.memory_space<hbm>>) dst(%arg11 : memref<8x1024xf32, #tpu.memory_space<vmem>>)
    %dma_wait3A_376 = arith.constant 19 : i32
    %dma_wait3A_377 = arith.constant 0 : i32
    %dma_wait3A_378 = tpu.memref_slice %arg5[%dma_wait3A_376, %dma_wait3A_377] : memref<32x8xi32, #tpu.memory_space<vmem>> -> memref<1x8xi32, #tpu.memory_space<vmem>>
    %dma_wait3A_379 = tpu.memref_squeeze %dma_wait3A_378 : memref<1x8xi32, #tpu.memory_space<vmem>> -> memref<8xi32, #tpu.memory_space<vmem>>
    %dma_wait3A_380 = arith.constant 0 : i32
    %dma_wait3A_381 = arith.constant 0 : i32
    %dma_wait3A_382 = tpu.memref_slice %arg2[%dma_wait3A_380, %dma_wait3A_381] : memref<12288x1024xf32, #tpu.memory_space<hbm>> -> memref<12288x1024xf32, #tpu.memory_space<hbm>>
    tpu.wait_indirect_dma semaphore(%arg15 : memref<!tpu.dma_semaphore, #tpu.memory_space<semaphore_mem>>) src(%dma_wait3A_382 : memref<12288x1024xf32, #tpu.memory_space<hbm>>) dst(%arg12 : memref<8x1024xf32, #tpu.memory_space<vmem>>)
    %dma_wait3A_383 = arith.constant 27 : i32
    %dma_wait3A_384 = arith.constant 0 : i32
    %dma_wait3A_385 = tpu.memref_slice %arg5[%dma_wait3A_383, %dma_wait3A_384] : memref<32x8xi32, #tpu.memory_space<vmem>> -> memref<1x8xi32, #tpu.memory_space<vmem>>
    %dma_wait3A_386 = tpu.memref_squeeze %dma_wait3A_385 : memref<1x8xi32, #tpu.memory_space<vmem>> -> memref<8xi32, #tpu.memory_space<vmem>>
    %dma_wait3A_387 = arith.constant 0 : i32
    %dma_wait3A_388 = arith.constant 0 : i32
    %dma_wait3A_389 = tpu.memref_slice %arg2[%dma_wait3A_387, %dma_wait3A_388] : memref<12288x1024xf32, #tpu.memory_space<hbm>> -> memref<12288x1024xf32, #tpu.memory_space<hbm>>
    tpu.wait_indirect_dma semaphore(%arg15 : memref<!tpu.dma_semaphore, #tpu.memory_space<semaphore_mem>>) src(%dma_wait3A_389 : memref<12288x1024xf32, #tpu.memory_space<hbm>>) dst(%arg13 : memref<8x1024xf32, #tpu.memory_space<vmem>>)
    %add3A_390 = arith.constant 16 : i32
    %add3A_391 = arith.addi %mul3A_2, %add3A_390 : i32
    %dma_wait3A_392 = arith.constant 0 : i32
    %dma_wait3A_393 = tpu.memref_slice %arg4[%add3A_391, %dma_wait3A_392] : memref<2048x1024xf32, #tpu.memory_space<hbm>> -> memref<8x1024xf32, #tpu.memory_space<hbm>>
    %dma_wait3A_394 = arith.constant 0 : i32
    %dma_wait3A_395 = tpu.memref_slice %arg4[%add3A_391, %dma_wait3A_394] : memref<2048x1024xf32, #tpu.memory_space<hbm>> -> memref<8x1024xf32, #tpu.memory_space<hbm>>
    tpu.wait_dma2 semaphore(%arg16 : memref<!tpu.dma_semaphore, #tpu.memory_space<semaphore_mem>>) src(%arg6 : memref<8x1024xf32, #tpu.memory_space<vmem>>) dst(%dma_wait3A_395 : memref<8x1024xf32, #tpu.memory_space<hbm>>)
    %dma_start3A_396 = arith.constant 4 : i32
    %dma_start3A_397 = arith.constant 0 : i32
    %dma_start3A_398 = tpu.memref_slice %arg5[%dma_start3A_396, %dma_start3A_397] : memref<32x8xi32, #tpu.memory_space<vmem>> -> memref<1x8xi32, #tpu.memory_space<vmem>>
    %dma_start3A_399 = tpu.memref_squeeze %dma_start3A_398 : memref<1x8xi32, #tpu.memory_space<vmem>> -> memref<8xi32, #tpu.memory_space<vmem>>
    %dma_start3A_400 = arith.constant 0 : i32
    %dma_start3A_401 = arith.constant 0 : i32
    %dma_start3A_402 = tpu.memref_slice %arg2[%dma_start3A_400, %dma_start3A_401] : memref<12288x1024xf32, #tpu.memory_space<hbm>> -> memref<12288x1024xf32, #tpu.memory_space<hbm>>
    tpu.enqueue_indirect_dma source(%dma_start3A_402 : memref<12288x1024xf32, #tpu.memory_space<hbm>>) target(%arg6 : memref<8x1024xf32, #tpu.memory_space<vmem>>) offsets(%dma_start3A_399 : memref<8xi32, #tpu.memory_space<vmem>>) semaphore(%arg14 : memref<!tpu.dma_semaphore, #tpu.memory_space<semaphore_mem>>)
    %dma_start3A_403 = arith.constant 12 : i32
    %dma_start3A_404 = arith.constant 0 : i32
    %dma_start3A_405 = tpu.memref_slice %arg5[%dma_start3A_403, %dma_start3A_404] : memref<32x8xi32, #tpu.memory_space<vmem>> -> memref<1x8xi32, #tpu.memory_space<vmem>>
    %dma_start3A_406 = tpu.memref_squeeze %dma_start3A_405 : memref<1x8xi32, #tpu.memory_space<vmem>> -> memref<8xi32, #tpu.memory_space<vmem>>
    %dma_start3A_407 = arith.constant 0 : i32
    %dma_start3A_408 = arith.constant 0 : i32
    %dma_start3A_409 = tpu.memref_slice %arg2[%dma_start3A_407, %dma_start3A_408] : memref<12288x1024xf32, #tpu.memory_space<hbm>> -> memref<12288x1024xf32, #tpu.memory_space<hbm>>
    tpu.enqueue_indirect_dma source(%dma_start3A_409 : memref<12288x1024xf32, #tpu.memory_space<hbm>>) target(%arg7 : memref<8x1024xf32, #tpu.memory_space<vmem>>) offsets(%dma_start3A_406 : memref<8xi32, #tpu.memory_space<vmem>>) semaphore(%arg14 : memref<!tpu.dma_semaphore, #tpu.memory_space<semaphore_mem>>)
    %dma_start3A_410 = arith.constant 20 : i32
    %dma_start3A_411 = arith.constant 0 : i32
    %dma_start3A_412 = tpu.memref_slice %arg5[%dma_start3A_410, %dma_start3A_411] : memref<32x8xi32, #tpu.memory_space<vmem>> -> memref<1x8xi32, #tpu.memory_space<vmem>>
    %dma_start3A_413 = tpu.memref_squeeze %dma_start3A_412 : memref<1x8xi32, #tpu.memory_space<vmem>> -> memref<8xi32, #tpu.memory_space<vmem>>
    %dma_start3A_414 = arith.constant 0 : i32
    %dma_start3A_415 = arith.constant 0 : i32
    %dma_start3A_416 = tpu.memref_slice %arg2[%dma_start3A_414, %dma_start3A_415] : memref<12288x1024xf32, #tpu.memory_space<hbm>> -> memref<12288x1024xf32, #tpu.memory_space<hbm>>
    tpu.enqueue_indirect_dma source(%dma_start3A_416 : memref<12288x1024xf32, #tpu.memory_space<hbm>>) target(%arg8 : memref<8x1024xf32, #tpu.memory_space<vmem>>) offsets(%dma_start3A_413 : memref<8xi32, #tpu.memory_space<vmem>>) semaphore(%arg14 : memref<!tpu.dma_semaphore, #tpu.memory_space<semaphore_mem>>)
    %dma_start3A_417 = arith.constant 28 : i32
    %dma_start3A_418 = arith.constant 0 : i32
    %dma_start3A_419 = tpu.memref_slice %arg5[%dma_start3A_417, %dma_start3A_418] : memref<32x8xi32, #tpu.memory_space<vmem>> -> memref<1x8xi32, #tpu.memory_space<vmem>>
    %dma_start3A_420 = tpu.memref_squeeze %dma_start3A_419 : memref<1x8xi32, #tpu.memory_space<vmem>> -> memref<8xi32, #tpu.memory_space<vmem>>
    %dma_start3A_421 = arith.constant 0 : i32
    %dma_start3A_422 = arith.constant 0 : i32
    %dma_start3A_423 = tpu.memref_slice %arg2[%dma_start3A_421, %dma_start3A_422] : memref<12288x1024xf32, #tpu.memory_space<hbm>> -> memref<12288x1024xf32, #tpu.memory_space<hbm>>
    tpu.enqueue_indirect_dma source(%dma_start3A_423 : memref<12288x1024xf32, #tpu.memory_space<hbm>>) target(%arg9 : memref<8x1024xf32, #tpu.memory_space<vmem>>) offsets(%dma_start3A_420 : memref<8xi32, #tpu.memory_space<vmem>>) semaphore(%arg14 : memref<!tpu.dma_semaphore, #tpu.memory_space<semaphore_mem>>)
    %parallel_loop3A_424 = arith.constant 0 : i32
    %parallel_loop3A_425 = arith.constant 512 : i32
    %parallel_loop3A_426 = arith.constant 1 : i32
    scf.for %parallel_loop3A_695 = %parallel_loop3A_424 to %parallel_loop3A_425 step %parallel_loop3A_426  : i32 {
      %parallel_loop3A_696 = arith.constant 64 : i32
      %parallel_loop3A_697 = arith.divsi %parallel_loop3A_695, %parallel_loop3A_696 : i32
      %parallel_loop3A_698 = arith.constant 0 : i32
      %parallel_loop3A_699 = arith.cmpi sgt, %parallel_loop3A_695, %parallel_loop3A_698 : i32
      %parallel_loop3A_700 = arith.extui %parallel_loop3A_699 : i1 to i32
      %parallel_loop3A_701 = arith.constant 0 : i32
      %parallel_loop3A_702 = arith.cmpi slt, %parallel_loop3A_695, %parallel_loop3A_701 : i32
      %parallel_loop3A_703 = arith.extui %parallel_loop3A_702 : i1 to i32
      %parallel_loop3A_704 = arith.subi %parallel_loop3A_700, %parallel_loop3A_703 : i32
      %parallel_loop3A_705 = arith.constant 0 : i32
      %parallel_loop3A_706 = arith.cmpi sgt, %parallel_loop3A_696, %parallel_loop3A_705 : i32
      %parallel_loop3A_707 = arith.extui %parallel_loop3A_706 : i1 to i32
      %parallel_loop3A_708 = arith.constant 0 : i32
      %parallel_loop3A_709 = arith.cmpi slt, %parallel_loop3A_696, %parallel_loop3A_708 : i32
      %parallel_loop3A_710 = arith.extui %parallel_loop3A_709 : i1 to i32
      %parallel_loop3A_711 = arith.subi %parallel_loop3A_707, %parallel_loop3A_710 : i32
      %parallel_loop3A_712 = arith.cmpi ne, %parallel_loop3A_704, %parallel_loop3A_711 : i32
      %parallel_loop3A_713 = arith.remsi %parallel_loop3A_695, %parallel_loop3A_696 : i32
      %parallel_loop3A_714 = arith.constant 0 : i32
      %parallel_loop3A_715 = arith.cmpi ne, %parallel_loop3A_713, %parallel_loop3A_714 : i32
      %parallel_loop3A_716 = arith.andi %parallel_loop3A_712, %parallel_loop3A_715 : i1
      %parallel_loop3A_717 = arith.constant 1 : i32
      %parallel_loop3A_718 = arith.subi %parallel_loop3A_697, %parallel_loop3A_717 : i32
      %parallel_loop3A_719 = arith.select %parallel_loop3A_716, %parallel_loop3A_718, %parallel_loop3A_697 : i32
      %parallel_loop3A_720 = arith.constant 64 : i32
      %parallel_loop3A_721 = arith.constant 0 : i32
      %parallel_loop3A_722 = arith.cmpi eq, %parallel_loop3A_720, %parallel_loop3A_721 : i32
      %parallel_loop3A_723 = arith.constant 1 : i32
      %parallel_loop3A_724 = arith.select %parallel_loop3A_722, %parallel_loop3A_723, %parallel_loop3A_720 : i32
      %parallel_loop3A_725 = arith.remsi %parallel_loop3A_695, %parallel_loop3A_724 : i32
      %parallel_loop3A_726 = arith.constant 0 : i32
      %parallel_loop3A_727 = arith.cmpi ne, %parallel_loop3A_725, %parallel_loop3A_726 : i32
      %parallel_loop3A_728 = arith.constant 0 : i32
      %parallel_loop3A_729 = arith.cmpi slt, %parallel_loop3A_725, %parallel_loop3A_728 : i32
      %parallel_loop3A_730 = arith.constant 0 : i32
      %parallel_loop3A_731 = arith.cmpi slt, %parallel_loop3A_724, %parallel_loop3A_730 : i32
      %parallel_loop3A_732 = arith.xori %parallel_loop3A_729, %parallel_loop3A_731 : i1
      %parallel_loop3A_733 = arith.andi %parallel_loop3A_732, %parallel_loop3A_727 : i1
      %parallel_loop3A_734 = arith.addi %parallel_loop3A_725, %parallel_loop3A_724 : i32
      %parallel_loop3A_735 = arith.select %parallel_loop3A_733, %parallel_loop3A_734, %parallel_loop3A_725 : i32
      %parallel_loop3A_736 = arith.constant 16 : i32
      %parallel_loop3A_737 = arith.muli %parallel_loop3A_735, %parallel_loop3A_736 : i32
      %parallel_loop3A_738 = arith.index_cast %parallel_loop3A_719 : i32 to index
      %parallel_loop3A_739 = arith.index_cast %parallel_loop3A_737 : i32 to index
      %parallel_loop3A_740 = tpu.vector_load %arg10[%parallel_loop3A_738, %parallel_loop3A_739] {strides = array<i32>} : memref<8x1024xf32, #tpu.memory_space<vmem>>, vector<1x16xf32>,
      %parallel_loop3A_741 = vector.shape_cast %parallel_loop3A_740 : vector<1x16xf32> to vector<16xf32>
      %parallel_loop3A_742 = arith.index_cast %parallel_loop3A_719 : i32 to index
      %parallel_loop3A_743 = arith.index_cast %parallel_loop3A_737 : i32 to index
      %parallel_loop3A_744 = tpu.vector_load %arg11[%parallel_loop3A_742, %parallel_loop3A_743] {strides = array<i32>} : memref<8x1024xf32, #tpu.memory_space<vmem>>, vector<1x16xf32>,
      %parallel_loop3A_745 = vector.shape_cast %parallel_loop3A_744 : vector<1x16xf32> to vector<16xf32>
      %parallel_loop3A_746 = arith.addf %parallel_loop3A_741, %parallel_loop3A_745 : vector<16xf32>
      %parallel_loop3A_747 = arith.index_cast %parallel_loop3A_719 : i32 to index
      %parallel_loop3A_748 = arith.index_cast %parallel_loop3A_737 : i32 to index
      %parallel_loop3A_749 = tpu.vector_load %arg12[%parallel_loop3A_747, %parallel_loop3A_748] {strides = array<i32>} : memref<8x1024xf32, #tpu.memory_space<vmem>>, vector<1x16xf32>,
      %parallel_loop3A_750 = vector.shape_cast %parallel_loop3A_749 : vector<1x16xf32> to vector<16xf32>
      %parallel_loop3A_751 = arith.addf %parallel_loop3A_746, %parallel_loop3A_750 : vector<16xf32>
      %parallel_loop3A_752 = arith.index_cast %parallel_loop3A_719 : i32 to index
      %parallel_loop3A_753 = arith.index_cast %parallel_loop3A_737 : i32 to index
      %parallel_loop3A_754 = tpu.vector_load %arg13[%parallel_loop3A_752, %parallel_loop3A_753] {strides = array<i32>} : memref<8x1024xf32, #tpu.memory_space<vmem>>, vector<1x16xf32>,
      %parallel_loop3A_755 = vector.shape_cast %parallel_loop3A_754 : vector<1x16xf32> to vector<16xf32>
      %parallel_loop3A_756 = arith.addf %parallel_loop3A_751, %parallel_loop3A_755 : vector<16xf32>
      %parallel_loop3A_757 = arith.index_cast %parallel_loop3A_719 : i32 to index
      %parallel_loop3A_758 = arith.index_cast %parallel_loop3A_737 : i32 to index
      %parallel_loop3A_759 = tpu.vector_load %arg10[%parallel_loop3A_757, %parallel_loop3A_758] {strides = array<i32>} : memref<8x1024xf32, #tpu.memory_space<vmem>>, vector<1x16xf32>,
      %parallel_loop3A_760 = vector.shape_cast %parallel_loop3A_759 : vector<1x16xf32> to vector<16xf32>
      %parallel_loop3A_761 = vector.shape_cast %parallel_loop3A_756 : vector<16xf32> to vector<1x16xf32>
      tpu.vector_store %arg10[%parallel_loop3A_757, %parallel_loop3A_758], %parallel_loop3A_761 {strides = array<i32>} : memref<8x1024xf32, #tpu.memory_space<vmem>>, vector<1x16xf32>,
    } {sc.loop_unroll_factor = 8 : i64, sc.parallel_access}
    %add3A_427 = arith.constant 24 : i32
    %add3A_428 = arith.addi %mul3A_2, %add3A_427 : i32
    %dma_start3A_429 = arith.constant 0 : i32
    %dma_start3A_430 = tpu.memref_slice %arg4[%add3A_428, %dma_start3A_429] : memref<2048x1024xf32, #tpu.memory_space<hbm>> -> memref<8x1024xf32, #tpu.memory_space<hbm>>
    %dma_start3A_431 = arith.constant 0 : i32
    %dma_start3A_432 = tpu.memref_slice %arg4[%add3A_428, %dma_start3A_431] : memref<2048x1024xf32, #tpu.memory_space<hbm>> -> memref<8x1024xf32, #tpu.memory_space<hbm>>
    tpu.enqueue_dma source(%arg10 : memref<8x1024xf32, #tpu.memory_space<vmem>>) target(%dma_start3A_432 : memref<8x1024xf32, #tpu.memory_space<hbm>>) target_semaphore(%arg17 : memref<!tpu.dma_semaphore, #tpu.memory_space<semaphore_mem>>)
    %dma_wait3A_433 = arith.constant 4 : i32
    %dma_wait3A_434 = arith.constant 0 : i32
    %dma_wait3A_435 = tpu.memref_slice %arg5[%dma_wait3A_433, %dma_wait3A_434] : memref<32x8xi32, #tpu.memory_space<vmem>> -> memref<1x8xi32, #tpu.memory_space<vmem>>
    %dma_wait3A_436 = tpu.memref_squeeze %dma_wait3A_435 : memref<1x8xi32, #tpu.memory_space<vmem>> -> memref<8xi32, #tpu.memory_space<vmem>>
    %dma_wait3A_437 = arith.constant 0 : i32
    %dma_wait3A_438 = arith.constant 0 : i32
    %dma_wait3A_439 = tpu.memref_slice %arg2[%dma_wait3A_437, %dma_wait3A_438] : memref<12288x1024xf32, #tpu.memory_space<hbm>> -> memref<12288x1024xf32, #tpu.memory_space<hbm>>
    tpu.wait_indirect_dma semaphore(%arg14 : memref<!tpu.dma_semaphore, #tpu.memory_space<semaphore_mem>>) src(%dma_wait3A_439 : memref<12288x1024xf32, #tpu.memory_space<hbm>>) dst(%arg6 : memref<8x1024xf32, #tpu.memory_space<vmem>>)
    %dma_wait3A_440 = arith.constant 12 : i32
    %dma_wait3A_441 = arith.constant 0 : i32
    %dma_wait3A_442 = tpu.memref_slice %arg5[%dma_wait3A_440, %dma_wait3A_441] : memref<32x8xi32, #tpu.memory_space<vmem>> -> memref<1x8xi32, #tpu.memory_space<vmem>>
    %dma_wait3A_443 = tpu.memref_squeeze %dma_wait3A_442 : memref<1x8xi32, #tpu.memory_space<vmem>> -> memref<8xi32, #tpu.memory_space<vmem>>
    %dma_wait3A_444 = arith.constant 0 : i32
    %dma_wait3A_445 = arith.constant 0 : i32
    %dma_wait3A_446 = tpu.memref_slice %arg2[%dma_wait3A_444, %dma_wait3A_445] : memref<12288x1024xf32, #tpu.memory_space<hbm>> -> memref<12288x1024xf32, #tpu.memory_space<hbm>>
    tpu.wait_indirect_dma semaphore(%arg14 : memref<!tpu.dma_semaphore, #tpu.memory_space<semaphore_mem>>) src(%dma_wait3A_446 : memref<12288x1024xf32, #tpu.memory_space<hbm>>) dst(%arg7 : memref<8x1024xf32, #tpu.memory_space<vmem>>)
    %dma_wait3A_447 = arith.constant 20 : i32
    %dma_wait3A_448 = arith.constant 0 : i32
    %dma_wait3A_449 = tpu.memref_slice %arg5[%dma_wait3A_447, %dma_wait3A_448] : memref<32x8xi32, #tpu.memory_space<vmem>> -> memref<1x8xi32, #tpu.memory_space<vmem>>
    %dma_wait3A_450 = tpu.memref_squeeze %dma_wait3A_449 : memref<1x8xi32, #tpu.memory_space<vmem>> -> memref<8xi32, #tpu.memory_space<vmem>>
    %dma_wait3A_451 = arith.constant 0 : i32
    %dma_wait3A_452 = arith.constant 0 : i32
    %dma_wait3A_453 = tpu.memref_slice %arg2[%dma_wait3A_451, %dma_wait3A_452] : memref<12288x1024xf32, #tpu.memory_space<hbm>> -> memref<12288x1024xf32, #tpu.memory_space<hbm>>
    tpu.wait_indirect_dma semaphore(%arg14 : memref<!tpu.dma_semaphore, #tpu.memory_space<semaphore_mem>>) src(%dma_wait3A_453 : memref<12288x1024xf32, #tpu.memory_space<hbm>>) dst(%arg8 : memref<8x1024xf32, #tpu.memory_space<vmem>>)
    %dma_wait3A_454 = arith.constant 28 : i32
    %dma_wait3A_455 = arith.constant 0 : i32
    %dma_wait3A_456 = tpu.memref_slice %arg5[%dma_wait3A_454, %dma_wait3A_455] : memref<32x8xi32, #tpu.memory_space<vmem>> -> memref<1x8xi32, #tpu.memory_space<vmem>>
    %dma_wait3A_457 = tpu.memref_squeeze %dma_wait3A_456 : memref<1x8xi32, #tpu.memory_space<vmem>> -> memref<8xi32, #tpu.memory_space<vmem>>
    %dma_wait3A_458 = arith.constant 0 : i32
    %dma_wait3A_459 = arith.constant 0 : i32
    %dma_wait3A_460 = tpu.memref_slice %arg2[%dma_wait3A_458, %dma_wait3A_459] : memref<12288x1024xf32, #tpu.memory_space<hbm>> -> memref<12288x1024xf32, #tpu.memory_space<hbm>>
    tpu.wait_indirect_dma semaphore(%arg14 : memref<!tpu.dma_semaphore, #tpu.memory_space<semaphore_mem>>) src(%dma_wait3A_460 : memref<12288x1024xf32, #tpu.memory_space<hbm>>) dst(%arg9 : memref<8x1024xf32, #tpu.memory_space<vmem>>)
    %add3A_461 = arith.constant 24 : i32
    %add3A_462 = arith.addi %mul3A_2, %add3A_461 : i32
    %dma_wait3A_463 = arith.constant 0 : i32
    %dma_wait3A_464 = tpu.memref_slice %arg4[%add3A_462, %dma_wait3A_463] : memref<2048x1024xf32, #tpu.memory_space<hbm>> -> memref<8x1024xf32, #tpu.memory_space<hbm>>
    %dma_wait3A_465 = arith.constant 0 : i32
    %dma_wait3A_466 = tpu.memref_slice %arg4[%add3A_462, %dma_wait3A_465] : memref<2048x1024xf32, #tpu.memory_space<hbm>> -> memref<8x1024xf32, #tpu.memory_space<hbm>>
    tpu.wait_dma2 semaphore(%arg17 : memref<!tpu.dma_semaphore, #tpu.memory_space<semaphore_mem>>) src(%arg10 : memref<8x1024xf32, #tpu.memory_space<vmem>>) dst(%dma_wait3A_466 : memref<8x1024xf32, #tpu.memory_space<hbm>>)
    %dma_start3A_467 = arith.constant 5 : i32
    %dma_start3A_468 = arith.constant 0 : i32
    %dma_start3A_469 = tpu.memref_slice %arg5[%dma_start3A_467, %dma_start3A_468] : memref<32x8xi32, #tpu.memory_space<vmem>> -> memref<1x8xi32, #tpu.memory_space<vmem>>
    %dma_start3A_470 = tpu.memref_squeeze %dma_start3A_469 : memref<1x8xi32, #tpu.memory_space<vmem>> -> memref<8xi32, #tpu.memory_space<vmem>>
    %dma_start3A_471 = arith.constant 0 : i32
    %dma_start3A_472 = arith.constant 0 : i32
    %dma_start3A_473 = tpu.memref_slice %arg2[%dma_start3A_471, %dma_start3A_472] : memref<12288x1024xf32, #tpu.memory_space<hbm>> -> memref<12288x1024xf32, #tpu.memory_space<hbm>>
    tpu.enqueue_indirect_dma source(%dma_start3A_473 : memref<12288x1024xf32, #tpu.memory_space<hbm>>) target(%arg10 : memref<8x1024xf32, #tpu.memory_space<vmem>>) offsets(%dma_start3A_470 : memref<8xi32, #tpu.memory_space<vmem>>) semaphore(%arg15 : memref<!tpu.dma_semaphore, #tpu.memory_space<semaphore_mem>>)
    %dma_start3A_474 = arith.constant 13 : i32
    %dma_start3A_475 = arith.constant 0 : i32
    %dma_start3A_476 = tpu.memref_slice %arg5[%dma_start3A_474, %dma_start3A_475] : memref<32x8xi32, #tpu.memory_space<vmem>> -> memref<1x8xi32, #tpu.memory_space<vmem>>
    %dma_start3A_477 = tpu.memref_squeeze %dma_start3A_476 : memref<1x8xi32, #tpu.memory_space<vmem>> -> memref<8xi32, #tpu.memory_space<vmem>>
    %dma_start3A_478 = arith.constant 0 : i32
    %dma_start3A_479 = arith.constant 0 : i32
    %dma_start3A_480 = tpu.memref_slice %arg2[%dma_start3A_478, %dma_start3A_479] : memref<12288x1024xf32, #tpu.memory_space<hbm>> -> memref<12288x1024xf32, #tpu.memory_space<hbm>>
    tpu.enqueue_indirect_dma source(%dma_start3A_480 : memref<12288x1024xf32, #tpu.memory_space<hbm>>) target(%arg11 : memref<8x1024xf32, #tpu.memory_space<vmem>>) offsets(%dma_start3A_477 : memref<8xi32, #tpu.memory_space<vmem>>) semaphore(%arg15 : memref<!tpu.dma_semaphore, #tpu.memory_space<semaphore_mem>>)
    %dma_start3A_481 = arith.constant 21 : i32
    %dma_start3A_482 = arith.constant 0 : i32
    %dma_start3A_483 = tpu.memref_slice %arg5[%dma_start3A_481, %dma_start3A_482] : memref<32x8xi32, #tpu.memory_space<vmem>> -> memref<1x8xi32, #tpu.memory_space<vmem>>
    %dma_start3A_484 = tpu.memref_squeeze %dma_start3A_483 : memref<1x8xi32, #tpu.memory_space<vmem>> -> memref<8xi32, #tpu.memory_space<vmem>>
    %dma_start3A_485 = arith.constant 0 : i32
    %dma_start3A_486 = arith.constant 0 : i32
    %dma_start3A_487 = tpu.memref_slice %arg2[%dma_start3A_485, %dma_start3A_486] : memref<12288x1024xf32, #tpu.memory_space<hbm>> -> memref<12288x1024xf32, #tpu.memory_space<hbm>>
    tpu.enqueue_indirect_dma source(%dma_start3A_487 : memref<12288x1024xf32, #tpu.memory_space<hbm>>) target(%arg12 : memref<8x1024xf32, #tpu.memory_space<vmem>>) offsets(%dma_start3A_484 : memref<8xi32, #tpu.memory_space<vmem>>) semaphore(%arg15 : memref<!tpu.dma_semaphore, #tpu.memory_space<semaphore_mem>>)
    %dma_start3A_488 = arith.constant 29 : i32
    %dma_start3A_489 = arith.constant 0 : i32
    %dma_start3A_490 = tpu.memref_slice %arg5[%dma_start3A_488, %dma_start3A_489] : memref<32x8xi32, #tpu.memory_space<vmem>> -> memref<1x8xi32, #tpu.memory_space<vmem>>
    %dma_start3A_491 = tpu.memref_squeeze %dma_start3A_490 : memref<1x8xi32, #tpu.memory_space<vmem>> -> memref<8xi32, #tpu.memory_space<vmem>>
    %dma_start3A_492 = arith.constant 0 : i32
    %dma_start3A_493 = arith.constant 0 : i32
    %dma_start3A_494 = tpu.memref_slice %arg2[%dma_start3A_492, %dma_start3A_493] : memref<12288x1024xf32, #tpu.memory_space<hbm>> -> memref<12288x1024xf32, #tpu.memory_space<hbm>>
    tpu.enqueue_indirect_dma source(%dma_start3A_494 : memref<12288x1024xf32, #tpu.memory_space<hbm>>) target(%arg13 : memref<8x1024xf32, #tpu.memory_space<vmem>>) offsets(%dma_start3A_491 : memref<8xi32, #tpu.memory_space<vmem>>) semaphore(%arg15 : memref<!tpu.dma_semaphore, #tpu.memory_space<semaphore_mem>>)
    %parallel_loop3A_495 = arith.constant 0 : i32
    %parallel_loop3A_496 = arith.constant 512 : i32
    %parallel_loop3A_497 = arith.constant 1 : i32
    scf.for %parallel_loop3A_695 = %parallel_loop3A_495 to %parallel_loop3A_496 step %parallel_loop3A_497  : i32 {
      %parallel_loop3A_696 = arith.constant 64 : i32
      %parallel_loop3A_697 = arith.divsi %parallel_loop3A_695, %parallel_loop3A_696 : i32
      %parallel_loop3A_698 = arith.constant 0 : i32
      %parallel_loop3A_699 = arith.cmpi sgt, %parallel_loop3A_695, %parallel_loop3A_698 : i32
      %parallel_loop3A_700 = arith.extui %parallel_loop3A_699 : i1 to i32
      %parallel_loop3A_701 = arith.constant 0 : i32
      %parallel_loop3A_702 = arith.cmpi slt, %parallel_loop3A_695, %parallel_loop3A_701 : i32
      %parallel_loop3A_703 = arith.extui %parallel_loop3A_702 : i1 to i32
      %parallel_loop3A_704 = arith.subi %parallel_loop3A_700, %parallel_loop3A_703 : i32
      %parallel_loop3A_705 = arith.constant 0 : i32
      %parallel_loop3A_706 = arith.cmpi sgt, %parallel_loop3A_696, %parallel_loop3A_705 : i32
      %parallel_loop3A_707 = arith.extui %parallel_loop3A_706 : i1 to i32
      %parallel_loop3A_708 = arith.constant 0 : i32
      %parallel_loop3A_709 = arith.cmpi slt, %parallel_loop3A_696, %parallel_loop3A_708 : i32
      %parallel_loop3A_710 = arith.extui %parallel_loop3A_709 : i1 to i32
      %parallel_loop3A_711 = arith.subi %parallel_loop3A_707, %parallel_loop3A_710 : i32
      %parallel_loop3A_712 = arith.cmpi ne, %parallel_loop3A_704, %parallel_loop3A_711 : i32
      %parallel_loop3A_713 = arith.remsi %parallel_loop3A_695, %parallel_loop3A_696 : i32
      %parallel_loop3A_714 = arith.constant 0 : i32
      %parallel_loop3A_715 = arith.cmpi ne, %parallel_loop3A_713, %parallel_loop3A_714 : i32
      %parallel_loop3A_716 = arith.andi %parallel_loop3A_712, %parallel_loop3A_715 : i1
      %parallel_loop3A_717 = arith.constant 1 : i32
      %parallel_loop3A_718 = arith.subi %parallel_loop3A_697, %parallel_loop3A_717 : i32
      %parallel_loop3A_719 = arith.select %parallel_loop3A_716, %parallel_loop3A_718, %parallel_loop3A_697 : i32
      %parallel_loop3A_720 = arith.constant 64 : i32
      %parallel_loop3A_721 = arith.constant 0 : i32
      %parallel_loop3A_722 = arith.cmpi eq, %parallel_loop3A_720, %parallel_loop3A_721 : i32
      %parallel_loop3A_723 = arith.constant 1 : i32
      %parallel_loop3A_724 = arith.select %parallel_loop3A_722, %parallel_loop3A_723, %parallel_loop3A_720 : i32
      %parallel_loop3A_725 = arith.remsi %parallel_loop3A_695, %parallel_loop3A_724 : i32
      %parallel_loop3A_726 = arith.constant 0 : i32
      %parallel_loop3A_727 = arith.cmpi ne, %parallel_loop3A_725, %parallel_loop3A_726 : i32
      %parallel_loop3A_728 = arith.constant 0 : i32
      %parallel_loop3A_729 = arith.cmpi slt, %parallel_loop3A_725, %parallel_loop3A_728 : i32
      %parallel_loop3A_730 = arith.constant 0 : i32
      %parallel_loop3A_731 = arith.cmpi slt, %parallel_loop3A_724, %parallel_loop3A_730 : i32
      %parallel_loop3A_732 = arith.xori %parallel_loop3A_729, %parallel_loop3A_731 : i1
      %parallel_loop3A_733 = arith.andi %parallel_loop3A_732, %parallel_loop3A_727 : i1
      %parallel_loop3A_734 = arith.addi %parallel_loop3A_725, %parallel_loop3A_724 : i32
      %parallel_loop3A_735 = arith.select %parallel_loop3A_733, %parallel_loop3A_734, %parallel_loop3A_725 : i32
      %parallel_loop3A_736 = arith.constant 16 : i32
      %parallel_loop3A_737 = arith.muli %parallel_loop3A_735, %parallel_loop3A_736 : i32
      %parallel_loop3A_738 = arith.index_cast %parallel_loop3A_719 : i32 to index
      %parallel_loop3A_739 = arith.index_cast %parallel_loop3A_737 : i32 to index
      %parallel_loop3A_740 = tpu.vector_load %arg6[%parallel_loop3A_738, %parallel_loop3A_739] {strides = array<i32>} : memref<8x1024xf32, #tpu.memory_space<vmem>>, vector<1x16xf32>,
      %parallel_loop3A_741 = vector.shape_cast %parallel_loop3A_740 : vector<1x16xf32> to vector<16xf32>
      %parallel_loop3A_742 = arith.index_cast %parallel_loop3A_719 : i32 to index
      %parallel_loop3A_743 = arith.index_cast %parallel_loop3A_737 : i32 to index
      %parallel_loop3A_744 = tpu.vector_load %arg7[%parallel_loop3A_742, %parallel_loop3A_743] {strides = array<i32>} : memref<8x1024xf32, #tpu.memory_space<vmem>>, vector<1x16xf32>,
      %parallel_loop3A_745 = vector.shape_cast %parallel_loop3A_744 : vector<1x16xf32> to vector<16xf32>
      %parallel_loop3A_746 = arith.addf %parallel_loop3A_741, %parallel_loop3A_745 : vector<16xf32>
      %parallel_loop3A_747 = arith.index_cast %parallel_loop3A_719 : i32 to index
      %parallel_loop3A_748 = arith.index_cast %parallel_loop3A_737 : i32 to index
      %parallel_loop3A_749 = tpu.vector_load %arg8[%parallel_loop3A_747, %parallel_loop3A_748] {strides = array<i32>} : memref<8x1024xf32, #tpu.memory_space<vmem>>, vector<1x16xf32>,
      %parallel_loop3A_750 = vector.shape_cast %parallel_loop3A_749 : vector<1x16xf32> to vector<16xf32>
      %parallel_loop3A_751 = arith.addf %parallel_loop3A_746, %parallel_loop3A_750 : vector<16xf32>
      %parallel_loop3A_752 = arith.index_cast %parallel_loop3A_719 : i32 to index
      %parallel_loop3A_753 = arith.index_cast %parallel_loop3A_737 : i32 to index
      %parallel_loop3A_754 = tpu.vector_load %arg9[%parallel_loop3A_752, %parallel_loop3A_753] {strides = array<i32>} : memref<8x1024xf32, #tpu.memory_space<vmem>>, vector<1x16xf32>,
      %parallel_loop3A_755 = vector.shape_cast %parallel_loop3A_754 : vector<1x16xf32> to vector<16xf32>
      %parallel_loop3A_756 = arith.addf %parallel_loop3A_751, %parallel_loop3A_755 : vector<16xf32>
      %parallel_loop3A_757 = arith.index_cast %parallel_loop3A_719 : i32 to index
      %parallel_loop3A_758 = arith.index_cast %parallel_loop3A_737 : i32 to index
      %parallel_loop3A_759 = tpu.vector_load %arg6[%parallel_loop3A_757, %parallel_loop3A_758] {strides = array<i32>} : memref<8x1024xf32, #tpu.memory_space<vmem>>, vector<1x16xf32>,
      %parallel_loop3A_760 = vector.shape_cast %parallel_loop3A_759 : vector<1x16xf32> to vector<16xf32>
      %parallel_loop3A_761 = vector.shape_cast %parallel_loop3A_756 : vector<16xf32> to vector<1x16xf32>
      tpu.vector_store %arg6[%parallel_loop3A_757, %parallel_loop3A_758], %parallel_loop3A_761 {strides = array<i32>} : memref<8x1024xf32, #tpu.memory_space<vmem>>, vector<1x16xf32>,
    } {sc.loop_unroll_factor = 8 : i64, sc.parallel_access}
    %add3A_498 = arith.constant 32 : i32
    %add3A_499 = arith.addi %mul3A_2, %add3A_498 : i32
    %dma_start3A_500 = arith.constant 0 : i32
    %dma_start3A_501 = tpu.memref_slice %arg4[%add3A_499, %dma_start3A_500] : memref<2048x1024xf32, #tpu.memory_space<hbm>> -> memref<8x1024xf32, #tpu.memory_space<hbm>>
    %dma_start3A_502 = arith.constant 0 : i32
    %dma_start3A_503 = tpu.memref_slice %arg4[%add3A_499, %dma_start3A_502] : memref<2048x1024xf32, #tpu.memory_space<hbm>> -> memref<8x1024xf32, #tpu.memory_space<hbm>>
    tpu.enqueue_dma source(%arg6 : memref<8x1024xf32, #tpu.memory_space<vmem>>) target(%dma_start3A_503 : memref<8x1024xf32, #tpu.memory_space<hbm>>) target_semaphore(%arg16 : memref<!tpu.dma_semaphore, #tpu.memory_space<semaphore_mem>>)
    %dma_wait3A_504 = arith.constant 5 : i32
    %dma_wait3A_505 = arith.constant 0 : i32
    %dma_wait3A_506 = tpu.memref_slice %arg5[%dma_wait3A_504, %dma_wait3A_505] : memref<32x8xi32, #tpu.memory_space<vmem>> -> memref<1x8xi32, #tpu.memory_space<vmem>>
    %dma_wait3A_507 = tpu.memref_squeeze %dma_wait3A_506 : memref<1x8xi32, #tpu.memory_space<vmem>> -> memref<8xi32, #tpu.memory_space<vmem>>
    %dma_wait3A_508 = arith.constant 0 : i32
    %dma_wait3A_509 = arith.constant 0 : i32
    %dma_wait3A_510 = tpu.memref_slice %arg2[%dma_wait3A_508, %dma_wait3A_509] : memref<12288x1024xf32, #tpu.memory_space<hbm>> -> memref<12288x1024xf32, #tpu.memory_space<hbm>>
    tpu.wait_indirect_dma semaphore(%arg15 : memref<!tpu.dma_semaphore, #tpu.memory_space<semaphore_mem>>) src(%dma_wait3A_510 : memref<12288x1024xf32, #tpu.memory_space<hbm>>) dst(%arg10 : memref<8x1024xf32, #tpu.memory_space<vmem>>)
    %dma_wait3A_511 = arith.constant 13 : i32
    %dma_wait3A_512 = arith.constant 0 : i32
    %dma_wait3A_513 = tpu.memref_slice %arg5[%dma_wait3A_511, %dma_wait3A_512] : memref<32x8xi32, #tpu.memory_space<vmem>> -> memref<1x8xi32, #tpu.memory_space<vmem>>
    %dma_wait3A_514 = tpu.memref_squeeze %dma_wait3A_513 : memref<1x8xi32, #tpu.memory_space<vmem>> -> memref<8xi32, #tpu.memory_space<vmem>>
    %dma_wait3A_515 = arith.constant 0 : i32
    %dma_wait3A_516 = arith.constant 0 : i32
    %dma_wait3A_517 = tpu.memref_slice %arg2[%dma_wait3A_515, %dma_wait3A_516] : memref<12288x1024xf32, #tpu.memory_space<hbm>> -> memref<12288x1024xf32, #tpu.memory_space<hbm>>
    tpu.wait_indirect_dma semaphore(%arg15 : memref<!tpu.dma_semaphore, #tpu.memory_space<semaphore_mem>>) src(%dma_wait3A_517 : memref<12288x1024xf32, #tpu.memory_space<hbm>>) dst(%arg11 : memref<8x1024xf32, #tpu.memory_space<vmem>>)
    %dma_wait3A_518 = arith.constant 21 : i32
    %dma_wait3A_519 = arith.constant 0 : i32
    %dma_wait3A_520 = tpu.memref_slice %arg5[%dma_wait3A_518, %dma_wait3A_519] : memref<32x8xi32, #tpu.memory_space<vmem>> -> memref<1x8xi32, #tpu.memory_space<vmem>>
    %dma_wait3A_521 = tpu.memref_squeeze %dma_wait3A_520 : memref<1x8xi32, #tpu.memory_space<vmem>> -> memref<8xi32, #tpu.memory_space<vmem>>
    %dma_wait3A_522 = arith.constant 0 : i32
    %dma_wait3A_523 = arith.constant 0 : i32
    %dma_wait3A_524 = tpu.memref_slice %arg2[%dma_wait3A_522, %dma_wait3A_523] : memref<12288x1024xf32, #tpu.memory_space<hbm>> -> memref<12288x1024xf32, #tpu.memory_space<hbm>>
    tpu.wait_indirect_dma semaphore(%arg15 : memref<!tpu.dma_semaphore, #tpu.memory_space<semaphore_mem>>) src(%dma_wait3A_524 : memref<12288x1024xf32, #tpu.memory_space<hbm>>) dst(%arg12 : memref<8x1024xf32, #tpu.memory_space<vmem>>)
    %dma_wait3A_525 = arith.constant 29 : i32
    %dma_wait3A_526 = arith.constant 0 : i32
    %dma_wait3A_527 = tpu.memref_slice %arg5[%dma_wait3A_525, %dma_wait3A_526] : memref<32x8xi32, #tpu.memory_space<vmem>> -> memref<1x8xi32, #tpu.memory_space<vmem>>
    %dma_wait3A_528 = tpu.memref_squeeze %dma_wait3A_527 : memref<1x8xi32, #tpu.memory_space<vmem>> -> memref<8xi32, #tpu.memory_space<vmem>>
    %dma_wait3A_529 = arith.constant 0 : i32
    %dma_wait3A_530 = arith.constant 0 : i32
    %dma_wait3A_531 = tpu.memref_slice %arg2[%dma_wait3A_529, %dma_wait3A_530] : memref<12288x1024xf32, #tpu.memory_space<hbm>> -> memref<12288x1024xf32, #tpu.memory_space<hbm>>
    tpu.wait_indirect_dma semaphore(%arg15 : memref<!tpu.dma_semaphore, #tpu.memory_space<semaphore_mem>>) src(%dma_wait3A_531 : memref<12288x1024xf32, #tpu.memory_space<hbm>>) dst(%arg13 : memref<8x1024xf32, #tpu.memory_space<vmem>>)
    %add3A_532 = arith.constant 32 : i32
    %add3A_533 = arith.addi %mul3A_2, %add3A_532 : i32
    %dma_wait3A_534 = arith.constant 0 : i32
    %dma_wait3A_535 = tpu.memref_slice %arg4[%add3A_533, %dma_wait3A_534] : memref<2048x1024xf32, #tpu.memory_space<hbm>> -> memref<8x1024xf32, #tpu.memory_space<hbm>>
    %dma_wait3A_536 = arith.constant 0 : i32
    %dma_wait3A_537 = tpu.memref_slice %arg4[%add3A_533, %dma_wait3A_536] : memref<2048x1024xf32, #tpu.memory_space<hbm>> -> memref<8x1024xf32, #tpu.memory_space<hbm>>
    tpu.wait_dma2 semaphore(%arg16 : memref<!tpu.dma_semaphore, #tpu.memory_space<semaphore_mem>>) src(%arg6 : memref<8x1024xf32, #tpu.memory_space<vmem>>) dst(%dma_wait3A_537 : memref<8x1024xf32, #tpu.memory_space<hbm>>)
    %dma_start3A_538 = arith.constant 6 : i32
    %dma_start3A_539 = arith.constant 0 : i32
    %dma_start3A_540 = tpu.memref_slice %arg5[%dma_start3A_538, %dma_start3A_539] : memref<32x8xi32, #tpu.memory_space<vmem>> -> memref<1x8xi32, #tpu.memory_space<vmem>>
    %dma_start3A_541 = tpu.memref_squeeze %dma_start3A_540 : memref<1x8xi32, #tpu.memory_space<vmem>> -> memref<8xi32, #tpu.memory_space<vmem>>
    %dma_start3A_542 = arith.constant 0 : i32
    %dma_start3A_543 = arith.constant 0 : i32
    %dma_start3A_544 = tpu.memref_slice %arg2[%dma_start3A_542, %dma_start3A_543] : memref<12288x1024xf32, #tpu.memory_space<hbm>> -> memref<12288x1024xf32, #tpu.memory_space<hbm>>
    tpu.enqueue_indirect_dma source(%dma_start3A_544 : memref<12288x1024xf32, #tpu.memory_space<hbm>>) target(%arg6 : memref<8x1024xf32, #tpu.memory_space<vmem>>) offsets(%dma_start3A_541 : memref<8xi32, #tpu.memory_space<vmem>>) semaphore(%arg14 : memref<!tpu.dma_semaphore, #tpu.memory_space<semaphore_mem>>)
    %dma_start3A_545 = arith.constant 14 : i32
    %dma_start3A_546 = arith.constant 0 : i32
    %dma_start3A_547 = tpu.memref_slice %arg5[%dma_start3A_545, %dma_start3A_546] : memref<32x8xi32, #tpu.memory_space<vmem>> -> memref<1x8xi32, #tpu.memory_space<vmem>>
    %dma_start3A_548 = tpu.memref_squeeze %dma_start3A_547 : memref<1x8xi32, #tpu.memory_space<vmem>> -> memref<8xi32, #tpu.memory_space<vmem>>
    %dma_start3A_549 = arith.constant 0 : i32
    %dma_start3A_550 = arith.constant 0 : i32
    %dma_start3A_551 = tpu.memref_slice %arg2[%dma_start3A_549, %dma_start3A_550] : memref<12288x1024xf32, #tpu.memory_space<hbm>> -> memref<12288x1024xf32, #tpu.memory_space<hbm>>
    tpu.enqueue_indirect_dma source(%dma_start3A_551 : memref<12288x1024xf32, #tpu.memory_space<hbm>>) target(%arg7 : memref<8x1024xf32, #tpu.memory_space<vmem>>) offsets(%dma_start3A_548 : memref<8xi32, #tpu.memory_space<vmem>>) semaphore(%arg14 : memref<!tpu.dma_semaphore, #tpu.memory_space<semaphore_mem>>)
    %dma_start3A_552 = arith.constant 22 : i32
    %dma_start3A_553 = arith.constant 0 : i32
    %dma_start3A_554 = tpu.memref_slice %arg5[%dma_start3A_552, %dma_start3A_553] : memref<32x8xi32, #tpu.memory_space<vmem>> -> memref<1x8xi32, #tpu.memory_space<vmem>>
    %dma_start3A_555 = tpu.memref_squeeze %dma_start3A_554 : memref<1x8xi32, #tpu.memory_space<vmem>> -> memref<8xi32, #tpu.memory_space<vmem>>
    %dma_start3A_556 = arith.constant 0 : i32
    %dma_start3A_557 = arith.constant 0 : i32
    %dma_start3A_558 = tpu.memref_slice %arg2[%dma_start3A_556, %dma_start3A_557] : memref<12288x1024xf32, #tpu.memory_space<hbm>> -> memref<12288x1024xf32, #tpu.memory_space<hbm>>
    tpu.enqueue_indirect_dma source(%dma_start3A_558 : memref<12288x1024xf32, #tpu.memory_space<hbm>>) target(%arg8 : memref<8x1024xf32, #tpu.memory_space<vmem>>) offsets(%dma_start3A_555 : memref<8xi32, #tpu.memory_space<vmem>>) semaphore(%arg14 : memref<!tpu.dma_semaphore, #tpu.memory_space<semaphore_mem>>)
    %dma_start3A_559 = arith.constant 30 : i32
    %dma_start3A_560 = arith.constant 0 : i32
    %dma_start3A_561 = tpu.memref_slice %arg5[%dma_start3A_559, %dma_start3A_560] : memref<32x8xi32, #tpu.memory_space<vmem>> -> memref<1x8xi32, #tpu.memory_space<vmem>>
    %dma_start3A_562 = tpu.memref_squeeze %dma_start3A_561 : memref<1x8xi32, #tpu.memory_space<vmem>> -> memref<8xi32, #tpu.memory_space<vmem>>
    %dma_start3A_563 = arith.constant 0 : i32
    %dma_start3A_564 = arith.constant 0 : i32
    %dma_start3A_565 = tpu.memref_slice %arg2[%dma_start3A_563, %dma_start3A_564] : memref<12288x1024xf32, #tpu.memory_space<hbm>> -> memref<12288x1024xf32, #tpu.memory_space<hbm>>
    tpu.enqueue_indirect_dma source(%dma_start3A_565 : memref<12288x1024xf32, #tpu.memory_space<hbm>>) target(%arg9 : memref<8x1024xf32, #tpu.memory_space<vmem>>) offsets(%dma_start3A_562 : memref<8xi32, #tpu.memory_space<vmem>>) semaphore(%arg14 : memref<!tpu.dma_semaphore, #tpu.memory_space<semaphore_mem>>)
    %parallel_loop3A_566 = arith.constant 0 : i32
    %parallel_loop3A_567 = arith.constant 512 : i32
    %parallel_loop3A_568 = arith.constant 1 : i32
    scf.for %parallel_loop3A_695 = %parallel_loop3A_566 to %parallel_loop3A_567 step %parallel_loop3A_568  : i32 {
      %parallel_loop3A_696 = arith.constant 64 : i32
      %parallel_loop3A_697 = arith.divsi %parallel_loop3A_695, %parallel_loop3A_696 : i32
      %parallel_loop3A_698 = arith.constant 0 : i32
      %parallel_loop3A_699 = arith.cmpi sgt, %parallel_loop3A_695, %parallel_loop3A_698 : i32
      %parallel_loop3A_700 = arith.extui %parallel_loop3A_699 : i1 to i32
      %parallel_loop3A_701 = arith.constant 0 : i32
      %parallel_loop3A_702 = arith.cmpi slt, %parallel_loop3A_695, %parallel_loop3A_701 : i32
      %parallel_loop3A_703 = arith.extui %parallel_loop3A_702 : i1 to i32
      %parallel_loop3A_704 = arith.subi %parallel_loop3A_700, %parallel_loop3A_703 : i32
      %parallel_loop3A_705 = arith.constant 0 : i32
      %parallel_loop3A_706 = arith.cmpi sgt, %parallel_loop3A_696, %parallel_loop3A_705 : i32
      %parallel_loop3A_707 = arith.extui %parallel_loop3A_706 : i1 to i32
      %parallel_loop3A_708 = arith.constant 0 : i32
      %parallel_loop3A_709 = arith.cmpi slt, %parallel_loop3A_696, %parallel_loop3A_708 : i32
      %parallel_loop3A_710 = arith.extui %parallel_loop3A_709 : i1 to i32
      %parallel_loop3A_711 = arith.subi %parallel_loop3A_707, %parallel_loop3A_710 : i32
      %parallel_loop3A_712 = arith.cmpi ne, %parallel_loop3A_704, %parallel_loop3A_711 : i32
      %parallel_loop3A_713 = arith.remsi %parallel_loop3A_695, %parallel_loop3A_696 : i32
      %parallel_loop3A_714 = arith.constant 0 : i32
      %parallel_loop3A_715 = arith.cmpi ne, %parallel_loop3A_713, %parallel_loop3A_714 : i32
      %parallel_loop3A_716 = arith.andi %parallel_loop3A_712, %parallel_loop3A_715 : i1
      %parallel_loop3A_717 = arith.constant 1 : i32
      %parallel_loop3A_718 = arith.subi %parallel_loop3A_697, %parallel_loop3A_717 : i32
      %parallel_loop3A_719 = arith.select %parallel_loop3A_716, %parallel_loop3A_718, %parallel_loop3A_697 : i32
      %parallel_loop3A_720 = arith.constant 64 : i32
      %parallel_loop3A_721 = arith.constant 0 : i32
      %parallel_loop3A_722 = arith.cmpi eq, %parallel_loop3A_720, %parallel_loop3A_721 : i32
      %parallel_loop3A_723 = arith.constant 1 : i32
      %parallel_loop3A_724 = arith.select %parallel_loop3A_722, %parallel_loop3A_723, %parallel_loop3A_720 : i32
      %parallel_loop3A_725 = arith.remsi %parallel_loop3A_695, %parallel_loop3A_724 : i32
      %parallel_loop3A_726 = arith.constant 0 : i32
      %parallel_loop3A_727 = arith.cmpi ne, %parallel_loop3A_725, %parallel_loop3A_726 : i32
      %parallel_loop3A_728 = arith.constant 0 : i32
      %parallel_loop3A_729 = arith.cmpi slt, %parallel_loop3A_725, %parallel_loop3A_728 : i32
      %parallel_loop3A_730 = arith.constant 0 : i32
      %parallel_loop3A_731 = arith.cmpi slt, %parallel_loop3A_724, %parallel_loop3A_730 : i32
      %parallel_loop3A_732 = arith.xori %parallel_loop3A_729, %parallel_loop3A_731 : i1
      %parallel_loop3A_733 = arith.andi %parallel_loop3A_732, %parallel_loop3A_727 : i1
      %parallel_loop3A_734 = arith.addi %parallel_loop3A_725, %parallel_loop3A_724 : i32
      %parallel_loop3A_735 = arith.select %parallel_loop3A_733, %parallel_loop3A_734, %parallel_loop3A_725 : i32
      %parallel_loop3A_736 = arith.constant 16 : i32
      %parallel_loop3A_737 = arith.muli %parallel_loop3A_735, %parallel_loop3A_736 : i32
      %parallel_loop3A_738 = arith.index_cast %parallel_loop3A_719 : i32 to index
      %parallel_loop3A_739 = arith.index_cast %parallel_loop3A_737 : i32 to index
      %parallel_loop3A_740 = tpu.vector_load %arg10[%parallel_loop3A_738, %parallel_loop3A_739] {strides = array<i32>} : memref<8x1024xf32, #tpu.memory_space<vmem>>, vector<1x16xf32>,
      %parallel_loop3A_741 = vector.shape_cast %parallel_loop3A_740 : vector<1x16xf32> to vector<16xf32>
      %parallel_loop3A_742 = arith.index_cast %parallel_loop3A_719 : i32 to index
      %parallel_loop3A_743 = arith.index_cast %parallel_loop3A_737 : i32 to index
      %parallel_loop3A_744 = tpu.vector_load %arg11[%parallel_loop3A_742, %parallel_loop3A_743] {strides = array<i32>} : memref<8x1024xf32, #tpu.memory_space<vmem>>, vector<1x16xf32>,
      %parallel_loop3A_745 = vector.shape_cast %parallel_loop3A_744 : vector<1x16xf32> to vector<16xf32>
      %parallel_loop3A_746 = arith.addf %parallel_loop3A_741, %parallel_loop3A_745 : vector<16xf32>
      %parallel_loop3A_747 = arith.index_cast %parallel_loop3A_719 : i32 to index
      %parallel_loop3A_748 = arith.index_cast %parallel_loop3A_737 : i32 to index
      %parallel_loop3A_749 = tpu.vector_load %arg12[%parallel_loop3A_747, %parallel_loop3A_748] {strides = array<i32>} : memref<8x1024xf32, #tpu.memory_space<vmem>>, vector<1x16xf32>,
      %parallel_loop3A_750 = vector.shape_cast %parallel_loop3A_749 : vector<1x16xf32> to vector<16xf32>
      %parallel_loop3A_751 = arith.addf %parallel_loop3A_746, %parallel_loop3A_750 : vector<16xf32>
      %parallel_loop3A_752 = arith.index_cast %parallel_loop3A_719 : i32 to index
      %parallel_loop3A_753 = arith.index_cast %parallel_loop3A_737 : i32 to index
      %parallel_loop3A_754 = tpu.vector_load %arg13[%parallel_loop3A_752, %parallel_loop3A_753] {strides = array<i32>} : memref<8x1024xf32, #tpu.memory_space<vmem>>, vector<1x16xf32>,
      %parallel_loop3A_755 = vector.shape_cast %parallel_loop3A_754 : vector<1x16xf32> to vector<16xf32>
      %parallel_loop3A_756 = arith.addf %parallel_loop3A_751, %parallel_loop3A_755 : vector<16xf32>
      %parallel_loop3A_757 = arith.index_cast %parallel_loop3A_719 : i32 to index
      %parallel_loop3A_758 = arith.index_cast %parallel_loop3A_737 : i32 to index
      %parallel_loop3A_759 = tpu.vector_load %arg10[%parallel_loop3A_757, %parallel_loop3A_758] {strides = array<i32>} : memref<8x1024xf32, #tpu.memory_space<vmem>>, vector<1x16xf32>,
      %parallel_loop3A_760 = vector.shape_cast %parallel_loop3A_759 : vector<1x16xf32> to vector<16xf32>
      %parallel_loop3A_761 = vector.shape_cast %parallel_loop3A_756 : vector<16xf32> to vector<1x16xf32>
      tpu.vector_store %arg10[%parallel_loop3A_757, %parallel_loop3A_758], %parallel_loop3A_761 {strides = array<i32>} : memref<8x1024xf32, #tpu.memory_space<vmem>>, vector<1x16xf32>,
    } {sc.loop_unroll_factor = 8 : i64, sc.parallel_access}
    %add3A_569 = arith.constant 40 : i32
    %add3A_570 = arith.addi %mul3A_2, %add3A_569 : i32
    %dma_start3A_571 = arith.constant 0 : i32
    %dma_start3A_572 = tpu.memref_slice %arg4[%add3A_570, %dma_start3A_571] : memref<2048x1024xf32, #tpu.memory_space<hbm>> -> memref<8x1024xf32, #tpu.memory_space<hbm>>
    %dma_start3A_573 = arith.constant 0 : i32
    %dma_start3A_574 = tpu.memref_slice %arg4[%add3A_570, %dma_start3A_573] : memref<2048x1024xf32, #tpu.memory_space<hbm>> -> memref<8x1024xf32, #tpu.memory_space<hbm>>
    tpu.enqueue_dma source(%arg10 : memref<8x1024xf32, #tpu.memory_space<vmem>>) target(%dma_start3A_574 : memref<8x1024xf32, #tpu.memory_space<hbm>>) target_semaphore(%arg17 : memref<!tpu.dma_semaphore, #tpu.memory_space<semaphore_mem>>)
    %dma_wait3A_575 = arith.constant 6 : i32
    %dma_wait3A_576 = arith.constant 0 : i32
    %dma_wait3A_577 = tpu.memref_slice %arg5[%dma_wait3A_575, %dma_wait3A_576] : memref<32x8xi32, #tpu.memory_space<vmem>> -> memref<1x8xi32, #tpu.memory_space<vmem>>
    %dma_wait3A_578 = tpu.memref_squeeze %dma_wait3A_577 : memref<1x8xi32, #tpu.memory_space<vmem>> -> memref<8xi32, #tpu.memory_space<vmem>>
    %dma_wait3A_579 = arith.constant 0 : i32
    %dma_wait3A_580 = arith.constant 0 : i32
    %dma_wait3A_581 = tpu.memref_slice %arg2[%dma_wait3A_579, %dma_wait3A_580] : memref<12288x1024xf32, #tpu.memory_space<hbm>> -> memref<12288x1024xf32, #tpu.memory_space<hbm>>
    tpu.wait_indirect_dma semaphore(%arg14 : memref<!tpu.dma_semaphore, #tpu.memory_space<semaphore_mem>>) src(%dma_wait3A_581 : memref<12288x1024xf32, #tpu.memory_space<hbm>>) dst(%arg6 : memref<8x1024xf32, #tpu.memory_space<vmem>>)
    %dma_wait3A_582 = arith.constant 14 : i32
    %dma_wait3A_583 = arith.constant 0 : i32
    %dma_wait3A_584 = tpu.memref_slice %arg5[%dma_wait3A_582, %dma_wait3A_583] : memref<32x8xi32, #tpu.memory_space<vmem>> -> memref<1x8xi32, #tpu.memory_space<vmem>>
    %dma_wait3A_585 = tpu.memref_squeeze %dma_wait3A_584 : memref<1x8xi32, #tpu.memory_space<vmem>> -> memref<8xi32, #tpu.memory_space<vmem>>
    %dma_wait3A_586 = arith.constant 0 : i32
    %dma_wait3A_587 = arith.constant 0 : i32
    %dma_wait3A_588 = tpu.memref_slice %arg2[%dma_wait3A_586, %dma_wait3A_587] : memref<12288x1024xf32, #tpu.memory_space<hbm>> -> memref<12288x1024xf32, #tpu.memory_space<hbm>>
    tpu.wait_indirect_dma semaphore(%arg14 : memref<!tpu.dma_semaphore, #tpu.memory_space<semaphore_mem>>) src(%dma_wait3A_588 : memref<12288x1024xf32, #tpu.memory_space<hbm>>) dst(%arg7 : memref<8x1024xf32, #tpu.memory_space<vmem>>)
    %dma_wait3A_589 = arith.constant 22 : i32
    %dma_wait3A_590 = arith.constant 0 : i32
    %dma_wait3A_591 = tpu.memref_slice %arg5[%dma_wait3A_589, %dma_wait3A_590] : memref<32x8xi32, #tpu.memory_space<vmem>> -> memref<1x8xi32, #tpu.memory_space<vmem>>
    %dma_wait3A_592 = tpu.memref_squeeze %dma_wait3A_591 : memref<1x8xi32, #tpu.memory_space<vmem>> -> memref<8xi32, #tpu.memory_space<vmem>>
    %dma_wait3A_593 = arith.constant 0 : i32
    %dma_wait3A_594 = arith.constant 0 : i32
    %dma_wait3A_595 = tpu.memref_slice %arg2[%dma_wait3A_593, %dma_wait3A_594] : memref<12288x1024xf32, #tpu.memory_space<hbm>> -> memref<12288x1024xf32, #tpu.memory_space<hbm>>
    tpu.wait_indirect_dma semaphore(%arg14 : memref<!tpu.dma_semaphore, #tpu.memory_space<semaphore_mem>>) src(%dma_wait3A_595 : memref<12288x1024xf32, #tpu.memory_space<hbm>>) dst(%arg8 : memref<8x1024xf32, #tpu.memory_space<vmem>>)
    %dma_wait3A_596 = arith.constant 30 : i32
    %dma_wait3A_597 = arith.constant 0 : i32
    %dma_wait3A_598 = tpu.memref_slice %arg5[%dma_wait3A_596, %dma_wait3A_597] : memref<32x8xi32, #tpu.memory_space<vmem>> -> memref<1x8xi32, #tpu.memory_space<vmem>>
    %dma_wait3A_599 = tpu.memref_squeeze %dma_wait3A_598 : memref<1x8xi32, #tpu.memory_space<vmem>> -> memref<8xi32, #tpu.memory_space<vmem>>
    %dma_wait3A_600 = arith.constant 0 : i32
    %dma_wait3A_601 = arith.constant 0 : i32
    %dma_wait3A_602 = tpu.memref_slice %arg2[%dma_wait3A_600, %dma_wait3A_601] : memref<12288x1024xf32, #tpu.memory_space<hbm>> -> memref<12288x1024xf32, #tpu.memory_space<hbm>>
    tpu.wait_indirect_dma semaphore(%arg14 : memref<!tpu.dma_semaphore, #tpu.memory_space<semaphore_mem>>) src(%dma_wait3A_602 : memref<12288x1024xf32, #tpu.memory_space<hbm>>) dst(%arg9 : memref<8x1024xf32, #tpu.memory_space<vmem>>)
    %add3A_603 = arith.constant 40 : i32
    %add3A_604 = arith.addi %mul3A_2, %add3A_603 : i32
    %dma_wait3A_605 = arith.constant 0 : i32
    %dma_wait3A_606 = tpu.memref_slice %arg4[%add3A_604, %dma_wait3A_605] : memref<2048x1024xf32, #tpu.memory_space<hbm>> -> memref<8x1024xf32, #tpu.memory_space<hbm>>
    %dma_wait3A_607 = arith.constant 0 : i32
    %dma_wait3A_608 = tpu.memref_slice %arg4[%add3A_604, %dma_wait3A_607] : memref<2048x1024xf32, #tpu.memory_space<hbm>> -> memref<8x1024xf32, #tpu.memory_space<hbm>>
    tpu.wait_dma2 semaphore(%arg17 : memref<!tpu.dma_semaphore, #tpu.memory_space<semaphore_mem>>) src(%arg10 : memref<8x1024xf32, #tpu.memory_space<vmem>>) dst(%dma_wait3A_608 : memref<8x1024xf32, #tpu.memory_space<hbm>>)
    %dma_start3A_609 = arith.constant 7 : i32
    %dma_start3A_610 = arith.constant 0 : i32
    %dma_start3A_611 = tpu.memref_slice %arg5[%dma_start3A_609, %dma_start3A_610] : memref<32x8xi32, #tpu.memory_space<vmem>> -> memref<1x8xi32, #tpu.memory_space<vmem>>
    %dma_start3A_612 = tpu.memref_squeeze %dma_start3A_611 : memref<1x8xi32, #tpu.memory_space<vmem>> -> memref<8xi32, #tpu.memory_space<vmem>>
    %dma_start3A_613 = arith.constant 0 : i32
    %dma_start3A_614 = arith.constant 0 : i32
    %dma_start3A_615 = tpu.memref_slice %arg2[%dma_start3A_613, %dma_start3A_614] : memref<12288x1024xf32, #tpu.memory_space<hbm>> -> memref<12288x1024xf32, #tpu.memory_space<hbm>>
    tpu.enqueue_indirect_dma source(%dma_start3A_615 : memref<12288x1024xf32, #tpu.memory_space<hbm>>) target(%arg10 : memref<8x1024xf32, #tpu.memory_space<vmem>>) offsets(%dma_start3A_612 : memref<8xi32, #tpu.memory_space<vmem>>) semaphore(%arg15 : memref<!tpu.dma_semaphore, #tpu.memory_space<semaphore_mem>>)
    %dma_start3A_616 = arith.constant 15 : i32
    %dma_start3A_617 = arith.constant 0 : i32
    %dma_start3A_618 = tpu.memref_slice %arg5[%dma_start3A_616, %dma_start3A_617] : memref<32x8xi32, #tpu.memory_space<vmem>> -> memref<1x8xi32, #tpu.memory_space<vmem>>
    %dma_start3A_619 = tpu.memref_squeeze %dma_start3A_618 : memref<1x8xi32, #tpu.memory_space<vmem>> -> memref<8xi32, #tpu.memory_space<vmem>>
    %dma_start3A_620 = arith.constant 0 : i32
    %dma_start3A_621 = arith.constant 0 : i32
    %dma_start3A_622 = tpu.memref_slice %arg2[%dma_start3A_620, %dma_start3A_621] : memref<12288x1024xf32, #tpu.memory_space<hbm>> -> memref<12288x1024xf32, #tpu.memory_space<hbm>>
    tpu.enqueue_indirect_dma source(%dma_start3A_622 : memref<12288x1024xf32, #tpu.memory_space<hbm>>) target(%arg11 : memref<8x1024xf32, #tpu.memory_space<vmem>>) offsets(%dma_start3A_619 : memref<8xi32, #tpu.memory_space<vmem>>) semaphore(%arg15 : memref<!tpu.dma_semaphore, #tpu.memory_space<semaphore_mem>>)
    %dma_start3A_623 = arith.constant 23 : i32
    %dma_start3A_624 = arith.constant 0 : i32
    %dma_start3A_625 = tpu.memref_slice %arg5[%dma_start3A_623, %dma_start3A_624] : memref<32x8xi32, #tpu.memory_space<vmem>> -> memref<1x8xi32, #tpu.memory_space<vmem>>
    %dma_start3A_626 = tpu.memref_squeeze %dma_start3A_625 : memref<1x8xi32, #tpu.memory_space<vmem>> -> memref<8xi32, #tpu.memory_space<vmem>>
    %dma_start3A_627 = arith.constant 0 : i32
    %dma_start3A_628 = arith.constant 0 : i32
    %dma_start3A_629 = tpu.memref_slice %arg2[%dma_start3A_627, %dma_start3A_628] : memref<12288x1024xf32, #tpu.memory_space<hbm>> -> memref<12288x1024xf32, #tpu.memory_space<hbm>>
    tpu.enqueue_indirect_dma source(%dma_start3A_629 : memref<12288x1024xf32, #tpu.memory_space<hbm>>) target(%arg12 : memref<8x1024xf32, #tpu.memory_space<vmem>>) offsets(%dma_start3A_626 : memref<8xi32, #tpu.memory_space<vmem>>) semaphore(%arg15 : memref<!tpu.dma_semaphore, #tpu.memory_space<semaphore_mem>>)
    %dma_start3A_630 = arith.constant 31 : i32
    %dma_start3A_631 = arith.constant 0 : i32
    %dma_start3A_632 = tpu.memref_slice %arg5[%dma_start3A_630, %dma_start3A_631] : memref<32x8xi32, #tpu.memory_space<vmem>> -> memref<1x8xi32, #tpu.memory_space<vmem>>
    %dma_start3A_633 = tpu.memref_squeeze %dma_start3A_632 : memref<1x8xi32, #tpu.memory_space<vmem>> -> memref<8xi32, #tpu.memory_space<vmem>>
    %dma_start3A_634 = arith.constant 0 : i32
    %dma_start3A_635 = arith.constant 0 : i32
    %dma_start3A_636 = tpu.memref_slice %arg2[%dma_start3A_634, %dma_start3A_635] : memref<12288x1024xf32, #tpu.memory_space<hbm>> -> memref<12288x1024xf32, #tpu.memory_space<hbm>>
    tpu.enqueue_indirect_dma source(%dma_start3A_636 : memref<12288x1024xf32, #tpu.memory_space<hbm>>) target(%arg13 : memref<8x1024xf32, #tpu.memory_space<vmem>>) offsets(%dma_start3A_633 : memref<8xi32, #tpu.memory_space<vmem>>) semaphore(%arg15 : memref<!tpu.dma_semaphore, #tpu.memory_space<semaphore_mem>>)
    %parallel_loop3A_637 = arith.constant 0 : i32
    %parallel_loop3A_638 = arith.constant 512 : i32
    %parallel_loop3A_639 = arith.constant 1 : i32
    scf.for %parallel_loop3A_695 = %parallel_loop3A_637 to %parallel_loop3A_638 step %parallel_loop3A_639  : i32 {
      %parallel_loop3A_696 = arith.constant 64 : i32
      %parallel_loop3A_697 = arith.divsi %parallel_loop3A_695, %parallel_loop3A_696 : i32
      %parallel_loop3A_698 = arith.constant 0 : i32
      %parallel_loop3A_699 = arith.cmpi sgt, %parallel_loop3A_695, %parallel_loop3A_698 : i32
      %parallel_loop3A_700 = arith.extui %parallel_loop3A_699 : i1 to i32
      %parallel_loop3A_701 = arith.constant 0 : i32
      %parallel_loop3A_702 = arith.cmpi slt, %parallel_loop3A_695, %parallel_loop3A_701 : i32
      %parallel_loop3A_703 = arith.extui %parallel_loop3A_702 : i1 to i32
      %parallel_loop3A_704 = arith.subi %parallel_loop3A_700, %parallel_loop3A_703 : i32
      %parallel_loop3A_705 = arith.constant 0 : i32
      %parallel_loop3A_706 = arith.cmpi sgt, %parallel_loop3A_696, %parallel_loop3A_705 : i32
      %parallel_loop3A_707 = arith.extui %parallel_loop3A_706 : i1 to i32
      %parallel_loop3A_708 = arith.constant 0 : i32
      %parallel_loop3A_709 = arith.cmpi slt, %parallel_loop3A_696, %parallel_loop3A_708 : i32
      %parallel_loop3A_710 = arith.extui %parallel_loop3A_709 : i1 to i32
      %parallel_loop3A_711 = arith.subi %parallel_loop3A_707, %parallel_loop3A_710 : i32
      %parallel_loop3A_712 = arith.cmpi ne, %parallel_loop3A_704, %parallel_loop3A_711 : i32
      %parallel_loop3A_713 = arith.remsi %parallel_loop3A_695, %parallel_loop3A_696 : i32
      %parallel_loop3A_714 = arith.constant 0 : i32
      %parallel_loop3A_715 = arith.cmpi ne, %parallel_loop3A_713, %parallel_loop3A_714 : i32
      %parallel_loop3A_716 = arith.andi %parallel_loop3A_712, %parallel_loop3A_715 : i1
      %parallel_loop3A_717 = arith.constant 1 : i32
      %parallel_loop3A_718 = arith.subi %parallel_loop3A_697, %parallel_loop3A_717 : i32
      %parallel_loop3A_719 = arith.select %parallel_loop3A_716, %parallel_loop3A_718, %parallel_loop3A_697 : i32
      %parallel_loop3A_720 = arith.constant 64 : i32
      %parallel_loop3A_721 = arith.constant 0 : i32
      %parallel_loop3A_722 = arith.cmpi eq, %parallel_loop3A_720, %parallel_loop3A_721 : i32
      %parallel_loop3A_723 = arith.constant 1 : i32
      %parallel_loop3A_724 = arith.select %parallel_loop3A_722, %parallel_loop3A_723, %parallel_loop3A_720 : i32
      %parallel_loop3A_725 = arith.remsi %parallel_loop3A_695, %parallel_loop3A_724 : i32
      %parallel_loop3A_726 = arith.constant 0 : i32
      %parallel_loop3A_727 = arith.cmpi ne, %parallel_loop3A_725, %parallel_loop3A_726 : i32
      %parallel_loop3A_728 = arith.constant 0 : i32
      %parallel_loop3A_729 = arith.cmpi slt, %parallel_loop3A_725, %parallel_loop3A_728 : i32
      %parallel_loop3A_730 = arith.constant 0 : i32
      %parallel_loop3A_731 = arith.cmpi slt, %parallel_loop3A_724, %parallel_loop3A_730 : i32
      %parallel_loop3A_732 = arith.xori %parallel_loop3A_729, %parallel_loop3A_731 : i1
      %parallel_loop3A_733 = arith.andi %parallel_loop3A_732, %parallel_loop3A_727 : i1
      %parallel_loop3A_734 = arith.addi %parallel_loop3A_725, %parallel_loop3A_724 : i32
      %parallel_loop3A_735 = arith.select %parallel_loop3A_733, %parallel_loop3A_734, %parallel_loop3A_725 : i32
      %parallel_loop3A_736 = arith.constant 16 : i32
      %parallel_loop3A_737 = arith.muli %parallel_loop3A_735, %parallel_loop3A_736 : i32
      %parallel_loop3A_738 = arith.index_cast %parallel_loop3A_719 : i32 to index
      %parallel_loop3A_739 = arith.index_cast %parallel_loop3A_737 : i32 to index
      %parallel_loop3A_740 = tpu.vector_load %arg6[%parallel_loop3A_738, %parallel_loop3A_739] {strides = array<i32>} : memref<8x1024xf32, #tpu.memory_space<vmem>>, vector<1x16xf32>,
      %parallel_loop3A_741 = vector.shape_cast %parallel_loop3A_740 : vector<1x16xf32> to vector<16xf32>
      %parallel_loop3A_742 = arith.index_cast %parallel_loop3A_719 : i32 to index
      %parallel_loop3A_743 = arith.index_cast %parallel_loop3A_737 : i32 to index
      %parallel_loop3A_744 = tpu.vector_load %arg7[%parallel_loop3A_742, %parallel_loop3A_743] {strides = array<i32>} : memref<8x1024xf32, #tpu.memory_space<vmem>>, vector<1x16xf32>,
      %parallel_loop3A_745 = vector.shape_cast %parallel_loop3A_744 : vector<1x16xf32> to vector<16xf32>
      %parallel_loop3A_746 = arith.addf %parallel_loop3A_741, %parallel_loop3A_745 : vector<16xf32>
      %parallel_loop3A_747 = arith.index_cast %parallel_loop3A_719 : i32 to index
      %parallel_loop3A_748 = arith.index_cast %parallel_loop3A_737 : i32 to index
      %parallel_loop3A_749 = tpu.vector_load %arg8[%parallel_loop3A_747, %parallel_loop3A_748] {strides = array<i32>} : memref<8x1024xf32, #tpu.memory_space<vmem>>, vector<1x16xf32>,
      %parallel_loop3A_750 = vector.shape_cast %parallel_loop3A_749 : vector<1x16xf32> to vector<16xf32>
      %parallel_loop3A_751 = arith.addf %parallel_loop3A_746, %parallel_loop3A_750 : vector<16xf32>
      %parallel_loop3A_752 = arith.index_cast %parallel_loop3A_719 : i32 to index
      %parallel_loop3A_753 = arith.index_cast %parallel_loop3A_737 : i32 to index
      %parallel_loop3A_754 = tpu.vector_load %arg9[%parallel_loop3A_752, %parallel_loop3A_753] {strides = array<i32>} : memref<8x1024xf32, #tpu.memory_space<vmem>>, vector<1x16xf32>,
      %parallel_loop3A_755 = vector.shape_cast %parallel_loop3A_754 : vector<1x16xf32> to vector<16xf32>
      %parallel_loop3A_756 = arith.addf %parallel_loop3A_751, %parallel_loop3A_755 : vector<16xf32>
      %parallel_loop3A_757 = arith.index_cast %parallel_loop3A_719 : i32 to index
      %parallel_loop3A_758 = arith.index_cast %parallel_loop3A_737 : i32 to index
      %parallel_loop3A_759 = tpu.vector_load %arg6[%parallel_loop3A_757, %parallel_loop3A_758] {strides = array<i32>} : memref<8x1024xf32, #tpu.memory_space<vmem>>, vector<1x16xf32>,
      %parallel_loop3A_760 = vector.shape_cast %parallel_loop3A_759 : vector<1x16xf32> to vector<16xf32>
      %parallel_loop3A_761 = vector.shape_cast %parallel_loop3A_756 : vector<16xf32> to vector<1x16xf32>
      tpu.vector_store %arg6[%parallel_loop3A_757, %parallel_loop3A_758], %parallel_loop3A_761 {strides = array<i32>} : memref<8x1024xf32, #tpu.memory_space<vmem>>, vector<1x16xf32>,
    } {sc.loop_unroll_factor = 8 : i64, sc.parallel_access}
    %add3A_640 = arith.constant 48 : i32
    %add3A_641 = arith.addi %mul3A_2, %add3A_640 : i32
    %dma_start3A_642 = arith.constant 0 : i32
    %dma_start3A_643 = tpu.memref_slice %arg4[%add3A_641, %dma_start3A_642] : memref<2048x1024xf32, #tpu.memory_space<hbm>> -> memref<8x1024xf32, #tpu.memory_space<hbm>>
    %dma_start3A_644 = arith.constant 0 : i32
    %dma_start3A_645 = tpu.memref_slice %arg4[%add3A_641, %dma_start3A_644] : memref<2048x1024xf32, #tpu.memory_space<hbm>> -> memref<8x1024xf32, #tpu.memory_space<hbm>>
    tpu.enqueue_dma source(%arg6 : memref<8x1024xf32, #tpu.memory_space<vmem>>) target(%dma_start3A_645 : memref<8x1024xf32, #tpu.memory_space<hbm>>) target_semaphore(%arg16 : memref<!tpu.dma_semaphore, #tpu.memory_space<semaphore_mem>>)
    %dma_wait3A_646 = arith.constant 7 : i32
    %dma_wait3A_647 = arith.constant 0 : i32
    %dma_wait3A_648 = tpu.memref_slice %arg5[%dma_wait3A_646, %dma_wait3A_647] : memref<32x8xi32, #tpu.memory_space<vmem>> -> memref<1x8xi32, #tpu.memory_space<vmem>>
    %dma_wait3A_649 = tpu.memref_squeeze %dma_wait3A_648 : memref<1x8xi32, #tpu.memory_space<vmem>> -> memref<8xi32, #tpu.memory_space<vmem>>
    %dma_wait3A_650 = arith.constant 0 : i32
    %dma_wait3A_651 = arith.constant 0 : i32
    %dma_wait3A_652 = tpu.memref_slice %arg2[%dma_wait3A_650, %dma_wait3A_651] : memref<12288x1024xf32, #tpu.memory_space<hbm>> -> memref<12288x1024xf32, #tpu.memory_space<hbm>>
    tpu.wait_indirect_dma semaphore(%arg15 : memref<!tpu.dma_semaphore, #tpu.memory_space<semaphore_mem>>) src(%dma_wait3A_652 : memref<12288x1024xf32, #tpu.memory_space<hbm>>) dst(%arg10 : memref<8x1024xf32, #tpu.memory_space<vmem>>)
    %dma_wait3A_653 = arith.constant 15 : i32
    %dma_wait3A_654 = arith.constant 0 : i32
    %dma_wait3A_655 = tpu.memref_slice %arg5[%dma_wait3A_653, %dma_wait3A_654] : memref<32x8xi32, #tpu.memory_space<vmem>> -> memref<1x8xi32, #tpu.memory_space<vmem>>
    %dma_wait3A_656 = tpu.memref_squeeze %dma_wait3A_655 : memref<1x8xi32, #tpu.memory_space<vmem>> -> memref<8xi32, #tpu.memory_space<vmem>>
    %dma_wait3A_657 = arith.constant 0 : i32
    %dma_wait3A_658 = arith.constant 0 : i32
    %dma_wait3A_659 = tpu.memref_slice %arg2[%dma_wait3A_657, %dma_wait3A_658] : memref<12288x1024xf32, #tpu.memory_space<hbm>> -> memref<12288x1024xf32, #tpu.memory_space<hbm>>
    tpu.wait_indirect_dma semaphore(%arg15 : memref<!tpu.dma_semaphore, #tpu.memory_space<semaphore_mem>>) src(%dma_wait3A_659 : memref<12288x1024xf32, #tpu.memory_space<hbm>>) dst(%arg11 : memref<8x1024xf32, #tpu.memory_space<vmem>>)
    %dma_wait3A_660 = arith.constant 23 : i32
    %dma_wait3A_661 = arith.constant 0 : i32
    %dma_wait3A_662 = tpu.memref_slice %arg5[%dma_wait3A_660, %dma_wait3A_661] : memref<32x8xi32, #tpu.memory_space<vmem>> -> memref<1x8xi32, #tpu.memory_space<vmem>>
    %dma_wait3A_663 = tpu.memref_squeeze %dma_wait3A_662 : memref<1x8xi32, #tpu.memory_space<vmem>> -> memref<8xi32, #tpu.memory_space<vmem>>
    %dma_wait3A_664 = arith.constant 0 : i32
    %dma_wait3A_665 = arith.constant 0 : i32
    %dma_wait3A_666 = tpu.memref_slice %arg2[%dma_wait3A_664, %dma_wait3A_665] : memref<12288x1024xf32, #tpu.memory_space<hbm>> -> memref<12288x1024xf32, #tpu.memory_space<hbm>>
    tpu.wait_indirect_dma semaphore(%arg15 : memref<!tpu.dma_semaphore, #tpu.memory_space<semaphore_mem>>) src(%dma_wait3A_666 : memref<12288x1024xf32, #tpu.memory_space<hbm>>) dst(%arg12 : memref<8x1024xf32, #tpu.memory_space<vmem>>)
    %dma_wait3A_667 = arith.constant 31 : i32
    %dma_wait3A_668 = arith.constant 0 : i32
    %dma_wait3A_669 = tpu.memref_slice %arg5[%dma_wait3A_667, %dma_wait3A_668] : memref<32x8xi32, #tpu.memory_space<vmem>> -> memref<1x8xi32, #tpu.memory_space<vmem>>
    %dma_wait3A_670 = tpu.memref_squeeze %dma_wait3A_669 : memref<1x8xi32, #tpu.memory_space<vmem>> -> memref<8xi32, #tpu.memory_space<vmem>>
    %dma_wait3A_671 = arith.constant 0 : i32
    %dma_wait3A_672 = arith.constant 0 : i32
    %dma_wait3A_673 = tpu.memref_slice %arg2[%dma_wait3A_671, %dma_wait3A_672] : memref<12288x1024xf32, #tpu.memory_space<hbm>> -> memref<12288x1024xf32, #tpu.memory_space<hbm>>
    tpu.wait_indirect_dma semaphore(%arg15 : memref<!tpu.dma_semaphore, #tpu.memory_space<semaphore_mem>>) src(%dma_wait3A_673 : memref<12288x1024xf32, #tpu.memory_space<hbm>>) dst(%arg13 : memref<8x1024xf32, #tpu.memory_space<vmem>>)
    %parallel_loop3A_674 = arith.constant 0 : i32
    %parallel_loop3A_675 = arith.constant 512 : i32
    %parallel_loop3A_676 = arith.constant 1 : i32
    scf.for %parallel_loop3A_695 = %parallel_loop3A_674 to %parallel_loop3A_675 step %parallel_loop3A_676  : i32 {
      %parallel_loop3A_696 = arith.constant 64 : i32
      %parallel_loop3A_697 = arith.divsi %parallel_loop3A_695, %parallel_loop3A_696 : i32
      %parallel_loop3A_698 = arith.constant 0 : i32
      %parallel_loop3A_699 = arith.cmpi sgt, %parallel_loop3A_695, %parallel_loop3A_698 : i32
      %parallel_loop3A_700 = arith.extui %parallel_loop3A_699 : i1 to i32
      %parallel_loop3A_701 = arith.constant 0 : i32
      %parallel_loop3A_702 = arith.cmpi slt, %parallel_loop3A_695, %parallel_loop3A_701 : i32
      %parallel_loop3A_703 = arith.extui %parallel_loop3A_702 : i1 to i32
      %parallel_loop3A_704 = arith.subi %parallel_loop3A_700, %parallel_loop3A_703 : i32
      %parallel_loop3A_705 = arith.constant 0 : i32
      %parallel_loop3A_706 = arith.cmpi sgt, %parallel_loop3A_696, %parallel_loop3A_705 : i32
      %parallel_loop3A_707 = arith.extui %parallel_loop3A_706 : i1 to i32
      %parallel_loop3A_708 = arith.constant 0 : i32
      %parallel_loop3A_709 = arith.cmpi slt, %parallel_loop3A_696, %parallel_loop3A_708 : i32
      %parallel_loop3A_710 = arith.extui %parallel_loop3A_709 : i1 to i32
      %parallel_loop3A_711 = arith.subi %parallel_loop3A_707, %parallel_loop3A_710 : i32
      %parallel_loop3A_712 = arith.cmpi ne, %parallel_loop3A_704, %parallel_loop3A_711 : i32
      %parallel_loop3A_713 = arith.remsi %parallel_loop3A_695, %parallel_loop3A_696 : i32
      %parallel_loop3A_714 = arith.constant 0 : i32
      %parallel_loop3A_715 = arith.cmpi ne, %parallel_loop3A_713, %parallel_loop3A_714 : i32
      %parallel_loop3A_716 = arith.andi %parallel_loop3A_712, %parallel_loop3A_715 : i1
      %parallel_loop3A_717 = arith.constant 1 : i32
      %parallel_loop3A_718 = arith.subi %parallel_loop3A_697, %parallel_loop3A_717 : i32
      %parallel_loop3A_719 = arith.select %parallel_loop3A_716, %parallel_loop3A_718, %parallel_loop3A_697 : i32
      %parallel_loop3A_720 = arith.constant 64 : i32
      %parallel_loop3A_721 = arith.constant 0 : i32
      %parallel_loop3A_722 = arith.cmpi eq, %parallel_loop3A_720, %parallel_loop3A_721 : i32
      %parallel_loop3A_723 = arith.constant 1 : i32
      %parallel_loop3A_724 = arith.select %parallel_loop3A_722, %parallel_loop3A_723, %parallel_loop3A_720 : i32
      %parallel_loop3A_725 = arith.remsi %parallel_loop3A_695, %parallel_loop3A_724 : i32
      %parallel_loop3A_726 = arith.constant 0 : i32
      %parallel_loop3A_727 = arith.cmpi ne, %parallel_loop3A_725, %parallel_loop3A_726 : i32
      %parallel_loop3A_728 = arith.constant 0 : i32
      %parallel_loop3A_729 = arith.cmpi slt, %parallel_loop3A_725, %parallel_loop3A_728 : i32
      %parallel_loop3A_730 = arith.constant 0 : i32
      %parallel_loop3A_731 = arith.cmpi slt, %parallel_loop3A_724, %parallel_loop3A_730 : i32
      %parallel_loop3A_732 = arith.xori %parallel_loop3A_729, %parallel_loop3A_731 : i1
      %parallel_loop3A_733 = arith.andi %parallel_loop3A_732, %parallel_loop3A_727 : i1
      %parallel_loop3A_734 = arith.addi %parallel_loop3A_725, %parallel_loop3A_724 : i32
      %parallel_loop3A_735 = arith.select %parallel_loop3A_733, %parallel_loop3A_734, %parallel_loop3A_725 : i32
      %parallel_loop3A_736 = arith.constant 16 : i32
      %parallel_loop3A_737 = arith.muli %parallel_loop3A_735, %parallel_loop3A_736 : i32
      %parallel_loop3A_738 = arith.index_cast %parallel_loop3A_719 : i32 to index
      %parallel_loop3A_739 = arith.index_cast %parallel_loop3A_737 : i32 to index
      %parallel_loop3A_740 = tpu.vector_load %arg10[%parallel_loop3A_738, %parallel_loop3A_739] {strides = array<i32>} : memref<8x1024xf32, #tpu.memory_space<vmem>>, vector<1x16xf32>,
      %parallel_loop3A_741 = vector.shape_cast %parallel_loop3A_740 : vector<1x16xf32> to vector<16xf32>
      %parallel_loop3A_742 = arith.index_cast %parallel_loop3A_719 : i32 to index
      %parallel_loop3A_743 = arith.index_cast %parallel_loop3A_737 : i32 to index
      %parallel_loop3A_744 = tpu.vector_load %arg11[%parallel_loop3A_742, %parallel_loop3A_743] {strides = array<i32>} : memref<8x1024xf32, #tpu.memory_space<vmem>>, vector<1x16xf32>,
      %parallel_loop3A_745 = vector.shape_cast %parallel_loop3A_744 : vector<1x16xf32> to vector<16xf32>
      %parallel_loop3A_746 = arith.addf %parallel_loop3A_741, %parallel_loop3A_745 : vector<16xf32>
      %parallel_loop3A_747 = arith.index_cast %parallel_loop3A_719 : i32 to index
      %parallel_loop3A_748 = arith.index_cast %parallel_loop3A_737 : i32 to index
      %parallel_loop3A_749 = tpu.vector_load %arg12[%parallel_loop3A_747, %parallel_loop3A_748] {strides = array<i32>} : memref<8x1024xf32, #tpu.memory_space<vmem>>, vector<1x16xf32>,
      %parallel_loop3A_750 = vector.shape_cast %parallel_loop3A_749 : vector<1x16xf32> to vector<16xf32>
      %parallel_loop3A_751 = arith.addf %parallel_loop3A_746, %parallel_loop3A_750 : vector<16xf32>
      %parallel_loop3A_752 = arith.index_cast %parallel_loop3A_719 : i32 to index
      %parallel_loop3A_753 = arith.index_cast %parallel_loop3A_737 : i32 to index
      %parallel_loop3A_754 = tpu.vector_load %arg13[%parallel_loop3A_752, %parallel_loop3A_753] {strides = array<i32>} : memref<8x1024xf32, #tpu.memory_space<vmem>>, vector<1x16xf32>,
      %parallel_loop3A_755 = vector.shape_cast %parallel_loop3A_754 : vector<1x16xf32> to vector<16xf32>
      %parallel_loop3A_756 = arith.addf %parallel_loop3A_751, %parallel_loop3A_755 : vector<16xf32>
      %parallel_loop3A_757 = arith.index_cast %parallel_loop3A_719 : i32 to index
      %parallel_loop3A_758 = arith.index_cast %parallel_loop3A_737 : i32 to index
      %parallel_loop3A_759 = tpu.vector_load %arg10[%parallel_loop3A_757, %parallel_loop3A_758] {strides = array<i32>} : memref<8x1024xf32, #tpu.memory_space<vmem>>, vector<1x16xf32>,
      %parallel_loop3A_760 = vector.shape_cast %parallel_loop3A_759 : vector<1x16xf32> to vector<16xf32>
      %parallel_loop3A_761 = vector.shape_cast %parallel_loop3A_756 : vector<16xf32> to vector<1x16xf32>
      tpu.vector_store %arg10[%parallel_loop3A_757, %parallel_loop3A_758], %parallel_loop3A_761 {strides = array<i32>} : memref<8x1024xf32, #tpu.memory_space<vmem>>, vector<1x16xf32>,
    } {sc.loop_unroll_factor = 8 : i64, sc.parallel_access}
    %add3A_677 = arith.constant 56 : i32
    %add3A_678 = arith.addi %mul3A_2, %add3A_677 : i32
    %dma_start3A_679 = arith.constant 0 : i32
    %dma_start3A_680 = tpu.memref_slice %arg4[%add3A_678, %dma_start3A_679] : memref<2048x1024xf32, #tpu.memory_space<hbm>> -> memref<8x1024xf32, #tpu.memory_space<hbm>>
    %dma_start3A_681 = arith.constant 0 : i32
    %dma_start3A_682 = tpu.memref_slice %arg4[%add3A_678, %dma_start3A_681] : memref<2048x1024xf32, #tpu.memory_space<hbm>> -> memref<8x1024xf32, #tpu.memory_space<hbm>>
    tpu.enqueue_dma source(%arg10 : memref<8x1024xf32, #tpu.memory_space<vmem>>) target(%dma_start3A_682 : memref<8x1024xf32, #tpu.memory_space<hbm>>) target_semaphore(%arg17 : memref<!tpu.dma_semaphore, #tpu.memory_space<semaphore_mem>>)
    %add3A_683 = arith.constant 48 : i32
    %add3A_684 = arith.addi %mul3A_2, %add3A_683 : i32
    %dma_wait3A_685 = arith.constant 0 : i32
    %dma_wait3A_686 = tpu.memref_slice %arg4[%add3A_684, %dma_wait3A_685] : memref<2048x1024xf32, #tpu.memory_space<hbm>> -> memref<8x1024xf32, #tpu.memory_space<hbm>>
    %dma_wait3A_687 = arith.constant 0 : i32
    %dma_wait3A_688 = tpu.memref_slice %arg4[%add3A_684, %dma_wait3A_687] : memref<2048x1024xf32, #tpu.memory_space<hbm>> -> memref<8x1024xf32, #tpu.memory_space<hbm>>
    tpu.wait_dma2 semaphore(%arg16 : memref<!tpu.dma_semaphore, #tpu.memory_space<semaphore_mem>>) src(%arg6 : memref<8x1024xf32, #tpu.memory_space<vmem>>) dst(%dma_wait3A_688 : memref<8x1024xf32, #tpu.memory_space<hbm>>)
    %add3A_689 = arith.constant 56 : i32
    %add3A_690 = arith.addi %mul3A_2, %add3A_689 : i32
    %dma_wait3A_691 = arith.constant 0 : i32
    %dma_wait3A_692 = tpu.memref_slice %arg4[%add3A_690, %dma_wait3A_691] : memref<2048x1024xf32, #tpu.memory_space<hbm>> -> memref<8x1024xf32, #tpu.memory_space<hbm>>
    %dma_wait3A_693 = arith.constant 0 : i32
    %dma_wait3A_694 = tpu.memref_slice %arg4[%add3A_690, %dma_wait3A_693] : memref<2048x1024xf32, #tpu.memory_space<hbm>> -> memref<8x1024xf32, #tpu.memory_space<hbm>>
    tpu.wait_dma2 semaphore(%arg17 : memref<!tpu.dma_semaphore, #tpu.memory_space<semaphore_mem>>) src(%arg10 : memref<8x1024xf32, #tpu.memory_space<vmem>>) dst(%dma_wait3A_694 : memref<8x1024xf32, #tpu.memory_space<hbm>>)
    return
  }
}

module attributes {stable_mosaic.version = 14 : i64} {
  func.func @_gmm_body(%arg0: i32, %arg1: memref<1x128xi32, #tpu.memory_space<smem>>, %arg2: memref<256x1024xf32, #tpu.memory_space<vmem>>, %arg3: memref<256x1024xf32, #tpu.memory_space<vmem>>, %arg4: memref<1x1x256xf32, #tpu.memory_space<vmem>>, %arg5: memref<1024x256xf32, #tpu.memory_space<vmem>>, %arg6: memref<1x1024xf32, #tpu.memory_space<vmem>>, %arg7: memref<256x1024xf32, #tpu.memory_space<vmem>>) attributes {dimension_semantics = [#tpu.dimension_semantics<arbitrary>], iteration_bounds = array<i64: 48>, scalar_prefetch = 1 : i64, scratch_operands = 0 : i64, tpu.core_type = #tpu.core_type<tc>, window_params = [{transform_indices = @transform_0, window_bounds = array<i64: 256, 1024>}, {transform_indices = @transform_1, window_bounds = array<i64: 256, 1024>}, {transform_indices = @transform_2, window_bounds = array<i64: 1, 1, 256>}, {transform_indices = @transform_3, window_bounds = array<i64: 1024, 256>}, {pipeline_mode = #tpu.pipeline_mode<synchronous>, transform_indices = @transform_4, window_bounds = array<i64: 1, 1024>}, {transform_indices = @transform_5, window_bounds = array<i64: 256, 1024>}]} {
    %get3A = arith.constant 0 : index
    %get3A_0 = arith.constant 0 : index
    %get3A_1 = vector.load %arg2[%get3A, %get3A_0] : memref<256x1024xf32, #tpu.memory_space<vmem>>, vector<256x1024xf32>
    %get3A_2 = arith.constant 0 : index
    %get3A_3 = arith.constant 0 : index
    %get3A_4 = vector.load %arg3[%get3A_2, %get3A_3] : memref<256x1024xf32, #tpu.memory_space<vmem>>, vector<256x1024xf32>
    %dot_general3A = arith.constant dense<0.000000e+00> : vector<256x256xf32>
    %dot_general3A_5 = tpu.matmul %get3A_1, %get3A_4, %dot_general3A {dimension_numbers = #tpu.dot_dimension_numbers<[1], [1], [0], [0], [0, 0, 1, 0], [], []>, transpose_lhs_hint = false} : vector<256x1024xf32>, vector<256x1024xf32>, vector<256x256xf32> -> vector<256x256xf32>
    %get3A_6 = arith.constant 0 : index
    %get3A_7 = arith.constant 0 : index
    %get3A_8 = arith.constant 0 : index
    %get3A_9 = vector.load %arg4[%get3A_6, %get3A_7, %get3A_8] : memref<1x1x256xf32, #tpu.memory_space<vmem>>, vector<1x1x256xf32>
    %get3A_10 = vector.shape_cast %get3A_9 : vector<1x1x256xf32> to vector<1x256xf32>
    %add3A = vector.broadcast %get3A_10 : vector<1x256xf32> to vector<256x256xf32>
    %add3A_11 = arith.addf %dot_general3A_5, %add3A : vector<256x256xf32>
    %max3A = arith.constant 0.000000e+00 : f32
    %max3A_12 = vector.broadcast %max3A : f32 to vector<256x256xf32>
    %max3A_13 = arith.maximumf %add3A_11, %max3A_12 : vector<256x256xf32>
    %get3A_14 = arith.constant 0 : index
    %get3A_15 = arith.constant 0 : index
    %get3A_16 = vector.load %arg5[%get3A_14, %get3A_15] : memref<1024x256xf32, #tpu.memory_space<vmem>>, vector<1024x256xf32>
    %dot_general3A_17 = arith.constant dense<0.000000e+00> : vector<256x1024xf32>
    %dot_general3A_18 = tpu.matmul %max3A_13, %get3A_16, %dot_general3A_17 {dimension_numbers = #tpu.dot_dimension_numbers<[1], [1], [0], [0], [0, 0, 1, 0], [], []>, transpose_lhs_hint = false} : vector<256x256xf32>, vector<1024x256xf32>, vector<256x1024xf32> -> vector<256x1024xf32>
    %get3A_19 = arith.constant 0 : index
    %get3A_20 = arith.constant 0 : index
    %get3A_21 = vector.load %arg6[%get3A_19, %get3A_20] : memref<1x1024xf32, #tpu.memory_space<vmem>>, vector<1x1024xf32>
    %mul3A = arith.constant 2.500000e-01 : f32
    %mul3A_22 = vector.broadcast %mul3A : f32 to vector<1x1024xf32>
    %mul3A_23 = arith.mulf %mul3A_22, %get3A_21 : vector<1x1024xf32>
    %add3A_24 = vector.broadcast %mul3A_23 : vector<1x1024xf32> to vector<256x1024xf32>
    %add3A_25 = arith.addf %dot_general3A_18, %add3A_24 : vector<256x1024xf32>
    %swap3A = arith.constant 0 : index
    %swap3A_26 = arith.constant 0 : index
    %swap3A_27 = vector.load %arg7[%swap3A, %swap3A_26] : memref<256x1024xf32, #tpu.memory_space<vmem>>, vector<256x1024xf32>
    tpu.vector_store %arg7[%swap3A, %swap3A_26], %add3A_25 {strides = array<i32>} : memref<256x1024xf32, #tpu.memory_space<vmem>>, vector<256x1024xf32>,
    return
  }
  func.func @transform_0(%arg0: i32, %arg1: memref<1x128xi32, #tpu.memory_space<smem>>) -> (i32, i32) {
    %c0_i32 = arith.constant 0 : i32
    %c0_i32_0 = arith.constant 0 : i32
    return %arg0, %c0_i32 : i32, i32
  }
  func.func @transform_1(%arg0: i32, %arg1: memref<1x128xi32, #tpu.memory_space<smem>>) -> (i32, i32) {
    %get3A = arith.constant 0 : index
    %get3A_0 = arith.index_cast %arg0 : i32 to index
    %get3A_1 = memref.load %arg1[%get3A, %get3A_0] : memref<1x128xi32, #tpu.memory_space<smem>>
    %c0_i32 = arith.constant 0 : i32
    %c0_i32_2 = arith.constant 0 : i32
    return %get3A_1, %c0_i32 : i32, i32
  }
  func.func @transform_2(%arg0: i32, %arg1: memref<1x128xi32, #tpu.memory_space<smem>>) -> (i32, i32, i32) {
    %get3A = arith.constant 0 : index
    %get3A_0 = arith.index_cast %arg0 : i32 to index
    %get3A_1 = memref.load %arg1[%get3A, %get3A_0] : memref<1x128xi32, #tpu.memory_space<smem>>
    %c0_i32 = arith.constant 0 : i32
    %c0_i32_2 = arith.constant 0 : i32
    %c0_i32_3 = arith.constant 0 : i32
    return %get3A_1, %c0_i32, %c0_i32_2 : i32, i32, i32
  }
  func.func @transform_3(%arg0: i32, %arg1: memref<1x128xi32, #tpu.memory_space<smem>>) -> (i32, i32) {
    %get3A = arith.constant 0 : index
    %get3A_0 = arith.index_cast %arg0 : i32 to index
    %get3A_1 = memref.load %arg1[%get3A, %get3A_0] : memref<1x128xi32, #tpu.memory_space<smem>>
    %c0_i32 = arith.constant 0 : i32
    %c0_i32_2 = arith.constant 0 : i32
    return %c0_i32, %get3A_1 : i32, i32
  }
  func.func @transform_4(%arg0: i32, %arg1: memref<1x128xi32, #tpu.memory_space<smem>>) -> (i32, i32) {
    %c0_i32 = arith.constant 0 : i32
    %c0_i32_0 = arith.constant 0 : i32
    %c0_i32_1 = arith.constant 0 : i32
    return %c0_i32, %c0_i32_0 : i32, i32
  }
  func.func @transform_5(%arg0: i32, %arg1: memref<1x128xi32, #tpu.memory_space<smem>>) -> (i32, i32) {
    %c0_i32 = arith.constant 0 : i32
    %c0_i32_0 = arith.constant 0 : i32
    return %arg0, %c0_i32 : i32, i32
  }
}

module attributes {stable_mosaic.version = 14 : i64} {
  func.func @_router_body(%arg0: memref<2048x1024xf32, #tpu.memory_space<vmem>>, %arg1: memref<16x1024xf32, #tpu.memory_space<vmem>>, %arg2: memref<1x16xf32, #tpu.memory_space<vmem>>, %arg3: memref<4x2048xi32, #tpu.memory_space<vmem>>, %arg4: memref<1x128xi32, #tpu.memory_space<vmem>>) attributes {dimension_semantics = [], scalar_prefetch = 0 : i64, scratch_operands = 0 : i64, tpu.core_type = #tpu.core_type<tc>} {
    %get3A = arith.constant 0 : index
    %get3A_0 = arith.constant 0 : index
    %get3A_1 = vector.load %arg0[%get3A, %get3A_0] : memref<2048x1024xf32, #tpu.memory_space<vmem>>, vector<2048x1024xf32>
    %get3A_2 = arith.constant 0 : index
    %get3A_3 = arith.constant 0 : index
    %get3A_4 = vector.load %arg1[%get3A_2, %get3A_3] : memref<16x1024xf32, #tpu.memory_space<vmem>>, vector<16x1024xf32>
    %dot_general3A = arith.constant dense<0.000000e+00> : vector<2048x16xf32>
    %dot_general3A_5 = tpu.matmul %get3A_1, %get3A_4, %dot_general3A {dimension_numbers = #tpu.dot_dimension_numbers<[1], [1], [0], [0], [0, 0, 1, 0], [], []>, transpose_lhs_hint = false} : vector<2048x1024xf32>, vector<16x1024xf32>, vector<2048x16xf32> -> vector<2048x16xf32>
    %get3A_6 = arith.constant 0 : index
    %get3A_7 = arith.constant 0 : index
    %get3A_8 = vector.load %arg2[%get3A_6, %get3A_7] : memref<1x16xf32, #tpu.memory_space<vmem>>, vector<1x16xf32>
    %add3A = vector.broadcast %get3A_8 : vector<1x16xf32> to vector<2048x16xf32>
    %add3A_9 = arith.addf %dot_general3A_5, %add3A : vector<2048x16xf32>
    %iota3A = tpu.iota {dimensions = array<i32: 1>} : vector<2048x16xi32>
    %reduce_max3A = arith.constant dense<0xFF800000> : vector<2048xf32>
    %reduce_max3A_10 = vector.multi_reduction <maximumf>, %add3A_9, %reduce_max3A [1] : vector<2048x16xf32> to vector<2048xf32>
    %broadcast_in_dim3A = vector.shape_cast %reduce_max3A_10 : vector<2048xf32> to vector<2048x1xf32>
    %eq3A = vector.broadcast %broadcast_in_dim3A : vector<2048x1xf32> to vector<2048x16xf32>
    %eq3A_11 = arith.cmpf oeq, %add3A_9, %eq3A : vector<2048x16xf32>
    %jit3A = arith.constant 16 : i32
    %broadcast_in_dim3A_12 = vector.broadcast %jit3A : i32 to vector<2048x16xi32>
    %select_n3A = arith.select %eq3A_11, %iota3A, %broadcast_in_dim3A_12 : vector<2048x16xi1>, vector<2048x16xi32>
    %reduce_min3A = arith.constant dense<2147483647> : vector<2048xi32>
    %reduce_min3A_13 = vector.multi_reduction <minsi>, %select_n3A, %reduce_min3A [1] : vector<2048x16xi32> to vector<2048xi32>
    %broadcast_in_dim3A_14 = vector.shape_cast %reduce_min3A_13 : vector<2048xi32> to vector<2048x1xi32>
    %eq3A_15 = vector.broadcast %broadcast_in_dim3A_14 : vector<2048x1xi32> to vector<2048x16xi32>
    %eq3A_16 = arith.cmpi eq, %iota3A, %eq3A_15 : vector<2048x16xi32>
    %jit3A_17 = arith.constant 0xFF800000 : f32
    %broadcast_in_dim3A_18 = vector.broadcast %jit3A_17 : f32 to vector<2048x16xf32>
    %select_n3A_19 = arith.select %eq3A_16, %broadcast_in_dim3A_18, %add3A_9 : vector<2048x16xi1>, vector<2048x16xf32>
    %reduce_max3A_20 = arith.constant dense<0xFF800000> : vector<2048xf32>
    %reduce_max3A_21 = vector.multi_reduction <maximumf>, %select_n3A_19, %reduce_max3A_20 [1] : vector<2048x16xf32> to vector<2048xf32>
    %broadcast_in_dim3A_22 = vector.shape_cast %reduce_max3A_21 : vector<2048xf32> to vector<2048x1xf32>
    %eq3A_23 = vector.broadcast %broadcast_in_dim3A_22 : vector<2048x1xf32> to vector<2048x16xf32>
    %eq3A_24 = arith.cmpf oeq, %select_n3A_19, %eq3A_23 : vector<2048x16xf32>
    %jit3A_25 = arith.constant 16 : i32
    %broadcast_in_dim3A_26 = vector.broadcast %jit3A_25 : i32 to vector<2048x16xi32>
    %select_n3A_27 = arith.select %eq3A_24, %iota3A, %broadcast_in_dim3A_26 : vector<2048x16xi1>, vector<2048x16xi32>
    %reduce_min3A_28 = arith.constant dense<2147483647> : vector<2048xi32>
    %reduce_min3A_29 = vector.multi_reduction <minsi>, %select_n3A_27, %reduce_min3A_28 [1] : vector<2048x16xi32> to vector<2048xi32>
    %broadcast_in_dim3A_30 = vector.shape_cast %reduce_min3A_29 : vector<2048xi32> to vector<2048x1xi32>
    %eq3A_31 = vector.broadcast %broadcast_in_dim3A_30 : vector<2048x1xi32> to vector<2048x16xi32>
    %eq3A_32 = arith.cmpi eq, %iota3A, %eq3A_31 : vector<2048x16xi32>
    %jit3A_33 = arith.constant 0xFF800000 : f32
    %broadcast_in_dim3A_34 = vector.broadcast %jit3A_33 : f32 to vector<2048x16xf32>
    %select_n3A_35 = arith.select %eq3A_32, %broadcast_in_dim3A_34, %select_n3A_19 : vector<2048x16xi1>, vector<2048x16xf32>
    %reduce_max3A_36 = arith.constant dense<0xFF800000> : vector<2048xf32>
    %reduce_max3A_37 = vector.multi_reduction <maximumf>, %select_n3A_35, %reduce_max3A_36 [1] : vector<2048x16xf32> to vector<2048xf32>
    %broadcast_in_dim3A_38 = vector.shape_cast %reduce_max3A_37 : vector<2048xf32> to vector<2048x1xf32>
    %eq3A_39 = vector.broadcast %broadcast_in_dim3A_38 : vector<2048x1xf32> to vector<2048x16xf32>
    %eq3A_40 = arith.cmpf oeq, %select_n3A_35, %eq3A_39 : vector<2048x16xf32>
    %jit3A_41 = arith.constant 16 : i32
    %broadcast_in_dim3A_42 = vector.broadcast %jit3A_41 : i32 to vector<2048x16xi32>
    %select_n3A_43 = arith.select %eq3A_40, %iota3A, %broadcast_in_dim3A_42 : vector<2048x16xi1>, vector<2048x16xi32>
    %reduce_min3A_44 = arith.constant dense<2147483647> : vector<2048xi32>
    %reduce_min3A_45 = vector.multi_reduction <minsi>, %select_n3A_43, %reduce_min3A_44 [1] : vector<2048x16xi32> to vector<2048xi32>
    %broadcast_in_dim3A_46 = vector.shape_cast %reduce_min3A_45 : vector<2048xi32> to vector<2048x1xi32>
    %eq3A_47 = vector.broadcast %broadcast_in_dim3A_46 : vector<2048x1xi32> to vector<2048x16xi32>
    %eq3A_48 = arith.cmpi eq, %iota3A, %eq3A_47 : vector<2048x16xi32>
    %jit3A_49 = arith.constant 0xFF800000 : f32
    %broadcast_in_dim3A_50 = vector.broadcast %jit3A_49 : f32 to vector<2048x16xf32>
    %select_n3A_51 = arith.select %eq3A_48, %broadcast_in_dim3A_50, %select_n3A_35 : vector<2048x16xi1>, vector<2048x16xf32>
    %reduce_max3A_52 = arith.constant dense<0xFF800000> : vector<2048xf32>
    %reduce_max3A_53 = vector.multi_reduction <maximumf>, %select_n3A_51, %reduce_max3A_52 [1] : vector<2048x16xf32> to vector<2048xf32>
    %broadcast_in_dim3A_54 = vector.shape_cast %reduce_max3A_53 : vector<2048xf32> to vector<2048x1xf32>
    %eq3A_55 = vector.broadcast %broadcast_in_dim3A_54 : vector<2048x1xf32> to vector<2048x16xf32>
    %eq3A_56 = arith.cmpf oeq, %select_n3A_51, %eq3A_55 : vector<2048x16xf32>
    %jit3A_57 = arith.constant 16 : i32
    %broadcast_in_dim3A_58 = vector.broadcast %jit3A_57 : i32 to vector<2048x16xi32>
    %select_n3A_59 = arith.select %eq3A_56, %iota3A, %broadcast_in_dim3A_58 : vector<2048x16xi1>, vector<2048x16xi32>
    %reduce_min3A_60 = arith.constant dense<2147483647> : vector<2048xi32>
    %reduce_min3A_61 = vector.multi_reduction <minsi>, %select_n3A_59, %reduce_min3A_60 [1] : vector<2048x16xi32> to vector<2048xi32>
    %broadcast_in_dim3A_62 = vector.shape_cast %reduce_min3A_61 : vector<2048xi32> to vector<2048x1xi32>
    %eq3A_63 = vector.broadcast %broadcast_in_dim3A_62 : vector<2048x1xi32> to vector<2048x16xi32>
    %eq3A_64 = arith.cmpi eq, %iota3A, %eq3A_63 : vector<2048x16xi32>
    %convert_element_type3A = arith.extui %eq3A_16 : vector<2048x16xi1> to vector<2048x16xi32>
    %convert_element_type3A_65 = arith.sitofp %convert_element_type3A : vector<2048x16xi32> to vector<2048x16xf32>
    %convert_element_type3A_66 = arith.extui %eq3A_32 : vector<2048x16xi1> to vector<2048x16xi32>
    %convert_element_type3A_67 = arith.sitofp %convert_element_type3A_66 : vector<2048x16xi32> to vector<2048x16xf32>
    %add3A_68 = arith.addf %convert_element_type3A_65, %convert_element_type3A_67 : vector<2048x16xf32>
    %convert_element_type3A_69 = arith.extui %eq3A_48 : vector<2048x16xi1> to vector<2048x16xi32>
    %convert_element_type3A_70 = arith.sitofp %convert_element_type3A_69 : vector<2048x16xi32> to vector<2048x16xf32>
    %add3A_71 = arith.addf %add3A_68, %convert_element_type3A_70 : vector<2048x16xf32>
    %convert_element_type3A_72 = arith.extui %eq3A_64 : vector<2048x16xi1> to vector<2048x16xi32>
    %convert_element_type3A_73 = arith.sitofp %convert_element_type3A_72 : vector<2048x16xi32> to vector<2048x16xf32>
    %add3A_74 = arith.addf %add3A_71, %convert_element_type3A_73 : vector<2048x16xf32>
    %reduce_sum3A = arith.constant dense<0.000000e+00> : vector<16xf32>
    %reduce_sum3A_75 = vector.multi_reduction <add>, %add3A_74, %reduce_sum3A [0] : vector<2048x16xf32> to vector<16xf32>
    %broadcast_in_dim3A_76 = vector.shape_cast %reduce_sum3A_75 : vector<16xf32> to vector<1x16xf32>
    %add3A_77 = arith.constant 2.550000e+02 : f32
    %add3A_78 = vector.broadcast %add3A_77 : f32 to vector<1x16xf32>
    %add3A_79 = arith.addf %broadcast_in_dim3A_76, %add3A_78 : vector<1x16xf32>
    %mul3A = arith.constant 3.906250e-03 : f32
    %mul3A_80 = vector.broadcast %mul3A : f32 to vector<1x16xf32>
    %mul3A_81 = arith.mulf %add3A_79, %mul3A_80 : vector<1x16xf32>
    %floor3A = math.floor %mul3A_81 : vector<1x16xf32>
    %mul3A_82 = arith.constant 2.560000e+02 : f32
    %mul3A_83 = vector.broadcast %mul3A_82 : f32 to vector<1x16xf32>
    %mul3A_84 = arith.mulf %floor3A, %mul3A_83 : vector<1x16xf32>
    %iota3A_85 = tpu.iota {dimensions = array<i32: 0>} : vector<16x16xi32>
    %iota3A_86 = tpu.iota {dimensions = array<i32: 1>} : vector<16x16xi32>
    %le3A = arith.cmpi sle, %iota3A_85, %iota3A_86 : vector<16x16xi32>
    %convert_element_type3A_87 = arith.extui %le3A : vector<16x16xi1> to vector<16x16xi32>
    %convert_element_type3A_88 = arith.sitofp %convert_element_type3A_87 : vector<16x16xi32> to vector<16x16xf32>
    %dot_general3A_89 = arith.constant dense<0.000000e+00> : vector<1x16xf32>
    %dot_general3A_90 = tpu.matmul %mul3A_84, %convert_element_type3A_88, %dot_general3A_89 {dimension_numbers = #tpu.dot_dimension_numbers<[1], [0], [0], [1], [0, 0, 1, 1], [], []>, precision = #tpu.contract_precision<fp32>, transpose_lhs_hint = false} : vector<1x16xf32>, vector<16x16xf32>, vector<1x16xf32> -> vector<1x16xf32>
    %sub3A = arith.subf %dot_general3A_90, %mul3A_84 : vector<1x16xf32>
    %iota3A_91 = tpu.iota {dimensions = array<i32: 0>} : vector<256x256xi32>
    %iota3A_92 = tpu.iota {dimensions = array<i32: 1>} : vector<256x256xi32>
    %ge3A = arith.cmpi sge, %iota3A_91, %iota3A_92 : vector<256x256xi32>
    %convert_element_type3A_93 = arith.extui %ge3A : vector<256x256xi1> to vector<256x256xi32>
    %convert_element_type3A_94 = arith.sitofp %convert_element_type3A_93 : vector<256x256xi32> to vector<256x256xf32>
    %convert_element_type3A_95 = arith.truncf %convert_element_type3A_94 : vector<256x256xf32> to vector<256x256xbf16>
    %broadcast_in_dim3A_96 = arith.constant 0.000000e+00 : f32
    %broadcast_in_dim3A_97 = vector.broadcast %broadcast_in_dim3A_96 : f32 to vector<1x16xf32>
    %slice3A = vector.extract_strided_slice %add3A_74 {offsets = [0, 0], sizes = [256, 16], strides = [1, 1]} : vector<2048x16xf32> to vector<256x16xf32>
    %convert_element_type3A_98 = arith.truncf %slice3A : vector<256x16xf32> to vector<256x16xbf16>
    %dot_general3A_99 = arith.constant dense<0.000000e+00> : vector<256x16xf32>
    %dot_general3A_100 = tpu.matmul %convert_element_type3A_95, %convert_element_type3A_98, %dot_general3A_99 {dimension_numbers = #tpu.dot_dimension_numbers<[1], [0], [0], [1], [0, 0, 1, 1], [], []>, transpose_lhs_hint = false} : vector<256x256xbf16>, vector<256x16xbf16>, vector<256x16xf32> -> vector<256x16xf32>
    %add3A_101 = vector.broadcast %broadcast_in_dim3A_97 : vector<1x16xf32> to vector<256x16xf32>
    %add3A_102 = arith.addf %dot_general3A_100, %add3A_101 : vector<256x16xf32>
    %slice3A_103 = vector.extract_strided_slice %dot_general3A_100 {offsets = [255, 0], sizes = [1, 16], strides = [1, 1]} : vector<256x16xf32> to vector<1x16xf32>
    %add3A_104 = arith.addf %broadcast_in_dim3A_97, %slice3A_103 : vector<1x16xf32>
    %slice3A_105 = vector.extract_strided_slice %add3A_74 {offsets = [256, 0], sizes = [256, 16], strides = [1, 1]} : vector<2048x16xf32> to vector<256x16xf32>
    %convert_element_type3A_106 = arith.truncf %slice3A_105 : vector<256x16xf32> to vector<256x16xbf16>
    %dot_general3A_107 = arith.constant dense<0.000000e+00> : vector<256x16xf32>
    %dot_general3A_108 = tpu.matmul %convert_element_type3A_95, %convert_element_type3A_106, %dot_general3A_107 {dimension_numbers = #tpu.dot_dimension_numbers<[1], [0], [0], [1], [0, 0, 1, 1], [], []>, transpose_lhs_hint = false} : vector<256x256xbf16>, vector<256x16xbf16>, vector<256x16xf32> -> vector<256x16xf32>
    %add3A_109 = vector.broadcast %add3A_104 : vector<1x16xf32> to vector<256x16xf32>
    %add3A_110 = arith.addf %dot_general3A_108, %add3A_109 : vector<256x16xf32>
    %slice3A_111 = vector.extract_strided_slice %dot_general3A_108 {offsets = [255, 0], sizes = [1, 16], strides = [1, 1]} : vector<256x16xf32> to vector<1x16xf32>
    %add3A_112 = arith.addf %add3A_104, %slice3A_111 : vector<1x16xf32>
    %slice3A_113 = vector.extract_strided_slice %add3A_74 {offsets = [512, 0], sizes = [256, 16], strides = [1, 1]} : vector<2048x16xf32> to vector<256x16xf32>
    %convert_element_type3A_114 = arith.truncf %slice3A_113 : vector<256x16xf32> to vector<256x16xbf16>
    %dot_general3A_115 = arith.constant dense<0.000000e+00> : vector<256x16xf32>
    %dot_general3A_116 = tpu.matmul %convert_element_type3A_95, %convert_element_type3A_114, %dot_general3A_115 {dimension_numbers = #tpu.dot_dimension_numbers<[1], [0], [0], [1], [0, 0, 1, 1], [], []>, transpose_lhs_hint = false} : vector<256x256xbf16>, vector<256x16xbf16>, vector<256x16xf32> -> vector<256x16xf32>
    %add3A_117 = vector.broadcast %add3A_112 : vector<1x16xf32> to vector<256x16xf32>
    %add3A_118 = arith.addf %dot_general3A_116, %add3A_117 : vector<256x16xf32>
    %slice3A_119 = vector.extract_strided_slice %dot_general3A_116 {offsets = [255, 0], sizes = [1, 16], strides = [1, 1]} : vector<256x16xf32> to vector<1x16xf32>
    %add3A_120 = arith.addf %add3A_112, %slice3A_119 : vector<1x16xf32>
    %slice3A_121 = vector.extract_strided_slice %add3A_74 {offsets = [768, 0], sizes = [256, 16], strides = [1, 1]} : vector<2048x16xf32> to vector<256x16xf32>
    %convert_element_type3A_122 = arith.truncf %slice3A_121 : vector<256x16xf32> to vector<256x16xbf16>
    %dot_general3A_123 = arith.constant dense<0.000000e+00> : vector<256x16xf32>
    %dot_general3A_124 = tpu.matmul %convert_element_type3A_95, %convert_element_type3A_122, %dot_general3A_123 {dimension_numbers = #tpu.dot_dimension_numbers<[1], [0], [0], [1], [0, 0, 1, 1], [], []>, transpose_lhs_hint = false} : vector<256x256xbf16>, vector<256x16xbf16>, vector<256x16xf32> -> vector<256x16xf32>
    %add3A_125 = vector.broadcast %add3A_120 : vector<1x16xf32> to vector<256x16xf32>
    %add3A_126 = arith.addf %dot_general3A_124, %add3A_125 : vector<256x16xf32>
    %slice3A_127 = vector.extract_strided_slice %dot_general3A_124 {offsets = [255, 0], sizes = [1, 16], strides = [1, 1]} : vector<256x16xf32> to vector<1x16xf32>
    %add3A_128 = arith.addf %add3A_120, %slice3A_127 : vector<1x16xf32>
    %slice3A_129 = vector.extract_strided_slice %add3A_74 {offsets = [1024, 0], sizes = [256, 16], strides = [1, 1]} : vector<2048x16xf32> to vector<256x16xf32>
    %convert_element_type3A_130 = arith.truncf %slice3A_129 : vector<256x16xf32> to vector<256x16xbf16>
    %dot_general3A_131 = arith.constant dense<0.000000e+00> : vector<256x16xf32>
    %dot_general3A_132 = tpu.matmul %convert_element_type3A_95, %convert_element_type3A_130, %dot_general3A_131 {dimension_numbers = #tpu.dot_dimension_numbers<[1], [0], [0], [1], [0, 0, 1, 1], [], []>, transpose_lhs_hint = false} : vector<256x256xbf16>, vector<256x16xbf16>, vector<256x16xf32> -> vector<256x16xf32>
    %add3A_133 = vector.broadcast %add3A_128 : vector<1x16xf32> to vector<256x16xf32>
    %add3A_134 = arith.addf %dot_general3A_132, %add3A_133 : vector<256x16xf32>
    %slice3A_135 = vector.extract_strided_slice %dot_general3A_132 {offsets = [255, 0], sizes = [1, 16], strides = [1, 1]} : vector<256x16xf32> to vector<1x16xf32>
    %add3A_136 = arith.addf %add3A_128, %slice3A_135 : vector<1x16xf32>
    %slice3A_137 = vector.extract_strided_slice %add3A_74 {offsets = [1280, 0], sizes = [256, 16], strides = [1, 1]} : vector<2048x16xf32> to vector<256x16xf32>
    %convert_element_type3A_138 = arith.truncf %slice3A_137 : vector<256x16xf32> to vector<256x16xbf16>
    %dot_general3A_139 = arith.constant dense<0.000000e+00> : vector<256x16xf32>
    %dot_general3A_140 = tpu.matmul %convert_element_type3A_95, %convert_element_type3A_138, %dot_general3A_139 {dimension_numbers = #tpu.dot_dimension_numbers<[1], [0], [0], [1], [0, 0, 1, 1], [], []>, transpose_lhs_hint = false} : vector<256x256xbf16>, vector<256x16xbf16>, vector<256x16xf32> -> vector<256x16xf32>
    %add3A_141 = vector.broadcast %add3A_136 : vector<1x16xf32> to vector<256x16xf32>
    %add3A_142 = arith.addf %dot_general3A_140, %add3A_141 : vector<256x16xf32>
    %slice3A_143 = vector.extract_strided_slice %dot_general3A_140 {offsets = [255, 0], sizes = [1, 16], strides = [1, 1]} : vector<256x16xf32> to vector<1x16xf32>
    %add3A_144 = arith.addf %add3A_136, %slice3A_143 : vector<1x16xf32>
    %slice3A_145 = vector.extract_strided_slice %add3A_74 {offsets = [1536, 0], sizes = [256, 16], strides = [1, 1]} : vector<2048x16xf32> to vector<256x16xf32>
    %convert_element_type3A_146 = arith.truncf %slice3A_145 : vector<256x16xf32> to vector<256x16xbf16>
    %dot_general3A_147 = arith.constant dense<0.000000e+00> : vector<256x16xf32>
    %dot_general3A_148 = tpu.matmul %convert_element_type3A_95, %convert_element_type3A_146, %dot_general3A_147 {dimension_numbers = #tpu.dot_dimension_numbers<[1], [0], [0], [1], [0, 0, 1, 1], [], []>, transpose_lhs_hint = false} : vector<256x256xbf16>, vector<256x16xbf16>, vector<256x16xf32> -> vector<256x16xf32>
    %add3A_149 = vector.broadcast %add3A_144 : vector<1x16xf32> to vector<256x16xf32>
    %add3A_150 = arith.addf %dot_general3A_148, %add3A_149 : vector<256x16xf32>
    %slice3A_151 = vector.extract_strided_slice %dot_general3A_148 {offsets = [255, 0], sizes = [1, 16], strides = [1, 1]} : vector<256x16xf32> to vector<1x16xf32>
    %add3A_152 = arith.addf %add3A_144, %slice3A_151 : vector<1x16xf32>
    %slice3A_153 = vector.extract_strided_slice %add3A_74 {offsets = [1792, 0], sizes = [256, 16], strides = [1, 1]} : vector<2048x16xf32> to vector<256x16xf32>
    %convert_element_type3A_154 = arith.truncf %slice3A_153 : vector<256x16xf32> to vector<256x16xbf16>
    %dot_general3A_155 = arith.constant dense<0.000000e+00> : vector<256x16xf32>
    %dot_general3A_156 = tpu.matmul %convert_element_type3A_95, %convert_element_type3A_154, %dot_general3A_155 {dimension_numbers = #tpu.dot_dimension_numbers<[1], [0], [0], [1], [0, 0, 1, 1], [], []>, transpose_lhs_hint = false} : vector<256x256xbf16>, vector<256x16xbf16>, vector<256x16xf32> -> vector<256x16xf32>
    %add3A_157 = vector.broadcast %add3A_152 : vector<1x16xf32> to vector<256x16xf32>
    %add3A_158 = arith.addf %dot_general3A_156, %add3A_157 : vector<256x16xf32>
    %concatenate3A = tpu.concatenate %add3A_102, %add3A_110, %add3A_118, %add3A_126, %add3A_134, %add3A_142, %add3A_150, %add3A_158 in 0 : vector<256x16xf32>, vector<256x16xf32>, vector<256x16xf32>, vector<256x16xf32>, vector<256x16xf32>, vector<256x16xf32>, vector<256x16xf32>, vector<256x16xf32> -> vector<2048x16xf32>
    %sub3A_159 = arith.subf %concatenate3A, %add3A_74 : vector<2048x16xf32>
    %add3A_160 = vector.broadcast %sub3A : vector<1x16xf32> to vector<2048x16xf32>
    %add3A_161 = arith.addf %add3A_160, %sub3A_159 : vector<2048x16xf32>
    %jit3A_162 = arith.constant 0.000000e+00 : f32
    %broadcast_in_dim3A_163 = vector.broadcast %jit3A_162 : f32 to vector<2048x16xf32>
    %select_n3A_164 = arith.select %eq3A_16, %add3A_161, %broadcast_in_dim3A_163 : vector<2048x16xi1>, vector<2048x16xf32>
    %reduce_sum3A_165 = arith.constant dense<0.000000e+00> : vector<2048xf32>
    %reduce_sum3A_166 = vector.multi_reduction <add>, %select_n3A_164, %reduce_sum3A_165 [1] : vector<2048x16xf32> to vector<2048xf32>
    %broadcast_in_dim3A_167 = vector.shape_cast %reduce_sum3A_166 : vector<2048xf32> to vector<2048x1xf32>
    %jit3A_168 = arith.constant 0.000000e+00 : f32
    %broadcast_in_dim3A_169 = vector.broadcast %jit3A_168 : f32 to vector<2048x16xf32>
    %select_n3A_170 = arith.select %eq3A_32, %add3A_161, %broadcast_in_dim3A_169 : vector<2048x16xi1>, vector<2048x16xf32>
    %reduce_sum3A_171 = arith.constant dense<0.000000e+00> : vector<2048xf32>
    %reduce_sum3A_172 = vector.multi_reduction <add>, %select_n3A_170, %reduce_sum3A_171 [1] : vector<2048x16xf32> to vector<2048xf32>
    %broadcast_in_dim3A_173 = vector.shape_cast %reduce_sum3A_172 : vector<2048xf32> to vector<2048x1xf32>
    %jit3A_174 = arith.constant 0.000000e+00 : f32
    %broadcast_in_dim3A_175 = vector.broadcast %jit3A_174 : f32 to vector<2048x16xf32>
    %select_n3A_176 = arith.select %eq3A_48, %add3A_161, %broadcast_in_dim3A_175 : vector<2048x16xi1>, vector<2048x16xf32>
    %reduce_sum3A_177 = arith.constant dense<0.000000e+00> : vector<2048xf32>
    %reduce_sum3A_178 = vector.multi_reduction <add>, %select_n3A_176, %reduce_sum3A_177 [1] : vector<2048x16xf32> to vector<2048xf32>
    %broadcast_in_dim3A_179 = vector.shape_cast %reduce_sum3A_178 : vector<2048xf32> to vector<2048x1xf32>
    %jit3A_180 = arith.constant 0.000000e+00 : f32
    %broadcast_in_dim3A_181 = vector.broadcast %jit3A_180 : f32 to vector<2048x16xf32>
    %select_n3A_182 = arith.select %eq3A_64, %add3A_161, %broadcast_in_dim3A_181 : vector<2048x16xi1>, vector<2048x16xf32>
    %reduce_sum3A_183 = arith.constant dense<0.000000e+00> : vector<2048xf32>
    %reduce_sum3A_184 = vector.multi_reduction <add>, %select_n3A_182, %reduce_sum3A_183 [1] : vector<2048x16xf32> to vector<2048xf32>
    %broadcast_in_dim3A_185 = vector.shape_cast %reduce_sum3A_184 : vector<2048xf32> to vector<2048x1xf32>
    %concatenate3A_186 = tpu.concatenate %broadcast_in_dim3A_167, %broadcast_in_dim3A_173, %broadcast_in_dim3A_179, %broadcast_in_dim3A_185 in 1 : vector<2048x1xf32>, vector<2048x1xf32>, vector<2048x1xf32>, vector<2048x1xf32> -> vector<2048x4xf32>
    %iota3A_187 = tpu.iota {dimensions = array<i32: 0>} : vector<256x256xi32>
    %iota3A_188 = tpu.iota {dimensions = array<i32: 1>} : vector<256x256xi32>
    %eq3A_189 = arith.cmpi eq, %iota3A_187, %iota3A_188 : vector<256x256xi32>
    %convert_element_type3A_190 = arith.extui %eq3A_189 : vector<256x256xi1> to vector<256x256xi32>
    %convert_element_type3A_191 = arith.sitofp %convert_element_type3A_190 : vector<256x256xi32> to vector<256x256xf32>
    %slice3A_192 = vector.extract_strided_slice %concatenate3A_186 {offsets = [0, 0], sizes = [256, 4], strides = [1, 1]} : vector<2048x4xf32> to vector<256x4xf32>
    %dot_general3A_193 = arith.constant dense<0.000000e+00> : vector<4x256xf32>
    %dot_general3A_194 = tpu.matmul %slice3A_192, %convert_element_type3A_191, %dot_general3A_193 {dimension_numbers = #tpu.dot_dimension_numbers<[0], [0], [1], [1], [0, 1, 1, 1], [], []>, precision = #tpu.contract_precision<fp32>, transpose_lhs_hint = false} : vector<256x4xf32>, vector<256x256xf32>, vector<4x256xf32> -> vector<4x256xf32>
    %slice3A_195 = vector.extract_strided_slice %concatenate3A_186 {offsets = [256, 0], sizes = [256, 4], strides = [1, 1]} : vector<2048x4xf32> to vector<256x4xf32>
    %dot_general3A_196 = arith.constant dense<0.000000e+00> : vector<4x256xf32>
    %dot_general3A_197 = tpu.matmul %slice3A_195, %convert_element_type3A_191, %dot_general3A_196 {dimension_numbers = #tpu.dot_dimension_numbers<[0], [0], [1], [1], [0, 1, 1, 1], [], []>, precision = #tpu.contract_precision<fp32>, transpose_lhs_hint = false} : vector<256x4xf32>, vector<256x256xf32>, vector<4x256xf32> -> vector<4x256xf32>
    %slice3A_198 = vector.extract_strided_slice %concatenate3A_186 {offsets = [512, 0], sizes = [256, 4], strides = [1, 1]} : vector<2048x4xf32> to vector<256x4xf32>
    %dot_general3A_199 = arith.constant dense<0.000000e+00> : vector<4x256xf32>
    %dot_general3A_200 = tpu.matmul %slice3A_198, %convert_element_type3A_191, %dot_general3A_199 {dimension_numbers = #tpu.dot_dimension_numbers<[0], [0], [1], [1], [0, 1, 1, 1], [], []>, precision = #tpu.contract_precision<fp32>, transpose_lhs_hint = false} : vector<256x4xf32>, vector<256x256xf32>, vector<4x256xf32> -> vector<4x256xf32>
    %slice3A_201 = vector.extract_strided_slice %concatenate3A_186 {offsets = [768, 0], sizes = [256, 4], strides = [1, 1]} : vector<2048x4xf32> to vector<256x4xf32>
    %dot_general3A_202 = arith.constant dense<0.000000e+00> : vector<4x256xf32>
    %dot_general3A_203 = tpu.matmul %slice3A_201, %convert_element_type3A_191, %dot_general3A_202 {dimension_numbers = #tpu.dot_dimension_numbers<[0], [0], [1], [1], [0, 1, 1, 1], [], []>, precision = #tpu.contract_precision<fp32>, transpose_lhs_hint = false} : vector<256x4xf32>, vector<256x256xf32>, vector<4x256xf32> -> vector<4x256xf32>
    %slice3A_204 = vector.extract_strided_slice %concatenate3A_186 {offsets = [1024, 0], sizes = [256, 4], strides = [1, 1]} : vector<2048x4xf32> to vector<256x4xf32>
    %dot_general3A_205 = arith.constant dense<0.000000e+00> : vector<4x256xf32>
    %dot_general3A_206 = tpu.matmul %slice3A_204, %convert_element_type3A_191, %dot_general3A_205 {dimension_numbers = #tpu.dot_dimension_numbers<[0], [0], [1], [1], [0, 1, 1, 1], [], []>, precision = #tpu.contract_precision<fp32>, transpose_lhs_hint = false} : vector<256x4xf32>, vector<256x256xf32>, vector<4x256xf32> -> vector<4x256xf32>
    %slice3A_207 = vector.extract_strided_slice %concatenate3A_186 {offsets = [1280, 0], sizes = [256, 4], strides = [1, 1]} : vector<2048x4xf32> to vector<256x4xf32>
    %dot_general3A_208 = arith.constant dense<0.000000e+00> : vector<4x256xf32>
    %dot_general3A_209 = tpu.matmul %slice3A_207, %convert_element_type3A_191, %dot_general3A_208 {dimension_numbers = #tpu.dot_dimension_numbers<[0], [0], [1], [1], [0, 1, 1, 1], [], []>, precision = #tpu.contract_precision<fp32>, transpose_lhs_hint = false} : vector<256x4xf32>, vector<256x256xf32>, vector<4x256xf32> -> vector<4x256xf32>
    %slice3A_210 = vector.extract_strided_slice %concatenate3A_186 {offsets = [1536, 0], sizes = [256, 4], strides = [1, 1]} : vector<2048x4xf32> to vector<256x4xf32>
    %dot_general3A_211 = arith.constant dense<0.000000e+00> : vector<4x256xf32>
    %dot_general3A_212 = tpu.matmul %slice3A_210, %convert_element_type3A_191, %dot_general3A_211 {dimension_numbers = #tpu.dot_dimension_numbers<[0], [0], [1], [1], [0, 1, 1, 1], [], []>, precision = #tpu.contract_precision<fp32>, transpose_lhs_hint = false} : vector<256x4xf32>, vector<256x256xf32>, vector<4x256xf32> -> vector<4x256xf32>
    %slice3A_213 = vector.extract_strided_slice %concatenate3A_186 {offsets = [1792, 0], sizes = [256, 4], strides = [1, 1]} : vector<2048x4xf32> to vector<256x4xf32>
    %dot_general3A_214 = arith.constant dense<0.000000e+00> : vector<4x256xf32>
    %dot_general3A_215 = tpu.matmul %slice3A_213, %convert_element_type3A_191, %dot_general3A_214 {dimension_numbers = #tpu.dot_dimension_numbers<[0], [0], [1], [1], [0, 1, 1, 1], [], []>, precision = #tpu.contract_precision<fp32>, transpose_lhs_hint = false} : vector<256x4xf32>, vector<256x256xf32>, vector<4x256xf32> -> vector<4x256xf32>
    %concatenate3A_216 = tpu.concatenate %dot_general3A_194, %dot_general3A_197, %dot_general3A_200, %dot_general3A_203, %dot_general3A_206, %dot_general3A_209, %dot_general3A_212, %dot_general3A_215 in 1 : vector<4x256xf32>, vector<4x256xf32>, vector<4x256xf32>, vector<4x256xf32>, vector<4x256xf32>, vector<4x256xf32>, vector<4x256xf32>, vector<4x256xf32> -> vector<4x2048xf32>
    %convert_element_type3A_217 = arith.fptosi %concatenate3A_216 : vector<4x2048xf32> to vector<4x2048xi32>
    %swap3A = arith.constant 0 : index
    %swap3A_218 = arith.constant 0 : index
    %swap3A_219 = vector.load %arg3[%swap3A, %swap3A_218] : memref<4x2048xi32, #tpu.memory_space<vmem>>, vector<4x2048xi32>
    tpu.vector_store %arg3[%swap3A, %swap3A_218], %convert_element_type3A_217 {strides = array<i32>} : memref<4x2048xi32, #tpu.memory_space<vmem>>, vector<4x2048xi32>,
    %dot_general3A_220 = arith.constant dense<0.000000e+00> : vector<1x16xf32>
    %dot_general3A_221 = tpu.matmul %floor3A, %convert_element_type3A_88, %dot_general3A_220 {dimension_numbers = #tpu.dot_dimension_numbers<[1], [0], [0], [1], [0, 0, 1, 1], [], []>, precision = #tpu.contract_precision<fp32>, transpose_lhs_hint = false} : vector<1x16xf32>, vector<16x16xf32>, vector<1x16xf32> -> vector<1x16xf32>
    %iota3A_222 = tpu.iota {dimensions = array<i32: 0>} : vector<16x16xi32>
    %iota3A_223 = tpu.iota {dimensions = array<i32: 1>} : vector<16x16xi32>
    %eq3A_224 = arith.cmpi eq, %iota3A_222, %iota3A_223 : vector<16x16xi32>
    %convert_element_type3A_225 = arith.extui %eq3A_224 : vector<16x16xi1> to vector<16x16xi32>
    %convert_element_type3A_226 = arith.sitofp %convert_element_type3A_225 : vector<16x16xi32> to vector<16x16xf32>
    %dot_general3A_227 = arith.constant dense<0.000000e+00> : vector<16x1xf32>
    %dot_general3A_228 = tpu.matmul %convert_element_type3A_226, %dot_general3A_221, %dot_general3A_227 {dimension_numbers = #tpu.dot_dimension_numbers<[1], [1], [0], [0], [0, 0, 1, 0], [], []>, precision = #tpu.contract_precision<fp32>, transpose_lhs_hint = false} : vector<16x16xf32>, vector<1x16xf32>, vector<16x1xf32> -> vector<16x1xf32>
    %iota3A_229 = tpu.iota {dimensions = array<i32: 1>} : vector<1x128xi32>
    %convert_element_type3A_230 = arith.fptosi %dot_general3A_228 : vector<16x1xf32> to vector<16x1xi32>
    %le3A_231 = vector.broadcast %convert_element_type3A_230 : vector<16x1xi32> to vector<16x128xi32>
    %le3A_232 = vector.broadcast %iota3A_229 : vector<1x128xi32> to vector<16x128xi32>
    %le3A_233 = arith.cmpi sle, %le3A_231, %le3A_232 : vector<16x128xi32>
    %convert_element_type3A_234 = arith.extui %le3A_233 : vector<16x128xi1> to vector<16x128xi32>
    %reduce_sum3A_235 = arith.constant dense<0> : vector<128xi32>
    %reduce_sum3A_236 = vector.multi_reduction <add>, %convert_element_type3A_234, %reduce_sum3A_235 [0] : vector<16x128xi32> to vector<128xi32>
    %broadcast_in_dim3A_237 = vector.shape_cast %reduce_sum3A_236 : vector<128xi32> to vector<1x128xi32>
    %min3A = arith.constant 15 : i32
    %min3A_238 = vector.broadcast %min3A : i32 to vector<1x128xi32>
    %min3A_239 = arith.minsi %broadcast_in_dim3A_237, %min3A_238 : vector<1x128xi32>
    %swap3A_240 = arith.constant 0 : index
    %swap3A_241 = arith.constant 0 : index
    %swap3A_242 = vector.load %arg4[%swap3A_240, %swap3A_241] : memref<1x128xi32, #tpu.memory_space<vmem>>, vector<1x128xi32>
    tpu.vector_store %arg4[%swap3A_240, %swap3A_241], %min3A_239 {strides = array<i32>} : memref<1x128xi32, #tpu.memory_space<vmem>>, vector<1x128xi32>,
    return
  }
}

</mosaic_0001>

<sc_bundles>
// kernel: kernel.6.cloned.1.call-start
scs
__scs_entry_jumppad:
0x0: {  	(pc) =	sbr.rel $0x88, $3  }
0x1: {  	(tag) =	ssettag $0x0;
	lr =	simm.s32 $0x1  }
0x2: {  	[smem:$0x3F9A] =	sst lr;
	_ =	strace $0xD0000000  }
0x3: {  	_ = 	snop  }
0x4: {  	_ = 	snop  }
0x5: {  	_ = 	snop  }
0x6: {  	_ = 	snop  }
0x7: {  	_ = 	snop  }
__scs_overlays_trampoline_lowered:
0x8: {  	[smem:$0x3FA9] =	sst s0  }
0x9: {  	[smem:$0x3FAA] =	sst s1  }
0xa: {  	[smem:$0x3FAB] =	sst s2  }
0xb: {  	[smem:$0x3FAC] =	sst s3  }
0xc: {  	[smem:$0x3FAD] =	sst s4  }
0xd: {  	[smem:$0x3FAE] =	sst s5  }
0xe: {  	[smem:$0x3FAF] =	sst s6  }
0xf: {  	[smem:$0x3FB0] =	sst s7  }
0x10: {  	[smem:$0x3FB1] =	sst s8  }
0x11: {  	[smem:$0x3FB2] =	sst s9;
	s0 =	simm.s32 @!p0 $0x0  }
0x12: {  	s1 =	sld [smem:$0x3F98];
	s0 =	simm.s32 @p0 $0x1  }
0x13: {  	[smem:$0x3FB3] =	sst s0;
	s0 =	simm.s32 @!p1 $0x0  }
0x14: {  	s2 =	sld [smem:$0x3F97];
	s0 =	simm.s32 @p1 $0x1  }
0x15: {  	[smem:$0x3FB4] =	sst s0;
	s0 =	simm.s32 @!p2 $0x0  }
0x16: {  	s3 =	sld [smem:$0x3FDB];
	s0 =	simm.s32 @p2 $0x1  }
0x17: {  	s4 =	simm.s32 $0x1BF5;
	[smem:$0x3FB6] =	sst s0  }
0x18: {  	s0 =	sld [smem:$0x3F99];
	_ =	swait.ge [sflag:s4], $0x0  }
0x19: {  	s7 =	sld [smem:$0x3F9A]  }
0x1a: {  	s8 =	sadd.s32 $0xFFFFE003, lr  }
0x1b: {  	s9 =	sadd.s32 $0xFFFFFEF7, lr;
	s5 =	simm.s32 $0xFFFFFFFF;
	p2 =	slt.u32 s8, $0xFFFFF086  }
0x1c: {  	p1 =	slt.u32 s9, $0xF7A;
	s5 =	simm.s32 @!p2 $0x0  }
0x1d: {  	s5 =	simm.s32 @p1 $0x1;
	p0 =	seq.s32 s7, s2  }
0x1e: {  	s7 =	smul.u32 @!p0 $0xF7A, s2;
	p2 =	seq.s32 @!p0 s5, $0x0  }
0x1f: {  	s9 =	smul.u32 $0xF7A, s1;
	s8 =	simm.s32 @!p0 $0x1BF5;
	p2 =	por !p2, p0  }
0x20: {  	[sflag:s8] =	ssyncset.s32 @!p0 $0xFFFFF086;
	s6 =	sadd.s32 @!p0 s3, s7;
	s7 =	simm.s32 @!p0 $0x108  }
0x21: {  	s3 =	sadd.s32 s3, s9;
	s6 =	sadd.s32 @!p0 $0x88, s6;
	s7 =	simm.s32 @p2 $0x1082  }
0x22: {  	[simem:s7], [sflag:s8] =	dma.local @!p0 [hbm:s6], $0xF7A  }
0x23: {  	s9 =	sor.u32 $0xD0000000, s2;
	s6 =	simm.s32 $0x108;
	_ =	swait.ge @!p0 [sflag:s8], $0x0  }
0x24: {  	s3 =	sadd.s32 $0x88, s3;
	s6 =	simm.s32 @!p1 $0x1082;
	[sflag:s4] =	ssyncset.s32 $0xFFFFF086  }
0x25: {  	[simem:s6], [sflag:s4] =	dma.local [hbm:s3], $0xF7A  }
0x26: {  	[smem:$0x3F9A] =	sst s1;
	(tag) =	ssettag s2;
	_ =	strace s9  }
0x27: {  	s1 =	sld [smem:$0x3FAA]  }
0x28: {  	s2 =	sld [smem:$0x3FAB]  }
0x29: {  	s4 =	sld [smem:$0x3FAD]  }
0x2a: {  	p0 =	seq.s32 s5, $0x0;
	s5 =	sld [smem:$0x3FAE]  }
0x2b: {  	s6 =	sld [smem:$0x3FAF]  }
0x2c: {  	s7 =	sld [smem:$0x3FB0]  }
0x2d: {  	s3 =	simm.s32 $0x108;
	s8 =	sld [smem:$0x3FB1]  }
0x2e: {  	s3 =	simm.s32 @!p0 $0x1082;
	s9 =	sld [smem:$0x3FB2]  }
0x2f: {  	lr =	sadd.s32 s0, s3;
	s0 =	sld [smem:$0x3FA9]  }
0x30: {  	s3 =	sld [smem:$0x3FAC]  }
0x31: {  	[smem:$0x3FB5] =	sst s10  }
0x32: {  	s10 =	sld [smem:$0x3FB3];
	_ =	sdelay $0x3  }
0x33: {  	p0 =	seq.s32 s10, $0x1;
	s10 =	sld [smem:$0x3FB5];
	_ =	sdelay $0x3  }
0x34: {  	[smem:$0x3FB5] =	sst s10  }
0x35: {  	s10 =	sld [smem:$0x3FB4];
	_ =	sdelay $0x3  }
0x36: {  	p1 =	seq.s32 s10, $0x1;
	s10 =	sld [smem:$0x3FB5];
	_ =	sdelay $0x3  }
0x37: {  	[smem:$0x3FB5] =	sst s10  }
0x38: {  	s10 =	sld [smem:$0x3FB6]  }
0x39: {  	_ = 	snop;
	(pc) =	sbr.ind lr, $3  }
0x3a: {  	_ = 	snop  }
0x3b: {  	_ = 	snop  }
0x3c: {  	p2 =	seq.s32 s10, $0x1;
	s10 =	sld [smem:$0x3FB5]  }
0x3d: {  	_ =	shalt  }
0x3e: {  	_ =	shalt  }
0x3f: {  	_ =	shalt  }
0x40: {  	_ =	shalt  }
0x41: {  	_ =	shalt  }
0x42: {  	_ =	shalt  }
0x43: {  	_ =	shalt  }
0x44: {  	_ =	shalt  }
0x45: {  	_ =	shalt  }
0x46: {  	_ =	shalt  }
0x47: {  	_ =	shalt  }
0x48: {  	_ =	shalt  }
0x49: {  	_ =	shalt  }
0x4a: {  	_ =	shalt  }
0x4b: {  	_ =	shalt  }
0x4c: {  	_ =	shalt  }
0x4d: {  	_ =	shalt  }
0x4e: {  	_ =	shalt  }
0x4f: {  	_ =	shalt  }
0x50: {  	_ =	shalt  }
0x51: {  	_ =	shalt  }
0x52: {  	_ =	shalt  }
0x53: {  	_ =	shalt  }
0x54: {  	_ =	shalt  }
0x55: {  	_ =	shalt  }
0x56: {  	_ =	shalt  }
0x57: {  	_ =	shalt  }
0x58: {  	_ =	shalt  }
0x59: {  	_ =	shalt  }
0x5a: {  	_ =	shalt  }
0x5b: {  	_ =	shalt  }
0x5c: {  	_ =	shalt  }
0x5d: {  	_ =	shalt  }
0x5e: {  	_ =	shalt  }
0x5f: {  	_ =	shalt  }
0x60: {  	_ =	shalt  }
0x61: {  	_ =	shalt  }
0x62: {  	_ =	shalt  }
0x63: {  	_ =	shalt  }
0x64: {  	_ =	shalt  }
0x65: {  	_ =	shalt  }
0x66: {  	_ =	shalt  }
0x67: {  	_ =	shalt  }
0x68: {  	_ =	shalt  }
0x69: {  	_ =	shalt  }
0x6a: {  	_ =	shalt  }
0x6b: {  	_ =	shalt  }
0x6c: {  	_ =	shalt  }
0x6d: {  	_ =	shalt  }
0x6e: {  	_ =	shalt  }
0x6f: {  	_ =	shalt  }
0x70: {  	_ =	shalt  }
0x71: {  	_ =	shalt  }
0x72: {  	_ =	shalt  }
0x73: {  	_ =	shalt  }
0x74: {  	_ =	shalt  }
0x75: {  	_ =	shalt  }
0x76: {  	_ =	shalt  }
0x77: {  	_ =	shalt  }
0x78: {  	_ =	shalt  }
0x79: {  	_ =	shalt  }
0x7a: {  	_ =	shalt  }
0x7b: {  	_ =	shalt  }
0x7c: {  	_ =	shalt  }
0x7d: {  	_ =	shalt  }
0x7e: {  	_ =	shalt  }
0x7f: {  	_ =	shalt  }
0x80: {  	_ =	shalt  }
0x81: {  	_ =	shalt  }
0x82: {  	_ =	shalt  }
0x83: {  	_ =	shalt  }
0x84: {  	_ =	shalt  }
0x85: {  	_ =	shalt  }
0x86: {  	_ =	shalt  }
0x87: {  	_ =	shalt  }
.Lfunc_end0:
.L_simem_size_0:
called_computation_lowered:
.L_overlay_start_0:
0x88: {  	s2 =	sld [smem:$0x3FD9]  }
0x89: {  	s3 =	sld [smem:$0x3FFE];
	_ =	sdelay $0x1  }
0x8a: {  	s1 =	srdreg.scid  }
0x8b: {  	s0 =	sand.u32 $0x1, s1  }
0x8c: {  	s17 =	sshll.u32 s0, $0xA;
	s2 =	sadd.s32 s3, s2  }
0x8d: {  	s2 =	sadd.s32 s2, s17  }
0x8e: {  	[smem:$0x3FC1] =	sst s2  }
0x8f: {  	_ = 	snop  }
0x90: {  	s2 =	sld [smem:$0x3FC9];
	(tm) =	ssettm $0x1  }
0x91: {  	s18 =	sld [smem:$0x3FFB];
	_ =	sdelay $0x3  }
0x92: {  	_ =	strace s18  }
0x93: {  	s3 =	sld [smem:$0x3FFC];
	_ =	sdelay $0x3  }
0x94: {  	_ =	strace s3  }
0x95: {  	s3 =	sld [smem:$0x3FFD];
	_ =	sdelay $0x3  }
0x96: {  	_ =	strace s3  }
0x97: {  	_ =	strace $0x8FFFFFFF  }
0x98: {  	s19 =	sld [smem:$0x3FDB];
	_ =	sdelay $0x1  }
0x99: {  	s4 =	simm.s32 $_scs_section_size  }
0x9a: {  	s5 =	simm.s32 $_size__tile_overlayer_lowered;
	s6 =	simm.s32 $_tile_overlayer_lowered  }
0x9b: {  	s22 =	simm.s32 $0x1BFF;
	s21 =	sshll.u32 s6, $0x1;
	s3 =	sadd.s32 s4, s19  }
0x9c: {  	s7 =	simm.s32 $0x0;
	s20 =	sshll.u32 s5, $0x1;
	s5 =	sadd.s32 s21, s3  }
0x9d: {  	[timem:s7], [sflag:s22] =	dma.local [hbm:s5], s20  }
0x9e: {  	_ =	swait.ge [sflag:s22], s20  }
0x9f: {  	s4 =	ssub.s32 $0x0, s20;
	[sflag:s22] =	ssyncset.done $0x0  }
0xa0: {  	[sflag:s22] =	ssyncadd.s32 s4;
	_ =	sdelay $0x1  }
0xa1: {  	s23 =	simm.s32 $0x1B8B  }
0xa2: {  	_ =	swait.ge [sflag:s23], $0x1  }
0xa3: {  	[sflag:s23] =	ssyncset.done $0x0  }
0xa4: {  	s25 =	simm.s32 $0x1B8E;
	s24 =	sld [smem:$0x3FFE];
	[sflag:s23] =	ssyncadd.s32 $0xFFFFFFFF  }
0xa5: {  	s26 =	simm.s32 $execute0_lowered;
	[smem:$0x3FD2] =	sst s25  }
0xa6: {  	s5 =	sshll.u32 s26, $0x1;
	_ =	strace $0x80000046;
	[dreg:$0x1] =	wrdreg $0xFFFFFFFF  }
0xa7: {  	s28 =	simm.s32 $_size_execute0_lowered;
	s3 =	sadd.s32 s3, s5;
	[dreg:$0x0] =	wrdreg $0x0  }
0xa8: {  	s5 =	sshll.u32 s28, $0x1;
	[dreg:$0x2] =	wrdreg s3  }
0xa9: {  	[dreg:$0x3] =	wrdreg s5  }
0xaa: {  	[dreg:$0x4] =	wrdreg $0xC0  }
0xab: {  	_ =	task [dreg:s7], $0x5FFFF  }
0xac: {  	[dreg:$0x1] =	wrdreg $0xFFFFFFFF  }
0xad: {  	[dreg:$0x0] =	wrdreg $0x60  }
0xae: {  	[dreg:$0x2] =	wrdreg s2  }
0xaf: {  	[dreg:$0x3] =	wrdreg s24  }
0xb0: {  	[dreg:$0x4] =	wrdreg $0x9  }
0xb1: {  	_ =	task.clear_ibuf [dreg:s7], $0x5FFFF;
	_ =	strace $0x90000046  }
0xb2: {  	s29 =	simm.s32 $0x9;
	_ =	strace $0x80000048  }
0xb3: {  	_ =	swait.ge [sflag:s29], $0x1  }
0xb4: {  	[sflag:s29] =	ssyncadd.s32 $0xFFFFFFFF  }
0xb5: {  	_ =	strace $0x90000048  }
0xb6: {  	_ =	sfence  }
0xb7: {  	s30 =	sld [smem:$0x0];
	_ =	sdelay $0x2  }
0xb8: {  	s31 =	sshll.u32 s1, $0xD;
	s1 =	sshrl.u32 s1, $0x2  }
0xb9: {  	s3 =	sand.u32 $0x4000, s31;
	s1 =	sadd.s32 s1, s30  }
0xba: {  	s0 =	sor.u32 s3, s0;
	s1 =	sshll.u32 s1, $0x11  }
0xbb: {  	s0 =	sor.u32 s1, s0  }
0xbc: {  	s0 =	sadd.s32 $0x8F2B, s0  }
0xbd: {  	[sflag:s0] =	ssyncadd.remote.s32 $0x1  }
0xbe: {  	_ =	sfence.sel $0xFFFF  }
0xbf: {  	[dreg:$0x0] =	wrdreg $0xFFFFFFFF;
	(pc) =	sbr.abs _section_cstart, $3  }
0xc0: {  	[dreg:$0x1] =	wrdreg $0xFFFFFFFF  }
0xc1: {  	_ =	task.clear_ibuf [dreg:s7], $0x2FFFF;
	_ =	strace $0x9FFFFFFF  }
0xc2: {  	(tm) =	ssettm $0x7FFFFFFF  }
0xc3: {  	_ =	shalt  }
tec
execute0_lowered:
.L_overlay_start_1:
0x0: {  	(tag) =	ssettag $0x1  }
0x1: {  	s0 =	srdreg.scid;
	s1 =	rddreg [dreg:$0x0]  }
0x2: {  	s2 =	stileid.u32;
	s3 =	rddreg [dreg:$0x1]  }
0x3: {  	s23 =	simm.s32 $0x10000;
	s24 =	simm.s32 $0x10080;
	s25 =	simm.s32 $0x10100  }
0x4: {  	s9 =	simm.s32 $0x2;
	s26 =	simm.s32 $0x10180;
	s28 =	simm.s32 $0x5000  }
0x5: {  	s29 =	simm.s32 $0x5800;
	s5 =	sshll.u32 s2, $0x6;
	s2 =	simm.s32 $0x0  }
0x6: {  	s30 =	simm.s32 $0x6000;
	s31 =	simm.s32 $0x6800;
	[smem:$0x7FF] =	sst s2  }
0x7: {  	s0 =	sand.u32 $0x1, s0;
	_ =	strace $0x80000047;
	[dreg:$0x7] =	wrdreg s23  }
0x8: {  	s8 =	sadd.s32 $0x2600, s3;
	s4 =	sshll.u32 s0, $0xA;
	[dreg:$0x8] =	wrdreg s24  }
0x9: {  	s0 =	ssub.s32 $0x2, s0;
	s4 =	sor.u32 s5, s4;
	[dreg:$0x9] =	wrdreg s25  }
0xa: {  	s5 =	sand.u32 $0x40, s5;
	s21 =	sshrl.u32 s0, $0x1;
	[dreg:$0xa] =	wrdreg s26  }
0xb: {  	s23 =	simm.s32 $0x3000;
	s24 =	simm.s32 $0x3800;
	s25 =	simm.s32 $0x4000  }
0xc: {  	s26 =	simm.s32 $0x4800;
	s6 =	sshll.u32 s4, $0x2;
	s4 =	sshll.u32 s4, $0x7  }
0xd: {  	s0 =	ssub.s32 s0, s21;
	s21 =	simm.s32 $0x2000;
	s7 =	sand.u32 $0x1E00, s6  }
0xe: {  	s1 =	sadd.s32 s1, s4;
	s7 =	sor.u32 s5, s7;
	s5 =	sor.u32 s5, s6  }
0xf: {  	[dreg:$0x3] =	wrdreg s1;
	s7 =	sshrl.u32 s7, $0x3;
	s18 =	sshrl.u32 s5, $0x3  }
0x10: {  	s6 =	sadd.s32 $0x2C00, s3;
	s17 =	sadd.s32 s8, s7;
	s5 =	sor.u32 $0x20, s18  }
0x11: {  	s4 =	sor.u32 $0x30, s18;
	s7 =	sadd.s32 $0x2D00, s3;
	[dreg:$0xb] =	wrdreg s17  }
0x12: {  	s19 =	sadd.s32 $0x10, s17;
	s20 =	sadd.s32 s8, s5;
	s22 =	sadd.s32 s8, s4  }
0x13: {  	v2 =	vlaneseq.u32;
	s4 =	sadd.s32 $0x2A00, s3;
	s5 =	sadd.s32 $0x2B00, s3;
	[dreg:$0x4] =	wrdreg s19  }
0x14: {  	vm0 =	vmmov $0xffff;
	v1 =	vshrl.u32 v2, $0x3;
	s8 =	smax.u32 s0, $0x1;
	s17 =	simm.s32 $0x1;
	[dreg:$0x5] =	wrdreg s20  }
0x15: {  	v0 =	vand.u32 $0x7, v2;
	v2 =	vor.u32 $0x8, v2;
	v1 =	vmul.u32 $0x8, v1;
	[dreg:$0x6] =	wrdreg s22;
	s20 =	simm.s32 $0x1800;
	s22 =	simm.s32 $0x2800  }
.LBB2_1:
0x16: {  	s18 =	rddreg [dreg:$0x3]  }
0x17: {  	[tilespmem:s2], [sflag:$0x2] =	stream.linear.gather [hbm4b:s18+s2], $0x10000, $0x38;
	[tilespmem:$0x10200] =	vst v63  }
0x18: {  	_ =	swait.ge [sflag:s9], $0x10000  }
0x19: {  	s10 =	rddreg [dreg:$0x7];
	[sflag:s9] =	ssyncset.done $0x0  }
0x1a: {  	s19 =	rddreg [dreg:$0xb];
	[sflag:s9] =	ssyncadd.s32 $0xFFFF0000  }
0x1b: {  	[tilespmem:s10], [sflag:$0x2] =	stream.linear.gather [hbm4b:s19+s2], $0x40, $0x38;
	[tilespmem:$0x10200] =	vst v63  }
0x1c: {  	_ =	swait.ge [sflag:s9], $0x40  }
0x1d: {  	s11 =	rddreg [dreg:$0x4];
	[sflag:s9] =	ssyncset.done $0x0  }
0x1e: {  	s12 =	rddreg [dreg:$0x8];
	[sflag:s9] =	ssyncadd.s32 $0xFFFFFFC0  }
0x1f: {  	[tilespmem:s12], [sflag:$0x2] =	stream.linear.gather [hbm4b:s11+s2], $0x40, $0x38;
	[tilespmem:$0x10200] =	vst v63  }
0x20: {  	_ =	swait.ge [sflag:s9], $0x40  }
0x21: {  	s13 =	rddreg [dreg:$0x5];
	[sflag:s9] =	ssyncset.done $0x0  }
0x22: {  	s14 =	rddreg [dreg:$0x9];
	[sflag:s9] =	ssyncadd.s32 $0xFFFFFFC0  }
0x23: {  	[tilespmem:s14], [sflag:$0x2] =	stream.linear.gather [hbm4b:s13+s2], $0x40, $0x38;
	[tilespmem:$0x10200] =	vst v63  }
0x24: {  	_ =	swait.ge [sflag:s9], $0x40  }
0x25: {  	s15 =	rddreg [dreg:$0x6];
	[sflag:s9] =	ssyncset.done $0x0  }
0x26: {  	s16 =	rddreg [dreg:$0xa];
	[sflag:s9] =	ssyncadd.s32 $0xFFFFFFC0  }
0x27: {  	[tilespmem:s16], [sflag:$0x2] =	stream.linear.gather [hbm4b:s15+s2], $0x40, $0x38;
	[tilespmem:$0x10200] =	vst v63  }
0x28: {  	_ =	swait.ge [sflag:s9], $0x40  }
0x29: {  	[sflag:s9] =	ssyncset.done $0x0  }
0x2a: {  	[sflag:s9] =	ssyncadd.s32 $0xFFFFFFC0  }
0x2b: {  	v3 =	vld [tilespmem:$0x10000];
	_ =	sdelay $0x4  }
0x2c: {  	v4 =	vshll.u32 v3, $0x3  }
0x2d: {  	v3 =	vand.u32 $0x7, v3;
	v4 =	vand.u32 $0xFFFFFFC0, v4  }
0x2e: {  	v3 =	vor.u32 v3, v4  }
0x2f: {  	v4 =	vperm.xlane v3, v0;
	_ =	sdelay $0x1  }
0x30: {  	v4 =	vadd.s32 v1, v4;
	_ =	sdelay $0x4  }
0x31: {  	[hbm4b:s4+s2] =	stream.indirect_vreg.scatter [tilespmem:s2], [sflag:$0x1], $0x80, v4, vm0, $0xb8;
	[tilespmem:$0x10200] =	vst v63  }
0x32: {  	s0 =	simm.s32 $0x800;
	v3 =	vperm.xlane v3, v2  }
0x33: {  	[hbm4b:s5+s2] =	stream.indirect_vreg.scatter [tilespmem:s0], [sflag:$0x1], $0x80, v4, vm0, $0xb8;
	[tilespmem:$0x10200] =	vst v63  }
0x34: {  	s19 =	simm.s32 $0x1000;
	v3 =	vadd.s32 v1, v3  }
0x35: {  	[hbm4b:s6+s2] =	stream.indirect_vreg.scatter [tilespmem:s19], [sflag:$0x1], $0x80, v4, vm0, $0xb8;
	[tilespmem:$0x10200] =	vst v63  }
0x36: {  	_ = 	snop  }
0x37: {  	[hbm4b:s7+s2] =	stream.indirect_vreg.scatter [tilespmem:s20], [sflag:$0x1], $0x80, v4, vm0, $0xb8;
	[tilespmem:$0x10200] =	vst v63  }
0x38: {  	_ = 	snop  }
0x39: {  	[hbm4b:s4+s2] =	stream.indirect_vreg.scatter [tilespmem:s21], [sflag:$0x1], $0x80, v3, vm0, $0xb8;
	[tilespmem:$0x10200] =	vst v63  }
0x3a: {  	_ = 	snop  }
0x3b: {  	[hbm4b:s5+s2] =	stream.indirect_vreg.scatter [tilespmem:s22], [sflag:$0x1], $0x80, v3, vm0, $0xb8;
	[tilespmem:$0x10200] =	vst v63  }
0x3c: {  	_ = 	snop  }
0x3d: {  	[hbm4b:s6+s2] =	stream.indirect_vreg.scatter [tilespmem:s23], [sflag:$0x1], $0x80, v3, vm0, $0xb8;
	[tilespmem:$0x10200] =	vst v63  }
0x3e: {  	_ = 	snop  }
0x3f: {  	[hbm4b:s7+s2] =	stream.indirect_vreg.scatter [tilespmem:s24], [sflag:$0x1], $0x80, v3, vm0, $0xb8;
	[tilespmem:$0x10200] =	vst v63  }
0x40: {  	v3 =	vld [tilespmem:$0x10010];
	_ =	sdelay $0x4  }
0x41: {  	v49 =	vshll.u32 v3, $0x3  }
0x42: {  	v3 =	vand.u32 $0x7, v3;
	v4 =	vand.u32 $0xFFFFFFC0, v49  }
0x43: {  	v3 =	vor.u32 v3, v4  }
0x44: {  	v4 =	vperm.xlane v3, v0;
	_ =	sdelay $0x1  }
0x45: {  	v4 =	vadd.s32 v1, v4;
	_ =	sdelay $0x4  }
0x46: {  	[hbm4b:s4+s2] =	stream.indirect_vreg.scatter [tilespmem:s25], [sflag:$0x1], $0x80, v4, vm0, $0xb8;
	[tilespmem:$0x10200] =	vst v63  }
0x47: {  	v3 =	vperm.xlane v3, v2  }
0x48: {  	[hbm4b:s5+s2] =	stream.indirect_vreg.scatter [tilespmem:s26], [sflag:$0x1], $0x80, v4, vm0, $0xb8;
	[tilespmem:$0x10200] =	vst v63  }
0x49: {  	v3 =	vadd.s32 v1, v3  }
0x4a: {  	[hbm4b:s6+s2] =	stream.indirect_vreg.scatter [tilespmem:s28], [sflag:$0x1], $0x80, v4, vm0, $0xb8;
	[tilespmem:$0x10200] =	vst v63  }
0x4b: {  	_ = 	snop  }
0x4c: {  	[hbm4b:s7+s2] =	stream.indirect_vreg.scatter [tilespmem:s29], [sflag:$0x1], $0x80, v4, vm0, $0xb8;
	[tilespmem:$0x10200] =	vst v63  }
0x4d: {  	_ = 	snop  }
0x4e: {  	[hbm4b:s4+s2] =	stream.indirect_vreg.scatter [tilespmem:s30], [sflag:$0x1], $0x80, v3, vm0, $0xb8;
	[tilespmem:$0x10200] =	vst v63  }
0x4f: {  	_ = 	snop  }
0x50: {  	[hbm4b:s5+s2] =	stream.indirect_vreg.scatter [tilespmem:s31], [sflag:$0x1], $0x80, v3, vm0, $0xb8;
	[tilespmem:$0x10200] =	vst v63  }
0x51: {  	s1 =	simm.s32 $0x7000  }
0x52: {  	[hbm4b:s6+s2] =	stream.indirect_vreg.scatter [tilespmem:s1], [sflag:$0x1], $0x80, v3, vm0, $0xb8;
	[tilespmem:$0x10200] =	vst v63  }
0x53: {  	s3 =	simm.s32 $0x7800  }
0x54: {  	[hbm4b:s7+s2] =	stream.indirect_vreg.scatter [tilespmem:s3], [sflag:$0x1], $0x80, v3, vm0, $0xb8;
	[tilespmem:$0x10200] =	vst v63  }
0x55: {  	v3 =	vld [tilespmem:$0x10020];
	_ =	sdelay $0x4  }
0x56: {  	v50 =	vshll.u32 v3, $0x3  }
0x57: {  	v3 =	vand.u32 $0x7, v3;
	v4 =	vand.u32 $0xFFFFFFC0, v50  }
0x58: {  	v3 =	vor.u32 v3, v4  }
0x59: {  	v4 =	vperm.xlane v3, v0;
	_ =	sdelay $0x1  }
0x5a: {  	v4 =	vadd.s32 v1, v4;
	_ =	sdelay $0x3  }
0x5b: {  	s11 =	simm.s32 $0x8000  }
0x5c: {  	[hbm4b:s4+s2] =	stream.indirect_vreg.scatter [tilespmem:s11], [sflag:$0x1], $0x80, v4, vm0, $0xb8;
	[tilespmem:$0x10200] =	vst v63  }
0x5d: {  	s13 =	simm.s32 $0x8800;
	v3 =	vperm.xlane v3, v2  }
0x5e: {  	[hbm4b:s5+s2] =	stream.indirect_vreg.scatter [tilespmem:s13], [sflag:$0x1], $0x80, v4, vm0, $0xb8;
	[tilespmem:$0x10200] =	vst v63  }
0x5f: {  	s14 =	simm.s32 $0x9000;
	v3 =	vadd.s32 v1, v3  }
0x60: {  	[hbm4b:s6+s2] =	stream.indirect_vreg.scatter [tilespmem:s14], [sflag:$0x1], $0x80, v4, vm0, $0xb8;
	[tilespmem:$0x10200] =	vst v63  }
0x61: {  	s15 =	simm.s32 $0x9800  }
0x62: {  	[hbm4b:s7+s2] =	stream.indirect_vreg.scatter [tilespmem:s15], [sflag:$0x1], $0x80, v4, vm0, $0xb8;
	[tilespmem:$0x10200] =	vst v63  }
0x63: {  	s16 =	simm.s32 $0xA000  }
0x64: {  	[hbm4b:s4+s2] =	stream.indirect_vreg.scatter [tilespmem:s16], [sflag:$0x1], $0x80, v3, vm0, $0xb8;
	[tilespmem:$0x10200] =	vst v63  }
0x65: {  	s18 =	simm.s32 $0xA800  }
0x66: {  	[hbm4b:s5+s2] =	stream.indirect_vreg.scatter [tilespmem:s18], [sflag:$0x1], $0x80, v3, vm0, $0xb8;
	[tilespmem:$0x10200] =	vst v63  }
0x67: {  	s19 =	simm.s32 $0xB000  }
0x68: {  	[hbm4b:s6+s2] =	stream.indirect_vreg.scatter [tilespmem:s19], [sflag:$0x1], $0x80, v3, vm0, $0xb8;
	[tilespmem:$0x10200] =	vst v63  }
0x69: {  	s3 =	simm.s32 $0xB800  }
0x6a: {  	[hbm4b:s7+s2] =	stream.indirect_vreg.scatter [tilespmem:s3], [sflag:$0x1], $0x80, v3, vm0, $0xb8;
	[tilespmem:$0x10200] =	vst v63  }
0x6b: {  	v3 =	vld [tilespmem:$0x10030];
	_ =	sdelay $0x4  }
0x6c: {  	v51 =	vshll.u32 v3, $0x3  }
0x6d: {  	v3 =	vand.u32 $0x7, v3;
	v4 =	vand.u32 $0xFFFFFFC0, v51  }
0x6e: {  	v3 =	vor.u32 v3, v4  }
0x6f: {  	v4 =	vperm.xlane v3, v0;
	_ =	sdelay $0x1  }
0x70: {  	v4 =	vadd.s32 v1, v4;
	_ =	sdelay $0x3  }
0x71: {  	s15 =	simm.s32 $0xC000  }
0x72: {  	[hbm4b:s4+s2] =	stream.indirect_vreg.scatter [tilespmem:s15], [sflag:$0x1], $0x80, v4, vm0, $0xb8;
	[tilespmem:$0x10200] =	vst v63  }
0x73: {  	s16 =	simm.s32 $0xC800;
	v3 =	vperm.xlane v3, v2  }
0x74: {  	[hbm4b:s5+s2] =	stream.indirect_vreg.scatter [tilespmem:s16], [sflag:$0x1], $0x80, v4, vm0, $0xb8;
	[tilespmem:$0x10200] =	vst v63  }
0x75: {  	s18 =	simm.s32 $0xD000;
	v3 =	vadd.s32 v1, v3  }
0x76: {  	[hbm4b:s6+s2] =	stream.indirect_vreg.scatter [tilespmem:s18], [sflag:$0x1], $0x80, v4, vm0, $0xb8;
	[tilespmem:$0x10200] =	vst v63  }
0x77: {  	s19 =	simm.s32 $0xD800  }
0x78: {  	[hbm4b:s7+s2] =	stream.indirect_vreg.scatter [tilespmem:s19], [sflag:$0x1], $0x80, v4, vm0, $0xb8;
	[tilespmem:$0x10200] =	vst v63  }
0x79: {  	s3 =	simm.s32 $0xE000  }
0x7a: {  	[hbm4b:s4+s2] =	stream.indirect_vreg.scatter [tilespmem:s3], [sflag:$0x1], $0x80, v3, vm0, $0xb8;
	[tilespmem:$0x10200] =	vst v63  }
0x7b: {  	s15 =	simm.s32 $0xE800  }
0x7c: {  	[hbm4b:s5+s2] =	stream.indirect_vreg.scatter [tilespmem:s15], [sflag:$0x1], $0x80, v3, vm0, $0xb8;
	[tilespmem:$0x10200] =	vst v63  }
0x7d: {  	s18 =	simm.s32 $0xF000  }
0x7e: {  	[hbm4b:s6+s2] =	stream.indirect_vreg.scatter [tilespmem:s18], [sflag:$0x1], $0x80, v3, vm0, $0xb8;
	[tilespmem:$0x10200] =	vst v63  }
0x7f: {  	s19 =	simm.s32 $0xF800  }
0x80: {  	[hbm4b:s7+s2] =	stream.indirect_vreg.scatter [tilespmem:s19], [sflag:$0x1], $0x80, v3, vm0, $0xb8;
	[tilespmem:$0x10200] =	vst v63  }
0x81: {  	v3 =	vld [tilespmem:$0x10080];
	_ =	sdelay $0x4  }
0x82: {  	v52 =	vshll.u32 v3, $0x3  }
0x83: {  	v3 =	vand.u32 $0x7, v3;
	v4 =	vand.u32 $0xFFFFFFC0, v52  }
0x84: {  	v3 =	vor.u32 v3, v4  }
0x85: {  	v4 =	vperm.xlane v3, v0;
	_ =	sdelay $0x1  }
0x86: {  	v4 =	vadd.s32 v1, v4;
	_ =	sdelay $0x4  }
0x87: {  	[hbm4b:s4+s2] =	stream.indirect_vreg.scatter [tilespmem:s2], [sflag:$0x1], $0x80, v4, vm0, $0xb8;
	[tilespmem:$0x10200] =	vst v63  }
0x88: {  	s10 =	simm.s32 $0x800;
	v3 =	vperm.xlane v3, v2  }
0x89: {  	[hbm4b:s5+s2] =	stream.indirect_vreg.scatter [tilespmem:s10], [sflag:$0x1], $0x80, v4, vm0, $0xb8;
	[tilespmem:$0x10200] =	vst v63  }
0x8a: {  	s12 =	simm.s32 $0x1000;
	v3 =	vadd.s32 v1, v3  }
0x8b: {  	[hbm4b:s6+s2] =	stream.indirect_vreg.scatter [tilespmem:s12], [sflag:$0x1], $0x80, v4, vm0, $0xb8;
	[tilespmem:$0x10200] =	vst v63  }
0x8c: {  	_ = 	snop  }
0x8d: {  	[hbm4b:s7+s2] =	stream.indirect_vreg.scatter [tilespmem:s20], [sflag:$0x1], $0x80, v4, vm0, $0xb8;
	[tilespmem:$0x10200] =	vst v63  }
0x8e: {  	_ = 	snop  }
0x8f: {  	[hbm4b:s4+s2] =	stream.indirect_vreg.scatter [tilespmem:s21], [sflag:$0x1], $0x80, v3, vm0, $0xb8;
	[tilespmem:$0x10200] =	vst v63  }
0x90: {  	_ = 	snop  }
0x91: {  	[hbm4b:s5+s2] =	stream.indirect_vreg.scatter [tilespmem:s22], [sflag:$0x1], $0x80, v3, vm0, $0xb8;
	[tilespmem:$0x10200] =	vst v63  }
0x92: {  	_ = 	snop  }
0x93: {  	[hbm4b:s6+s2] =	stream.indirect_vreg.scatter [tilespmem:s23], [sflag:$0x1], $0x80, v3, vm0, $0xb8;
	[tilespmem:$0x10200] =	vst v63  }
0x94: {  	_ = 	snop  }
0x95: {  	[hbm4b:s7+s2] =	stream.indirect_vreg.scatter [tilespmem:s24], [sflag:$0x1], $0x80, v3, vm0, $0xb8;
	[tilespmem:$0x10200] =	vst v63  }
0x96: {  	v3 =	vld [tilespmem:$0x10090];
	_ =	sdelay $0x4  }
0x97: {  	v53 =	vshll.u32 v3, $0x3  }
0x98: {  	v3 =	vand.u32 $0x7, v3;
	v4 =	vand.u32 $0xFFFFFFC0, v53  }
0x99: {  	v3 =	vor.u32 v3, v4  }
0x9a: {  	v4 =	vperm.xlane v3, v0;
	_ =	sdelay $0x1  }
0x9b: {  	v4 =	vadd.s32 v1, v4;
	_ =	sdelay $0x4  }
0x9c: {  	[hbm4b:s4+s2] =	stream.indirect_vreg.scatter [tilespmem:s25], [sflag:$0x1], $0x80, v4, vm0, $0xb8;
	[tilespmem:$0x10200] =	vst v63  }
0x9d: {  	v3 =	vperm.xlane v3, v2  }
0x9e: {  	[hbm4b:s5+s2] =	stream.indirect_vreg.scatter [tilespmem:s26], [sflag:$0x1], $0x80, v4, vm0, $0xb8;
	[tilespmem:$0x10200] =	vst v63  }
0x9f: {  	v3 =	vadd.s32 v1, v3  }
0xa0: {  	[hbm4b:s6+s2] =	stream.indirect_vreg.scatter [tilespmem:s28], [sflag:$0x1], $0x80, v4, vm0, $0xb8;
	[tilespmem:$0x10200] =	vst v63  }
0xa1: {  	_ = 	snop  }
0xa2: {  	[hbm4b:s7+s2] =	stream.indirect_vreg.scatter [tilespmem:s29], [sflag:$0x1], $0x80, v4, vm0, $0xb8;
	[tilespmem:$0x10200] =	vst v63  }
0xa3: {  	_ = 	snop  }
0xa4: {  	[hbm4b:s4+s2] =	stream.indirect_vreg.scatter [tilespmem:s30], [sflag:$0x1], $0x80, v3, vm0, $0xb8;
	[tilespmem:$0x10200] =	vst v63  }
0xa5: {  	_ = 	snop  }
0xa6: {  	[hbm4b:s5+s2] =	stream.indirect_vreg.scatter [tilespmem:s31], [sflag:$0x1], $0x80, v3, vm0, $0xb8;
	[tilespmem:$0x10200] =	vst v63  }
0xa7: {  	s10 =	simm.s32 $0x7000  }
0xa8: {  	[hbm4b:s6+s2] =	stream.indirect_vreg.scatter [tilespmem:s10], [sflag:$0x1], $0x80, v3, vm0, $0xb8;
	[tilespmem:$0x10200] =	vst v63  }
0xa9: {  	s12 =	simm.s32 $0x7800  }
0xaa: {  	[hbm4b:s7+s2] =	stream.indirect_vreg.scatter [tilespmem:s12], [sflag:$0x1], $0x80, v3, vm0, $0xb8;
	[tilespmem:$0x10200] =	vst v63  }
0xab: {  	v3 =	vld [tilespmem:$0x100A0];
	_ =	sdelay $0x4  }
0xac: {  	v54 =	vshll.u32 v3, $0x3  }
0xad: {  	v3 =	vand.u32 $0x7, v3;
	v4 =	vand.u32 $0xFFFFFFC0, v54  }
0xae: {  	v3 =	vor.u32 v3, v4  }
0xaf: {  	v4 =	vperm.xlane v3, v0;
	_ =	sdelay $0x1  }
0xb0: {  	v4 =	vadd.s32 v1, v4;
	_ =	sdelay $0x3  }
0xb1: {  	s15 =	simm.s32 $0x8000  }
0xb2: {  	[hbm4b:s4+s2] =	stream.indirect_vreg.scatter [tilespmem:s15], [sflag:$0x1], $0x80, v4, vm0, $0xb8;
	[tilespmem:$0x10200] =	vst v63  }
0xb3: {  	s1 =	simm.s32 $0x8800;
	v3 =	vperm.xlane v3, v2  }
0xb4: {  	[hbm4b:s5+s2] =	stream.indirect_vreg.scatter [tilespmem:s1], [sflag:$0x1], $0x80, v4, vm0, $0xb8;
	[tilespmem:$0x10200] =	vst v63  }
0xb5: {  	s11 =	simm.s32 $0x9000;
	v3 =	vadd.s32 v1, v3  }
0xb6: {  	[hbm4b:s6+s2] =	stream.indirect_vreg.scatter [tilespmem:s11], [sflag:$0x1], $0x80, v4, vm0, $0xb8;
	[tilespmem:$0x10200] =	vst v63  }
0xb7: {  	s0 =	simm.s32 $0x9800  }
0xb8: {  	[hbm4b:s7+s2] =	stream.indirect_vreg.scatter [tilespmem:s0], [sflag:$0x1], $0x80, v4, vm0, $0xb8;
	[tilespmem:$0x10200] =	vst v63  }
0xb9: {  	s13 =	simm.s32 $0xA000  }
0xba: {  	[hbm4b:s4+s2] =	stream.indirect_vreg.scatter [tilespmem:s13], [sflag:$0x1], $0x80, v3, vm0, $0xb8;
	[tilespmem:$0x10200] =	vst v63  }
0xbb: {  	s14 =	simm.s32 $0xA800  }
0xbc: {  	[hbm4b:s5+s2] =	stream.indirect_vreg.scatter [tilespmem:s14], [sflag:$0x1], $0x80, v3, vm0, $0xb8;
	[tilespmem:$0x10200] =	vst v63  }
0xbd: {  	s1 =	simm.s32 $0xB000  }
0xbe: {  	[hbm4b:s6+s2] =	stream.indirect_vreg.scatter [tilespmem:s1], [sflag:$0x1], $0x80, v3, vm0, $0xb8;
	[tilespmem:$0x10200] =	vst v63  }
0xbf: {  	s18 =	simm.s32 $0xB800  }
0xc0: {  	[hbm4b:s7+s2] =	stream.indirect_vreg.scatter [tilespmem:s18], [sflag:$0x1], $0x80, v3, vm0, $0xb8;
	[tilespmem:$0x10200] =	vst v63  }
0xc1: {  	v3 =	vld [tilespmem:$0x100B0];
	_ =	sdelay $0x4  }
0xc2: {  	v55 =	vshll.u32 v3, $0x3  }
0xc3: {  	v3 =	vand.u32 $0x7, v3;
	v4 =	vand.u32 $0xFFFFFFC0, v55  }
0xc4: {  	v3 =	vor.u32 v3, v4  }
0xc5: {  	v4 =	vperm.xlane v3, v0;
	_ =	sdelay $0x1  }
0xc6: {  	v4 =	vadd.s32 v1, v4;
	_ =	sdelay $0x3  }
0xc7: {  	s11 =	simm.s32 $0xC000  }
0xc8: {  	[hbm4b:s4+s2] =	stream.indirect_vreg.scatter [tilespmem:s11], [sflag:$0x1], $0x80, v4, vm0, $0xb8;
	[tilespmem:$0x10200] =	vst v63  }
0xc9: {  	s14 =	simm.s32 $0xC800;
	v3 =	vperm.xlane v3, v2  }
0xca: {  	[hbm4b:s5+s2] =	stream.indirect_vreg.scatter [tilespmem:s14], [sflag:$0x1], $0x80, v4, vm0, $0xb8;
	[tilespmem:$0x10200] =	vst v63  }
0xcb: {  	s13 =	simm.s32 $0xD000;
	v3 =	vadd.s32 v1, v3  }
0xcc: {  	[hbm4b:s6+s2] =	stream.indirect_vreg.scatter [tilespmem:s13], [sflag:$0x1], $0x80, v4, vm0, $0xb8;
	[tilespmem:$0x10200] =	vst v63  }
0xcd: {  	s16 =	simm.s32 $0xD800  }
0xce: {  	[hbm4b:s7+s2] =	stream.indirect_vreg.scatter [tilespmem:s16], [sflag:$0x1], $0x80, v4, vm0, $0xb8;
	[tilespmem:$0x10200] =	vst v63  }
0xcf: {  	s16 =	simm.s32 $0xE000  }
0xd0: {  	[hbm4b:s4+s2] =	stream.indirect_vreg.scatter [tilespmem:s16], [sflag:$0x1], $0x80, v3, vm0, $0xb8;
	[tilespmem:$0x10200] =	vst v63  }
0xd1: {  	s3 =	simm.s32 $0xE800  }
0xd2: {  	[hbm4b:s5+s2] =	stream.indirect_vreg.scatter [tilespmem:s3], [sflag:$0x1], $0x80, v3, vm0, $0xb8;
	[tilespmem:$0x10200] =	vst v63  }
0xd3: {  	s3 =	simm.s32 $0xF000  }
0xd4: {  	[hbm4b:s6+s2] =	stream.indirect_vreg.scatter [tilespmem:s3], [sflag:$0x1], $0x80, v3, vm0, $0xb8;
	[tilespmem:$0x10200] =	vst v63  }
0xd5: {  	s19 =	simm.s32 $0xF800  }
0xd6: {  	[hbm4b:s7+s2] =	stream.indirect_vreg.scatter [tilespmem:s19], [sflag:$0x1], $0x80, v3, vm0, $0xb8;
	[tilespmem:$0x10200] =	vst v63  }
0xd7: {  	v3 =	vld [tilespmem:$0x10100];
	_ =	sdelay $0x4  }
0xd8: {  	v56 =	vshll.u32 v3, $0x3  }
0xd9: {  	v3 =	vand.u32 $0x7, v3;
	v4 =	vand.u32 $0xFFFFFFC0, v56  }
0xda: {  	v3 =	vor.u32 v3, v4  }
0xdb: {  	v4 =	vperm.xlane v3, v0;
	_ =	sdelay $0x1  }
0xdc: {  	v4 =	vadd.s32 v1, v4;
	_ =	sdelay $0x4  }
0xdd: {  	[hbm4b:s4+s2] =	stream.indirect_vreg.scatter [tilespmem:s2], [sflag:$0x1], $0x80, v4, vm0, $0xb8;
	[tilespmem:$0x10200] =	vst v63  }
0xde: {  	s19 =	simm.s32 $0x800;
	v3 =	vperm.xlane v3, v2  }
0xdf: {  	[hbm4b:s5+s2] =	stream.indirect_vreg.scatter [tilespmem:s19], [sflag:$0x1], $0x80, v4, vm0, $0xb8;
	[tilespmem:$0x10200] =	vst v63  }
0xe0: {  	v3 =	vadd.s32 v1, v3;
	s19 =	simm.s32 $0x1000  }
0xe1: {  	[hbm4b:s6+s2] =	stream.indirect_vreg.scatter [tilespmem:s19], [sflag:$0x1], $0x80, v4, vm0, $0xb8;
	[tilespmem:$0x10200] =	vst v63  }
0xe2: {  	_ = 	snop  }
0xe3: {  	[hbm4b:s7+s2] =	stream.indirect_vreg.scatter [tilespmem:s20], [sflag:$0x1], $0x80, v4, vm0, $0xb8;
	[tilespmem:$0x10200] =	vst v63  }
0xe4: {  	_ = 	snop  }
0xe5: {  	[hbm4b:s4+s2] =	stream.indirect_vreg.scatter [tilespmem:s21], [sflag:$0x1], $0x80, v3, vm0, $0xb8;
	[tilespmem:$0x10200] =	vst v63  }
0xe6: {  	_ = 	snop  }
0xe7: {  	[hbm4b:s5+s2] =	stream.indirect_vreg.scatter [tilespmem:s22], [sflag:$0x1], $0x80, v3, vm0, $0xb8;
	[tilespmem:$0x10200] =	vst v63  }
0xe8: {  	_ = 	snop  }
0xe9: {  	[hbm4b:s6+s2] =	stream.indirect_vreg.scatter [tilespmem:s23], [sflag:$0x1], $0x80, v3, vm0, $0xb8;
	[tilespmem:$0x10200] =	vst v63  }
0xea: {  	_ = 	snop  }
0xeb: {  	[hbm4b:s7+s2] =	stream.indirect_vreg.scatter [tilespmem:s24], [sflag:$0x1], $0x80, v3, vm0, $0xb8;
	[tilespmem:$0x10200] =	vst v63  }
0xec: {  	v3 =	vld [tilespmem:$0x10110];
	_ =	sdelay $0x4  }
0xed: {  	v57 =	vshll.u32 v3, $0x3  }
0xee: {  	v3 =	vand.u32 $0x7, v3;
	v4 =	vand.u32 $0xFFFFFFC0, v57  }
0xef: {  	v3 =	vor.u32 v3, v4  }
0xf0: {  	v4 =	vperm.xlane v3, v0;
	_ =	sdelay $0x1  }
0xf1: {  	v4 =	vadd.s32 v1, v4;
	_ =	sdelay $0x4  }
0xf2: {  	[hbm4b:s4+s2] =	stream.indirect_vreg.scatter [tilespmem:s25], [sflag:$0x1], $0x80, v4, vm0, $0xb8;
	[tilespmem:$0x10200] =	vst v63  }
0xf3: {  	v3 =	vperm.xlane v3, v2  }
0xf4: {  	[hbm4b:s5+s2] =	stream.indirect_vreg.scatter [tilespmem:s26], [sflag:$0x1], $0x80, v4, vm0, $0xb8;
	[tilespmem:$0x10200] =	vst v63  }
0xf5: {  	v3 =	vadd.s32 v1, v3  }
0xf6: {  	[hbm4b:s6+s2] =	stream.indirect_vreg.scatter [tilespmem:s28], [sflag:$0x1], $0x80, v4, vm0, $0xb8;
	[tilespmem:$0x10200] =	vst v63  }
0xf7: {  	_ = 	snop  }
0xf8: {  	[hbm4b:s7+s2] =	stream.indirect_vreg.scatter [tilespmem:s29], [sflag:$0x1], $0x80, v4, vm0, $0xb8;
	[tilespmem:$0x10200] =	vst v63  }
0xf9: {  	_ = 	snop  }
0xfa: {  	[hbm4b:s4+s2] =	stream.indirect_vreg.scatter [tilespmem:s30], [sflag:$0x1], $0x80, v3, vm0, $0xb8;
	[tilespmem:$0x10200] =	vst v63  }
0xfb: {  	_ = 	snop  }
0xfc: {  	[hbm4b:s5+s2] =	stream.indirect_vreg.scatter [tilespmem:s31], [sflag:$0x1], $0x80, v3, vm0, $0xb8;
	[tilespmem:$0x10200] =	vst v63  }
0xfd: {  	_ = 	snop  }
0xfe: {  	[hbm4b:s6+s2] =	stream.indirect_vreg.scatter [tilespmem:s10], [sflag:$0x1], $0x80, v3, vm0, $0xb8;
	[tilespmem:$0x10200] =	vst v63  }
0xff: {  	_ = 	snop  }
0x100: {  	[hbm4b:s7+s2] =	stream.indirect_vreg.scatter [tilespmem:s12], [sflag:$0x1], $0x80, v3, vm0, $0xb8;
	[tilespmem:$0x10200] =	vst v63  }
0x101: {  	v3 =	vld [tilespmem:$0x10120];
	_ =	sdelay $0x4  }
0x102: {  	v58 =	vshll.u32 v3, $0x3  }
0x103: {  	v3 =	vand.u32 $0x7, v3;
	v4 =	vand.u32 $0xFFFFFFC0, v58  }
0x104: {  	v3 =	vor.u32 v3, v4  }
0x105: {  	v4 =	vperm.xlane v3, v0;
	_ =	sdelay $0x1  }
0x106: {  	v4 =	vadd.s32 v1, v4;
	_ =	sdelay $0x4  }
0x107: {  	[hbm4b:s4+s2] =	stream.indirect_vreg.scatter [tilespmem:s15], [sflag:$0x1], $0x80, v4, vm0, $0xb8;
	[tilespmem:$0x10200] =	vst v63  }
0x108: {  	s10 =	simm.s32 $0x8800;
	v3 =	vperm.xlane v3, v2  }
0x109: {  	[hbm4b:s5+s2] =	stream.indirect_vreg.scatter [tilespmem:s10], [sflag:$0x1], $0x80, v4, vm0, $0xb8;
	[tilespmem:$0x10200] =	vst v63  }
0x10a: {  	v3 =	vadd.s32 v1, v3;
	s10 =	simm.s32 $0x9000  }
0x10b: {  	[hbm4b:s6+s2] =	stream.indirect_vreg.scatter [tilespmem:s10], [sflag:$0x1], $0x80, v4, vm0, $0xb8;
	[tilespmem:$0x10200] =	vst v63  }
0x10c: {  	_ = 	snop  }
0x10d: {  	[hbm4b:s7+s2] =	stream.indirect_vreg.scatter [tilespmem:s0], [sflag:$0x1], $0x80, v4, vm0, $0xb8;
	[tilespmem:$0x10200] =	vst v63  }
0x10e: {  	s10 =	simm.s32 $0xA000  }
0x10f: {  	[hbm4b:s4+s2] =	stream.indirect_vreg.scatter [tilespmem:s10], [sflag:$0x1], $0x80, v3, vm0, $0xb8;
	[tilespmem:$0x10200] =	vst v63  }
0x110: {  	s0 =	simm.s32 $0xA800  }
0x111: {  	[hbm4b:s5+s2] =	stream.indirect_vreg.scatter [tilespmem:s0], [sflag:$0x1], $0x80, v3, vm0, $0xb8;
	[tilespmem:$0x10200] =	vst v63  }
0x112: {  	_ = 	snop  }
0x113: {  	[hbm4b:s6+s2] =	stream.indirect_vreg.scatter [tilespmem:s1], [sflag:$0x1], $0x80, v3, vm0, $0xb8;
	[tilespmem:$0x10200] =	vst v63  }
0x114: {  	_ = 	snop  }
0x115: {  	[hbm4b:s7+s2] =	stream.indirect_vreg.scatter [tilespmem:s18], [sflag:$0x1], $0x80, v3, vm0, $0xb8;
	[tilespmem:$0x10200] =	vst v63  }
0x116: {  	v3 =	vld [tilespmem:$0x10130];
	_ =	sdelay $0x4  }
0x117: {  	v59 =	vshll.u32 v3, $0x3  }
0x118: {  	v3 =	vand.u32 $0x7, v3;
	v4 =	vand.u32 $0xFFFFFFC0, v59  }
0x119: {  	v3 =	vor.u32 v3, v4  }
0x11a: {  	v4 =	vperm.xlane v3, v0;
	_ =	sdelay $0x1  }
0x11b: {  	v4 =	vadd.s32 v1, v4;
	_ =	sdelay $0x4  }
0x11c: {  	[hbm4b:s4+s2] =	stream.indirect_vreg.scatter [tilespmem:s11], [sflag:$0x1], $0x80, v4, vm0, $0xb8;
	[tilespmem:$0x10200] =	vst v63  }
0x11d: {  	v3 =	vperm.xlane v3, v2  }
0x11e: {  	[hbm4b:s5+s2] =	stream.indirect_vreg.scatter [tilespmem:s14], [sflag:$0x1], $0x80, v4, vm0, $0xb8;
	[tilespmem:$0x10200] =	vst v63  }
0x11f: {  	v3 =	vadd.s32 v1, v3  }
0x120: {  	[hbm4b:s6+s2] =	stream.indirect_vreg.scatter [tilespmem:s13], [sflag:$0x1], $0x80, v4, vm0, $0xb8;
	[tilespmem:$0x10200] =	vst v63  }
0x121: {  	s13 =	simm.s32 $0xD800  }
0x122: {  	[hbm4b:s7+s2] =	stream.indirect_vreg.scatter [tilespmem:s13], [sflag:$0x1], $0x80, v4, vm0, $0xb8;
	[tilespmem:$0x10200] =	vst v63  }
0x123: {  	_ = 	snop  }
0x124: {  	[hbm4b:s4+s2] =	stream.indirect_vreg.scatter [tilespmem:s16], [sflag:$0x1], $0x80, v3, vm0, $0xb8;
	[tilespmem:$0x10200] =	vst v63  }
0x125: {  	s0 =	simm.s32 $0xE800  }
0x126: {  	[hbm4b:s5+s2] =	stream.indirect_vreg.scatter [tilespmem:s0], [sflag:$0x1], $0x80, v3, vm0, $0xb8;
	[tilespmem:$0x10200] =	vst v63  }
0x127: {  	_ = 	snop  }
0x128: {  	[hbm4b:s6+s2] =	stream.indirect_vreg.scatter [tilespmem:s3], [sflag:$0x1], $0x80, v3, vm0, $0xb8;
	[tilespmem:$0x10200] =	vst v63  }
0x129: {  	s0 =	simm.s32 $0xF800  }
0x12a: {  	[hbm4b:s7+s2] =	stream.indirect_vreg.scatter [tilespmem:s0], [sflag:$0x1], $0x80, v3, vm0, $0xb8;
	[tilespmem:$0x10200] =	vst v63  }
0x12b: {  	v3 =	vld [tilespmem:$0x10180];
	_ =	sdelay $0x4  }
0x12c: {  	v60 =	vshll.u32 v3, $0x3  }
0x12d: {  	v3 =	vand.u32 $0x7, v3;
	v4 =	vand.u32 $0xFFFFFFC0, v60  }
0x12e: {  	v3 =	vor.u32 v3, v4  }
0x12f: {  	v4 =	vperm.xlane v3, v0;
	_ =	sdelay $0x1  }
0x130: {  	v4 =	vadd.s32 v1, v4;
	_ =	sdelay $0x4  }
0x131: {  	[hbm4b:s4+s2] =	stream.indirect_vreg.scatter [tilespmem:s2], [sflag:$0x1], $0x80, v4, vm0, $0xb8;
	[tilespmem:$0x10200] =	vst v63  }
0x132: {  	s0 =	simm.s32 $0x800;
	v3 =	vperm.xlane v3, v2  }
0x133: {  	[hbm4b:s5+s2] =	stream.indirect_vreg.scatter [tilespmem:s0], [sflag:$0x1], $0x80, v4, vm0, $0xb8;
	[tilespmem:$0x10200] =	vst v63  }
0x134: {  	v3 =	vadd.s32 v1, v3  }
0x135: {  	[hbm4b:s6+s2] =	stream.indirect_vreg.scatter [tilespmem:s19], [sflag:$0x1], $0x80, v4, vm0, $0xb8;
	[tilespmem:$0x10200] =	vst v63  }
0x136: {  	_ = 	snop  }
0x137: {  	[hbm4b:s7+s2] =	stream.indirect_vreg.scatter [tilespmem:s20], [sflag:$0x1], $0x80, v4, vm0, $0xb8;
	[tilespmem:$0x10200] =	vst v63  }
0x138: {  	_ = 	snop  }
0x139: {  	[hbm4b:s4+s2] =	stream.indirect_vreg.scatter [tilespmem:s21], [sflag:$0x1], $0x80, v3, vm0, $0xb8;
	[tilespmem:$0x10200] =	vst v63  }
0x13a: {  	_ = 	snop  }
0x13b: {  	[hbm4b:s5+s2] =	stream.indirect_vreg.scatter [tilespmem:s22], [sflag:$0x1], $0x80, v3, vm0, $0xb8;
	[tilespmem:$0x10200] =	vst v63  }
0x13c: {  	_ = 	snop  }
0x13d: {  	[hbm4b:s6+s2] =	stream.indirect_vreg.scatter [tilespmem:s23], [sflag:$0x1], $0x80, v3, vm0, $0xb8;
	[tilespmem:$0x10200] =	vst v63  }
0x13e: {  	_ = 	snop  }
0x13f: {  	[hbm4b:s7+s2] =	stream.indirect_vreg.scatter [tilespmem:s24], [sflag:$0x1], $0x80, v3, vm0, $0xb8;
	[tilespmem:$0x10200] =	vst v63  }
0x140: {  	v3 =	vld [tilespmem:$0x10190];
	_ =	sdelay $0x4  }
0x141: {  	v61 =	vshll.u32 v3, $0x3  }
0x142: {  	v3 =	vand.u32 $0x7, v3;
	v4 =	vand.u32 $0xFFFFFFC0, v61  }
0x143: {  	v3 =	vor.u32 v3, v4  }
0x144: {  	v4 =	vperm.xlane v3, v0;
	_ =	sdelay $0x1  }
0x145: {  	v4 =	vadd.s32 v1, v4;
	_ =	sdelay $0x4  }
0x146: {  	[hbm4b:s4+s2] =	stream.indirect_vreg.scatter [tilespmem:s25], [sflag:$0x1], $0x80, v4, vm0, $0xb8;
	[tilespmem:$0x10200] =	vst v63  }
0x147: {  	v3 =	vperm.xlane v3, v2  }
0x148: {  	[hbm4b:s5+s2] =	stream.indirect_vreg.scatter [tilespmem:s26], [sflag:$0x1], $0x80, v4, vm0, $0xb8;
	[tilespmem:$0x10200] =	vst v63  }
0x149: {  	v3 =	vadd.s32 v1, v3  }
0x14a: {  	[hbm4b:s6+s2] =	stream.indirect_vreg.scatter [tilespmem:s28], [sflag:$0x1], $0x80, v4, vm0, $0xb8;
	[tilespmem:$0x10200] =	vst v63  }
0x14b: {  	_ = 	snop  }
0x14c: {  	[hbm4b:s7+s2] =	stream.indirect_vreg.scatter [tilespmem:s29], [sflag:$0x1], $0x80, v4, vm0, $0xb8;
	[tilespmem:$0x10200] =	vst v63  }
0x14d: {  	_ = 	snop  }
0x14e: {  	[hbm4b:s4+s2] =	stream.indirect_vreg.scatter [tilespmem:s30], [sflag:$0x1], $0x80, v3, vm0, $0xb8;
	[tilespmem:$0x10200] =	vst v63  }
0x14f: {  	_ = 	snop  }
0x150: {  	[hbm4b:s5+s2] =	stream.indirect_vreg.scatter [tilespmem:s31], [sflag:$0x1], $0x80, v3, vm0, $0xb8;
	[tilespmem:$0x10200] =	vst v63  }
0x151: {  	s19 =	simm.s32 $0x7000  }
0x152: {  	[hbm4b:s6+s2] =	stream.indirect_vreg.scatter [tilespmem:s19], [sflag:$0x1], $0x80, v3, vm0, $0xb8;
	[tilespmem:$0x10200] =	vst v63  }
0x153: {  	s12 =	simm.s32 $0x7800  }
0x154: {  	[hbm4b:s7+s2] =	stream.indirect_vreg.scatter [tilespmem:s12], [sflag:$0x1], $0x80, v3, vm0, $0xb8;
	[tilespmem:$0x10200] =	vst v63  }
0x155: {  	v3 =	vld [tilespmem:$0x101A0];
	_ =	sdelay $0x4  }
0x156: {  	v62 =	vshll.u32 v3, $0x3  }
0x157: {  	v3 =	vand.u32 $0x7, v3;
	v4 =	vand.u32 $0xFFFFFFC0, v62  }
0x158: {  	v3 =	vor.u32 v3, v4  }
0x159: {  	v4 =	vperm.xlane v3, v0;
	_ =	sdelay $0x1  }
0x15a: {  	v4 =	vadd.s32 v1, v4;
	_ =	sdelay $0x3  }
0x15b: {  	s15 =	simm.s32 $0x8000  }
0x15c: {  	[hbm4b:s4+s2] =	stream.indirect_vreg.scatter [tilespmem:s15], [sflag:$0x1], $0x80, v4, vm0, $0xb8;
	[tilespmem:$0x10200] =	vst v63  }
0x15d: {  	s12 =	simm.s32 $0x8800;
	v3 =	vperm.xlane v3, v2  }
0x15e: {  	[hbm4b:s5+s2] =	stream.indirect_vreg.scatter [tilespmem:s12], [sflag:$0x1], $0x80, v4, vm0, $0xb8;
	[tilespmem:$0x10200] =	vst v63  }
0x15f: {  	v3 =	vadd.s32 v1, v3;
	s15 =	simm.s32 $0x9000  }
0x160: {  	[hbm4b:s6+s2] =	stream.indirect_vreg.scatter [tilespmem:s15], [sflag:$0x1], $0x80, v4, vm0, $0xb8;
	[tilespmem:$0x10200] =	vst v63  }
0x161: {  	s19 =	simm.s32 $0x9800  }
0x162: {  	[hbm4b:s7+s2] =	stream.indirect_vreg.scatter [tilespmem:s19], [sflag:$0x1], $0x80, v4, vm0, $0xb8;
	[tilespmem:$0x10200] =	vst v63  }
0x163: {  	_ = 	snop  }
0x164: {  	[hbm4b:s4+s2] =	stream.indirect_vreg.scatter [tilespmem:s10], [sflag:$0x1], $0x80, v3, vm0, $0xb8;
	[tilespmem:$0x10200] =	vst v63  }
0x165: {  	s12 =	simm.s32 $0xA800  }
0x166: {  	[hbm4b:s5+s2] =	stream.indirect_vreg.scatter [tilespmem:s12], [sflag:$0x1], $0x80, v3, vm0, $0xb8;
	[tilespmem:$0x10200] =	vst v63  }
0x167: {  	s15 =	simm.s32 $0xB000  }
0x168: {  	[hbm4b:s6+s2] =	stream.indirect_vreg.scatter [tilespmem:s15], [sflag:$0x1], $0x80, v3, vm0, $0xb8;
	[tilespmem:$0x10200] =	vst v63  }
0x169: {  	s18 =	simm.s32 $0xB800  }
0x16a: {  	[hbm4b:s7+s2] =	stream.indirect_vreg.scatter [tilespmem:s18], [sflag:$0x1], $0x80, v3, vm0, $0xb8;
	[tilespmem:$0x10200] =	vst v63  }
0x16b: {  	v3 =	vld [tilespmem:$0x101B0];
	_ =	sdelay $0x4  }
0x16c: {  	v63 =	vshll.u32 v3, $0x3  }
0x16d: {  	v3 =	vand.u32 $0x7, v3;
	v4 =	vand.u32 $0xFFFFFFC0, v63  }
0x16e: {  	v3 =	vor.u32 v3, v4  }
0x16f: {  	v4 =	vperm.xlane v3, v0;
	_ =	sdelay $0x1  }
0x170: {  	v4 =	vadd.s32 v1, v4;
	_ =	sdelay $0x3  }
0x171: {  	s11 =	simm.s32 $0xC000  }
0x172: {  	[hbm4b:s4+s2] =	stream.indirect_vreg.scatter [tilespmem:s11], [sflag:$0x1], $0x80, v4, vm0, $0xb8;
	[tilespmem:$0x10200] =	vst v63  }
0x173: {  	s14 =	simm.s32 $0xC800;
	v3 =	vperm.xlane v3, v2  }
0x174: {  	[hbm4b:s5+s2] =	stream.indirect_vreg.scatter [tilespmem:s14], [sflag:$0x1], $0x80, v4, vm0, $0xb8;
	[tilespmem:$0x10200] =	vst v63  }
0x175: {  	s18 =	simm.s32 $0xD000;
	v3 =	vadd.s32 v1, v3  }
0x176: {  	[hbm4b:s6+s2] =	stream.indirect_vreg.scatter [tilespmem:s18], [sflag:$0x1], $0x80, v4, vm0, $0xb8;
	[tilespmem:$0x10200] =	vst v63  }
0x177: {  	s13 =	simm.s32 $0xD800  }
0x178: {  	[hbm4b:s7+s2] =	stream.indirect_vreg.scatter [tilespmem:s13], [sflag:$0x1], $0x80, v4, vm0, $0xb8;
	[tilespmem:$0x10200] =	vst v63  }
0x179: {  	s1 =	simm.s32 $0xE000  }
0x17a: {  	[hbm4b:s4+s2] =	stream.indirect_vreg.scatter [tilespmem:s1], [sflag:$0x1], $0x80, v3, vm0, $0xb8;
	[tilespmem:$0x10200] =	vst v63  }
0x17b: {  	s16 =	simm.s32 $0xE800  }
0x17c: {  	[hbm4b:s5+s2] =	stream.indirect_vreg.scatter [tilespmem:s16], [sflag:$0x1], $0x80, v3, vm0, $0xb8;
	[tilespmem:$0x10200] =	vst v63  }
0x17d: {  	s3 =	simm.s32 $0xF000  }
0x17e: {  	[hbm4b:s6+s2] =	stream.indirect_vreg.scatter [tilespmem:s3], [sflag:$0x1], $0x80, v3, vm0, $0xb8;
	[tilespmem:$0x10200] =	vst v63  }
0x17f: {  	s19 =	simm.s32 $0xF800  }
0x180: {  	[hbm4b:s7+s2] =	stream.indirect_vreg.scatter [tilespmem:s19], [sflag:$0x1], $0x80, v3, vm0, $0xb8;
	[tilespmem:$0x10200] =	vst v63  }
0x181: {  	_ =	swait.ge [sflag:s17], $0x10000  }
0x182: {  	[sflag:s17] =	ssyncset.done $0x0  }
0x183: {  	[sflag:s17] =	ssyncadd.s32 $0xFFFF0000  }
0x184: {  	_ =	swait.ge [sflag:s17], $0x10000  }
0x185: {  	[sflag:s17] =	ssyncset.done $0x0  }
0x186: {  	[sflag:s17] =	ssyncadd.s32 $0xFFFF0000  }
0x187: {  	p0 =	sne.s32 s8, $0x1;
	_ =	swait.ge [sflag:s17], $0x10000  }
.Ltmp0:
0x188: {  	[sflag:s17] =	ssyncset.done $0x0;
	(pc) =	sbr.rel @p0 .LBB2_1-.Ltmp0, $4  }
0x189: {  	[sflag:s17] =	ssyncadd.s32 $0xFFFF0000  }
0x18a: {  	_ =	swait.ge [sflag:s17], $0x10000  }
0x18b: {  	[sflag:s17] =	ssyncset.done $0x0  }
0x18c: {  	s8 =	sadd.s32 $0xFFFFFFFF, s8;
	[sflag:s17] =	ssyncadd.s32 $0xFFFF0000  }
0x18d: {  	_ =	sfence.sel $0x180000  }
0x18e: {  	[bflag:$0x0] =	sbarrier.arrive $0xFFFF  }
0x18f: {  	_ =	strace $0x90000047  }
0x190: {  	s0 =	stileid.u32;
	[bflag:$0x2] =	sbarrier.arrive $0xFFFF  }
0x191: {  	p0 =	sne.s32 s0, $0x0;
	s0 =	rddreg [dreg:$0x2]  }
0x192: {  	s0 =	sadd.s32 @!p0 $0x100000, s0  }
0x193: {  	[sflag:s0] =	ssyncadd.tile.s32 @!p0 $0x1;
	_ =	shalt  }
.Lfunc_end2:
_tile_overlayer_lowered:
.L_overlay_start_2:
0x194: {  	(tag) =	ssettag $0x2  }
0x195: {  	s0 =	rddreg [dreg:$0x0];
	s2 =	stileid.u32  }
0x196: {  	s1 =	rddreg [dreg:$0x1];
	p0 =	sne.s32 s2, $0x0  }
0x197: {  	s3 =	rddreg [dreg:$0x2];
	[bflag:$0x3] =	sbarrier.arrive $0xFFFF;
	s2 =	simm.s32 @!p0 $0x1C02  }
0x198: {  	[timem:s3], [sflag:s2] =	dma.local @!p0 [hbm:s0], s1  }
0x199: {  	s0 =	simm.s32 @!p0 $0x2  }
0x19a: {  	_ =	swait.ge @!p0 [sflag:s0], s1  }
0x19b: {  	s1 =	ssub.s32 @!p0 $0x0, s1;
	[sflag:s0] =	ssyncset.done @!p0 $0x0  }
0x19c: {  	[sflag:s0] =	ssyncadd.s32 @!p0 s1  }
0x19d: {  	[bflag:$0x3] =	sbarrier.arrive $0xFFFF  }
0x19e: {  	_ =	shalt  }

// kernel: kernel.9.cloned.1.call-start
scs
__scs_entry_jumppad:
0x0: {  	(pc) =	sbr.rel $0x88, $3  }
0x1: {  	(tag) =	ssettag $0x0;
	lr =	simm.s32 $0x1  }
0x2: {  	[smem:$0x3F9A] =	sst lr;
	_ =	strace $0xD0000000  }
0x3: {  	_ = 	snop  }
0x4: {  	_ = 	snop  }
0x5: {  	_ = 	snop  }
0x6: {  	_ = 	snop  }
0x7: {  	_ = 	snop  }
__scs_overlays_trampoline_lowered:
0x8: {  	[smem:$0x3FA9] =	sst s0  }
0x9: {  	[smem:$0x3FAA] =	sst s1  }
0xa: {  	[smem:$0x3FAB] =	sst s2  }
0xb: {  	[smem:$0x3FAC] =	sst s3  }
0xc: {  	[smem:$0x3FAD] =	sst s4  }
0xd: {  	[smem:$0x3FAE] =	sst s5  }
0xe: {  	[smem:$0x3FAF] =	sst s6  }
0xf: {  	[smem:$0x3FB0] =	sst s7  }
0x10: {  	[smem:$0x3FB1] =	sst s8  }
0x11: {  	[smem:$0x3FB2] =	sst s9;
	s0 =	simm.s32 @!p0 $0x0  }
0x12: {  	s1 =	sld [smem:$0x3F98];
	s0 =	simm.s32 @p0 $0x1  }
0x13: {  	[smem:$0x3FB3] =	sst s0;
	s0 =	simm.s32 @!p1 $0x0  }
0x14: {  	s2 =	sld [smem:$0x3F97];
	s0 =	simm.s32 @p1 $0x1  }
0x15: {  	[smem:$0x3FB4] =	sst s0;
	s0 =	simm.s32 @!p2 $0x0  }
0x16: {  	s3 =	sld [smem:$0x3FDB];
	s0 =	simm.s32 @p2 $0x1  }
0x17: {  	s4 =	simm.s32 $0x1BF5;
	[smem:$0x3FB6] =	sst s0  }
0x18: {  	s0 =	sld [smem:$0x3F99];
	_ =	swait.ge [sflag:s4], $0x0  }
0x19: {  	s7 =	sld [smem:$0x3F9A]  }
0x1a: {  	s8 =	sadd.s32 $0xFFFFE003, lr  }
0x1b: {  	s9 =	sadd.s32 $0xFFFFFEF7, lr;
	s5 =	simm.s32 $0xFFFFFFFF;
	p2 =	slt.u32 s8, $0xFFFFF086  }
0x1c: {  	p1 =	slt.u32 s9, $0xF7A;
	s5 =	simm.s32 @!p2 $0x0  }
0x1d: {  	s5 =	simm.s32 @p1 $0x1;
	p0 =	seq.s32 s7, s2  }
0x1e: {  	s7 =	smul.u32 @!p0 $0xF7A, s2;
	p2 =	seq.s32 @!p0 s5, $0x0  }
0x1f: {  	s9 =	smul.u32 $0xF7A, s1;
	s8 =	simm.s32 @!p0 $0x1BF5;
	p2 =	por !p2, p0  }
0x20: {  	[sflag:s8] =	ssyncset.s32 @!p0 $0xFFFFF086;
	s6 =	sadd.s32 @!p0 s3, s7;
	s7 =	simm.s32 @!p0 $0x108  }
0x21: {  	s3 =	sadd.s32 s3, s9;
	s6 =	sadd.s32 @!p0 $0x88, s6;
	s7 =	simm.s32 @p2 $0x1082  }
0x22: {  	[simem:s7], [sflag:s8] =	dma.local @!p0 [hbm:s6], $0xF7A  }
0x23: {  	s9 =	sor.u32 $0xD0000000, s2;
	s6 =	simm.s32 $0x108;
	_ =	swait.ge @!p0 [sflag:s8], $0x0  }
0x24: {  	s3 =	sadd.s32 $0x88, s3;
	s6 =	simm.s32 @!p1 $0x1082;
	[sflag:s4] =	ssyncset.s32 $0xFFFFF086  }
0x25: {  	[simem:s6], [sflag:s4] =	dma.local [hbm:s3], $0xF7A  }
0x26: {  	[smem:$0x3F9A] =	sst s1;
	(tag) =	ssettag s2;
	_ =	strace s9  }
0x27: {  	s1 =	sld [smem:$0x3FAA]  }
0x28: {  	s2 =	sld [smem:$0x3FAB]  }
0x29: {  	s4 =	sld [smem:$0x3FAD]  }
0x2a: {  	p0 =	seq.s32 s5, $0x0;
	s5 =	sld [smem:$0x3FAE]  }
0x2b: {  	s6 =	sld [smem:$0x3FAF]  }
0x2c: {  	s7 =	sld [smem:$0x3FB0]  }
0x2d: {  	s3 =	simm.s32 $0x108;
	s8 =	sld [smem:$0x3FB1]  }
0x2e: {  	s3 =	simm.s32 @!p0 $0x1082;
	s9 =	sld [smem:$0x3FB2]  }
0x2f: {  	lr =	sadd.s32 s0, s3;
	s0 =	sld [smem:$0x3FA9]  }
0x30: {  	s3 =	sld [smem:$0x3FAC]  }
0x31: {  	[smem:$0x3FB5] =	sst s10  }
0x32: {  	s10 =	sld [smem:$0x3FB3];
	_ =	sdelay $0x3  }
0x33: {  	p0 =	seq.s32 s10, $0x1;
	s10 =	sld [smem:$0x3FB5];
	_ =	sdelay $0x3  }
0x34: {  	[smem:$0x3FB5] =	sst s10  }
0x35: {  	s10 =	sld [smem:$0x3FB4];
	_ =	sdelay $0x3  }
0x36: {  	p1 =	seq.s32 s10, $0x1;
	s10 =	sld [smem:$0x3FB5];
	_ =	sdelay $0x3  }
0x37: {  	[smem:$0x3FB5] =	sst s10  }
0x38: {  	s10 =	sld [smem:$0x3FB6]  }
0x39: {  	_ = 	snop;
	(pc) =	sbr.ind lr, $3  }
0x3a: {  	_ = 	snop  }
0x3b: {  	_ = 	snop  }
0x3c: {  	p2 =	seq.s32 s10, $0x1;
	s10 =	sld [smem:$0x3FB5]  }
0x3d: {  	_ =	shalt  }
0x3e: {  	_ =	shalt  }
0x3f: {  	_ =	shalt  }
0x40: {  	_ =	shalt  }
0x41: {  	_ =	shalt  }
0x42: {  	_ =	shalt  }
0x43: {  	_ =	shalt  }
0x44: {  	_ =	shalt  }
0x45: {  	_ =	shalt  }
0x46: {  	_ =	shalt  }
0x47: {  	_ =	shalt  }
0x48: {  	_ =	shalt  }
0x49: {  	_ =	shalt  }
0x4a: {  	_ =	shalt  }
0x4b: {  	_ =	shalt  }
0x4c: {  	_ =	shalt  }
0x4d: {  	_ =	shalt  }
0x4e: {  	_ =	shalt  }
0x4f: {  	_ =	shalt  }
0x50: {  	_ =	shalt  }
0x51: {  	_ =	shalt  }
0x52: {  	_ =	shalt  }
0x53: {  	_ =	shalt  }
0x54: {  	_ =	shalt  }
0x55: {  	_ =	shalt  }
0x56: {  	_ =	shalt  }
0x57: {  	_ =	shalt  }
0x58: {  	_ =	shalt  }
0x59: {  	_ =	shalt  }
0x5a: {  	_ =	shalt  }
0x5b: {  	_ =	shalt  }
0x5c: {  	_ =	shalt  }
0x5d: {  	_ =	shalt  }
0x5e: {  	_ =	shalt  }
0x5f: {  	_ =	shalt  }
0x60: {  	_ =	shalt  }
0x61: {  	_ =	shalt  }
0x62: {  	_ =	shalt  }
0x63: {  	_ =	shalt  }
0x64: {  	_ =	shalt  }
0x65: {  	_ =	shalt  }
0x66: {  	_ =	shalt  }
0x67: {  	_ =	shalt  }
0x68: {  	_ =	shalt  }
0x69: {  	_ =	shalt  }
0x6a: {  	_ =	shalt  }
0x6b: {  	_ =	shalt  }
0x6c: {  	_ =	shalt  }
0x6d: {  	_ =	shalt  }
0x6e: {  	_ =	shalt  }
0x6f: {  	_ =	shalt  }
0x70: {  	_ =	shalt  }
0x71: {  	_ =	shalt  }
0x72: {  	_ =	shalt  }
0x73: {  	_ =	shalt  }
0x74: {  	_ =	shalt  }
0x75: {  	_ =	shalt  }
0x76: {  	_ =	shalt  }
0x77: {  	_ =	shalt  }
0x78: {  	_ =	shalt  }
0x79: {  	_ =	shalt  }
0x7a: {  	_ =	shalt  }
0x7b: {  	_ =	shalt  }
0x7c: {  	_ =	shalt  }
0x7d: {  	_ =	shalt  }
0x7e: {  	_ =	shalt  }
0x7f: {  	_ =	shalt  }
0x80: {  	_ =	shalt  }
0x81: {  	_ =	shalt  }
0x82: {  	_ =	shalt  }
0x83: {  	_ =	shalt  }
0x84: {  	_ =	shalt  }
0x85: {  	_ =	shalt  }
0x86: {  	_ =	shalt  }
0x87: {  	_ =	shalt  }
.Lfunc_end0:
.L_simem_size_0:
called_computation.1_lowered:
.L_overlay_start_0:
0x88: {  	s2 =	sld [smem:$0x3FD9]  }
0x89: {  	s3 =	sld [smem:$0x3FFE];
	_ =	sdelay $0x1  }
0x8a: {  	s1 =	srdreg.scid  }
0x8b: {  	s0 =	sand.u32 $0x1, s1  }
0x8c: {  	s17 =	sshll.u32 s0, $0xA;
	s2 =	sadd.s32 s3, s2  }
0x8d: {  	s2 =	sadd.s32 s2, s17  }
0x8e: {  	[smem:$0x3FC1] =	sst s2  }
0x8f: {  	_ = 	snop  }
0x90: {  	s2 =	sld [smem:$0x3FD0];
	(tm) =	ssettm $0x1  }
0x91: {  	s18 =	sld [smem:$0x3FFB];
	_ =	sdelay $0x3  }
0x92: {  	_ =	strace s18  }
0x93: {  	s3 =	sld [smem:$0x3FFC];
	_ =	sdelay $0x3  }
0x94: {  	_ =	strace s3  }
0x95: {  	s3 =	sld [smem:$0x3FFD];
	_ =	sdelay $0x3  }
0x96: {  	_ =	strace s3  }
0x97: {  	_ =	strace $0x8FFFFFFF  }
0x98: {  	s19 =	sld [smem:$0x3FDB];
	_ =	sdelay $0x1  }
0x99: {  	s4 =	simm.s32 $_scs_section_size  }
0x9a: {  	s5 =	simm.s32 $_size__tile_overlayer_lowered;
	s6 =	simm.s32 $_tile_overlayer_lowered  }
0x9b: {  	s22 =	simm.s32 $0x1BFF;
	s21 =	sshll.u32 s6, $0x1;
	s3 =	sadd.s32 s4, s19  }
0x9c: {  	s7 =	simm.s32 $0x0;
	s20 =	sshll.u32 s5, $0x1;
	s5 =	sadd.s32 s21, s3  }
0x9d: {  	[timem:s7], [sflag:s22] =	dma.local [hbm:s5], s20  }
0x9e: {  	_ =	swait.ge [sflag:s22], s20  }
0x9f: {  	s4 =	ssub.s32 $0x0, s20;
	[sflag:s22] =	ssyncset.done $0x0  }
0xa0: {  	[sflag:s22] =	ssyncadd.s32 s4;
	_ =	sdelay $0x1  }
0xa1: {  	s23 =	simm.s32 $0x1B8B  }
0xa2: {  	_ =	swait.ge [sflag:s23], $0x1  }
0xa3: {  	[sflag:s23] =	ssyncset.done $0x0  }
0xa4: {  	s25 =	simm.s32 $0x1B8E;
	s24 =	sld [smem:$0x3FFE];
	[sflag:s23] =	ssyncadd.s32 $0xFFFFFFFF  }
0xa5: {  	s26 =	simm.s32 $execute0_lowered;
	[smem:$0x3FD2] =	sst s25  }
0xa6: {  	s5 =	sshll.u32 s26, $0x1;
	_ =	strace $0x80000049;
	[dreg:$0x1] =	wrdreg $0xFFFFFFFF  }
0xa7: {  	s28 =	simm.s32 $_size_execute0_lowered;
	s3 =	sadd.s32 s3, s5;
	[dreg:$0x0] =	wrdreg $0x0  }
0xa8: {  	s5 =	sshll.u32 s28, $0x1;
	[dreg:$0x2] =	wrdreg s3  }
0xa9: {  	[dreg:$0x3] =	wrdreg s5  }
0xaa: {  	[dreg:$0x4] =	wrdreg $0xC0  }
0xab: {  	_ =	task [dreg:s7], $0x5FFFF  }
0xac: {  	[dreg:$0x1] =	wrdreg $0xFFFFFFFF  }
0xad: {  	[dreg:$0x0] =	wrdreg $0x60  }
0xae: {  	[dreg:$0x2] =	wrdreg s24  }
0xaf: {  	[dreg:$0x3] =	wrdreg s2  }
0xb0: {  	[dreg:$0x4] =	wrdreg $0x9  }
0xb1: {  	_ =	task.clear_ibuf [dreg:s7], $0x5FFFF;
	_ =	strace $0x90000049  }
0xb2: {  	s29 =	simm.s32 $0x9;
	_ =	strace $0x8000004B  }
0xb3: {  	_ =	swait.ge [sflag:s29], $0x1  }
0xb4: {  	[sflag:s29] =	ssyncadd.s32 $0xFFFFFFFF  }
0xb5: {  	_ =	strace $0x9000004B  }
0xb6: {  	_ =	sfence  }
0xb7: {  	s30 =	sld [smem:$0x0];
	_ =	sdelay $0x2  }
0xb8: {  	s31 =	sshll.u32 s1, $0xD;
	s1 =	sshrl.u32 s1, $0x2  }
0xb9: {  	s3 =	sand.u32 $0x4000, s31;
	s1 =	sadd.s32 s1, s30  }
0xba: {  	s0 =	sor.u32 s3, s0;
	s1 =	sshll.u32 s1, $0x11  }
0xbb: {  	s0 =	sor.u32 s1, s0  }
0xbc: {  	s0 =	sadd.s32 $0x8F2B, s0  }
0xbd: {  	[sflag:s0] =	ssyncadd.remote.s32 $0x1  }
0xbe: {  	_ =	sfence.sel $0xFFFF  }
0xbf: {  	[dreg:$0x0] =	wrdreg $0xFFFFFFFF;
	(pc) =	sbr.abs _section_cstart, $3  }
0xc0: {  	[dreg:$0x1] =	wrdreg $0xFFFFFFFF  }
0xc1: {  	_ =	task.clear_ibuf [dreg:s7], $0x2FFFF;
	_ =	strace $0x9FFFFFFF  }
0xc2: {  	(tm) =	ssettm $0x7FFFFFFF  }
0xc3: {  	_ =	shalt  }
tec
execute0_lowered:
.L_overlay_start_1:
0x0: {  	(tag) =	ssettag $0x1  }
0x1: {  	s0 =	srdreg.scid  }
0x2: {  	s2 =	stileid.u32;
	s0 =	sand.u32 $0x1, s0  }
0x3: {  	s3 =	sshll.u32 s2, $0x6;
	s1 =	sshll.u32 s0, $0xA  }
0x4: {  	s31 =	simm.s32 $0x0;
	s0 =	ssub.s32 $0x2, s0;
	s2 =	sor.u32 s3, s1  }
0x5: {  	s11 =	sand.u32 $0x40, s3;
	s25 =	sshrl.u32 s0, $0x1;
	s10 =	sshll.u32 s2, $0x2  }
0x6: {  	s3 =	sor.u32 $0x8, s2;
	s0 =	ssub.s32 s0, s25;
	s4 =	sor.u32 $0x10, s2  }
0x7: {  	s5 =	sor.u32 $0x18, s2;
	s6 =	sor.u32 $0x20, s2;
	s7 =	sor.u32 $0x28, s2  }
0x8: {  	s8 =	sor.u32 $0x30, s2;
	s9 =	sor.u32 $0x38, s2;
	s12 =	sand.u32 $0x1E00, s10  }
0x9: {  	s26 =	sand.u32 $0x48, s3;
	s15 =	sand.u32 $0x50, s4;
	s16 =	sand.u32 $0x58, s5  }
0xa: {  	s19 =	sand.u32 $0x60, s6;
	s21 =	sand.u32 $0x68, s7;
	s22 =	sand.u32 $0x70, s8  }
0xb: {  	s25 =	sand.u32 $0x78, s9;
	s13 =	sor.u32 s11, s12;
	s14 =	sor.u32 s26, s12  }
0xc: {  	s17 =	sor.u32 s15, s12;
	s18 =	sor.u32 s16, s12;
	s20 =	sor.u32 s19, s12  }
0xd: {  	s23 =	sor.u32 s21, s12;
	s24 =	sor.u32 s22, s12;
	s12 =	sor.u32 s25, s12  }
0xe: {  	s11 =	sor.u32 s11, s10;
	s26 =	sor.u32 s10, s26;
	s15 =	sor.u32 s10, s15  }
0xf: {  	s16 =	sor.u32 s10, s16;
	s19 =	sor.u32 s10, s19;
	s21 =	sor.u32 s10, s21  }
0x10: {  	s22 =	sor.u32 s10, s22;
	s25 =	sor.u32 s10, s25;
	s10 =	rddreg [dreg:$0x0]  }
0x11: {  	s1 =	simm.s32 $0x0;
	s13 =	sshrl.u32 s13, $0x3;
	s28 =	sadd.s32 $0x2600, s10  }
0x12: {  	[smem:$0x7FF] =	sst s1;
	s29 =	sadd.s32 $0x2610, s10;
	s30 =	sadd.s32 s28, s13  }
0x13: {  	s14 =	sshrl.u32 s14, $0x3;
	s13 =	sadd.s32 s13, s29;
	[dreg:$0x3] =	wrdreg s30  }
0x14: {  	s2 =	sshll.u32 s2, $0x7;
	[dreg:$0x4] =	wrdreg s13;
	s13 =	sadd.s32 s28, s14  }
0x15: {  	s17 =	sshrl.u32 s17, $0x3;
	s14 =	sadd.s32 s14, s29;
	[dreg:$0x5] =	wrdreg s13  }
0x16: {  	s0 =	smax.u32 s0, $0x1;
	[dreg:$0x6] =	wrdreg s14;
	s14 =	sadd.s32 s28, s17  }
0x17: {  	s18 =	sshrl.u32 s18, $0x3;
	[dreg:$0x7] =	wrdreg s14;
	s14 =	sadd.s32 s17, s29  }
0x18: {  	s20 =	sshrl.u32 s20, $0x3;
	s17 =	sadd.s32 s28, s18;
	[dreg:$0x8] =	wrdreg s14  }
0x19: {  	s23 =	sshrl.u32 s23, $0x3;
	[dreg:$0x9] =	wrdreg s17;
	s14 =	sadd.s32 s18, s29  }
0x1a: {  	s24 =	sshrl.u32 s24, $0x3;
	s17 =	sadd.s32 s28, s20;
	[dreg:$0xa] =	wrdreg s14  }
0x1b: {  	s12 =	sshrl.u32 s12, $0x3;
	s18 =	sadd.s32 s20, s29;
	[dreg:$0xb] =	wrdreg s17  }
0x1c: {  	s11 =	sshrl.u32 s11, $0x3;
	s20 =	sadd.s32 s28, s23;
	[dreg:$0xc] =	wrdreg s18  }
0x1d: {  	s30 =	simm.s32 $0x4;
	s23 =	sadd.s32 s23, s29;
	[dreg:$0xd] =	wrdreg s20  }
0x1e: {  	s13 =	sshrl.u32 s26, $0x3;
	[dreg:$0xe] =	wrdreg s23;
	s14 =	sadd.s32 s28, s24  }
0x1f: {  	s17 =	sadd.s32 s24, s29;
	s18 =	sadd.s32 s12, s29;
	[dreg:$0xf] =	wrdreg s14  }
0x20: {  	s12 =	sadd.s32 s28, s12;
	s20 =	sor.u32 $0x20, s11;
	[dreg:$0x10] =	wrdreg s17  }
0x21: {  	s23 =	sor.u32 $0x20, s13;
	s11 =	sor.u32 $0x30, s11;
	[dreg:$0x11] =	wrdreg s18  }
0x22: {  	s29 =	simm.s32 $0x3;
	[dreg:$0x12] =	wrdreg s12;
	s12 =	sadd.s32 s28, s20  }
0x23: {  	s24 =	sadd.s32 s28, s23;
	s14 =	sshrl.u32 s16, $0x3;
	[dreg:$0x13] =	wrdreg s12  }
0x24: {  	s11 =	sadd.s32 s28, s11;
	[dreg:$0x14] =	wrdreg s24;
	s12 =	sshrl.u32 s15, $0x3  }
0x25: {  	s15 =	sshrl.u32 s19, $0x3;
	s17 =	sor.u32 $0x20, s14;
	[dreg:$0x1b] =	wrdreg s11  }
0x26: {  	s24 =	sor.u32 $0x30, s13;
	s26 =	sor.u32 $0x20, s12;
	s18 =	sor.u32 $0x20, s15  }
0x27: {  	s12 =	sor.u32 $0x30, s12;
	s11 =	sadd.s32 s28, s24;
	s24 =	sshll.u32 s8, $0x7  }
0x28: {  	s16 =	sadd.s32 s28, s26;
	s19 =	sadd.s32 s28, s18;
	s18 =	sshrl.u32 s25, $0x3  }
0x29: {  	[dreg:$0x1c] =	wrdreg s11;
	s25 =	sadd.s32 s28, s12;
	s26 =	sor.u32 $0x30, s14  }
0x2a: {  	s12 =	sor.u32 $0x30, s15;
	[dreg:$0x15] =	wrdreg s16;
	s16 =	sadd.s32 s28, s17  }
0x2b: {  	[dreg:$0x17] =	wrdreg s19;
	s17 =	sshrl.u32 s22, $0x3;
	s22 =	sor.u32 $0x20, s18  }
0x2c: {  	[dreg:$0x1d] =	wrdreg s25;
	s11 =	sadd.s32 s28, s26;
	s26 =	sshll.u32 s9, $0x7  }
0x2d: {  	[dreg:$0x16] =	wrdreg s16;
	s16 =	sshrl.u32 s21, $0x3;
	s21 =	sor.u32 $0x20, s17  }
0x2e: {  	s23 =	sadd.s32 s28, s22;
	[dreg:$0x1e] =	wrdreg s11;
	s11 =	sadd.s32 s28, s12  }
0x2f: {  	s15 =	sor.u32 $0x30, s17;
	s17 =	rddreg [dreg:$0x1];
	s22 =	sshll.u32 s6, $0x7  }
0x30: {  	s12 =	sadd.s32 $0x182A00, s10;
	s20 =	sor.u32 $0x20, s16;
	[dreg:$0x1a] =	wrdreg s23  }
0x31: {  	s13 =	sor.u32 $0x30, s16;
	[dreg:$0x1f] =	wrdreg s11;
	s11 =	sadd.s32 s28, s15  }
0x32: {  	s16 =	sor.u32 $0x30, s18;
	s2 =	sadd.s32 s17, s2;
	s18 =	sshll.u32 s3, $0x7  }
0x33: {  	s23 =	sshll.u32 s7, $0x7;
	s25 =	sadd.s32 s17, s24;
	s15 =	sadd.s32 $0x182D00, s10  }
0x34: {  	s24 =	simm.s32 $0xF800;
	s19 =	sadd.s32 s28, s20;
	s14 =	sadd.s32 s28, s13  }
0x35: {  	[smem:$0x7F3] =	sst s11;
	s11 =	sadd.s32 s28, s16;
	s20 =	sshll.u32 s5, $0x7  }
0x36: {  	s13 =	sadd.s32 $0x182B00, s10;
	s5 =	simm.s32 $0x9000;
	[dreg:$0x18] =	wrdreg s19  }
0x37: {  	s16 =	simm.s32 $0xC800;
	s19 =	sadd.s32 s28, s21;
	[smem:$0x7F2] =	sst s14  }
0x38: {  	[smem:$0x7F4] =	sst s11;
	s21 =	sadd.s32 s17, s20;
	s14 =	sadd.s32 $0x182C00, s10  }
0x39: {  	s10 =	simm.s32 $0xB800;
	s11 =	simm.s32 $0xC000;
	[dreg:$0x19] =	wrdreg s19  }
0x3a: {  	s20 =	simm.s32 $0xD800;
	_ =	strace $0x8000004A;
	[smem:$0x7F5] =	sst s2  }
0x3b: {  	s28 =	simm.s32 $0x2;
	s19 =	sshll.u32 s4, $0x7;
	[smem:$0x7F8] =	sst s21  }
0x3c: {  	s4 =	simm.s32 $0x1;
	s2 =	sadd.s32 s17, s18;
	[smem:$0x7FB] =	sst s25  }
0x3d: {  	[smem:$0x7FD] =	sst s0;
	s18 =	simm.s32 $0x1000;
	s21 =	simm.s32 $0xE000  }
0x3e: {  	s25 =	simm.s32 $0x10000;
	[smem:$0x7F6] =	sst s2;
	s2 =	sadd.s32 s17, s19  }
0x3f: {  	s19 =	simm.s32 $0xD000;
	[smem:$0x7F7] =	sst s2;
	s2 =	sadd.s32 s17, s22  }
0x40: {  	v0 =	vlaneseq.u32;
	s22 =	simm.s32 $0xE800;
	[smem:$0x7F9] =	sst s2;
	s2 =	sadd.s32 s17, s23  }
0x41: {  	v1 =	vshrl.u32 v0, $0x3;
	s23 =	simm.s32 $0xF000;
	[smem:$0x7FA] =	sst s2;
	s2 =	sadd.s32 s17, s26  }
0x42: {  	vm0 =	vmmov $0xffff;
	v0 =	vand.u32 $0x7, v0;
	v1 =	vmul.u32 $0x8, v1;
	s17 =	simm.s32 $0x5;
	s26 =	simm.s32 $0x10800;
	[smem:$0x7FC] =	sst s2  }
.LBB2_1:
0x43: {  	s0 =	rddreg [dreg:$0x3]  }
0x44: {  	[tilespmem:s1], [sflag:$0x5] =	stream.linear.gather [hbm4b:s0+s1], $0x8, $0x38;
	[tilespmem:$0x11000] =	vst v63  }
0x45: {  	_ =	swait.ge [sflag:s17], $0x8  }
0x46: {  	[sflag:s17] =	ssyncset.done $0x0  }
0x47: {  	s2 =	simm.s32 $0x80;
	s3 =	rddreg [dreg:$0x5];
	[sflag:s17] =	ssyncadd.s32 $0xFFFFFFF8  }
0x48: {  	[tilespmem:s2], [sflag:$0x5] =	stream.linear.gather [hbm4b:s3+s1], $0x8, $0x38;
	[tilespmem:$0x11000] =	vst v63  }
0x49: {  	_ =	swait.ge [sflag:s17], $0x8  }
0x4a: {  	[sflag:s17] =	ssyncset.done $0x0  }
0x4b: {  	s7 =	simm.s32 $0x100;
	s6 =	rddreg [dreg:$0x7];
	[sflag:s17] =	ssyncadd.s32 $0xFFFFFFF8  }
0x4c: {  	[tilespmem:s7], [sflag:$0x5] =	stream.linear.gather [hbm4b:s6+s1], $0x8, $0x38;
	[tilespmem:$0x11000] =	vst v63  }
0x4d: {  	_ =	swait.ge [sflag:s17], $0x8  }
0x4e: {  	[sflag:s17] =	ssyncset.done $0x0  }
0x4f: {  	s9 =	simm.s32 $0x180;
	s8 =	rddreg [dreg:$0x9];
	[sflag:s17] =	ssyncadd.s32 $0xFFFFFFF8  }
0x50: {  	[tilespmem:s9], [sflag:$0x5] =	stream.linear.gather [hbm4b:s8+s1], $0x8, $0x38;
	[tilespmem:$0x11000] =	vst v63  }
0x51: {  	_ =	swait.ge [sflag:s17], $0x8  }
0x52: {  	[sflag:s17] =	ssyncset.done $0x0  }
0x53: {  	s3 =	simm.s32 $0x200;
	s2 =	rddreg [dreg:$0xb];
	[sflag:s17] =	ssyncadd.s32 $0xFFFFFFF8  }
0x54: {  	[tilespmem:s3], [sflag:$0x5] =	stream.linear.gather [hbm4b:s2+s1], $0x8, $0x38;
	[tilespmem:$0x11000] =	vst v63  }
0x55: {  	_ =	swait.ge [sflag:s17], $0x8  }
0x56: {  	[sflag:s17] =	ssyncset.done $0x0  }
0x57: {  	s7 =	simm.s32 $0x280;
	s6 =	rddreg [dreg:$0xd];
	[sflag:s17] =	ssyncadd.s32 $0xFFFFFFF8  }
0x58: {  	[tilespmem:s7], [sflag:$0x5] =	stream.linear.gather [hbm4b:s6+s1], $0x8, $0x38;
	[tilespmem:$0x11000] =	vst v63  }
0x59: {  	_ =	swait.ge [sflag:s17], $0x8  }
0x5a: {  	[sflag:s17] =	ssyncset.done $0x0  }
0x5b: {  	s9 =	simm.s32 $0x300;
	s8 =	rddreg [dreg:$0xf];
	[sflag:s17] =	ssyncadd.s32 $0xFFFFFFF8  }
0x5c: {  	[tilespmem:s9], [sflag:$0x5] =	stream.linear.gather [hbm4b:s8+s1], $0x8, $0x38;
	[tilespmem:$0x11000] =	vst v63  }
0x5d: {  	_ =	swait.ge [sflag:s17], $0x8  }
0x5e: {  	[sflag:s17] =	ssyncset.done $0x0  }
0x5f: {  	s3 =	simm.s32 $0x380;
	s2 =	rddreg [dreg:$0x12];
	[sflag:s17] =	ssyncadd.s32 $0xFFFFFFF8  }
0x60: {  	[tilespmem:s3], [sflag:$0x5] =	stream.linear.gather [hbm4b:s2+s1], $0x8, $0x38;
	[tilespmem:$0x11000] =	vst v63  }
0x61: {  	_ =	swait.ge [sflag:s17], $0x8  }
0x62: {  	[sflag:s17] =	ssyncset.done $0x0  }
0x63: {  	s7 =	simm.s32 $0x400;
	s6 =	rddreg [dreg:$0x4];
	[sflag:s17] =	ssyncadd.s32 $0xFFFFFFF8  }
0x64: {  	[tilespmem:s7], [sflag:$0x5] =	stream.linear.gather [hbm4b:s6+s1], $0x8, $0x38;
	[tilespmem:$0x11000] =	vst v63  }
0x65: {  	_ =	swait.ge [sflag:s17], $0x8  }
0x66: {  	[sflag:s17] =	ssyncset.done $0x0  }
0x67: {  	s9 =	simm.s32 $0x480;
	s8 =	rddreg [dreg:$0x6];
	[sflag:s17] =	ssyncadd.s32 $0xFFFFFFF8  }
0x68: {  	[tilespmem:s9], [sflag:$0x5] =	stream.linear.gather [hbm4b:s8+s1], $0x8, $0x38;
	[tilespmem:$0x11000] =	vst v63  }
0x69: {  	_ =	swait.ge [sflag:s17], $0x8  }
0x6a: {  	[sflag:s17] =	ssyncset.done $0x0  }
0x6b: {  	s3 =	simm.s32 $0x500;
	s2 =	rddreg [dreg:$0x8];
	[sflag:s17] =	ssyncadd.s32 $0xFFFFFFF8  }
0x6c: {  	[tilespmem:s3], [sflag:$0x5] =	stream.linear.gather [hbm4b:s2+s1], $0x8, $0x38;
	[tilespmem:$0x11000] =	vst v63  }
0x6d: {  	_ =	swait.ge [sflag:s17], $0x8  }
0x6e: {  	[sflag:s17] =	ssyncset.done $0x0  }
0x6f: {  	s7 =	simm.s32 $0x580;
	s6 =	rddreg [dreg:$0xa];
	[sflag:s17] =	ssyncadd.s32 $0xFFFFFFF8  }
0x70: {  	[tilespmem:s7], [sflag:$0x5] =	stream.linear.gather [hbm4b:s6+s1], $0x8, $0x38;
	[tilespmem:$0x11000] =	vst v63  }
0x71: {  	_ =	swait.ge [sflag:s17], $0x8  }
0x72: {  	[sflag:s17] =	ssyncset.done $0x0  }
0x73: {  	s9 =	simm.s32 $0x600;
	s8 =	rddreg [dreg:$0xc];
	[sflag:s17] =	ssyncadd.s32 $0xFFFFFFF8  }
0x74: {  	[tilespmem:s9], [sflag:$0x5] =	stream.linear.gather [hbm4b:s8+s1], $0x8, $0x38;
	[tilespmem:$0x11000] =	vst v63  }
0x75: {  	_ =	swait.ge [sflag:s17], $0x8  }
0x76: {  	[sflag:s17] =	ssyncset.done $0x0  }
0x77: {  	s3 =	simm.s32 $0x680;
	s2 =	rddreg [dreg:$0xe];
	[sflag:s17] =	ssyncadd.s32 $0xFFFFFFF8  }
0x78: {  	[tilespmem:s3], [sflag:$0x5] =	stream.linear.gather [hbm4b:s2+s1], $0x8, $0x38;
	[tilespmem:$0x11000] =	vst v63  }
0x79: {  	_ =	swait.ge [sflag:s17], $0x8  }
0x7a: {  	[sflag:s17] =	ssyncset.done $0x0  }
0x7b: {  	s7 =	simm.s32 $0x700;
	s6 =	rddreg [dreg:$0x10];
	[sflag:s17] =	ssyncadd.s32 $0xFFFFFFF8  }
0x7c: {  	[tilespmem:s7], [sflag:$0x5] =	stream.linear.gather [hbm4b:s6+s1], $0x8, $0x38;
	[tilespmem:$0x11000] =	vst v63  }
0x7d: {  	_ =	swait.ge [sflag:s17], $0x8  }
0x7e: {  	[sflag:s17] =	ssyncset.done $0x0  }
0x7f: {  	s9 =	simm.s32 $0x780;
	s8 =	rddreg [dreg:$0x11];
	[sflag:s17] =	ssyncadd.s32 $0xFFFFFFF8  }
0x80: {  	[tilespmem:s9], [sflag:$0x5] =	stream.linear.gather [hbm4b:s8+s1], $0x8, $0x38;
	[tilespmem:$0x11000] =	vst v63  }
0x81: {  	_ =	swait.ge [sflag:s17], $0x8  }
0x82: {  	[sflag:s17] =	ssyncset.done $0x0  }
0x83: {  	s3 =	simm.s32 $0x800;
	s2 =	rddreg [dreg:$0x13];
	[sflag:s17] =	ssyncadd.s32 $0xFFFFFFF8  }
0x84: {  	[tilespmem:s3], [sflag:$0x5] =	stream.linear.gather [hbm4b:s2+s1], $0x8, $0x38;
	[tilespmem:$0x11000] =	vst v63  }
0x85: {  	_ =	swait.ge [sflag:s17], $0x8  }
0x86: {  	[sflag:s17] =	ssyncset.done $0x0  }
0x87: {  	s7 =	simm.s32 $0x880;
	s6 =	rddreg [dreg:$0x14];
	[sflag:s17] =	ssyncadd.s32 $0xFFFFFFF8  }
0x88: {  	[tilespmem:s7], [sflag:$0x5] =	stream.linear.gather [hbm4b:s6+s1], $0x8, $0x38;
	[tilespmem:$0x11000] =	vst v63  }
0x89: {  	_ =	swait.ge [sflag:s17], $0x8  }
0x8a: {  	[sflag:s17] =	ssyncset.done $0x0  }
0x8b: {  	s9 =	simm.s32 $0x900;
	s8 =	rddreg [dreg:$0x15];
	[sflag:s17] =	ssyncadd.s32 $0xFFFFFFF8  }
0x8c: {  	[tilespmem:s9], [sflag:$0x5] =	stream.linear.gather [hbm4b:s8+s1], $0x8, $0x38;
	[tilespmem:$0x11000] =	vst v63  }
0x8d: {  	_ =	swait.ge [sflag:s17], $0x8  }
0x8e: {  	[sflag:s17] =	ssyncset.done $0x0  }
0x8f: {  	s3 =	simm.s32 $0x980;
	s2 =	rddreg [dreg:$0x16];
	[sflag:s17] =	ssyncadd.s32 $0xFFFFFFF8  }
0x90: {  	[tilespmem:s3], [sflag:$0x5] =	stream.linear.gather [hbm4b:s2+s1], $0x8, $0x38;
	[tilespmem:$0x11000] =	vst v63  }
0x91: {  	_ =	swait.ge [sflag:s17], $0x8  }
0x92: {  	[sflag:s17] =	ssyncset.done $0x0  }
0x93: {  	s7 =	simm.s32 $0xA00;
	s6 =	rddreg [dreg:$0x17];
	[sflag:s17] =	ssyncadd.s32 $0xFFFFFFF8  }
0x94: {  	[tilespmem:s7], [sflag:$0x5] =	stream.linear.gather [hbm4b:s6+s1], $0x8, $0x38;
	[tilespmem:$0x11000] =	vst v63  }
0x95: {  	_ =	swait.ge [sflag:s17], $0x8  }
0x96: {  	[sflag:s17] =	ssyncset.done $0x0  }
0x97: {  	s9 =	simm.s32 $0xA80;
	s8 =	rddreg [dreg:$0x18];
	[sflag:s17] =	ssyncadd.s32 $0xFFFFFFF8  }
0x98: {  	[tilespmem:s9], [sflag:$0x5] =	stream.linear.gather [hbm4b:s8+s1], $0x8, $0x38;
	[tilespmem:$0x11000] =	vst v63  }
0x99: {  	_ =	swait.ge [sflag:s17], $0x8  }
0x9a: {  	[sflag:s17] =	ssyncset.done $0x0  }
0x9b: {  	s3 =	simm.s32 $0xB00;
	s2 =	rddreg [dreg:$0x19];
	[sflag:s17] =	ssyncadd.s32 $0xFFFFFFF8  }
0x9c: {  	[tilespmem:s3], [sflag:$0x5] =	stream.linear.gather [hbm4b:s2+s1], $0x8, $0x38;
	[tilespmem:$0x11000] =	vst v63  }
0x9d: {  	_ =	swait.ge [sflag:s17], $0x8  }
0x9e: {  	[sflag:s17] =	ssyncset.done $0x0  }
0x9f: {  	s7 =	simm.s32 $0xB80;
	s6 =	rddreg [dreg:$0x1a];
	[sflag:s17] =	ssyncadd.s32 $0xFFFFFFF8  }
0xa0: {  	[tilespmem:s7], [sflag:$0x5] =	stream.linear.gather [hbm4b:s6+s1], $0x8, $0x38;
	[tilespmem:$0x11000] =	vst v63  }
0xa1: {  	_ =	swait.ge [sflag:s17], $0x8  }
0xa2: {  	[sflag:s17] =	ssyncset.done $0x0  }
0xa3: {  	s9 =	simm.s32 $0xC00;
	s8 =	rddreg [dreg:$0x1b];
	[sflag:s17] =	ssyncadd.s32 $0xFFFFFFF8  }
0xa4: {  	[tilespmem:s9], [sflag:$0x5] =	stream.linear.gather [hbm4b:s8+s1], $0x8, $0x38;
	[tilespmem:$0x11000] =	vst v63  }
0xa5: {  	_ =	swait.ge [sflag:s17], $0x8  }
0xa6: {  	[sflag:s17] =	ssyncset.done $0x0  }
0xa7: {  	s3 =	simm.s32 $0xC80;
	s2 =	rddreg [dreg:$0x1c];
	[sflag:s17] =	ssyncadd.s32 $0xFFFFFFF8  }
0xa8: {  	[tilespmem:s3], [sflag:$0x5] =	stream.linear.gather [hbm4b:s2+s1], $0x8, $0x38;
	[tilespmem:$0x11000] =	vst v63  }
0xa9: {  	_ =	swait.ge [sflag:s17], $0x8  }
0xaa: {  	[sflag:s17] =	ssyncset.done $0x0  }
0xab: {  	s7 =	simm.s32 $0xD00;
	s6 =	rddreg [dreg:$0x1d];
	[sflag:s17] =	ssyncadd.s32 $0xFFFFFFF8  }
0xac: {  	[tilespmem:s7], [sflag:$0x5] =	stream.linear.gather [hbm4b:s6+s1], $0x8, $0x38;
	[tilespmem:$0x11000] =	vst v63  }
0xad: {  	_ =	swait.ge [sflag:s17], $0x8  }
0xae: {  	[sflag:s17] =	ssyncset.done $0x0  }
0xaf: {  	s9 =	simm.s32 $0xD80;
	s8 =	rddreg [dreg:$0x1e];
	[sflag:s17] =	ssyncadd.s32 $0xFFFFFFF8  }
0xb0: {  	[tilespmem:s9], [sflag:$0x5] =	stream.linear.gather [hbm4b:s8+s1], $0x8, $0x38;
	[tilespmem:$0x11000] =	vst v63  }
0xb1: {  	_ =	swait.ge [sflag:s17], $0x8  }
0xb2: {  	[sflag:s17] =	ssyncset.done $0x0  }
0xb3: {  	s3 =	simm.s32 $0xE00;
	s2 =	rddreg [dreg:$0x1f];
	[sflag:s17] =	ssyncadd.s32 $0xFFFFFFF8  }
0xb4: {  	[tilespmem:s3], [sflag:$0x5] =	stream.linear.gather [hbm4b:s2+s1], $0x8, $0x38;
	[tilespmem:$0x11000] =	vst v63  }
0xb5: {  	_ =	swait.ge [sflag:s17], $0x8  }
0xb6: {  	s6 =	sld [smem:$0x7F2]  }
0xb7: {  	[sflag:s17] =	ssyncset.done $0x0  }
0xb8: {  	s7 =	simm.s32 $0xE80;
	[sflag:s17] =	ssyncadd.s32 $0xFFFFFFF8  }
0xb9: {  	[tilespmem:s7], [sflag:$0x5] =	stream.linear.gather [hbm4b:s6+s1], $0x8, $0x38;
	[tilespmem:$0x11000] =	vst v63  }
0xba: {  	_ =	swait.ge [sflag:s17], $0x8  }
0xbb: {  	s8 =	sld [smem:$0x7F3]  }
0xbc: {  	[sflag:s17] =	ssyncset.done $0x0  }
0xbd: {  	s9 =	simm.s32 $0xF00;
	[sflag:s17] =	ssyncadd.s32 $0xFFFFFFF8  }
0xbe: {  	[tilespmem:s9], [sflag:$0x5] =	stream.linear.gather [hbm4b:s8+s1], $0x8, $0x38;
	[tilespmem:$0x11000] =	vst v63  }
0xbf: {  	_ =	swait.ge [sflag:s17], $0x8  }
0xc0: {  	s3 =	sld [smem:$0x7F4]  }
0xc1: {  	[sflag:s17] =	ssyncset.done $0x0  }
0xc2: {  	s6 =	simm.s32 $0xF80;
	[sflag:s17] =	ssyncadd.s32 $0xFFFFFFF8  }
0xc3: {  	[tilespmem:s6], [sflag:$0x5] =	stream.linear.gather [hbm4b:s3+s1], $0x8, $0x38;
	[tilespmem:$0x11000] =	vst v63  }
0xc4: {  	_ =	swait.ge [sflag:s17], $0x8  }
0xc5: {  	[sflag:s17] =	ssyncset.done $0x0  }
0xc6: {  	[sflag:s17] =	ssyncadd.s32 $0xFFFFFFF8  }
0xc7: {  	v2 =	vld.msk [tilespmem:$0x0], $0xff;
	_ =	sdelay $0x4  }
0xc8: {  	v3 =	vshll.u32 v2, $0x3  }
0xc9: {  	v2 =	vand.u32 $0x7, v2;
	v3 =	vand.u32 $0xFFFFFFC0, v3  }
0xca: {  	v2 =	vor.u32 v2, v3  }
0xcb: {  	v2 =	vperm.xlane v2, v0;
	_ =	sdelay $0x1  }
0xcc: {  	v2 =	vadd.s32 v1, v2;
	_ =	sdelay $0x4  }
0xcd: {  	[tilespmem:s18], [sflag:$0x1] =	stream.indirect_vreg.gather [hbm4b:s12+s1], $0x80, v2, vm0, $0xb8;
	[tilespmem:$0x11000] =	vst v63  }
0xce: {  	s7 =	simm.s32 $0x1800  }
0xcf: {  	[tilespmem:s7], [sflag:$0x1] =	stream.indirect_vreg.gather [hbm4b:s13+s1], $0x80, v2, vm0, $0xb8;
	[tilespmem:$0x11000] =	vst v63  }
0xd0: {  	s8 =	simm.s32 $0x2000  }
0xd1: {  	[tilespmem:s8], [sflag:$0x1] =	stream.indirect_vreg.gather [hbm4b:s14+s1], $0x80, v2, vm0, $0xb8;
	[tilespmem:$0x11000] =	vst v63  }
0xd2: {  	s9 =	simm.s32 $0x2800  }
0xd3: {  	[tilespmem:s9], [sflag:$0x1] =	stream.indirect_vreg.gather [hbm4b:s15+s1], $0x80, v2, vm0, $0xb8;
	[tilespmem:$0x11000] =	vst v63  }
0xd4: {  	v2 =	vld.msk [tilespmem:$0x400], $0xff;
	_ =	sdelay $0x4  }
0xd5: {  	v3 =	vshll.u32 v2, $0x3  }
0xd6: {  	v2 =	vand.u32 $0x7, v2;
	v3 =	vand.u32 $0xFFFFFFC0, v3  }
0xd7: {  	v2 =	vor.u32 v2, v3  }
0xd8: {  	v2 =	vperm.xlane v2, v0;
	_ =	sdelay $0x1  }
0xd9: {  	v2 =	vadd.s32 v1, v2;
	_ =	sdelay $0x3  }
0xda: {  	s2 =	simm.s32 $0x3000  }
0xdb: {  	[tilespmem:s2], [sflag:$0x1] =	stream.indirect_vreg.gather [hbm4b:s12+s1], $0x80, v2, vm0, $0xb8;
	[tilespmem:$0x11000] =	vst v63  }
0xdc: {  	s3 =	simm.s32 $0x3800  }
0xdd: {  	[tilespmem:s3], [sflag:$0x1] =	stream.indirect_vreg.gather [hbm4b:s13+s1], $0x80, v2, vm0, $0xb8;
	[tilespmem:$0x11000] =	vst v63  }
0xde: {  	s6 =	simm.s32 $0x4000  }
0xdf: {  	[tilespmem:s6], [sflag:$0x1] =	stream.indirect_vreg.gather [hbm4b:s14+s1], $0x80, v2, vm0, $0xb8;
	[tilespmem:$0x11000] =	vst v63  }
0xe0: {  	s7 =	simm.s32 $0x4800  }
0xe1: {  	[tilespmem:s7], [sflag:$0x1] =	stream.indirect_vreg.gather [hbm4b:s15+s1], $0x80, v2, vm0, $0xb8;
	[tilespmem:$0x11000] =	vst v63  }
0xe2: {  	v2 =	vld.msk [tilespmem:$0x800], $0xff;
	_ =	sdelay $0x4  }
0xe3: {  	v3 =	vshll.u32 v2, $0x3  }
0xe4: {  	v2 =	vand.u32 $0x7, v2;
	v3 =	vand.u32 $0xFFFFFFC0, v3  }
0xe5: {  	v2 =	vor.u32 v2, v3  }
0xe6: {  	v2 =	vperm.xlane v2, v0;
	_ =	sdelay $0x1  }
0xe7: {  	v2 =	vadd.s32 v1, v2;
	_ =	sdelay $0x3  }
0xe8: {  	s8 =	simm.s32 $0x5000  }
0xe9: {  	[tilespmem:s8], [sflag:$0x1] =	stream.indirect_vreg.gather [hbm4b:s12+s1], $0x80, v2, vm0, $0xb8;
	[tilespmem:$0x11000] =	vst v63  }
0xea: {  	s9 =	simm.s32 $0x5800  }
0xeb: {  	[tilespmem:s9], [sflag:$0x1] =	stream.indirect_vreg.gather [hbm4b:s13+s1], $0x80, v2, vm0, $0xb8;
	[tilespmem:$0x11000] =	vst v63  }
0xec: {  	s2 =	simm.s32 $0x6000  }
0xed: {  	[tilespmem:s2], [sflag:$0x1] =	stream.indirect_vreg.gather [hbm4b:s14+s1], $0x80, v2, vm0, $0xb8;
	[tilespmem:$0x11000] =	vst v63  }
0xee: {  	s3 =	simm.s32 $0x6800  }
0xef: {  	[tilespmem:s3], [sflag:$0x1] =	stream.indirect_vreg.gather [hbm4b:s15+s1], $0x80, v2, vm0, $0xb8;
	[tilespmem:$0x11000] =	vst v63  }
0xf0: {  	v2 =	vld.msk [tilespmem:$0xC00], $0xff;
	_ =	sdelay $0x4  }
0xf1: {  	v3 =	vshll.u32 v2, $0x3  }
0xf2: {  	v2 =	vand.u32 $0x7, v2;
	v3 =	vand.u32 $0xFFFFFFC0, v3  }
0xf3: {  	v2 =	vor.u32 v2, v3  }
0xf4: {  	v2 =	vperm.xlane v2, v0;
	_ =	sdelay $0x1  }
0xf5: {  	v2 =	vadd.s32 v1, v2;
	_ =	sdelay $0x3  }
0xf6: {  	s6 =	simm.s32 $0x7000  }
0xf7: {  	[tilespmem:s6], [sflag:$0x1] =	stream.indirect_vreg.gather [hbm4b:s12+s1], $0x80, v2, vm0, $0xb8;
	[tilespmem:$0x11000] =	vst v63  }
0xf8: {  	s7 =	simm.s32 $0x7800  }
0xf9: {  	[tilespmem:s7], [sflag:$0x1] =	stream.indirect_vreg.gather [hbm4b:s13+s1], $0x80, v2, vm0, $0xb8;
	[tilespmem:$0x11000] =	vst v63  }
0xfa: {  	s8 =	simm.s32 $0x8000  }
0xfb: {  	[tilespmem:s8], [sflag:$0x1] =	stream.indirect_vreg.gather [hbm4b:s14+s1], $0x80, v2, vm0, $0xb8;
	[tilespmem:$0x11000] =	vst v63  }
0xfc: {  	s9 =	simm.s32 $0x8800  }
0xfd: {  	[tilespmem:s9], [sflag:$0x1] =	stream.indirect_vreg.gather [hbm4b:s15+s1], $0x80, v2, vm0, $0xb8;
	[tilespmem:$0x11000] =	vst v63  }
0xfe: {  	_ =	swait.ge [sflag:s4], $0x2000  }
0xff: {  	[sflag:s4] =	ssyncset.done $0x0  }
0x100: {  	[sflag:s4] =	ssyncadd.s32 $0xFFFFE000  }
0x101: {  	_ =	swait.ge [sflag:s4], $0x2000  }
0x102: {  	[sflag:s4] =	ssyncset.done $0x0  }
0x103: {  	[sflag:s4] =	ssyncadd.s32 $0xFFFFE000  }
0x104: {  	_ =	swait.ge [sflag:s4], $0x2000  }
0x105: {  	[sflag:s4] =	ssyncset.done $0x0  }
0x106: {  	[sflag:s4] =	ssyncadd.s32 $0xFFFFE000  }
0x107: {  	_ =	swait.ge [sflag:s4], $0x2000  }
0x108: {  	[sflag:s4] =	ssyncset.done $0x0  }
0x109: {  	[sflag:s4] =	ssyncadd.s32 $0xFFFFE000  }
0x10a: {  	v2 =	vld.msk [tilespmem:$0x80], $0xff;
	_ =	sdelay $0x4  }
0x10b: {  	v3 =	vshll.u32 v2, $0x3  }
0x10c: {  	v2 =	vand.u32 $0x7, v2;
	v3 =	vand.u32 $0xFFFFFFC0, v3  }
0x10d: {  	v2 =	vor.u32 v2, v3  }
0x10e: {  	v2 =	vperm.xlane v2, v0;
	_ =	sdelay $0x1  }
0x10f: {  	v2 =	vadd.s32 v1, v2;
	_ =	sdelay $0x4  }
0x110: {  	[tilespmem:s5], [sflag:$0x2] =	stream.indirect_vreg.gather [hbm4b:s12+s1], $0x80, v2, vm0, $0xb8;
	[tilespmem:$0x11000] =	vst v63  }
0x111: {  	s2 =	simm.s32 $0x9800  }
0x112: {  	[tilespmem:s2], [sflag:$0x2] =	stream.indirect_vreg.gather [hbm4b:s13+s1], $0x80, v2, vm0, $0xb8;
	[tilespmem:$0x11000] =	vst v63  }
0x113: {  	s3 =	simm.s32 $0xA000  }
0x114: {  	[tilespmem:s3], [sflag:$0x2] =	stream.indirect_vreg.gather [hbm4b:s14+s1], $0x80, v2, vm0, $0xb8;
	[tilespmem:$0x11000] =	vst v63  }
0x115: {  	s6 =	simm.s32 $0xA800  }
0x116: {  	[tilespmem:s6], [sflag:$0x2] =	stream.indirect_vreg.gather [hbm4b:s15+s1], $0x80, v2, vm0, $0xb8;
	[tilespmem:$0x11000] =	vst v63  }
0x117: {  	v2 =	vld.msk [tilespmem:$0x480], $0xff;
	_ =	sdelay $0x4  }
0x118: {  	v3 =	vshll.u32 v2, $0x3  }
0x119: {  	v2 =	vand.u32 $0x7, v2;
	v3 =	vand.u32 $0xFFFFFFC0, v3  }
0x11a: {  	v2 =	vor.u32 v2, v3  }
0x11b: {  	v2 =	vperm.xlane v2, v0;
	_ =	sdelay $0x1  }
0x11c: {  	v2 =	vadd.s32 v1, v2;
	_ =	sdelay $0x3  }
0x11d: {  	s7 =	simm.s32 $0xB000  }
0x11e: {  	[tilespmem:s7], [sflag:$0x2] =	stream.indirect_vreg.gather [hbm4b:s12+s1], $0x80, v2, vm0, $0xb8;
	[tilespmem:$0x11000] =	vst v63  }
0x11f: {  	_ = 	snop  }
0x120: {  	[tilespmem:s10], [sflag:$0x2] =	stream.indirect_vreg.gather [hbm4b:s13+s1], $0x80, v2, vm0, $0xb8;
	[tilespmem:$0x11000] =	vst v63  }
0x121: {  	_ = 	snop  }
0x122: {  	[tilespmem:s11], [sflag:$0x2] =	stream.indirect_vreg.gather [hbm4b:s14+s1], $0x80, v2, vm0, $0xb8;
	[tilespmem:$0x11000] =	vst v63  }
0x123: {  	_ = 	snop  }
0x124: {  	[tilespmem:s16], [sflag:$0x2] =	stream.indirect_vreg.gather [hbm4b:s15+s1], $0x80, v2, vm0, $0xb8;
	[tilespmem:$0x11000] =	vst v63  }
0x125: {  	v2 =	vld.msk [tilespmem:$0x880], $0xff;
	_ =	sdelay $0x4  }
0x126: {  	v3 =	vshll.u32 v2, $0x3  }
0x127: {  	v2 =	vand.u32 $0x7, v2;
	v3 =	vand.u32 $0xFFFFFFC0, v3  }
0x128: {  	v2 =	vor.u32 v2, v3  }
0x129: {  	v2 =	vperm.xlane v2, v0;
	_ =	sdelay $0x1  }
0x12a: {  	v2 =	vadd.s32 v1, v2;
	_ =	sdelay $0x4  }
0x12b: {  	[tilespmem:s19], [sflag:$0x2] =	stream.indirect_vreg.gather [hbm4b:s12+s1], $0x80, v2, vm0, $0xb8;
	[tilespmem:$0x11000] =	vst v63  }
0x12c: {  	_ = 	snop  }
0x12d: {  	[tilespmem:s20], [sflag:$0x2] =	stream.indirect_vreg.gather [hbm4b:s13+s1], $0x80, v2, vm0, $0xb8;
	[tilespmem:$0x11000] =	vst v63  }
0x12e: {  	_ = 	snop  }
0x12f: {  	[tilespmem:s21], [sflag:$0x2] =	stream.indirect_vreg.gather [hbm4b:s14+s1], $0x80, v2, vm0, $0xb8;
	[tilespmem:$0x11000] =	vst v63  }
0x130: {  	_ = 	snop  }
0x131: {  	[tilespmem:s22], [sflag:$0x2] =	stream.indirect_vreg.gather [hbm4b:s15+s1], $0x80, v2, vm0, $0xb8;
	[tilespmem:$0x11000] =	vst v63  }
0x132: {  	v2 =	vld.msk [tilespmem:$0xC80], $0xff;
	_ =	sdelay $0x4  }
0x133: {  	v3 =	vshll.u32 v2, $0x3  }
0x134: {  	v2 =	vand.u32 $0x7, v2;
	v3 =	vand.u32 $0xFFFFFFC0, v3  }
0x135: {  	v2 =	vor.u32 v2, v3  }
0x136: {  	v2 =	vperm.xlane v2, v0;
	_ =	sdelay $0x1  }
0x137: {  	v2 =	vadd.s32 v1, v2;
	_ =	sdelay $0x4  }
0x138: {  	[tilespmem:s23], [sflag:$0x2] =	stream.indirect_vreg.gather [hbm4b:s12+s1], $0x80, v2, vm0, $0xb8;
	[tilespmem:$0x11000] =	vst v63  }
0x139: {  	s8 =	sand.u32 $0x1C00, s1  }
0x13a: {  	[tilespmem:s24], [sflag:$0x2] =	stream.indirect_vreg.gather [hbm4b:s13+s1], $0x80, v2, vm0, $0xb8;
	[tilespmem:$0x11000] =	vst v63  }
0x13b: {  	s9 =	sor.u32 s8, s1  }
0x13c: {  	[tilespmem:s25], [sflag:$0x2] =	stream.indirect_vreg.gather [hbm4b:s14+s1], $0x80, v2, vm0, $0xb8;
	[tilespmem:$0x11000] =	vst v63  }
0x13d: {  	s2 =	sor.u32 $0x70, s9  }
0x13e: {  	[tilespmem:s26], [sflag:$0x2] =	stream.indirect_vreg.gather [hbm4b:s15+s1], $0x80, v2, vm0, $0xb8;
	[tilespmem:$0x11000] =	vst v63  }
0x13f: {  	s3 =	sand.u32 $0x380, s1;
	v2 =	vld [tilespmem:s2+$0x1000]  }
0x140: {  	s0 =	sor.u32 s3, s8;
	v3 =	vld [tilespmem:s2+$0x3000]  }
0x141: {  	v4 =	vld [tilespmem:s0+$0x1000]  }
0x142: {  	v5 =	vld [tilespmem:s2+$0x5000]  }
0x143: {  	v6 =	vld [tilespmem:s0+$0x3000]  }
0x144: {  	v7 =	vld [tilespmem:s2+$0x7000]  }
0x145: {  	v8 =	vld [tilespmem:s0+$0x1010]  }
0x146: {  	v9 =	vld [tilespmem:s0+$0x3010]  }
0x147: {  	v10 =	vld [tilespmem:s0+$0x1020]  }
0x148: {  	v11 =	vld [tilespmem:s0+$0x3020]  }
0x149: {  	v12 =	vld [tilespmem:s0+$0x1030]  }
0x14a: {  	v13 =	vld [tilespmem:s0+$0x3030]  }
0x14b: {  	v14 =	vld [tilespmem:s0+$0x1040]  }
0x14c: {  	v15 =	vld [tilespmem:s0+$0x3040]  }
0x14d: {  	v16 =	vld [tilespmem:s0+$0x1050]  }
0x14e: {  	v17 =	vld [tilespmem:s0+$0x3050]  }
0x14f: {  	v18 =	vld [tilespmem:s0+$0x1060]  }
0x150: {  	v19 =	vld [tilespmem:s0+$0x3060]  }
0x151: {  	v20 =	vld [tilespmem:s0+$0x5010]  }
0x152: {  	v21 =	vld [tilespmem:s0+$0x5020]  }
0x153: {  	v22 =	vld [tilespmem:s0+$0x5030]  }
0x154: {  	v23 =	vld [tilespmem:s0+$0x5040];
	v2 =	vadd.f32 v3, v2;
	v4 =	vadd.f32 v6, v4  }
0x155: {  	v3 =	vld [tilespmem:s0+$0x5000];
	v6 =	vadd.f32 v9, v8;
	v10 =	vadd.f32 v11, v10  }
0x156: {  	v24 =	vld [tilespmem:s0+$0x5050];
	v11 =	vadd.f32 v13, v12;
	v2 =	vadd.f32 v5, v2  }
0x157: {  	v14 =	vadd.f32 v15, v14;
	v8 =	vld [tilespmem:s0+$0x5060];
	v15 =	vadd.f32 v17, v16  }
0x158: {  	v13 =	vld [tilespmem:s0+$0x7000];
	v5 =	vadd.f32 v19, v18;
	v2 =	vadd.f32 v7, v2  }
0x159: {  	v12 =	vld [tilespmem:s0+$0x7010];
	v7 =	vadd.f32 v20, v6;
	v6 =	vadd.f32 v21, v10  }
0x15a: {  	v10 =	vld [tilespmem:s0+$0x7020];
	v9 =	vadd.f32 v3, v4;
	v3 =	vadd.f32 v22, v11  }
0x15b: {  	s3 =	simm.s32 $0x400;
	s6 =	simm.s32 $0x0;
	v4 =	vadd.f32 v23, v14;
	v11 =	vld [tilespmem:s0+$0x7030];
	[tilespmem:s2+$0x1000] =	vst v2;
	s2 =	simm.s32 $0x0;
	v2 =	vadd.f32 v24, v15  }
.LBB2_2:
0x15c: {  	s7 =	sand.u32 $0x1C00, s3;
	v14 =	vld [tilespmem:s0+$0x7040];
	v5 =	vadd.f32 v8, v5;
	s6 =	sadd.s32 $0x10, s6  }
0x15d: {  	s2 =	sadd.s32 $0x8, s2;
	s8 =	sand.u32 $0x380, s6;
	s9 =	sor.u32 s7, s6;
	v8 =	vadd.f32 v13, v9;
	v9 =	vld [tilespmem:s0+$0x7050]  }
0x15e: {  	p0 =	slt.u32 s2, $0x1F8;
	s7 =	sor.u32 s8, s7;
	s8 =	sor.u32 $0x70, s9;
	v7 =	vadd.f32 v12, v7;
	v12 =	vld [tilespmem:s0+$0x7060]  }
0x15f: {  	v13 =	vld [tilespmem:s8+$0x1000];
	[tilespmem:s0+$0x1000] =	vst v8;
	v6 =	vadd.f32 v10, v6  }
0x160: {  	v8 =	vld [tilespmem:s8+$0x3000];
	[tilespmem:s0+$0x1010] =	vst v7;
	v3 =	vadd.f32 v11, v3  }
0x161: {  	v7 =	vld [tilespmem:s7+$0x1000];
	[tilespmem:s0+$0x1020] =	vst v6;
	v4 =	vadd.f32 v14, v4  }
0x162: {  	v6 =	vld [tilespmem:s8+$0x5000];
	[tilespmem:s0+$0x1030] =	vst v3;
	v2 =	vadd.f32 v9, v2  }
0x163: {  	v3 =	vld [tilespmem:s7+$0x3000];
	[tilespmem:s0+$0x1040] =	vst v4;
	v4 =	vadd.f32 v12, v5  }
0x164: {  	v5 =	vld [tilespmem:s8+$0x7000];
	[tilespmem:s0+$0x1050] =	vst v2  }
0x165: {  	v2 =	vld [tilespmem:s7+$0x1010];
	v8 =	vadd.f32 v8, v13;
	[tilespmem:s0+$0x1060] =	vst v4;
	s0 =	smov.u32 s7  }
0x166: {  	v4 =	vld [tilespmem:s0+$0x3010]  }
0x167: {  	v9 =	vld [tilespmem:s0+$0x1020];
	v6 =	vadd.f32 v6, v8  }
0x168: {  	v3 =	vadd.f32 v3, v7;
	v7 =	vld [tilespmem:s0+$0x3020]  }
0x169: {  	v8 =	vld [tilespmem:s0+$0x1030];
	v5 =	vadd.f32 v5, v6  }
0x16a: {  	v6 =	vld [tilespmem:s0+$0x3030]  }
0x16b: {  	v2 =	vadd.f32 v4, v2;
	v4 =	vld [tilespmem:s0+$0x1040];
	[tilespmem:s8+$0x1000] =	vst v5  }
0x16c: {  	v5 =	vld [tilespmem:s0+$0x3040]  }
0x16d: {  	v10 =	vadd.f32 v7, v9;
	v7 =	vld [tilespmem:s0+$0x1050]  }
0x16e: {  	v9 =	vld [tilespmem:s0+$0x3050]  }
0x16f: {  	v11 =	vadd.f32 v6, v8;
	v6 =	vld [tilespmem:s0+$0x1060]  }
0x170: {  	v8 =	vld [tilespmem:s0+$0x3060]  }
0x171: {  	v12 =	vld [tilespmem:s0+$0x5000];
	v4 =	vadd.f32 v5, v4  }
0x172: {  	v13 =	vld [tilespmem:s0+$0x5010]  }
0x173: {  	v14 =	vld [tilespmem:s0+$0x5020];
	v15 =	vadd.f32 v9, v7  }
0x174: {  	v16 =	vld [tilespmem:s0+$0x5030]  }
0x175: {  	v17 =	vld [tilespmem:s0+$0x5040];
	v5 =	vadd.f32 v8, v6  }
0x176: {  	v9 =	vadd.f32 v12, v3;
	v18 =	vld [tilespmem:s0+$0x5050]  }
.Ltmp0:
0x177: {  	v7 =	vadd.f32 v13, v2;
	v8 =	vld [tilespmem:s0+$0x5060];
	(pc) =	sbr.rel @p0 .LBB2_2-.Ltmp0, $4  }
0x178: {  	v13 =	vld [tilespmem:s0+$0x7000];
	v6 =	vadd.f32 v14, v10  }
0x179: {  	v12 =	vld [tilespmem:s0+$0x7010];
	v3 =	vadd.f32 v16, v11  }
0x17a: {  	v10 =	vld [tilespmem:s0+$0x7020];
	v4 =	vadd.f32 v17, v4  }
0x17b: {  	s3 =	sadd.s32 $0x400, s3;
	v11 =	vld [tilespmem:s0+$0x7030];
	v2 =	vadd.f32 v18, v15  }
0x17c: {  	v14 =	vld [tilespmem:s0+$0x7040]  }
0x17d: {  	v9 =	vadd.f32 v13, v9;
	v13 =	vld [tilespmem:s0+$0x7050]  }
0x17e: {  	v7 =	vadd.f32 v12, v7;
	v12 =	vld [tilespmem:s0+$0x7060]  }
0x17f: {  	[tilespmem:s0+$0x1000] =	vst v9;
	v6 =	vadd.f32 v10, v6  }
0x180: {  	[tilespmem:s0+$0x1010] =	vst v7;
	v3 =	vadd.f32 v11, v3  }
0x181: {  	v5 =	vadd.f32 v8, v5;
	[tilespmem:s0+$0x1020] =	vst v6;
	v4 =	vadd.f32 v14, v4  }
0x182: {  	[tilespmem:s0+$0x1030] =	vst v3;
	v2 =	vadd.f32 v13, v2  }
0x183: {  	[tilespmem:s0+$0x1040] =	vst v4;
	v3 =	vadd.f32 v12, v5  }
0x184: {  	[tilespmem:s0+$0x1050] =	vst v2  }
0x185: {  	[tilespmem:s0+$0x1060] =	vst v3  }
0x186: {  	s2 =	sld [smem:$0x7F5];
	_ =	sdelay $0x1  }
0x187: {  	s0 =	simm.s32 $0x0  }
0x188: {  	[hbm4b:s2+s0] =	stream.linear.scatter [tilespmem:s18], [sflag:$0x3], $0x2000, $0x38;
	[tilespmem:$0x11000] =	vst v63  }
0x189: {  	_ =	swait.ge [sflag:s28], $0x2000  }
0x18a: {  	[sflag:s28] =	ssyncset.done $0x0  }
0x18b: {  	[sflag:s28] =	ssyncadd.s32 $0xFFFFE000  }
0x18c: {  	_ =	swait.ge [sflag:s28], $0x2000  }
0x18d: {  	[sflag:s28] =	ssyncset.done $0x0  }
0x18e: {  	[sflag:s28] =	ssyncadd.s32 $0xFFFFE000  }
0x18f: {  	_ =	swait.ge [sflag:s28], $0x2000  }
0x190: {  	[sflag:s28] =	ssyncset.done $0x0  }
0x191: {  	[sflag:s28] =	ssyncadd.s32 $0xFFFFE000  }
0x192: {  	_ =	swait.ge [sflag:s28], $0x2000  }
0x193: {  	[sflag:s28] =	ssyncset.done $0x0  }
0x194: {  	[sflag:s28] =	ssyncadd.s32 $0xFFFFE000  }
0x195: {  	_ =	swait.ge [sflag:s29], $0x2000  }
0x196: {  	[sflag:s29] =	ssyncset.done $0x0  }
0x197: {  	[sflag:s29] =	ssyncadd.s32 $0xFFFFE000  }
0x198: {  	v2 =	vld.msk [tilespmem:$0x100], $0xff;
	_ =	sdelay $0x4  }
0x199: {  	v3 =	vshll.u32 v2, $0x3  }
0x19a: {  	v2 =	vand.u32 $0x7, v2;
	v3 =	vand.u32 $0xFFFFFFC0, v3  }
0x19b: {  	v2 =	vor.u32 v2, v3  }
0x19c: {  	v2 =	vperm.xlane v2, v0;
	_ =	sdelay $0x1  }
0x19d: {  	v2 =	vadd.s32 v1, v2;
	_ =	sdelay $0x4  }
0x19e: {  	[tilespmem:s18], [sflag:$0x1] =	stream.indirect_vreg.gather [hbm4b:s12+s0], $0x80, v2, vm0, $0xb8;
	[tilespmem:$0x11000] =	vst v63  }
0x19f: {  	s9 =	simm.s32 $0x1800  }
0x1a0: {  	[tilespmem:s9], [sflag:$0x1] =	stream.indirect_vreg.gather [hbm4b:s13+s0], $0x80, v2, vm0, $0xb8;
	[tilespmem:$0x11000] =	vst v63  }
0x1a1: {  	s3 =	simm.s32 $0x2000  }
0x1a2: {  	[tilespmem:s3], [sflag:$0x1] =	stream.indirect_vreg.gather [hbm4b:s14+s0], $0x80, v2, vm0, $0xb8;
	[tilespmem:$0x11000] =	vst v63  }
0x1a3: {  	s6 =	simm.s32 $0x2800  }
0x1a4: {  	[tilespmem:s6], [sflag:$0x1] =	stream.indirect_vreg.gather [hbm4b:s15+s0], $0x80, v2, vm0, $0xb8;
	[tilespmem:$0x11000] =	vst v63  }
0x1a5: {  	v2 =	vld.msk [tilespmem:$0x500], $0xff;
	_ =	sdelay $0x4  }
0x1a6: {  	v3 =	vshll.u32 v2, $0x3  }
0x1a7: {  	v2 =	vand.u32 $0x7, v2;
	v3 =	vand.u32 $0xFFFFFFC0, v3  }
0x1a8: {  	v2 =	vor.u32 v2, v3  }
0x1a9: {  	v2 =	vperm.xlane v2, v0;
	_ =	sdelay $0x1  }
0x1aa: {  	v2 =	vadd.s32 v1, v2;
	_ =	sdelay $0x3  }
0x1ab: {  	s7 =	simm.s32 $0x3000  }
0x1ac: {  	[tilespmem:s7], [sflag:$0x1] =	stream.indirect_vreg.gather [hbm4b:s12+s0], $0x80, v2, vm0, $0xb8;
	[tilespmem:$0x11000] =	vst v63  }
0x1ad: {  	s8 =	simm.s32 $0x3800  }
0x1ae: {  	[tilespmem:s8], [sflag:$0x1] =	stream.indirect_vreg.gather [hbm4b:s13+s0], $0x80, v2, vm0, $0xb8;
	[tilespmem:$0x11000] =	vst v63  }
0x1af: {  	s9 =	simm.s32 $0x4000  }
0x1b0: {  	[tilespmem:s9], [sflag:$0x1] =	stream.indirect_vreg.gather [hbm4b:s14+s0], $0x80, v2, vm0, $0xb8;
	[tilespmem:$0x11000] =	vst v63  }
0x1b1: {  	s3 =	simm.s32 $0x4800  }
0x1b2: {  	[tilespmem:s3], [sflag:$0x1] =	stream.indirect_vreg.gather [hbm4b:s15+s0], $0x80, v2, vm0, $0xb8;
	[tilespmem:$0x11000] =	vst v63  }
0x1b3: {  	v2 =	vld.msk [tilespmem:$0x900], $0xff;
	_ =	sdelay $0x4  }
0x1b4: {  	v3 =	vshll.u32 v2, $0x3  }
0x1b5: {  	v2 =	vand.u32 $0x7, v2;
	v3 =	vand.u32 $0xFFFFFFC0, v3  }
0x1b6: {  	v2 =	vor.u32 v2, v3  }
0x1b7: {  	v2 =	vperm.xlane v2, v0;
	_ =	sdelay $0x1  }
0x1b8: {  	v2 =	vadd.s32 v1, v2;
	_ =	sdelay $0x3  }
0x1b9: {  	s6 =	simm.s32 $0x5000  }
0x1ba: {  	[tilespmem:s6], [sflag:$0x1] =	stream.indirect_vreg.gather [hbm4b:s12+s0], $0x80, v2, vm0, $0xb8;
	[tilespmem:$0x11000] =	vst v63  }
0x1bb: {  	s7 =	simm.s32 $0x5800  }
0x1bc: {  	[tilespmem:s7], [sflag:$0x1] =	stream.indirect_vreg.gather [hbm4b:s13+s0], $0x80, v2, vm0, $0xb8;
	[tilespmem:$0x11000] =	vst v63  }
0x1bd: {  	s8 =	simm.s32 $0x6000  }
0x1be: {  	[tilespmem:s8], [sflag:$0x1] =	stream.indirect_vreg.gather [hbm4b:s14+s0], $0x80, v2, vm0, $0xb8;
	[tilespmem:$0x11000] =	vst v63  }
0x1bf: {  	s9 =	simm.s32 $0x6800  }
0x1c0: {  	[tilespmem:s9], [sflag:$0x1] =	stream.indirect_vreg.gather [hbm4b:s15+s0], $0x80, v2, vm0, $0xb8;
	[tilespmem:$0x11000] =	vst v63  }
0x1c1: {  	v2 =	vld.msk [tilespmem:$0xD00], $0xff;
	_ =	sdelay $0x4  }
0x1c2: {  	v3 =	vshll.u32 v2, $0x3  }
0x1c3: {  	v2 =	vand.u32 $0x7, v2;
	v3 =	vand.u32 $0xFFFFFFC0, v3  }
0x1c4: {  	v2 =	vor.u32 v2, v3  }
0x1c5: {  	v2 =	vperm.xlane v2, v0;
	_ =	sdelay $0x1  }
0x1c6: {  	v2 =	vadd.s32 v1, v2;
	_ =	sdelay $0x3  }
0x1c7: {  	s3 =	simm.s32 $0x7000  }
0x1c8: {  	[tilespmem:s3], [sflag:$0x1] =	stream.indirect_vreg.gather [hbm4b:s12+s0], $0x80, v2, vm0, $0xb8;
	[tilespmem:$0x11000] =	vst v63  }
0x1c9: {  	s6 =	simm.s32 $0x7800;
	s9 =	sand.u32 $0x1C00, s0  }
0x1ca: {  	[tilespmem:s6], [sflag:$0x1] =	stream.indirect_vreg.gather [hbm4b:s13+s0], $0x80, v2, vm0, $0xb8;
	[tilespmem:$0x11000] =	vst v63  }
0x1cb: {  	s7 =	simm.s32 $0x8000;
	s3 =	sor.u32 s9, s0  }
0x1cc: {  	[tilespmem:s7], [sflag:$0x1] =	stream.indirect_vreg.gather [hbm4b:s14+s0], $0x80, v2, vm0, $0xb8;
	[tilespmem:$0x11000] =	vst v63  }
0x1cd: {  	s8 =	simm.s32 $0x8800;
	s3 =	sor.u32 $0x70, s3  }
0x1ce: {  	[tilespmem:s8], [sflag:$0x1] =	stream.indirect_vreg.gather [hbm4b:s15+s0], $0x80, v2, vm0, $0xb8;
	[tilespmem:$0x11000] =	vst v63  }
0x1cf: {  	s6 =	sand.u32 $0x380, s0;
	v2 =	vld [tilespmem:s3+$0x9000]  }
0x1d0: {  	s2 =	sor.u32 s6, s9;
	v3 =	vld [tilespmem:s3+$0xB000]  }
0x1d1: {  	v4 =	vld [tilespmem:s2+$0x9000]  }
0x1d2: {  	v5 =	vld [tilespmem:s3+$0xD000]  }
0x1d3: {  	v6 =	vld [tilespmem:s2+$0xB000]  }
0x1d4: {  	v7 =	vld [tilespmem:s3+$0xF000]  }
0x1d5: {  	v8 =	vld [tilespmem:s2+$0x9010]  }
0x1d6: {  	v9 =	vld [tilespmem:s2+$0xB010]  }
0x1d7: {  	v10 =	vld [tilespmem:s2+$0x9020]  }
0x1d8: {  	v11 =	vld [tilespmem:s2+$0xB020]  }
0x1d9: {  	v12 =	vld [tilespmem:s2+$0x9030]  }
0x1da: {  	v13 =	vld [tilespmem:s2+$0xB030]  }
0x1db: {  	v14 =	vld [tilespmem:s2+$0x9040]  }
0x1dc: {  	v15 =	vld [tilespmem:s2+$0xB040]  }
0x1dd: {  	v16 =	vld [tilespmem:s2+$0x9050]  }
0x1de: {  	v17 =	vld [tilespmem:s2+$0xB050]  }
0x1df: {  	v18 =	vld [tilespmem:s2+$0x9060]  }
0x1e0: {  	v19 =	vld [tilespmem:s2+$0xB060]  }
0x1e1: {  	v20 =	vld [tilespmem:s2+$0xD010]  }
0x1e2: {  	v21 =	vld [tilespmem:s2+$0xD020]  }
0x1e3: {  	v22 =	vld [tilespmem:s2+$0xD030]  }
0x1e4: {  	v23 =	vld [tilespmem:s2+$0xD040];
	v2 =	vadd.f32 v3, v2;
	v4 =	vadd.f32 v6, v4  }
0x1e5: {  	v3 =	vld [tilespmem:s2+$0xD000];
	v6 =	vadd.f32 v9, v8;
	v10 =	vadd.f32 v11, v10  }
0x1e6: {  	v24 =	vld [tilespmem:s2+$0xD050];
	v11 =	vadd.f32 v13, v12;
	v2 =	vadd.f32 v5, v2  }
0x1e7: {  	v14 =	vadd.f32 v15, v14;
	v8 =	vld [tilespmem:s2+$0xD060];
	v15 =	vadd.f32 v17, v16  }
0x1e8: {  	v13 =	vld [tilespmem:s2+$0xF000];
	v5 =	vadd.f32 v19, v18;
	v2 =	vadd.f32 v7, v2  }
0x1e9: {  	v12 =	vld [tilespmem:s2+$0xF010];
	v7 =	vadd.f32 v20, v6;
	v6 =	vadd.f32 v21, v10  }
0x1ea: {  	v10 =	vld [tilespmem:s2+$0xF020];
	v9 =	vadd.f32 v3, v4;
	v3 =	vadd.f32 v22, v11  }
0x1eb: {  	s6 =	simm.s32 $0x400;
	v4 =	vadd.f32 v23, v14;
	v11 =	vld [tilespmem:s2+$0xF030];
	[tilespmem:s3+$0x9000] =	vst v2;
	s3 =	simm.s32 $0x0;
	v2 =	vadd.f32 v24, v15  }
.LBB2_4:
0x1ec: {  	s7 =	sand.u32 $0x1C00, s6;
	v14 =	vld [tilespmem:s2+$0xF040];
	v5 =	vadd.f32 v8, v5;
	s0 =	sadd.s32 $0x10, s0  }
0x1ed: {  	s3 =	sadd.s32 $0x8, s3;
	s8 =	sand.u32 $0x380, s0;
	s9 =	sor.u32 s7, s0;
	v8 =	vadd.f32 v13, v9;
	v9 =	vld [tilespmem:s2+$0xF050]  }
0x1ee: {  	p0 =	slt.u32 s3, $0x1F8;
	s7 =	sor.u32 s8, s7;
	s8 =	sor.u32 $0x70, s9;
	v7 =	vadd.f32 v12, v7;
	v12 =	vld [tilespmem:s2+$0xF060]  }
0x1ef: {  	v13 =	vld [tilespmem:s8+$0x9000];
	[tilespmem:s2+$0x9000] =	vst v8;
	v6 =	vadd.f32 v10, v6  }
0x1f0: {  	v8 =	vld [tilespmem:s8+$0xB000];
	[tilespmem:s2+$0x9010] =	vst v7;
	v3 =	vadd.f32 v11, v3  }
0x1f1: {  	v7 =	vld [tilespmem:s7+$0x9000];
	[tilespmem:s2+$0x9020] =	vst v6;
	v4 =	vadd.f32 v14, v4  }
0x1f2: {  	v6 =	vld [tilespmem:s8+$0xD000];
	[tilespmem:s2+$0x9030] =	vst v3;
	v2 =	vadd.f32 v9, v2  }
0x1f3: {  	v3 =	vld [tilespmem:s7+$0xB000];
	[tilespmem:s2+$0x9040] =	vst v4;
	v4 =	vadd.f32 v12, v5  }
0x1f4: {  	v5 =	vld [tilespmem:s8+$0xF000];
	[tilespmem:s2+$0x9050] =	vst v2  }
0x1f5: {  	v2 =	vld [tilespmem:s7+$0x9010];
	v8 =	vadd.f32 v8, v13;
	[tilespmem:s2+$0x9060] =	vst v4;
	s2 =	smov.u32 s7  }
0x1f6: {  	v4 =	vld [tilespmem:s2+$0xB010]  }
0x1f7: {  	v9 =	vld [tilespmem:s2+$0x9020];
	v6 =	vadd.f32 v6, v8  }
0x1f8: {  	v3 =	vadd.f32 v3, v7;
	v7 =	vld [tilespmem:s2+$0xB020]  }
0x1f9: {  	v8 =	vld [tilespmem:s2+$0x9030];
	v5 =	vadd.f32 v5, v6  }
0x1fa: {  	v6 =	vld [tilespmem:s2+$0xB030]  }
0x1fb: {  	v2 =	vadd.f32 v4, v2;
	v4 =	vld [tilespmem:s2+$0x9040];
	[tilespmem:s8+$0x9000] =	vst v5  }
0x1fc: {  	v5 =	vld [tilespmem:s2+$0xB040]  }
0x1fd: {  	v10 =	vadd.f32 v7, v9;
	v7 =	vld [tilespmem:s2+$0x9050]  }
0x1fe: {  	v9 =	vld [tilespmem:s2+$0xB050]  }
0x1ff: {  	v11 =	vadd.f32 v6, v8;
	v6 =	vld [tilespmem:s2+$0x9060]  }
0x200: {  	v8 =	vld [tilespmem:s2+$0xB060]  }
0x201: {  	v12 =	vld [tilespmem:s2+$0xD000];
	v4 =	vadd.f32 v5, v4  }
0x202: {  	v13 =	vld [tilespmem:s2+$0xD010]  }
0x203: {  	v14 =	vld [tilespmem:s2+$0xD020];
	v15 =	vadd.f32 v9, v7  }
0x204: {  	v16 =	vld [tilespmem:s2+$0xD030]  }
0x205: {  	v17 =	vld [tilespmem:s2+$0xD040];
	v5 =	vadd.f32 v8, v6  }
0x206: {  	v9 =	vadd.f32 v12, v3;
	v18 =	vld [tilespmem:s2+$0xD050]  }
.Ltmp1:
0x207: {  	v7 =	vadd.f32 v13, v2;
	v8 =	vld [tilespmem:s2+$0xD060];
	(pc) =	sbr.rel @p0 .LBB2_4-.Ltmp1, $4  }
0x208: {  	v13 =	vld [tilespmem:s2+$0xF000];
	v6 =	vadd.f32 v14, v10  }
0x209: {  	v12 =	vld [tilespmem:s2+$0xF010];
	v3 =	vadd.f32 v16, v11  }
0x20a: {  	v10 =	vld [tilespmem:s2+$0xF020];
	v4 =	vadd.f32 v17, v4  }
0x20b: {  	s6 =	sadd.s32 $0x400, s6;
	v11 =	vld [tilespmem:s2+$0xF030];
	v2 =	vadd.f32 v18, v15  }
0x20c: {  	v14 =	vld [tilespmem:s2+$0xF040]  }
0x20d: {  	v9 =	vadd.f32 v13, v9;
	v13 =	vld [tilespmem:s2+$0xF050]  }
0x20e: {  	v7 =	vadd.f32 v12, v7;
	v12 =	vld [tilespmem:s2+$0xF060]  }
0x20f: {  	[tilespmem:s2+$0x9000] =	vst v9;
	v6 =	vadd.f32 v10, v6  }
0x210: {  	[tilespmem:s2+$0x9010] =	vst v7;
	v3 =	vadd.f32 v11, v3  }
0x211: {  	v5 =	vadd.f32 v8, v5;
	[tilespmem:s2+$0x9020] =	vst v6;
	v4 =	vadd.f32 v14, v4  }
0x212: {  	[tilespmem:s2+$0x9030] =	vst v3;
	v2 =	vadd.f32 v13, v2  }
0x213: {  	[tilespmem:s2+$0x9040] =	vst v4;
	v3 =	vadd.f32 v12, v5  }
0x214: {  	[tilespmem:s2+$0x9050] =	vst v2  }
0x215: {  	[tilespmem:s2+$0x9060] =	vst v3  }
0x216: {  	s2 =	sld [smem:$0x7F6];
	_ =	sdelay $0x1  }
0x217: {  	s0 =	simm.s32 $0x0  }
0x218: {  	[hbm4b:s2+s0] =	stream.linear.scatter [tilespmem:s5], [sflag:$0x4], $0x2000, $0x38;
	[tilespmem:$0x11000] =	vst v63  }
0x219: {  	_ =	swait.ge [sflag:s4], $0x2000  }
0x21a: {  	[sflag:s4] =	ssyncset.done $0x0  }
0x21b: {  	[sflag:s4] =	ssyncadd.s32 $0xFFFFE000  }
0x21c: {  	_ =	swait.ge [sflag:s4], $0x2000  }
0x21d: {  	[sflag:s4] =	ssyncset.done $0x0  }
0x21e: {  	[sflag:s4] =	ssyncadd.s32 $0xFFFFE000  }
0x21f: {  	_ =	swait.ge [sflag:s4], $0x2000  }
0x220: {  	[sflag:s4] =	ssyncset.done $0x0  }
0x221: {  	[sflag:s4] =	ssyncadd.s32 $0xFFFFE000  }
0x222: {  	_ =	swait.ge [sflag:s4], $0x2000  }
0x223: {  	[sflag:s4] =	ssyncset.done $0x0  }
0x224: {  	[sflag:s4] =	ssyncadd.s32 $0xFFFFE000  }
0x225: {  	_ =	swait.ge [sflag:s30], $0x2000  }
0x226: {  	[sflag:s30] =	ssyncset.done $0x0  }
0x227: {  	[sflag:s30] =	ssyncadd.s32 $0xFFFFE000  }
0x228: {  	v2 =	vld.msk [tilespmem:$0x180], $0xff;
	_ =	sdelay $0x4  }
0x229: {  	v3 =	vshll.u32 v2, $0x3  }
0x22a: {  	v2 =	vand.u32 $0x7, v2;
	v3 =	vand.u32 $0xFFFFFFC0, v3  }
0x22b: {  	v2 =	vor.u32 v2, v3  }
0x22c: {  	v2 =	vperm.xlane v2, v0;
	_ =	sdelay $0x1  }
0x22d: {  	v2 =	vadd.s32 v1, v2;
	_ =	sdelay $0x4  }
0x22e: {  	[tilespmem:s5], [sflag:$0x2] =	stream.indirect_vreg.gather [hbm4b:s12+s0], $0x80, v2, vm0, $0xb8;
	[tilespmem:$0x11000] =	vst v63  }
0x22f: {  	s3 =	simm.s32 $0x9800  }
0x230: {  	[tilespmem:s3], [sflag:$0x2] =	stream.indirect_vreg.gather [hbm4b:s13+s0], $0x80, v2, vm0, $0xb8;
	[tilespmem:$0x11000] =	vst v63  }
0x231: {  	s6 =	simm.s32 $0xA000  }
0x232: {  	[tilespmem:s6], [sflag:$0x2] =	stream.indirect_vreg.gather [hbm4b:s14+s0], $0x80, v2, vm0, $0xb8;
	[tilespmem:$0x11000] =	vst v63  }
0x233: {  	s7 =	simm.s32 $0xA800  }
0x234: {  	[tilespmem:s7], [sflag:$0x2] =	stream.indirect_vreg.gather [hbm4b:s15+s0], $0x80, v2, vm0, $0xb8;
	[tilespmem:$0x11000] =	vst v63  }
0x235: {  	v2 =	vld.msk [tilespmem:$0x580], $0xff;
	_ =	sdelay $0x4  }
0x236: {  	v3 =	vshll.u32 v2, $0x3  }
0x237: {  	v2 =	vand.u32 $0x7, v2;
	v3 =	vand.u32 $0xFFFFFFC0, v3  }
0x238: {  	v2 =	vor.u32 v2, v3  }
0x239: {  	v2 =	vperm.xlane v2, v0;
	_ =	sdelay $0x1  }
0x23a: {  	v2 =	vadd.s32 v1, v2;
	_ =	sdelay $0x3  }
0x23b: {  	s8 =	simm.s32 $0xB000  }
0x23c: {  	[tilespmem:s8], [sflag:$0x2] =	stream.indirect_vreg.gather [hbm4b:s12+s0], $0x80, v2, vm0, $0xb8;
	[tilespmem:$0x11000] =	vst v63  }
0x23d: {  	_ = 	snop  }
0x23e: {  	[tilespmem:s10], [sflag:$0x2] =	stream.indirect_vreg.gather [hbm4b:s13+s0], $0x80, v2, vm0, $0xb8;
	[tilespmem:$0x11000] =	vst v63  }
0x23f: {  	_ = 	snop  }
0x240: {  	[tilespmem:s11], [sflag:$0x2] =	stream.indirect_vreg.gather [hbm4b:s14+s0], $0x80, v2, vm0, $0xb8;
	[tilespmem:$0x11000] =	vst v63  }
0x241: {  	_ = 	snop  }
0x242: {  	[tilespmem:s16], [sflag:$0x2] =	stream.indirect_vreg.gather [hbm4b:s15+s0], $0x80, v2, vm0, $0xb8;
	[tilespmem:$0x11000] =	vst v63  }
0x243: {  	v2 =	vld.msk [tilespmem:$0x980], $0xff;
	_ =	sdelay $0x4  }
0x244: {  	v3 =	vshll.u32 v2, $0x3  }
0x245: {  	v2 =	vand.u32 $0x7, v2;
	v3 =	vand.u32 $0xFFFFFFC0, v3  }
0x246: {  	v2 =	vor.u32 v2, v3  }
0x247: {  	v2 =	vperm.xlane v2, v0;
	_ =	sdelay $0x1  }
0x248: {  	v2 =	vadd.s32 v1, v2;
	_ =	sdelay $0x4  }
0x249: {  	[tilespmem:s19], [sflag:$0x2] =	stream.indirect_vreg.gather [hbm4b:s12+s0], $0x80, v2, vm0, $0xb8;
	[tilespmem:$0x11000] =	vst v63  }
0x24a: {  	_ = 	snop  }
0x24b: {  	[tilespmem:s20], [sflag:$0x2] =	stream.indirect_vreg.gather [hbm4b:s13+s0], $0x80, v2, vm0, $0xb8;
	[tilespmem:$0x11000] =	vst v63  }
0x24c: {  	_ = 	snop  }
0x24d: {  	[tilespmem:s21], [sflag:$0x2] =	stream.indirect_vreg.gather [hbm4b:s14+s0], $0x80, v2, vm0, $0xb8;
	[tilespmem:$0x11000] =	vst v63  }
0x24e: {  	_ = 	snop  }
0x24f: {  	[tilespmem:s22], [sflag:$0x2] =	stream.indirect_vreg.gather [hbm4b:s15+s0], $0x80, v2, vm0, $0xb8;
	[tilespmem:$0x11000] =	vst v63  }
0x250: {  	v2 =	vld.msk [tilespmem:$0xD80], $0xff;
	_ =	sdelay $0x4  }
0x251: {  	v3 =	vshll.u32 v2, $0x3  }
0x252: {  	v2 =	vand.u32 $0x7, v2;
	v3 =	vand.u32 $0xFFFFFFC0, v3  }
0x253: {  	v2 =	vor.u32 v2, v3  }
0x254: {  	v2 =	vperm.xlane v2, v0;
	_ =	sdelay $0x1  }
0x255: {  	v2 =	vadd.s32 v1, v2;
	_ =	sdelay $0x4  }
0x256: {  	[tilespmem:s23], [sflag:$0x2] =	stream.indirect_vreg.gather [hbm4b:s12+s0], $0x80, v2, vm0, $0xb8;
	[tilespmem:$0x11000] =	vst v63  }
0x257: {  	s9 =	sand.u32 $0x1C00, s0  }
0x258: {  	[tilespmem:s24], [sflag:$0x2] =	stream.indirect_vreg.gather [hbm4b:s13+s0], $0x80, v2, vm0, $0xb8;
	[tilespmem:$0x11000] =	vst v63  }
0x259: {  	s3 =	sor.u32 s9, s0  }
0x25a: {  	[tilespmem:s25], [sflag:$0x2] =	stream.indirect_vreg.gather [hbm4b:s14+s0], $0x80, v2, vm0, $0xb8;
	[tilespmem:$0x11000] =	vst v63  }
0x25b: {  	s3 =	sor.u32 $0x70, s3  }
0x25c: {  	[tilespmem:s26], [sflag:$0x2] =	stream.indirect_vreg.gather [hbm4b:s15+s0], $0x80, v2, vm0, $0xb8;
	[tilespmem:$0x11000] =	vst v63  }
0x25d: {  	s6 =	sand.u32 $0x380, s0;
	v2 =	vld [tilespmem:s3+$0x1000]  }
0x25e: {  	s2 =	sor.u32 s6, s9;
	v3 =	vld [tilespmem:s3+$0x3000]  }
0x25f: {  	v4 =	vld [tilespmem:s2+$0x1000]  }
0x260: {  	v5 =	vld [tilespmem:s3+$0x5000]  }
0x261: {  	v6 =	vld [tilespmem:s2+$0x3000]  }
0x262: {  	v7 =	vld [tilespmem:s3+$0x7000]  }
0x263: {  	v8 =	vld [tilespmem:s2+$0x1010]  }
0x264: {  	v9 =	vld [tilespmem:s2+$0x3010]  }
0x265: {  	v10 =	vld [tilespmem:s2+$0x1020]  }
0x266: {  	v11 =	vld [tilespmem:s2+$0x3020]  }
0x267: {  	v12 =	vld [tilespmem:s2+$0x1030]  }
0x268: {  	v13 =	vld [tilespmem:s2+$0x3030]  }
0x269: {  	v14 =	vld [tilespmem:s2+$0x1040]  }
0x26a: {  	v15 =	vld [tilespmem:s2+$0x3040]  }
0x26b: {  	v16 =	vld [tilespmem:s2+$0x1050]  }
0x26c: {  	v17 =	vld [tilespmem:s2+$0x3050]  }
0x26d: {  	v18 =	vld [tilespmem:s2+$0x1060]  }
0x26e: {  	v19 =	vld [tilespmem:s2+$0x3060]  }
0x26f: {  	v20 =	vld [tilespmem:s2+$0x5010]  }
0x270: {  	v21 =	vld [tilespmem:s2+$0x5020]  }
0x271: {  	v22 =	vld [tilespmem:s2+$0x5030]  }
0x272: {  	v23 =	vld [tilespmem:s2+$0x5040];
	v2 =	vadd.f32 v3, v2;
	v4 =	vadd.f32 v6, v4  }
0x273: {  	v3 =	vld [tilespmem:s2+$0x5000];
	v6 =	vadd.f32 v9, v8;
	v10 =	vadd.f32 v11, v10  }
0x274: {  	v24 =	vld [tilespmem:s2+$0x5050];
	v11 =	vadd.f32 v13, v12;
	v2 =	vadd.f32 v5, v2  }
0x275: {  	v14 =	vadd.f32 v15, v14;
	v8 =	vld [tilespmem:s2+$0x5060];
	v15 =	vadd.f32 v17, v16  }
0x276: {  	v13 =	vld [tilespmem:s2+$0x7000];
	v5 =	vadd.f32 v19, v18;
	v2 =	vadd.f32 v7, v2  }
0x277: {  	v12 =	vld [tilespmem:s2+$0x7010];
	v7 =	vadd.f32 v20, v6;
	v6 =	vadd.f32 v21, v10  }
0x278: {  	v10 =	vld [tilespmem:s2+$0x7020];
	v9 =	vadd.f32 v3, v4;
	v3 =	vadd.f32 v22, v11  }
0x279: {  	s6 =	simm.s32 $0x400;
	v4 =	vadd.f32 v23, v14;
	v11 =	vld [tilespmem:s2+$0x7030];
	[tilespmem:s3+$0x1000] =	vst v2;
	s3 =	simm.s32 $0x0;
	v2 =	vadd.f32 v24, v15  }
.LBB2_6:
0x27a: {  	s7 =	sand.u32 $0x1C00, s6;
	v14 =	vld [tilespmem:s2+$0x7040];
	v5 =	vadd.f32 v8, v5;
	s0 =	sadd.s32 $0x10, s0  }
0x27b: {  	s3 =	sadd.s32 $0x8, s3;
	s8 =	sand.u32 $0x380, s0;
	s9 =	sor.u32 s7, s0;
	v8 =	vadd.f32 v13, v9;
	v9 =	vld [tilespmem:s2+$0x7050]  }
0x27c: {  	p0 =	slt.u32 s3, $0x1F8;
	s7 =	sor.u32 s8, s7;
	s8 =	sor.u32 $0x70, s9;
	v7 =	vadd.f32 v12, v7;
	v12 =	vld [tilespmem:s2+$0x7060]  }
0x27d: {  	v13 =	vld [tilespmem:s8+$0x1000];
	[tilespmem:s2+$0x1000] =	vst v8;
	v6 =	vadd.f32 v10, v6  }
0x27e: {  	v8 =	vld [tilespmem:s8+$0x3000];
	[tilespmem:s2+$0x1010] =	vst v7;
	v3 =	vadd.f32 v11, v3  }
0x27f: {  	v7 =	vld [tilespmem:s7+$0x1000];
	[tilespmem:s2+$0x1020] =	vst v6;
	v4 =	vadd.f32 v14, v4  }
0x280: {  	v6 =	vld [tilespmem:s8+$0x5000];
	[tilespmem:s2+$0x1030] =	vst v3;
	v2 =	vadd.f32 v9, v2  }
0x281: {  	v3 =	vld [tilespmem:s7+$0x3000];
	[tilespmem:s2+$0x1040] =	vst v4;
	v4 =	vadd.f32 v12, v5  }
0x282: {  	v5 =	vld [tilespmem:s8+$0x7000];
	[tilespmem:s2+$0x1050] =	vst v2  }
0x283: {  	v2 =	vld [tilespmem:s7+$0x1010];
	v8 =	vadd.f32 v8, v13;
	[tilespmem:s2+$0x1060] =	vst v4;
	s2 =	smov.u32 s7  }
0x284: {  	v4 =	vld [tilespmem:s2+$0x3010]  }
0x285: {  	v9 =	vld [tilespmem:s2+$0x1020];
	v6 =	vadd.f32 v6, v8  }
0x286: {  	v3 =	vadd.f32 v3, v7;
	v7 =	vld [tilespmem:s2+$0x3020]  }
0x287: {  	v8 =	vld [tilespmem:s2+$0x1030];
	v5 =	vadd.f32 v5, v6  }
0x288: {  	v6 =	vld [tilespmem:s2+$0x3030]  }
0x289: {  	v2 =	vadd.f32 v4, v2;
	v4 =	vld [tilespmem:s2+$0x1040];
	[tilespmem:s8+$0x1000] =	vst v5  }
0x28a: {  	v5 =	vld [tilespmem:s2+$0x3040]  }
0x28b: {  	v10 =	vadd.f32 v7, v9;
	v7 =	vld [tilespmem:s2+$0x1050]  }
0x28c: {  	v9 =	vld [tilespmem:s2+$0x3050]  }
0x28d: {  	v11 =	vadd.f32 v6, v8;
	v6 =	vld [tilespmem:s2+$0x1060]  }
0x28e: {  	v8 =	vld [tilespmem:s2+$0x3060]  }
0x28f: {  	v12 =	vld [tilespmem:s2+$0x5000];
	v4 =	vadd.f32 v5, v4  }
0x290: {  	v13 =	vld [tilespmem:s2+$0x5010]  }
0x291: {  	v14 =	vld [tilespmem:s2+$0x5020];
	v15 =	vadd.f32 v9, v7  }
0x292: {  	v16 =	vld [tilespmem:s2+$0x5030]  }
0x293: {  	v17 =	vld [tilespmem:s2+$0x5040];
	v5 =	vadd.f32 v8, v6  }
0x294: {  	v9 =	vadd.f32 v12, v3;
	v18 =	vld [tilespmem:s2+$0x5050]  }
.Ltmp2:
0x295: {  	v7 =	vadd.f32 v13, v2;
	v8 =	vld [tilespmem:s2+$0x5060];
	(pc) =	sbr.rel @p0 .LBB2_6-.Ltmp2, $4  }
0x296: {  	v13 =	vld [tilespmem:s2+$0x7000];
	v6 =	vadd.f32 v14, v10  }
0x297: {  	v12 =	vld [tilespmem:s2+$0x7010];
	v3 =	vadd.f32 v16, v11  }
0x298: {  	v10 =	vld [tilespmem:s2+$0x7020];
	v4 =	vadd.f32 v17, v4  }
0x299: {  	s6 =	sadd.s32 $0x400, s6;
	v11 =	vld [tilespmem:s2+$0x7030];
	v2 =	vadd.f32 v18, v15  }
0x29a: {  	v14 =	vld [tilespmem:s2+$0x7040]  }
0x29b: {  	v9 =	vadd.f32 v13, v9;
	v13 =	vld [tilespmem:s2+$0x7050]  }
0x29c: {  	v7 =	vadd.f32 v12, v7;
	v12 =	vld [tilespmem:s2+$0x7060]  }
0x29d: {  	[tilespmem:s2+$0x1000] =	vst v9;
	v6 =	vadd.f32 v10, v6  }
0x29e: {  	[tilespmem:s2+$0x1010] =	vst v7;
	v3 =	vadd.f32 v11, v3  }
0x29f: {  	v5 =	vadd.f32 v8, v5;
	[tilespmem:s2+$0x1020] =	vst v6;
	v4 =	vadd.f32 v14, v4  }
0x2a0: {  	[tilespmem:s2+$0x1030] =	vst v3;
	v2 =	vadd.f32 v13, v2  }
0x2a1: {  	[tilespmem:s2+$0x1040] =	vst v4;
	v3 =	vadd.f32 v12, v5  }
0x2a2: {  	[tilespmem:s2+$0x1050] =	vst v2  }
0x2a3: {  	[tilespmem:s2+$0x1060] =	vst v3  }
0x2a4: {  	s2 =	sld [smem:$0x7F7];
	_ =	sdelay $0x1  }
0x2a5: {  	s0 =	simm.s32 $0x0  }
0x2a6: {  	[hbm4b:s2+s0] =	stream.linear.scatter [tilespmem:s18], [sflag:$0x3], $0x2000, $0x38;
	[tilespmem:$0x11000] =	vst v63  }
0x2a7: {  	_ =	swait.ge [sflag:s28], $0x2000  }
0x2a8: {  	[sflag:s28] =	ssyncset.done $0x0  }
0x2a9: {  	[sflag:s28] =	ssyncadd.s32 $0xFFFFE000  }
0x2aa: {  	_ =	swait.ge [sflag:s28], $0x2000  }
0x2ab: {  	[sflag:s28] =	ssyncset.done $0x0  }
0x2ac: {  	[sflag:s28] =	ssyncadd.s32 $0xFFFFE000  }
0x2ad: {  	_ =	swait.ge [sflag:s28], $0x2000  }
0x2ae: {  	[sflag:s28] =	ssyncset.done $0x0  }
0x2af: {  	[sflag:s28] =	ssyncadd.s32 $0xFFFFE000  }
0x2b0: {  	_ =	swait.ge [sflag:s28], $0x2000  }
0x2b1: {  	[sflag:s28] =	ssyncset.done $0x0  }
0x2b2: {  	[sflag:s28] =	ssyncadd.s32 $0xFFFFE000  }
0x2b3: {  	_ =	swait.ge [sflag:s29], $0x2000  }
0x2b4: {  	[sflag:s29] =	ssyncset.done $0x0  }
0x2b5: {  	[sflag:s29] =	ssyncadd.s32 $0xFFFFE000  }
0x2b6: {  	v2 =	vld.msk [tilespmem:$0x200], $0xff;
	_ =	sdelay $0x4  }
0x2b7: {  	v3 =	vshll.u32 v2, $0x3  }
0x2b8: {  	v2 =	vand.u32 $0x7, v2;
	v3 =	vand.u32 $0xFFFFFFC0, v3  }
0x2b9: {  	v2 =	vor.u32 v2, v3  }
0x2ba: {  	v2 =	vperm.xlane v2, v0;
	_ =	sdelay $0x1  }
0x2bb: {  	v2 =	vadd.s32 v1, v2;
	_ =	sdelay $0x4  }
0x2bc: {  	[tilespmem:s18], [sflag:$0x1] =	stream.indirect_vreg.gather [hbm4b:s12+s0], $0x80, v2, vm0, $0xb8;
	[tilespmem:$0x11000] =	vst v63  }
0x2bd: {  	s9 =	simm.s32 $0x1800  }
0x2be: {  	[tilespmem:s9], [sflag:$0x1] =	stream.indirect_vreg.gather [hbm4b:s13+s0], $0x80, v2, vm0, $0xb8;
	[tilespmem:$0x11000] =	vst v63  }
0x2bf: {  	s3 =	simm.s32 $0x2000  }
0x2c0: {  	[tilespmem:s3], [sflag:$0x1] =	stream.indirect_vreg.gather [hbm4b:s14+s0], $0x80, v2, vm0, $0xb8;
	[tilespmem:$0x11000] =	vst v63  }
0x2c1: {  	s6 =	simm.s32 $0x2800  }
0x2c2: {  	[tilespmem:s6], [sflag:$0x1] =	stream.indirect_vreg.gather [hbm4b:s15+s0], $0x80, v2, vm0, $0xb8;
	[tilespmem:$0x11000] =	vst v63  }
0x2c3: {  	v2 =	vld.msk [tilespmem:$0x600], $0xff;
	_ =	sdelay $0x4  }
0x2c4: {  	v3 =	vshll.u32 v2, $0x3  }
0x2c5: {  	v2 =	vand.u32 $0x7, v2;
	v3 =	vand.u32 $0xFFFFFFC0, v3  }
0x2c6: {  	v2 =	vor.u32 v2, v3  }
0x2c7: {  	v2 =	vperm.xlane v2, v0;
	_ =	sdelay $0x1  }
0x2c8: {  	v2 =	vadd.s32 v1, v2;
	_ =	sdelay $0x3  }
0x2c9: {  	s7 =	simm.s32 $0x3000  }
0x2ca: {  	[tilespmem:s7], [sflag:$0x1] =	stream.indirect_vreg.gather [hbm4b:s12+s0], $0x80, v2, vm0, $0xb8;
	[tilespmem:$0x11000] =	vst v63  }
0x2cb: {  	s8 =	simm.s32 $0x3800  }
0x2cc: {  	[tilespmem:s8], [sflag:$0x1] =	stream.indirect_vreg.gather [hbm4b:s13+s0], $0x80, v2, vm0, $0xb8;
	[tilespmem:$0x11000] =	vst v63  }
0x2cd: {  	s9 =	simm.s32 $0x4000  }
0x2ce: {  	[tilespmem:s9], [sflag:$0x1] =	stream.indirect_vreg.gather [hbm4b:s14+s0], $0x80, v2, vm0, $0xb8;
	[tilespmem:$0x11000] =	vst v63  }
0x2cf: {  	s3 =	simm.s32 $0x4800  }
0x2d0: {  	[tilespmem:s3], [sflag:$0x1] =	stream.indirect_vreg.gather [hbm4b:s15+s0], $0x80, v2, vm0, $0xb8;
	[tilespmem:$0x11000] =	vst v63  }
0x2d1: {  	v2 =	vld.msk [tilespmem:$0xA00], $0xff;
	_ =	sdelay $0x4  }
0x2d2: {  	v3 =	vshll.u32 v2, $0x3  }
0x2d3: {  	v2 =	vand.u32 $0x7, v2;
	v3 =	vand.u32 $0xFFFFFFC0, v3  }
0x2d4: {  	v2 =	vor.u32 v2, v3  }
0x2d5: {  	v2 =	vperm.xlane v2, v0;
	_ =	sdelay $0x1  }
0x2d6: {  	v2 =	vadd.s32 v1, v2;
	_ =	sdelay $0x3  }
0x2d7: {  	s6 =	simm.s32 $0x5000  }
0x2d8: {  	[tilespmem:s6], [sflag:$0x1] =	stream.indirect_vreg.gather [hbm4b:s12+s0], $0x80, v2, vm0, $0xb8;
	[tilespmem:$0x11000] =	vst v63  }
0x2d9: {  	s7 =	simm.s32 $0x5800  }
0x2da: {  	[tilespmem:s7], [sflag:$0x1] =	stream.indirect_vreg.gather [hbm4b:s13+s0], $0x80, v2, vm0, $0xb8;
	[tilespmem:$0x11000] =	vst v63  }
0x2db: {  	s8 =	simm.s32 $0x6000  }
0x2dc: {  	[tilespmem:s8], [sflag:$0x1] =	stream.indirect_vreg.gather [hbm4b:s14+s0], $0x80, v2, vm0, $0xb8;
	[tilespmem:$0x11000] =	vst v63  }
0x2dd: {  	s9 =	simm.s32 $0x6800  }
0x2de: {  	[tilespmem:s9], [sflag:$0x1] =	stream.indirect_vreg.gather [hbm4b:s15+s0], $0x80, v2, vm0, $0xb8;
	[tilespmem:$0x11000] =	vst v63  }
0x2df: {  	v2 =	vld.msk [tilespmem:$0xE00], $0xff;
	_ =	sdelay $0x4  }
0x2e0: {  	v3 =	vshll.u32 v2, $0x3  }
0x2e1: {  	v2 =	vand.u32 $0x7, v2;
	v3 =	vand.u32 $0xFFFFFFC0, v3  }
0x2e2: {  	v2 =	vor.u32 v2, v3  }
0x2e3: {  	v2 =	vperm.xlane v2, v0;
	_ =	sdelay $0x1  }
0x2e4: {  	v2 =	vadd.s32 v1, v2;
	_ =	sdelay $0x3  }
0x2e5: {  	s3 =	simm.s32 $0x7000  }
0x2e6: {  	[tilespmem:s3], [sflag:$0x1] =	stream.indirect_vreg.gather [hbm4b:s12+s0], $0x80, v2, vm0, $0xb8;
	[tilespmem:$0x11000] =	vst v63  }
0x2e7: {  	s6 =	simm.s32 $0x7800;
	s9 =	sand.u32 $0x1C00, s0  }
0x2e8: {  	[tilespmem:s6], [sflag:$0x1] =	stream.indirect_vreg.gather [hbm4b:s13+s0], $0x80, v2, vm0, $0xb8;
	[tilespmem:$0x11000] =	vst v63  }
0x2e9: {  	s7 =	simm.s32 $0x8000;
	s3 =	sor.u32 s9, s0  }
0x2ea: {  	[tilespmem:s7], [sflag:$0x1] =	stream.indirect_vreg.gather [hbm4b:s14+s0], $0x80, v2, vm0, $0xb8;
	[tilespmem:$0x11000] =	vst v63  }
0x2eb: {  	s8 =	simm.s32 $0x8800;
	s3 =	sor.u32 $0x70, s3  }
0x2ec: {  	[tilespmem:s8], [sflag:$0x1] =	stream.indirect_vreg.gather [hbm4b:s15+s0], $0x80, v2, vm0, $0xb8;
	[tilespmem:$0x11000] =	vst v63  }
0x2ed: {  	s6 =	sand.u32 $0x380, s0;
	v2 =	vld [tilespmem:s3+$0x9000]  }
0x2ee: {  	s2 =	sor.u32 s6, s9;
	v3 =	vld [tilespmem:s3+$0xB000]  }
0x2ef: {  	v4 =	vld [tilespmem:s2+$0x9000]  }
0x2f0: {  	v5 =	vld [tilespmem:s3+$0xD000]  }
0x2f1: {  	v6 =	vld [tilespmem:s2+$0xB000]  }
0x2f2: {  	v7 =	vld [tilespmem:s3+$0xF000]  }
0x2f3: {  	v8 =	vld [tilespmem:s2+$0x9010]  }
0x2f4: {  	v9 =	vld [tilespmem:s2+$0xB010]  }
0x2f5: {  	v10 =	vld [tilespmem:s2+$0x9020]  }
0x2f6: {  	v11 =	vld [tilespmem:s2+$0xB020]  }
0x2f7: {  	v12 =	vld [tilespmem:s2+$0x9030]  }
0x2f8: {  	v13 =	vld [tilespmem:s2+$0xB030]  }
0x2f9: {  	v14 =	vld [tilespmem:s2+$0x9040]  }
0x2fa: {  	v15 =	vld [tilespmem:s2+$0xB040]  }
0x2fb: {  	v16 =	vld [tilespmem:s2+$0x9050]  }
0x2fc: {  	v17 =	vld [tilespmem:s2+$0xB050]  }
0x2fd: {  	v18 =	vld [tilespmem:s2+$0x9060]  }
0x2fe: {  	v19 =	vld [tilespmem:s2+$0xB060]  }
0x2ff: {  	v20 =	vld [tilespmem:s2+$0xD010]  }
0x300: {  	v21 =	vld [tilespmem:s2+$0xD020]  }
0x301: {  	v22 =	vld [tilespmem:s2+$0xD030]  }
0x302: {  	v23 =	vld [tilespmem:s2+$0xD040];
	v2 =	vadd.f32 v3, v2;
	v4 =	vadd.f32 v6, v4  }
0x303: {  	v3 =	vld [tilespmem:s2+$0xD000];
	v6 =	vadd.f32 v9, v8;
	v10 =	vadd.f32 v11, v10  }
0x304: {  	v24 =	vld [tilespmem:s2+$0xD050];
	v11 =	vadd.f32 v13, v12;
	v2 =	vadd.f32 v5, v2  }
0x305: {  	v14 =	vadd.f32 v15, v14;
	v8 =	vld [tilespmem:s2+$0xD060];
	v15 =	vadd.f32 v17, v16  }
0x306: {  	v13 =	vld [tilespmem:s2+$0xF000];
	v5 =	vadd.f32 v19, v18;
	v2 =	vadd.f32 v7, v2  }
0x307: {  	v12 =	vld [tilespmem:s2+$0xF010];
	v7 =	vadd.f32 v20, v6;
	v6 =	vadd.f32 v21, v10  }
0x308: {  	v10 =	vld [tilespmem:s2+$0xF020];
	v9 =	vadd.f32 v3, v4;
	v3 =	vadd.f32 v22, v11  }
0x309: {  	s6 =	simm.s32 $0x400;
	v4 =	vadd.f32 v23, v14;
	v11 =	vld [tilespmem:s2+$0xF030];
	[tilespmem:s3+$0x9000] =	vst v2;
	s3 =	simm.s32 $0x0;
	v2 =	vadd.f32 v24, v15  }
.LBB2_8:
0x30a: {  	s7 =	sand.u32 $0x1C00, s6;
	v14 =	vld [tilespmem:s2+$0xF040];
	v5 =	vadd.f32 v8, v5;
	s0 =	sadd.s32 $0x10, s0  }
0x30b: {  	s3 =	sadd.s32 $0x8, s3;
	s8 =	sand.u32 $0x380, s0;
	s9 =	sor.u32 s7, s0;
	v8 =	vadd.f32 v13, v9;
	v9 =	vld [tilespmem:s2+$0xF050]  }
0x30c: {  	p0 =	slt.u32 s3, $0x1F8;
	s7 =	sor.u32 s8, s7;
	s8 =	sor.u32 $0x70, s9;
	v7 =	vadd.f32 v12, v7;
	v12 =	vld [tilespmem:s2+$0xF060]  }
0x30d: {  	v13 =	vld [tilespmem:s8+$0x9000];
	[tilespmem:s2+$0x9000] =	vst v8;
	v6 =	vadd.f32 v10, v6  }
0x30e: {  	v8 =	vld [tilespmem:s8+$0xB000];
	[tilespmem:s2+$0x9010] =	vst v7;
	v3 =	vadd.f32 v11, v3  }
0x30f: {  	v7 =	vld [tilespmem:s7+$0x9000];
	[tilespmem:s2+$0x9020] =	vst v6;
	v4 =	vadd.f32 v14, v4  }
0x310: {  	v6 =	vld [tilespmem:s8+$0xD000];
	[tilespmem:s2+$0x9030] =	vst v3;
	v2 =	vadd.f32 v9, v2  }
0x311: {  	v3 =	vld [tilespmem:s7+$0xB000];
	[tilespmem:s2+$0x9040] =	vst v4;
	v4 =	vadd.f32 v12, v5  }
0x312: {  	v5 =	vld [tilespmem:s8+$0xF000];
	[tilespmem:s2+$0x9050] =	vst v2  }
0x313: {  	v2 =	vld [tilespmem:s7+$0x9010];
	v8 =	vadd.f32 v8, v13;
	[tilespmem:s2+$0x9060] =	vst v4;
	s2 =	smov.u32 s7  }
0x314: {  	v4 =	vld [tilespmem:s2+$0xB010]  }
0x315: {  	v9 =	vld [tilespmem:s2+$0x9020];
	v6 =	vadd.f32 v6, v8  }
0x316: {  	v3 =	vadd.f32 v3, v7;
	v7 =	vld [tilespmem:s2+$0xB020]  }
0x317: {  	v8 =	vld [tilespmem:s2+$0x9030];
	v5 =	vadd.f32 v5, v6  }
0x318: {  	v6 =	vld [tilespmem:s2+$0xB030]  }
0x319: {  	v2 =	vadd.f32 v4, v2;
	v4 =	vld [tilespmem:s2+$0x9040];
	[tilespmem:s8+$0x9000] =	vst v5  }
0x31a: {  	v5 =	vld [tilespmem:s2+$0xB040]  }
0x31b: {  	v10 =	vadd.f32 v7, v9;
	v7 =	vld [tilespmem:s2+$0x9050]  }
0x31c: {  	v9 =	vld [tilespmem:s2+$0xB050]  }
0x31d: {  	v11 =	vadd.f32 v6, v8;
	v6 =	vld [tilespmem:s2+$0x9060]  }
0x31e: {  	v8 =	vld [tilespmem:s2+$0xB060]  }
0x31f: {  	v12 =	vld [tilespmem:s2+$0xD000];
	v4 =	vadd.f32 v5, v4  }
0x320: {  	v13 =	vld [tilespmem:s2+$0xD010]  }
0x321: {  	v14 =	vld [tilespmem:s2+$0xD020];
	v15 =	vadd.f32 v9, v7  }
0x322: {  	v16 =	vld [tilespmem:s2+$0xD030]  }
0x323: {  	v17 =	vld [tilespmem:s2+$0xD040];
	v5 =	vadd.f32 v8, v6  }
0x324: {  	v9 =	vadd.f32 v12, v3;
	v18 =	vld [tilespmem:s2+$0xD050]  }
.Ltmp3:
0x325: {  	v7 =	vadd.f32 v13, v2;
	v8 =	vld [tilespmem:s2+$0xD060];
	(pc) =	sbr.rel @p0 .LBB2_8-.Ltmp3, $4  }
0x326: {  	v13 =	vld [tilespmem:s2+$0xF000];
	v6 =	vadd.f32 v14, v10  }
0x327: {  	v12 =	vld [tilespmem:s2+$0xF010];
	v3 =	vadd.f32 v16, v11  }
0x328: {  	v10 =	vld [tilespmem:s2+$0xF020];
	v4 =	vadd.f32 v17, v4  }
0x329: {  	s6 =	sadd.s32 $0x400, s6;
	v11 =	vld [tilespmem:s2+$0xF030];
	v2 =	vadd.f32 v18, v15  }
0x32a: {  	v14 =	vld [tilespmem:s2+$0xF040]  }
0x32b: {  	v9 =	vadd.f32 v13, v9;
	v13 =	vld [tilespmem:s2+$0xF050]  }
0x32c: {  	v7 =	vadd.f32 v12, v7;
	v12 =	vld [tilespmem:s2+$0xF060]  }
0x32d: {  	[tilespmem:s2+$0x9000] =	vst v9;
	v6 =	vadd.f32 v10, v6  }
0x32e: {  	[tilespmem:s2+$0x9010] =	vst v7;
	v3 =	vadd.f32 v11, v3  }
0x32f: {  	v5 =	vadd.f32 v8, v5;
	[tilespmem:s2+$0x9020] =	vst v6;
	v4 =	vadd.f32 v14, v4  }
0x330: {  	[tilespmem:s2+$0x9030] =	vst v3;
	v2 =	vadd.f32 v13, v2  }
0x331: {  	[tilespmem:s2+$0x9040] =	vst v4;
	v3 =	vadd.f32 v12, v5  }
0x332: {  	[tilespmem:s2+$0x9050] =	vst v2  }
0x333: {  	[tilespmem:s2+$0x9060] =	vst v3  }
0x334: {  	s2 =	sld [smem:$0x7F8];
	_ =	sdelay $0x1  }
0x335: {  	s0 =	simm.s32 $0x0  }
0x336: {  	[hbm4b:s2+s0] =	stream.linear.scatter [tilespmem:s5], [sflag:$0x4], $0x2000, $0x38;
	[tilespmem:$0x11000] =	vst v63  }
0x337: {  	_ =	swait.ge [sflag:s4], $0x2000  }
0x338: {  	[sflag:s4] =	ssyncset.done $0x0  }
0x339: {  	[sflag:s4] =	ssyncadd.s32 $0xFFFFE000  }
0x33a: {  	_ =	swait.ge [sflag:s4], $0x2000  }
0x33b: {  	[sflag:s4] =	ssyncset.done $0x0  }
0x33c: {  	[sflag:s4] =	ssyncadd.s32 $0xFFFFE000  }
0x33d: {  	_ =	swait.ge [sflag:s4], $0x2000  }
0x33e: {  	[sflag:s4] =	ssyncset.done $0x0  }
0x33f: {  	[sflag:s4] =	ssyncadd.s32 $0xFFFFE000  }
0x340: {  	_ =	swait.ge [sflag:s4], $0x2000  }
0x341: {  	[sflag:s4] =	ssyncset.done $0x0  }
0x342: {  	[sflag:s4] =	ssyncadd.s32 $0xFFFFE000  }
0x343: {  	_ =	swait.ge [sflag:s30], $0x2000  }
0x344: {  	[sflag:s30] =	ssyncset.done $0x0  }
0x345: {  	[sflag:s30] =	ssyncadd.s32 $0xFFFFE000  }
0x346: {  	v2 =	vld.msk [tilespmem:$0x280], $0xff;
	_ =	sdelay $0x4  }
0x347: {  	v3 =	vshll.u32 v2, $0x3  }
0x348: {  	v2 =	vand.u32 $0x7, v2;
	v3 =	vand.u32 $0xFFFFFFC0, v3  }
0x349: {  	v2 =	vor.u32 v2, v3  }
0x34a: {  	v2 =	vperm.xlane v2, v0;
	_ =	sdelay $0x1  }
0x34b: {  	v2 =	vadd.s32 v1, v2;
	_ =	sdelay $0x4  }
0x34c: {  	[tilespmem:s5], [sflag:$0x2] =	stream.indirect_vreg.gather [hbm4b:s12+s0], $0x80, v2, vm0, $0xb8;
	[tilespmem:$0x11000] =	vst v63  }
0x34d: {  	s3 =	simm.s32 $0x9800  }
0x34e: {  	[tilespmem:s3], [sflag:$0x2] =	stream.indirect_vreg.gather [hbm4b:s13+s0], $0x80, v2, vm0, $0xb8;
	[tilespmem:$0x11000] =	vst v63  }
0x34f: {  	s6 =	simm.s32 $0xA000  }
0x350: {  	[tilespmem:s6], [sflag:$0x2] =	stream.indirect_vreg.gather [hbm4b:s14+s0], $0x80, v2, vm0, $0xb8;
	[tilespmem:$0x11000] =	vst v63  }
0x351: {  	s7 =	simm.s32 $0xA800  }
0x352: {  	[tilespmem:s7], [sflag:$0x2] =	stream.indirect_vreg.gather [hbm4b:s15+s0], $0x80, v2, vm0, $0xb8;
	[tilespmem:$0x11000] =	vst v63  }
0x353: {  	v2 =	vld.msk [tilespmem:$0x680], $0xff;
	_ =	sdelay $0x4  }
0x354: {  	v3 =	vshll.u32 v2, $0x3  }
0x355: {  	v2 =	vand.u32 $0x7, v2;
	v3 =	vand.u32 $0xFFFFFFC0, v3  }
0x356: {  	v2 =	vor.u32 v2, v3  }
0x357: {  	v2 =	vperm.xlane v2, v0;
	_ =	sdelay $0x1  }
0x358: {  	v2 =	vadd.s32 v1, v2;
	_ =	sdelay $0x3  }
0x359: {  	s8 =	simm.s32 $0xB000  }
0x35a: {  	[tilespmem:s8], [sflag:$0x2] =	stream.indirect_vreg.gather [hbm4b:s12+s0], $0x80, v2, vm0, $0xb8;
	[tilespmem:$0x11000] =	vst v63  }
0x35b: {  	_ = 	snop  }
0x35c: {  	[tilespmem:s10], [sflag:$0x2] =	stream.indirect_vreg.gather [hbm4b:s13+s0], $0x80, v2, vm0, $0xb8;
	[tilespmem:$0x11000] =	vst v63  }
0x35d: {  	_ = 	snop  }
0x35e: {  	[tilespmem:s11], [sflag:$0x2] =	stream.indirect_vreg.gather [hbm4b:s14+s0], $0x80, v2, vm0, $0xb8;
	[tilespmem:$0x11000] =	vst v63  }
0x35f: {  	_ = 	snop  }
0x360: {  	[tilespmem:s16], [sflag:$0x2] =	stream.indirect_vreg.gather [hbm4b:s15+s0], $0x80, v2, vm0, $0xb8;
	[tilespmem:$0x11000] =	vst v63  }
0x361: {  	v2 =	vld.msk [tilespmem:$0xA80], $0xff;
	_ =	sdelay $0x4  }
0x362: {  	v3 =	vshll.u32 v2, $0x3  }
0x363: {  	v2 =	vand.u32 $0x7, v2;
	v3 =	vand.u32 $0xFFFFFFC0, v3  }
0x364: {  	v2 =	vor.u32 v2, v3  }
0x365: {  	v2 =	vperm.xlane v2, v0;
	_ =	sdelay $0x1  }
0x366: {  	v2 =	vadd.s32 v1, v2;
	_ =	sdelay $0x4  }
0x367: {  	[tilespmem:s19], [sflag:$0x2] =	stream.indirect_vreg.gather [hbm4b:s12+s0], $0x80, v2, vm0, $0xb8;
	[tilespmem:$0x11000] =	vst v63  }
0x368: {  	_ = 	snop  }
0x369: {  	[tilespmem:s20], [sflag:$0x2] =	stream.indirect_vreg.gather [hbm4b:s13+s0], $0x80, v2, vm0, $0xb8;
	[tilespmem:$0x11000] =	vst v63  }
0x36a: {  	_ = 	snop  }
0x36b: {  	[tilespmem:s21], [sflag:$0x2] =	stream.indirect_vreg.gather [hbm4b:s14+s0], $0x80, v2, vm0, $0xb8;
	[tilespmem:$0x11000] =	vst v63  }
0x36c: {  	_ = 	snop  }
0x36d: {  	[tilespmem:s22], [sflag:$0x2] =	stream.indirect_vreg.gather [hbm4b:s15+s0], $0x80, v2, vm0, $0xb8;
	[tilespmem:$0x11000] =	vst v63  }
0x36e: {  	v2 =	vld.msk [tilespmem:$0xE80], $0xff;
	_ =	sdelay $0x4  }
0x36f: {  	v3 =	vshll.u32 v2, $0x3  }
0x370: {  	v2 =	vand.u32 $0x7, v2;
	v3 =	vand.u32 $0xFFFFFFC0, v3  }
0x371: {  	v2 =	vor.u32 v2, v3  }
0x372: {  	v2 =	vperm.xlane v2, v0;
	_ =	sdelay $0x1  }
0x373: {  	v2 =	vadd.s32 v1, v2;
	_ =	sdelay $0x4  }
0x374: {  	[tilespmem:s23], [sflag:$0x2] =	stream.indirect_vreg.gather [hbm4b:s12+s0], $0x80, v2, vm0, $0xb8;
	[tilespmem:$0x11000] =	vst v63  }
0x375: {  	s9 =	sand.u32 $0x1C00, s0  }
0x376: {  	[tilespmem:s24], [sflag:$0x2] =	stream.indirect_vreg.gather [hbm4b:s13+s0], $0x80, v2, vm0, $0xb8;
	[tilespmem:$0x11000] =	vst v63  }
0x377: {  	s3 =	sor.u32 s9, s0  }
0x378: {  	[tilespmem:s25], [sflag:$0x2] =	stream.indirect_vreg.gather [hbm4b:s14+s0], $0x80, v2, vm0, $0xb8;
	[tilespmem:$0x11000] =	vst v63  }
0x379: {  	s3 =	sor.u32 $0x70, s3  }
0x37a: {  	[tilespmem:s26], [sflag:$0x2] =	stream.indirect_vreg.gather [hbm4b:s15+s0], $0x80, v2, vm0, $0xb8;
	[tilespmem:$0x11000] =	vst v63  }
0x37b: {  	s6 =	sand.u32 $0x380, s0;
	v2 =	vld [tilespmem:s3+$0x1000]  }
0x37c: {  	s2 =	sor.u32 s6, s9;
	v3 =	vld [tilespmem:s3+$0x3000]  }
0x37d: {  	v4 =	vld [tilespmem:s2+$0x1000]  }
0x37e: {  	v5 =	vld [tilespmem:s3+$0x5000]  }
0x37f: {  	v6 =	vld [tilespmem:s2+$0x3000]  }
0x380: {  	v7 =	vld [tilespmem:s3+$0x7000]  }
0x381: {  	v8 =	vld [tilespmem:s2+$0x1010]  }
0x382: {  	v9 =	vld [tilespmem:s2+$0x3010]  }
0x383: {  	v10 =	vld [tilespmem:s2+$0x1020]  }
0x384: {  	v11 =	vld [tilespmem:s2+$0x3020]  }
0x385: {  	v12 =	vld [tilespmem:s2+$0x1030]  }
0x386: {  	v13 =	vld [tilespmem:s2+$0x3030]  }
0x387: {  	v14 =	vld [tilespmem:s2+$0x1040]  }
0x388: {  	v15 =	vld [tilespmem:s2+$0x3040]  }
0x389: {  	v16 =	vld [tilespmem:s2+$0x1050]  }
0x38a: {  	v17 =	vld [tilespmem:s2+$0x3050]  }
0x38b: {  	v18 =	vld [tilespmem:s2+$0x1060]  }
0x38c: {  	v19 =	vld [tilespmem:s2+$0x3060]  }
0x38d: {  	v20 =	vld [tilespmem:s2+$0x5010]  }
0x38e: {  	v21 =	vld [tilespmem:s2+$0x5020]  }
0x38f: {  	v22 =	vld [tilespmem:s2+$0x5030]  }
0x390: {  	v23 =	vld [tilespmem:s2+$0x5040];
	v2 =	vadd.f32 v3, v2;
	v4 =	vadd.f32 v6, v4  }
0x391: {  	v3 =	vld [tilespmem:s2+$0x5000];
	v6 =	vadd.f32 v9, v8;
	v10 =	vadd.f32 v11, v10  }
0x392: {  	v24 =	vld [tilespmem:s2+$0x5050];
	v11 =	vadd.f32 v13, v12;
	v2 =	vadd.f32 v5, v2  }
0x393: {  	v14 =	vadd.f32 v15, v14;
	v8 =	vld [tilespmem:s2+$0x5060];
	v15 =	vadd.f32 v17, v16  }
0x394: {  	v13 =	vld [tilespmem:s2+$0x7000];
	v5 =	vadd.f32 v19, v18;
	v2 =	vadd.f32 v7, v2  }
0x395: {  	v12 =	vld [tilespmem:s2+$0x7010];
	v7 =	vadd.f32 v20, v6;
	v6 =	vadd.f32 v21, v10  }
0x396: {  	v10 =	vld [tilespmem:s2+$0x7020];
	v9 =	vadd.f32 v3, v4;
	v3 =	vadd.f32 v22, v11  }
0x397: {  	s6 =	simm.s32 $0x400;
	v4 =	vadd.f32 v23, v14;
	v11 =	vld [tilespmem:s2+$0x7030];
	[tilespmem:s3+$0x1000] =	vst v2;
	s3 =	simm.s32 $0x0;
	v2 =	vadd.f32 v24, v15  }
.LBB2_10:
0x398: {  	s7 =	sand.u32 $0x1C00, s6;
	v14 =	vld [tilespmem:s2+$0x7040];
	v5 =	vadd.f32 v8, v5;
	s0 =	sadd.s32 $0x10, s0  }
0x399: {  	s3 =	sadd.s32 $0x8, s3;
	s8 =	sand.u32 $0x380, s0;
	s9 =	sor.u32 s7, s0;
	v8 =	vadd.f32 v13, v9;
	v9 =	vld [tilespmem:s2+$0x7050]  }
0x39a: {  	p0 =	slt.u32 s3, $0x1F8;
	s7 =	sor.u32 s8, s7;
	s8 =	sor.u32 $0x70, s9;
	v7 =	vadd.f32 v12, v7;
	v12 =	vld [tilespmem:s2+$0x7060]  }
0x39b: {  	v13 =	vld [tilespmem:s8+$0x1000];
	[tilespmem:s2+$0x1000] =	vst v8;
	v6 =	vadd.f32 v10, v6  }
0x39c: {  	v8 =	vld [tilespmem:s8+$0x3000];
	[tilespmem:s2+$0x1010] =	vst v7;
	v3 =	vadd.f32 v11, v3  }
0x39d: {  	v7 =	vld [tilespmem:s7+$0x1000];
	[tilespmem:s2+$0x1020] =	vst v6;
	v4 =	vadd.f32 v14, v4  }
0x39e: {  	v6 =	vld [tilespmem:s8+$0x5000];
	[tilespmem:s2+$0x1030] =	vst v3;
	v2 =	vadd.f32 v9, v2  }
0x39f: {  	v3 =	vld [tilespmem:s7+$0x3000];
	[tilespmem:s2+$0x1040] =	vst v4;
	v4 =	vadd.f32 v12, v5  }
0x3a0: {  	v5 =	vld [tilespmem:s8+$0x7000];
	[tilespmem:s2+$0x1050] =	vst v2  }
0x3a1: {  	v2 =	vld [tilespmem:s7+$0x1010];
	v8 =	vadd.f32 v8, v13;
	[tilespmem:s2+$0x1060] =	vst v4;
	s2 =	smov.u32 s7  }
0x3a2: {  	v4 =	vld [tilespmem:s2+$0x3010]  }
0x3a3: {  	v9 =	vld [tilespmem:s2+$0x1020];
	v6 =	vadd.f32 v6, v8  }
0x3a4: {  	v3 =	vadd.f32 v3, v7;
	v7 =	vld [tilespmem:s2+$0x3020]  }
0x3a5: {  	v8 =	vld [tilespmem:s2+$0x1030];
	v5 =	vadd.f32 v5, v6  }
0x3a6: {  	v6 =	vld [tilespmem:s2+$0x3030]  }
0x3a7: {  	v2 =	vadd.f32 v4, v2;
	v4 =	vld [tilespmem:s2+$0x1040];
	[tilespmem:s8+$0x1000] =	vst v5  }
0x3a8: {  	v5 =	vld [tilespmem:s2+$0x3040]  }
0x3a9: {  	v10 =	vadd.f32 v7, v9;
	v7 =	vld [tilespmem:s2+$0x1050]  }
0x3aa: {  	v9 =	vld [tilespmem:s2+$0x3050]  }
0x3ab: {  	v11 =	vadd.f32 v6, v8;
	v6 =	vld [tilespmem:s2+$0x1060]  }
0x3ac: {  	v8 =	vld [tilespmem:s2+$0x3060]  }
0x3ad: {  	v12 =	vld [tilespmem:s2+$0x5000];
	v4 =	vadd.f32 v5, v4  }
0x3ae: {  	v13 =	vld [tilespmem:s2+$0x5010]  }
0x3af: {  	v14 =	vld [tilespmem:s2+$0x5020];
	v15 =	vadd.f32 v9, v7  }
0x3b0: {  	v16 =	vld [tilespmem:s2+$0x5030]  }
0x3b1: {  	v17 =	vld [tilespmem:s2+$0x5040];
	v5 =	vadd.f32 v8, v6  }
0x3b2: {  	v9 =	vadd.f32 v12, v3;
	v18 =	vld [tilespmem:s2+$0x5050]  }
.Ltmp4:
0x3b3: {  	v7 =	vadd.f32 v13, v2;
	v8 =	vld [tilespmem:s2+$0x5060];
	(pc) =	sbr.rel @p0 .LBB2_10-.Ltmp4, $4  }
0x3b4: {  	v13 =	vld [tilespmem:s2+$0x7000];
	v6 =	vadd.f32 v14, v10  }
0x3b5: {  	v12 =	vld [tilespmem:s2+$0x7010];
	v3 =	vadd.f32 v16, v11  }
0x3b6: {  	v10 =	vld [tilespmem:s2+$0x7020];
	v4 =	vadd.f32 v17, v4  }
0x3b7: {  	s6 =	sadd.s32 $0x400, s6;
	v11 =	vld [tilespmem:s2+$0x7030];
	v2 =	vadd.f32 v18, v15  }
0x3b8: {  	v14 =	vld [tilespmem:s2+$0x7040]  }
0x3b9: {  	v9 =	vadd.f32 v13, v9;
	v13 =	vld [tilespmem:s2+$0x7050]  }
0x3ba: {  	v7 =	vadd.f32 v12, v7;
	v12 =	vld [tilespmem:s2+$0x7060]  }
0x3bb: {  	[tilespmem:s2+$0x1000] =	vst v9;
	v6 =	vadd.f32 v10, v6  }
0x3bc: {  	[tilespmem:s2+$0x1010] =	vst v7;
	v3 =	vadd.f32 v11, v3  }
0x3bd: {  	v5 =	vadd.f32 v8, v5;
	[tilespmem:s2+$0x1020] =	vst v6;
	v4 =	vadd.f32 v14, v4  }
0x3be: {  	[tilespmem:s2+$0x1030] =	vst v3;
	v2 =	vadd.f32 v13, v2  }
0x3bf: {  	[tilespmem:s2+$0x1040] =	vst v4;
	v3 =	vadd.f32 v12, v5  }
0x3c0: {  	[tilespmem:s2+$0x1050] =	vst v2  }
0x3c1: {  	[tilespmem:s2+$0x1060] =	vst v3  }
0x3c2: {  	s2 =	sld [smem:$0x7F9];
	_ =	sdelay $0x1  }
0x3c3: {  	s0 =	simm.s32 $0x0  }
0x3c4: {  	[hbm4b:s2+s0] =	stream.linear.scatter [tilespmem:s18], [sflag:$0x3], $0x2000, $0x38;
	[tilespmem:$0x11000] =	vst v63  }
0x3c5: {  	_ =	swait.ge [sflag:s28], $0x2000  }
0x3c6: {  	[sflag:s28] =	ssyncset.done $0x0  }
0x3c7: {  	[sflag:s28] =	ssyncadd.s32 $0xFFFFE000  }
0x3c8: {  	_ =	swait.ge [sflag:s28], $0x2000  }
0x3c9: {  	[sflag:s28] =	ssyncset.done $0x0  }
0x3ca: {  	[sflag:s28] =	ssyncadd.s32 $0xFFFFE000  }
0x3cb: {  	_ =	swait.ge [sflag:s28], $0x2000  }
0x3cc: {  	[sflag:s28] =	ssyncset.done $0x0  }
0x3cd: {  	[sflag:s28] =	ssyncadd.s32 $0xFFFFE000  }
0x3ce: {  	_ =	swait.ge [sflag:s28], $0x2000  }
0x3cf: {  	[sflag:s28] =	ssyncset.done $0x0  }
0x3d0: {  	[sflag:s28] =	ssyncadd.s32 $0xFFFFE000  }
0x3d1: {  	_ =	swait.ge [sflag:s29], $0x2000  }
0x3d2: {  	[sflag:s29] =	ssyncset.done $0x0  }
0x3d3: {  	[sflag:s29] =	ssyncadd.s32 $0xFFFFE000  }
0x3d4: {  	v2 =	vld.msk [tilespmem:$0x300], $0xff;
	_ =	sdelay $0x4  }
0x3d5: {  	v3 =	vshll.u32 v2, $0x3  }
0x3d6: {  	v2 =	vand.u32 $0x7, v2;
	v3 =	vand.u32 $0xFFFFFFC0, v3  }
0x3d7: {  	v2 =	vor.u32 v2, v3  }
0x3d8: {  	v2 =	vperm.xlane v2, v0;
	_ =	sdelay $0x1  }
0x3d9: {  	v2 =	vadd.s32 v1, v2;
	_ =	sdelay $0x4  }
0x3da: {  	[tilespmem:s18], [sflag:$0x1] =	stream.indirect_vreg.gather [hbm4b:s12+s0], $0x80, v2, vm0, $0xb8;
	[tilespmem:$0x11000] =	vst v63  }
0x3db: {  	s9 =	simm.s32 $0x1800  }
0x3dc: {  	[tilespmem:s9], [sflag:$0x1] =	stream.indirect_vreg.gather [hbm4b:s13+s0], $0x80, v2, vm0, $0xb8;
	[tilespmem:$0x11000] =	vst v63  }
0x3dd: {  	s3 =	simm.s32 $0x2000  }
0x3de: {  	[tilespmem:s3], [sflag:$0x1] =	stream.indirect_vreg.gather [hbm4b:s14+s0], $0x80, v2, vm0, $0xb8;
	[tilespmem:$0x11000] =	vst v63  }
0x3df: {  	s6 =	simm.s32 $0x2800  }
0x3e0: {  	[tilespmem:s6], [sflag:$0x1] =	stream.indirect_vreg.gather [hbm4b:s15+s0], $0x80, v2, vm0, $0xb8;
	[tilespmem:$0x11000] =	vst v63  }
0x3e1: {  	v2 =	vld.msk [tilespmem:$0x700], $0xff;
	_ =	sdelay $0x4  }
0x3e2: {  	v3 =	vshll.u32 v2, $0x3  }
0x3e3: {  	v2 =	vand.u32 $0x7, v2;
	v3 =	vand.u32 $0xFFFFFFC0, v3  }
0x3e4: {  	v2 =	vor.u32 v2, v3  }
0x3e5: {  	v2 =	vperm.xlane v2, v0;
	_ =	sdelay $0x1  }
0x3e6: {  	v2 =	vadd.s32 v1, v2;
	_ =	sdelay $0x3  }
0x3e7: {  	s7 =	simm.s32 $0x3000  }
0x3e8: {  	[tilespmem:s7], [sflag:$0x1] =	stream.indirect_vreg.gather [hbm4b:s12+s0], $0x80, v2, vm0, $0xb8;
	[tilespmem:$0x11000] =	vst v63  }
0x3e9: {  	s8 =	simm.s32 $0x3800  }
0x3ea: {  	[tilespmem:s8], [sflag:$0x1] =	stream.indirect_vreg.gather [hbm4b:s13+s0], $0x80, v2, vm0, $0xb8;
	[tilespmem:$0x11000] =	vst v63  }
0x3eb: {  	s9 =	simm.s32 $0x4000  }
0x3ec: {  	[tilespmem:s9], [sflag:$0x1] =	stream.indirect_vreg.gather [hbm4b:s14+s0], $0x80, v2, vm0, $0xb8;
	[tilespmem:$0x11000] =	vst v63  }
0x3ed: {  	s3 =	simm.s32 $0x4800  }
0x3ee: {  	[tilespmem:s3], [sflag:$0x1] =	stream.indirect_vreg.gather [hbm4b:s15+s0], $0x80, v2, vm0, $0xb8;
	[tilespmem:$0x11000] =	vst v63  }
0x3ef: {  	v2 =	vld.msk [tilespmem:$0xB00], $0xff;
	_ =	sdelay $0x4  }
0x3f0: {  	v3 =	vshll.u32 v2, $0x3  }
0x3f1: {  	v2 =	vand.u32 $0x7, v2;
	v3 =	vand.u32 $0xFFFFFFC0, v3  }
0x3f2: {  	v2 =	vor.u32 v2, v3  }
0x3f3: {  	v2 =	vperm.xlane v2, v0;
	_ =	sdelay $0x1  }
0x3f4: {  	v2 =	vadd.s32 v1, v2;
	_ =	sdelay $0x3  }
0x3f5: {  	s6 =	simm.s32 $0x5000  }
0x3f6: {  	[tilespmem:s6], [sflag:$0x1] =	stream.indirect_vreg.gather [hbm4b:s12+s0], $0x80, v2, vm0, $0xb8;
	[tilespmem:$0x11000] =	vst v63  }
0x3f7: {  	s7 =	simm.s32 $0x5800  }
0x3f8: {  	[tilespmem:s7], [sflag:$0x1] =	stream.indirect_vreg.gather [hbm4b:s13+s0], $0x80, v2, vm0, $0xb8;
	[tilespmem:$0x11000] =	vst v63  }
0x3f9: {  	s8 =	simm.s32 $0x6000  }
0x3fa: {  	[tilespmem:s8], [sflag:$0x1] =	stream.indirect_vreg.gather [hbm4b:s14+s0], $0x80, v2, vm0, $0xb8;
	[tilespmem:$0x11000] =	vst v63  }
0x3fb: {  	s9 =	simm.s32 $0x6800  }
0x3fc: {  	[tilespmem:s9], [sflag:$0x1] =	stream.indirect_vreg.gather [hbm4b:s15+s0], $0x80, v2, vm0, $0xb8;
	[tilespmem:$0x11000] =	vst v63  }
0x3fd: {  	v2 =	vld.msk [tilespmem:$0xF00], $0xff;
	_ =	sdelay $0x4  }
0x3fe: {  	v3 =	vshll.u32 v2, $0x3  }
0x3ff: {  	v2 =	vand.u32 $0x7, v2;
	v3 =	vand.u32 $0xFFFFFFC0, v3  }
0x400: {  	v2 =	vor.u32 v2, v3  }
0x401: {  	v2 =	vperm.xlane v2, v0;
	_ =	sdelay $0x1  }
0x402: {  	v2 =	vadd.s32 v1, v2;
	_ =	sdelay $0x3  }
0x403: {  	s3 =	simm.s32 $0x7000  }
0x404: {  	[tilespmem:s3], [sflag:$0x1] =	stream.indirect_vreg.gather [hbm4b:s12+s0], $0x80, v2, vm0, $0xb8;
	[tilespmem:$0x11000] =	vst v63  }
0x405: {  	s6 =	simm.s32 $0x7800;
	s9 =	sand.u32 $0x1C00, s0  }
0x406: {  	[tilespmem:s6], [sflag:$0x1] =	stream.indirect_vreg.gather [hbm4b:s13+s0], $0x80, v2, vm0, $0xb8;
	[tilespmem:$0x11000] =	vst v63  }
0x407: {  	s7 =	simm.s32 $0x8000;
	s3 =	sor.u32 s9, s0  }
0x408: {  	[tilespmem:s7], [sflag:$0x1] =	stream.indirect_vreg.gather [hbm4b:s14+s0], $0x80, v2, vm0, $0xb8;
	[tilespmem:$0x11000] =	vst v63  }
0x409: {  	s8 =	simm.s32 $0x8800;
	s3 =	sor.u32 $0x70, s3  }
0x40a: {  	[tilespmem:s8], [sflag:$0x1] =	stream.indirect_vreg.gather [hbm4b:s15+s0], $0x80, v2, vm0, $0xb8;
	[tilespmem:$0x11000] =	vst v63  }
0x40b: {  	s6 =	sand.u32 $0x380, s0;
	v2 =	vld [tilespmem:s3+$0x9000]  }
0x40c: {  	s2 =	sor.u32 s6, s9;
	v3 =	vld [tilespmem:s3+$0xB000]  }
0x40d: {  	v4 =	vld [tilespmem:s2+$0x9000]  }
0x40e: {  	v5 =	vld [tilespmem:s3+$0xD000]  }
0x40f: {  	v6 =	vld [tilespmem:s2+$0xB000]  }
0x410: {  	v7 =	vld [tilespmem:s3+$0xF000]  }
0x411: {  	v8 =	vld [tilespmem:s2+$0x9010]  }
0x412: {  	v9 =	vld [tilespmem:s2+$0xB010]  }
0x413: {  	v10 =	vld [tilespmem:s2+$0x9020]  }
0x414: {  	v11 =	vld [tilespmem:s2+$0xB020]  }
0x415: {  	v12 =	vld [tilespmem:s2+$0x9030]  }
0x416: {  	v13 =	vld [tilespmem:s2+$0xB030]  }
0x417: {  	v14 =	vld [tilespmem:s2+$0x9040]  }
0x418: {  	v15 =	vld [tilespmem:s2+$0xB040]  }
0x419: {  	v16 =	vld [tilespmem:s2+$0x9050]  }
0x41a: {  	v17 =	vld [tilespmem:s2+$0xB050]  }
0x41b: {  	v18 =	vld [tilespmem:s2+$0x9060]  }
0x41c: {  	v19 =	vld [tilespmem:s2+$0xB060]  }
0x41d: {  	v20 =	vld [tilespmem:s2+$0xD010]  }
0x41e: {  	v21 =	vld [tilespmem:s2+$0xD020]  }
0x41f: {  	v22 =	vld [tilespmem:s2+$0xD030]  }
0x420: {  	v23 =	vld [tilespmem:s2+$0xD040];
	v2 =	vadd.f32 v3, v2;
	v4 =	vadd.f32 v6, v4  }
0x421: {  	v3 =	vld [tilespmem:s2+$0xD000];
	v6 =	vadd.f32 v9, v8;
	v10 =	vadd.f32 v11, v10  }
0x422: {  	v24 =	vld [tilespmem:s2+$0xD050];
	v11 =	vadd.f32 v13, v12;
	v2 =	vadd.f32 v5, v2  }
0x423: {  	v14 =	vadd.f32 v15, v14;
	v8 =	vld [tilespmem:s2+$0xD060];
	v15 =	vadd.f32 v17, v16  }
0x424: {  	v13 =	vld [tilespmem:s2+$0xF000];
	v5 =	vadd.f32 v19, v18;
	v2 =	vadd.f32 v7, v2  }
0x425: {  	v12 =	vld [tilespmem:s2+$0xF010];
	v7 =	vadd.f32 v20, v6;
	v6 =	vadd.f32 v21, v10  }
0x426: {  	v10 =	vld [tilespmem:s2+$0xF020];
	v9 =	vadd.f32 v3, v4;
	v3 =	vadd.f32 v22, v11  }
0x427: {  	s6 =	simm.s32 $0x400;
	v4 =	vadd.f32 v23, v14;
	v11 =	vld [tilespmem:s2+$0xF030];
	[tilespmem:s3+$0x9000] =	vst v2;
	s3 =	simm.s32 $0x0;
	v2 =	vadd.f32 v24, v15  }
.LBB2_12:
0x428: {  	s7 =	sand.u32 $0x1C00, s6;
	v14 =	vld [tilespmem:s2+$0xF040];
	v5 =	vadd.f32 v8, v5;
	s0 =	sadd.s32 $0x10, s0  }
0x429: {  	s3 =	sadd.s32 $0x8, s3;
	s8 =	sand.u32 $0x380, s0;
	s9 =	sor.u32 s7, s0;
	v8 =	vadd.f32 v13, v9;
	v9 =	vld [tilespmem:s2+$0xF050]  }
0x42a: {  	p0 =	slt.u32 s3, $0x1F8;
	s7 =	sor.u32 s8, s7;
	s8 =	sor.u32 $0x70, s9;
	v7 =	vadd.f32 v12, v7;
	v12 =	vld [tilespmem:s2+$0xF060]  }
0x42b: {  	v13 =	vld [tilespmem:s8+$0x9000];
	[tilespmem:s2+$0x9000] =	vst v8;
	v6 =	vadd.f32 v10, v6  }
0x42c: {  	v8 =	vld [tilespmem:s8+$0xB000];
	[tilespmem:s2+$0x9010] =	vst v7;
	v3 =	vadd.f32 v11, v3  }
0x42d: {  	v7 =	vld [tilespmem:s7+$0x9000];
	[tilespmem:s2+$0x9020] =	vst v6;
	v4 =	vadd.f32 v14, v4  }
0x42e: {  	v6 =	vld [tilespmem:s8+$0xD000];
	[tilespmem:s2+$0x9030] =	vst v3;
	v2 =	vadd.f32 v9, v2  }
0x42f: {  	v3 =	vld [tilespmem:s7+$0xB000];
	[tilespmem:s2+$0x9040] =	vst v4;
	v4 =	vadd.f32 v12, v5  }
0x430: {  	v5 =	vld [tilespmem:s8+$0xF000];
	[tilespmem:s2+$0x9050] =	vst v2  }
0x431: {  	v2 =	vld [tilespmem:s7+$0x9010];
	v8 =	vadd.f32 v8, v13;
	[tilespmem:s2+$0x9060] =	vst v4;
	s2 =	smov.u32 s7  }
0x432: {  	v4 =	vld [tilespmem:s2+$0xB010]  }
0x433: {  	v9 =	vld [tilespmem:s2+$0x9020];
	v6 =	vadd.f32 v6, v8  }
0x434: {  	v3 =	vadd.f32 v3, v7;
	v7 =	vld [tilespmem:s2+$0xB020]  }
0x435: {  	v8 =	vld [tilespmem:s2+$0x9030];
	v5 =	vadd.f32 v5, v6  }
0x436: {  	v6 =	vld [tilespmem:s2+$0xB030]  }
0x437: {  	v2 =	vadd.f32 v4, v2;
	v4 =	vld [tilespmem:s2+$0x9040];
	[tilespmem:s8+$0x9000] =	vst v5  }
0x438: {  	v5 =	vld [tilespmem:s2+$0xB040]  }
0x439: {  	v10 =	vadd.f32 v7, v9;
	v7 =	vld [tilespmem:s2+$0x9050]  }
0x43a: {  	v9 =	vld [tilespmem:s2+$0xB050]  }
0x43b: {  	v11 =	vadd.f32 v6, v8;
	v6 =	vld [tilespmem:s2+$0x9060]  }
0x43c: {  	v8 =	vld [tilespmem:s2+$0xB060]  }
0x43d: {  	v12 =	vld [tilespmem:s2+$0xD000];
	v4 =	vadd.f32 v5, v4  }
0x43e: {  	v13 =	vld [tilespmem:s2+$0xD010]  }
0x43f: {  	v14 =	vld [tilespmem:s2+$0xD020];
	v15 =	vadd.f32 v9, v7  }
0x440: {  	v16 =	vld [tilespmem:s2+$0xD030]  }
0x441: {  	v17 =	vld [tilespmem:s2+$0xD040];
	v5 =	vadd.f32 v8, v6  }
0x442: {  	v9 =	vadd.f32 v12, v3;
	v18 =	vld [tilespmem:s2+$0xD050]  }
.Ltmp5:
0x443: {  	v7 =	vadd.f32 v13, v2;
	v8 =	vld [tilespmem:s2+$0xD060];
	(pc) =	sbr.rel @p0 .LBB2_12-.Ltmp5, $4  }
0x444: {  	v13 =	vld [tilespmem:s2+$0xF000];
	v6 =	vadd.f32 v14, v10  }
0x445: {  	v12 =	vld [tilespmem:s2+$0xF010];
	v3 =	vadd.f32 v16, v11  }
0x446: {  	v10 =	vld [tilespmem:s2+$0xF020];
	v4 =	vadd.f32 v17, v4  }
0x447: {  	s6 =	sadd.s32 $0x400, s6;
	v11 =	vld [tilespmem:s2+$0xF030];
	v2 =	vadd.f32 v18, v15  }
0x448: {  	v14 =	vld [tilespmem:s2+$0xF040]  }
0x449: {  	v9 =	vadd.f32 v13, v9;
	v13 =	vld [tilespmem:s2+$0xF050]  }
0x44a: {  	v7 =	vadd.f32 v12, v7;
	v12 =	vld [tilespmem:s2+$0xF060]  }
0x44b: {  	[tilespmem:s2+$0x9000] =	vst v9;
	v6 =	vadd.f32 v10, v6  }
0x44c: {  	[tilespmem:s2+$0x9010] =	vst v7;
	v3 =	vadd.f32 v11, v3  }
0x44d: {  	v5 =	vadd.f32 v8, v5;
	[tilespmem:s2+$0x9020] =	vst v6;
	v4 =	vadd.f32 v14, v4  }
0x44e: {  	[tilespmem:s2+$0x9030] =	vst v3;
	v2 =	vadd.f32 v13, v2  }
0x44f: {  	[tilespmem:s2+$0x9040] =	vst v4;
	v3 =	vadd.f32 v12, v5  }
0x450: {  	[tilespmem:s2+$0x9050] =	vst v2  }
0x451: {  	[tilespmem:s2+$0x9060] =	vst v3  }
0x452: {  	s2 =	sld [smem:$0x7FA];
	_ =	sdelay $0x1  }
0x453: {  	s0 =	simm.s32 $0x0  }
0x454: {  	[hbm4b:s2+s0] =	stream.linear.scatter [tilespmem:s5], [sflag:$0x4], $0x2000, $0x38;
	[tilespmem:$0x11000] =	vst v63  }
0x455: {  	_ =	swait.ge [sflag:s4], $0x2000  }
0x456: {  	[sflag:s4] =	ssyncset.done $0x0  }
0x457: {  	[sflag:s4] =	ssyncadd.s32 $0xFFFFE000  }
0x458: {  	_ =	swait.ge [sflag:s4], $0x2000  }
0x459: {  	[sflag:s4] =	ssyncset.done $0x0  }
0x45a: {  	[sflag:s4] =	ssyncadd.s32 $0xFFFFE000  }
0x45b: {  	_ =	swait.ge [sflag:s4], $0x2000  }
0x45c: {  	[sflag:s4] =	ssyncset.done $0x0  }
0x45d: {  	[sflag:s4] =	ssyncadd.s32 $0xFFFFE000  }
0x45e: {  	_ =	swait.ge [sflag:s4], $0x2000  }
0x45f: {  	[sflag:s4] =	ssyncset.done $0x0  }
0x460: {  	[sflag:s4] =	ssyncadd.s32 $0xFFFFE000  }
0x461: {  	_ =	swait.ge [sflag:s30], $0x2000  }
0x462: {  	[sflag:s30] =	ssyncset.done $0x0  }
0x463: {  	[sflag:s30] =	ssyncadd.s32 $0xFFFFE000  }
0x464: {  	v2 =	vld.msk [tilespmem:$0x380], $0xff;
	_ =	sdelay $0x4  }
0x465: {  	v3 =	vshll.u32 v2, $0x3  }
0x466: {  	v2 =	vand.u32 $0x7, v2;
	v3 =	vand.u32 $0xFFFFFFC0, v3  }
0x467: {  	v2 =	vor.u32 v2, v3  }
0x468: {  	v2 =	vperm.xlane v2, v0;
	_ =	sdelay $0x1  }
0x469: {  	v2 =	vadd.s32 v1, v2;
	_ =	sdelay $0x4  }
0x46a: {  	[tilespmem:s5], [sflag:$0x2] =	stream.indirect_vreg.gather [hbm4b:s12+s0], $0x80, v2, vm0, $0xb8;
	[tilespmem:$0x11000] =	vst v63  }
0x46b: {  	s3 =	simm.s32 $0x9800  }
0x46c: {  	[tilespmem:s3], [sflag:$0x2] =	stream.indirect_vreg.gather [hbm4b:s13+s0], $0x80, v2, vm0, $0xb8;
	[tilespmem:$0x11000] =	vst v63  }
0x46d: {  	s6 =	simm.s32 $0xA000  }
0x46e: {  	[tilespmem:s6], [sflag:$0x2] =	stream.indirect_vreg.gather [hbm4b:s14+s0], $0x80, v2, vm0, $0xb8;
	[tilespmem:$0x11000] =	vst v63  }
0x46f: {  	s7 =	simm.s32 $0xA800  }
0x470: {  	[tilespmem:s7], [sflag:$0x2] =	stream.indirect_vreg.gather [hbm4b:s15+s0], $0x80, v2, vm0, $0xb8;
	[tilespmem:$0x11000] =	vst v63  }
0x471: {  	v2 =	vld.msk [tilespmem:$0x780], $0xff;
	_ =	sdelay $0x4  }
0x472: {  	v3 =	vshll.u32 v2, $0x3  }
0x473: {  	v2 =	vand.u32 $0x7, v2;
	v3 =	vand.u32 $0xFFFFFFC0, v3  }
0x474: {  	v2 =	vor.u32 v2, v3  }
0x475: {  	v2 =	vperm.xlane v2, v0;
	_ =	sdelay $0x1  }
0x476: {  	v2 =	vadd.s32 v1, v2;
	_ =	sdelay $0x3  }
0x477: {  	s8 =	simm.s32 $0xB000  }
0x478: {  	[tilespmem:s8], [sflag:$0x2] =	stream.indirect_vreg.gather [hbm4b:s12+s0], $0x80, v2, vm0, $0xb8;
	[tilespmem:$0x11000] =	vst v63  }
0x479: {  	_ = 	snop  }
0x47a: {  	[tilespmem:s10], [sflag:$0x2] =	stream.indirect_vreg.gather [hbm4b:s13+s0], $0x80, v2, vm0, $0xb8;
	[tilespmem:$0x11000] =	vst v63  }
0x47b: {  	_ = 	snop  }
0x47c: {  	[tilespmem:s11], [sflag:$0x2] =	stream.indirect_vreg.gather [hbm4b:s14+s0], $0x80, v2, vm0, $0xb8;
	[tilespmem:$0x11000] =	vst v63  }
0x47d: {  	_ = 	snop  }
0x47e: {  	[tilespmem:s16], [sflag:$0x2] =	stream.indirect_vreg.gather [hbm4b:s15+s0], $0x80, v2, vm0, $0xb8;
	[tilespmem:$0x11000] =	vst v63  }
0x47f: {  	v2 =	vld.msk [tilespmem:$0xB80], $0xff;
	_ =	sdelay $0x4  }
0x480: {  	v3 =	vshll.u32 v2, $0x3  }
0x481: {  	v2 =	vand.u32 $0x7, v2;
	v3 =	vand.u32 $0xFFFFFFC0, v3  }
0x482: {  	v2 =	vor.u32 v2, v3  }
0x483: {  	v2 =	vperm.xlane v2, v0;
	_ =	sdelay $0x1  }
0x484: {  	v2 =	vadd.s32 v1, v2;
	_ =	sdelay $0x4  }
0x485: {  	[tilespmem:s19], [sflag:$0x2] =	stream.indirect_vreg.gather [hbm4b:s12+s0], $0x80, v2, vm0, $0xb8;
	[tilespmem:$0x11000] =	vst v63  }
0x486: {  	_ = 	snop  }
0x487: {  	[tilespmem:s20], [sflag:$0x2] =	stream.indirect_vreg.gather [hbm4b:s13+s0], $0x80, v2, vm0, $0xb8;
	[tilespmem:$0x11000] =	vst v63  }
0x488: {  	_ = 	snop  }
0x489: {  	[tilespmem:s21], [sflag:$0x2] =	stream.indirect_vreg.gather [hbm4b:s14+s0], $0x80, v2, vm0, $0xb8;
	[tilespmem:$0x11000] =	vst v63  }
0x48a: {  	_ = 	snop  }
0x48b: {  	[tilespmem:s22], [sflag:$0x2] =	stream.indirect_vreg.gather [hbm4b:s15+s0], $0x80, v2, vm0, $0xb8;
	[tilespmem:$0x11000] =	vst v63  }
0x48c: {  	v2 =	vld.msk [tilespmem:$0xF80], $0xff;
	_ =	sdelay $0x4  }
0x48d: {  	v3 =	vshll.u32 v2, $0x3  }
0x48e: {  	v2 =	vand.u32 $0x7, v2;
	v3 =	vand.u32 $0xFFFFFFC0, v3  }
0x48f: {  	v2 =	vor.u32 v2, v3  }
0x490: {  	v2 =	vperm.xlane v2, v0;
	_ =	sdelay $0x1  }
0x491: {  	v2 =	vadd.s32 v1, v2;
	_ =	sdelay $0x4  }
0x492: {  	[tilespmem:s23], [sflag:$0x2] =	stream.indirect_vreg.gather [hbm4b:s12+s0], $0x80, v2, vm0, $0xb8;
	[tilespmem:$0x11000] =	vst v63  }
0x493: {  	s9 =	sand.u32 $0x1C00, s0  }
0x494: {  	[tilespmem:s24], [sflag:$0x2] =	stream.indirect_vreg.gather [hbm4b:s13+s0], $0x80, v2, vm0, $0xb8;
	[tilespmem:$0x11000] =	vst v63  }
0x495: {  	s3 =	sor.u32 s9, s0  }
0x496: {  	[tilespmem:s25], [sflag:$0x2] =	stream.indirect_vreg.gather [hbm4b:s14+s0], $0x80, v2, vm0, $0xb8;
	[tilespmem:$0x11000] =	vst v63  }
0x497: {  	s3 =	sor.u32 $0x70, s3  }
0x498: {  	[tilespmem:s26], [sflag:$0x2] =	stream.indirect_vreg.gather [hbm4b:s15+s0], $0x80, v2, vm0, $0xb8;
	[tilespmem:$0x11000] =	vst v63  }
0x499: {  	s6 =	sand.u32 $0x380, s0;
	v2 =	vld [tilespmem:s3+$0x1000]  }
0x49a: {  	s2 =	sor.u32 s6, s9;
	v3 =	vld [tilespmem:s3+$0x3000]  }
0x49b: {  	v4 =	vld [tilespmem:s2+$0x1000]  }
0x49c: {  	v5 =	vld [tilespmem:s3+$0x5000]  }
0x49d: {  	v6 =	vld [tilespmem:s2+$0x3000]  }
0x49e: {  	v7 =	vld [tilespmem:s3+$0x7000]  }
0x49f: {  	v8 =	vld [tilespmem:s2+$0x1010]  }
0x4a0: {  	v9 =	vld [tilespmem:s2+$0x3010]  }
0x4a1: {  	v10 =	vld [tilespmem:s2+$0x1020]  }
0x4a2: {  	v11 =	vld [tilespmem:s2+$0x3020]  }
0x4a3: {  	v12 =	vld [tilespmem:s2+$0x1030]  }
0x4a4: {  	v13 =	vld [tilespmem:s2+$0x3030]  }
0x4a5: {  	v14 =	vld [tilespmem:s2+$0x1040]  }
0x4a6: {  	v15 =	vld [tilespmem:s2+$0x3040]  }
0x4a7: {  	v16 =	vld [tilespmem:s2+$0x1050]  }
0x4a8: {  	v17 =	vld [tilespmem:s2+$0x3050]  }
0x4a9: {  	v18 =	vld [tilespmem:s2+$0x1060]  }
0x4aa: {  	v19 =	vld [tilespmem:s2+$0x3060]  }
0x4ab: {  	v20 =	vld [tilespmem:s2+$0x5010]  }
0x4ac: {  	v21 =	vld [tilespmem:s2+$0x5020]  }
0x4ad: {  	v22 =	vld [tilespmem:s2+$0x5030]  }
0x4ae: {  	v23 =	vld [tilespmem:s2+$0x5040];
	v2 =	vadd.f32 v3, v2;
	v4 =	vadd.f32 v6, v4  }
0x4af: {  	v3 =	vld [tilespmem:s2+$0x5000];
	v6 =	vadd.f32 v9, v8;
	v10 =	vadd.f32 v11, v10  }
0x4b0: {  	v24 =	vld [tilespmem:s2+$0x5050];
	v11 =	vadd.f32 v13, v12;
	v2 =	vadd.f32 v5, v2  }
0x4b1: {  	v14 =	vadd.f32 v15, v14;
	v8 =	vld [tilespmem:s2+$0x5060];
	v15 =	vadd.f32 v17, v16  }
0x4b2: {  	v13 =	vld [tilespmem:s2+$0x7000];
	v5 =	vadd.f32 v19, v18;
	v2 =	vadd.f32 v7, v2  }
0x4b3: {  	v12 =	vld [tilespmem:s2+$0x7010];
	v7 =	vadd.f32 v20, v6;
	v6 =	vadd.f32 v21, v10  }
0x4b4: {  	v10 =	vld [tilespmem:s2+$0x7020];
	v9 =	vadd.f32 v3, v4;
	v3 =	vadd.f32 v22, v11  }
0x4b5: {  	s6 =	simm.s32 $0x400;
	v4 =	vadd.f32 v23, v14;
	v11 =	vld [tilespmem:s2+$0x7030];
	[tilespmem:s3+$0x1000] =	vst v2;
	s3 =	simm.s32 $0x0;
	v2 =	vadd.f32 v24, v15  }
.LBB2_14:
0x4b6: {  	s7 =	sand.u32 $0x1C00, s6;
	v14 =	vld [tilespmem:s2+$0x7040];
	v5 =	vadd.f32 v8, v5;
	s0 =	sadd.s32 $0x10, s0  }
0x4b7: {  	s3 =	sadd.s32 $0x8, s3;
	s8 =	sand.u32 $0x380, s0;
	s9 =	sor.u32 s7, s0;
	v8 =	vadd.f32 v13, v9;
	v9 =	vld [tilespmem:s2+$0x7050]  }
0x4b8: {  	p0 =	slt.u32 s3, $0x1F8;
	s7 =	sor.u32 s8, s7;
	s8 =	sor.u32 $0x70, s9;
	v7 =	vadd.f32 v12, v7;
	v12 =	vld [tilespmem:s2+$0x7060]  }
0x4b9: {  	v13 =	vld [tilespmem:s8+$0x1000];
	[tilespmem:s2+$0x1000] =	vst v8;
	v6 =	vadd.f32 v10, v6  }
0x4ba: {  	v8 =	vld [tilespmem:s8+$0x3000];
	[tilespmem:s2+$0x1010] =	vst v7;
	v3 =	vadd.f32 v11, v3  }
0x4bb: {  	v7 =	vld [tilespmem:s7+$0x1000];
	[tilespmem:s2+$0x1020] =	vst v6;
	v4 =	vadd.f32 v14, v4  }
0x4bc: {  	v6 =	vld [tilespmem:s8+$0x5000];
	[tilespmem:s2+$0x1030] =	vst v3;
	v2 =	vadd.f32 v9, v2  }
0x4bd: {  	v3 =	vld [tilespmem:s7+$0x3000];
	[tilespmem:s2+$0x1040] =	vst v4;
	v4 =	vadd.f32 v12, v5  }
0x4be: {  	v5 =	vld [tilespmem:s8+$0x7000];
	[tilespmem:s2+$0x1050] =	vst v2  }
0x4bf: {  	v2 =	vld [tilespmem:s7+$0x1010];
	v8 =	vadd.f32 v8, v13;
	[tilespmem:s2+$0x1060] =	vst v4;
	s2 =	smov.u32 s7  }
0x4c0: {  	v4 =	vld [tilespmem:s2+$0x3010]  }
0x4c1: {  	v9 =	vld [tilespmem:s2+$0x1020];
	v6 =	vadd.f32 v6, v8  }
0x4c2: {  	v3 =	vadd.f32 v3, v7;
	v7 =	vld [tilespmem:s2+$0x3020]  }
0x4c3: {  	v8 =	vld [tilespmem:s2+$0x1030];
	v5 =	vadd.f32 v5, v6  }
0x4c4: {  	v6 =	vld [tilespmem:s2+$0x3030]  }
0x4c5: {  	v2 =	vadd.f32 v4, v2;
	v4 =	vld [tilespmem:s2+$0x1040];
	[tilespmem:s8+$0x1000] =	vst v5  }
0x4c6: {  	v5 =	vld [tilespmem:s2+$0x3040]  }
0x4c7: {  	v10 =	vadd.f32 v7, v9;
	v7 =	vld [tilespmem:s2+$0x1050]  }
0x4c8: {  	v9 =	vld [tilespmem:s2+$0x3050]  }
0x4c9: {  	v11 =	vadd.f32 v6, v8;
	v6 =	vld [tilespmem:s2+$0x1060]  }
0x4ca: {  	v8 =	vld [tilespmem:s2+$0x3060]  }
0x4cb: {  	v12 =	vld [tilespmem:s2+$0x5000];
	v4 =	vadd.f32 v5, v4  }
0x4cc: {  	v13 =	vld [tilespmem:s2+$0x5010]  }
0x4cd: {  	v14 =	vld [tilespmem:s2+$0x5020];
	v15 =	vadd.f32 v9, v7  }
0x4ce: {  	v16 =	vld [tilespmem:s2+$0x5030]  }
0x4cf: {  	v17 =	vld [tilespmem:s2+$0x5040];
	v5 =	vadd.f32 v8, v6  }
0x4d0: {  	v9 =	vadd.f32 v12, v3;
	v18 =	vld [tilespmem:s2+$0x5050]  }
.Ltmp6:
0x4d1: {  	v7 =	vadd.f32 v13, v2;
	v8 =	vld [tilespmem:s2+$0x5060];
	(pc) =	sbr.rel @p0 .LBB2_14-.Ltmp6, $4  }
0x4d2: {  	v13 =	vld [tilespmem:s2+$0x7000];
	v6 =	vadd.f32 v14, v10  }
0x4d3: {  	v12 =	vld [tilespmem:s2+$0x7010];
	v3 =	vadd.f32 v16, v11  }
0x4d4: {  	v10 =	vld [tilespmem:s2+$0x7020];
	v4 =	vadd.f32 v17, v4  }
0x4d5: {  	s6 =	sadd.s32 $0x400, s6;
	v11 =	vld [tilespmem:s2+$0x7030];
	v2 =	vadd.f32 v18, v15  }
0x4d6: {  	v14 =	vld [tilespmem:s2+$0x7040]  }
0x4d7: {  	v9 =	vadd.f32 v13, v9;
	v13 =	vld [tilespmem:s2+$0x7050]  }
0x4d8: {  	v7 =	vadd.f32 v12, v7;
	v12 =	vld [tilespmem:s2+$0x7060]  }
0x4d9: {  	[tilespmem:s2+$0x1000] =	vst v9;
	v6 =	vadd.f32 v10, v6  }
0x4da: {  	[tilespmem:s2+$0x1010] =	vst v7;
	v3 =	vadd.f32 v11, v3  }
0x4db: {  	v5 =	vadd.f32 v8, v5;
	[tilespmem:s2+$0x1020] =	vst v6;
	v4 =	vadd.f32 v14, v4  }
0x4dc: {  	[tilespmem:s2+$0x1030] =	vst v3;
	v2 =	vadd.f32 v13, v2  }
0x4dd: {  	[tilespmem:s2+$0x1040] =	vst v4;
	v3 =	vadd.f32 v12, v5  }
0x4de: {  	[tilespmem:s2+$0x1050] =	vst v2  }
0x4df: {  	[tilespmem:s2+$0x1060] =	vst v3  }
0x4e0: {  	s2 =	sld [smem:$0x7FB];
	_ =	sdelay $0x1  }
0x4e1: {  	s0 =	simm.s32 $0x0  }
0x4e2: {  	[hbm4b:s2+s0] =	stream.linear.scatter [tilespmem:s18], [sflag:$0x3], $0x2000, $0x38;
	[tilespmem:$0x11000] =	vst v63  }
0x4e3: {  	_ =	swait.ge [sflag:s28], $0x2000  }
0x4e4: {  	[sflag:s28] =	ssyncset.done $0x0  }
0x4e5: {  	[sflag:s28] =	ssyncadd.s32 $0xFFFFE000  }
0x4e6: {  	_ =	swait.ge [sflag:s28], $0x2000  }
0x4e7: {  	[sflag:s28] =	ssyncset.done $0x0  }
0x4e8: {  	[sflag:s28] =	ssyncadd.s32 $0xFFFFE000  }
0x4e9: {  	_ =	swait.ge [sflag:s28], $0x2000  }
0x4ea: {  	[sflag:s28] =	ssyncset.done $0x0  }
0x4eb: {  	[sflag:s28] =	ssyncadd.s32 $0xFFFFE000  }
0x4ec: {  	s9 =	sand.u32 $0x1C00, s0;
	_ =	swait.ge [sflag:s28], $0x2000  }
0x4ed: {  	s3 =	sor.u32 s9, s0;
	[sflag:s28] =	ssyncset.done $0x0  }
0x4ee: {  	s3 =	sor.u32 $0x70, s3;
	[sflag:s28] =	ssyncadd.s32 $0xFFFFE000  }
0x4ef: {  	s6 =	sand.u32 $0x380, s0;
	v2 =	vld [tilespmem:s3+$0x9000]  }
0x4f0: {  	s2 =	sor.u32 s6, s9;
	v3 =	vld [tilespmem:s3+$0xB000]  }
0x4f1: {  	v4 =	vld [tilespmem:s2+$0x9000]  }
0x4f2: {  	v5 =	vld [tilespmem:s3+$0xD000]  }
0x4f3: {  	v6 =	vld [tilespmem:s2+$0xB000]  }
0x4f4: {  	v7 =	vld [tilespmem:s3+$0xF000]  }
0x4f5: {  	v8 =	vld [tilespmem:s2+$0x9010]  }
0x4f6: {  	v9 =	vld [tilespmem:s2+$0xB010]  }
0x4f7: {  	v10 =	vld [tilespmem:s2+$0x9020]  }
0x4f8: {  	v11 =	vld [tilespmem:s2+$0xB020]  }
0x4f9: {  	v12 =	vld [tilespmem:s2+$0x9030]  }
0x4fa: {  	v13 =	vld [tilespmem:s2+$0xB030]  }
0x4fb: {  	v14 =	vld [tilespmem:s2+$0x9040]  }
0x4fc: {  	v15 =	vld [tilespmem:s2+$0xB040]  }
0x4fd: {  	v16 =	vld [tilespmem:s2+$0x9050]  }
0x4fe: {  	v17 =	vld [tilespmem:s2+$0xB050]  }
0x4ff: {  	v18 =	vld [tilespmem:s2+$0x9060]  }
0x500: {  	v19 =	vld [tilespmem:s2+$0xB060]  }
0x501: {  	v20 =	vld [tilespmem:s2+$0xD010]  }
0x502: {  	v21 =	vld [tilespmem:s2+$0xD020]  }
0x503: {  	v22 =	vld [tilespmem:s2+$0xD030]  }
0x504: {  	v23 =	vld [tilespmem:s2+$0xD040];
	v2 =	vadd.f32 v3, v2;
	v4 =	vadd.f32 v6, v4  }
0x505: {  	v3 =	vld [tilespmem:s2+$0xD000];
	v6 =	vadd.f32 v9, v8;
	v10 =	vadd.f32 v11, v10  }
0x506: {  	v24 =	vld [tilespmem:s2+$0xD050];
	v11 =	vadd.f32 v13, v12;
	v2 =	vadd.f32 v5, v2  }
0x507: {  	v14 =	vadd.f32 v15, v14;
	v8 =	vld [tilespmem:s2+$0xD060];
	v15 =	vadd.f32 v17, v16  }
0x508: {  	v13 =	vld [tilespmem:s2+$0xF000];
	v5 =	vadd.f32 v19, v18;
	v2 =	vadd.f32 v7, v2  }
0x509: {  	v12 =	vld [tilespmem:s2+$0xF010];
	v7 =	vadd.f32 v20, v6;
	v6 =	vadd.f32 v21, v10  }
0x50a: {  	v10 =	vld [tilespmem:s2+$0xF020];
	v9 =	vadd.f32 v3, v4;
	v3 =	vadd.f32 v22, v11  }
0x50b: {  	s6 =	simm.s32 $0x400;
	v4 =	vadd.f32 v23, v14;
	v11 =	vld [tilespmem:s2+$0xF030];
	[tilespmem:s3+$0x9000] =	vst v2;
	s3 =	simm.s32 $0x0;
	v2 =	vadd.f32 v24, v15  }
.LBB2_16:
0x50c: {  	s7 =	sand.u32 $0x1C00, s6;
	v14 =	vld [tilespmem:s2+$0xF040];
	v5 =	vadd.f32 v8, v5;
	s0 =	sadd.s32 $0x10, s0  }
0x50d: {  	s3 =	sadd.s32 $0x8, s3;
	s8 =	sand.u32 $0x380, s0;
	s9 =	sor.u32 s7, s0;
	v8 =	vadd.f32 v13, v9;
	v9 =	vld [tilespmem:s2+$0xF050]  }
0x50e: {  	p0 =	slt.u32 s3, $0x1F8;
	s7 =	sor.u32 s8, s7;
	s8 =	sor.u32 $0x70, s9;
	v7 =	vadd.f32 v12, v7;
	v12 =	vld [tilespmem:s2+$0xF060]  }
0x50f: {  	v13 =	vld [tilespmem:s8+$0x9000];
	[tilespmem:s2+$0x9000] =	vst v8;
	v6 =	vadd.f32 v10, v6  }
0x510: {  	v8 =	vld [tilespmem:s8+$0xB000];
	[tilespmem:s2+$0x9010] =	vst v7;
	v3 =	vadd.f32 v11, v3  }
0x511: {  	v7 =	vld [tilespmem:s7+$0x9000];
	[tilespmem:s2+$0x9020] =	vst v6;
	v4 =	vadd.f32 v14, v4  }
0x512: {  	v6 =	vld [tilespmem:s8+$0xD000];
	[tilespmem:s2+$0x9030] =	vst v3;
	v2 =	vadd.f32 v9, v2  }
0x513: {  	v3 =	vld [tilespmem:s7+$0xB000];
	[tilespmem:s2+$0x9040] =	vst v4;
	v4 =	vadd.f32 v12, v5  }
0x514: {  	v5 =	vld [tilespmem:s8+$0xF000];
	[tilespmem:s2+$0x9050] =	vst v2  }
0x515: {  	v2 =	vld [tilespmem:s7+$0x9010];
	v8 =	vadd.f32 v8, v13;
	[tilespmem:s2+$0x9060] =	vst v4;
	s2 =	smov.u32 s7  }
0x516: {  	v4 =	vld [tilespmem:s2+$0xB010]  }
0x517: {  	v9 =	vld [tilespmem:s2+$0x9020];
	v6 =	vadd.f32 v6, v8  }
0x518: {  	v3 =	vadd.f32 v3, v7;
	v7 =	vld [tilespmem:s2+$0xB020]  }
0x519: {  	v8 =	vld [tilespmem:s2+$0x9030];
	v5 =	vadd.f32 v5, v6  }
0x51a: {  	v6 =	vld [tilespmem:s2+$0xB030]  }
0x51b: {  	v2 =	vadd.f32 v4, v2;
	v4 =	vld [tilespmem:s2+$0x9040];
	[tilespmem:s8+$0x9000] =	vst v5  }
0x51c: {  	v5 =	vld [tilespmem:s2+$0xB040]  }
0x51d: {  	v10 =	vadd.f32 v7, v9;
	v7 =	vld [tilespmem:s2+$0x9050]  }
0x51e: {  	v9 =	vld [tilespmem:s2+$0xB050]  }
0x51f: {  	v11 =	vadd.f32 v6, v8;
	v6 =	vld [tilespmem:s2+$0x9060]  }
0x520: {  	v8 =	vld [tilespmem:s2+$0xB060]  }
0x521: {  	v12 =	vld [tilespmem:s2+$0xD000];
	v4 =	vadd.f32 v5, v4  }
0x522: {  	v13 =	vld [tilespmem:s2+$0xD010]  }
0x523: {  	v14 =	vld [tilespmem:s2+$0xD020];
	v15 =	vadd.f32 v9, v7  }
0x524: {  	v16 =	vld [tilespmem:s2+$0xD030]  }
0x525: {  	v17 =	vld [tilespmem:s2+$0xD040];
	v5 =	vadd.f32 v8, v6  }
0x526: {  	v9 =	vadd.f32 v12, v3;
	v18 =	vld [tilespmem:s2+$0xD050]  }
.Ltmp7:
0x527: {  	v7 =	vadd.f32 v13, v2;
	v8 =	vld [tilespmem:s2+$0xD060];
	(pc) =	sbr.rel @p0 .LBB2_16-.Ltmp7, $4  }
0x528: {  	v13 =	vld [tilespmem:s2+$0xF000];
	v6 =	vadd.f32 v14, v10  }
0x529: {  	v12 =	vld [tilespmem:s2+$0xF010];
	v3 =	vadd.f32 v16, v11  }
0x52a: {  	v10 =	vld [tilespmem:s2+$0xF020];
	v4 =	vadd.f32 v17, v4  }
0x52b: {  	s6 =	sadd.s32 $0x400, s6;
	v11 =	vld [tilespmem:s2+$0xF030];
	v2 =	vadd.f32 v18, v15  }
0x52c: {  	v14 =	vld [tilespmem:s2+$0xF040]  }
0x52d: {  	v62 =	vld [tilespmem:s2+$0xF050];
	v9 =	vadd.f32 v13, v9  }
0x52e: {  	v63 =	vld [tilespmem:s2+$0xF060];
	v7 =	vadd.f32 v12, v7  }
0x52f: {  	[tilespmem:s2+$0x9000] =	vst v9;
	v6 =	vadd.f32 v10, v6  }
0x530: {  	[tilespmem:s2+$0x9010] =	vst v7;
	v3 =	vadd.f32 v11, v3  }
0x531: {  	v5 =	vadd.f32 v8, v5;
	[tilespmem:s2+$0x9020] =	vst v6;
	v4 =	vadd.f32 v14, v4  }
0x532: {  	v2 =	vadd.f32 v62, v2;
	[tilespmem:s2+$0x9030] =	vst v3  }
0x533: {  	v3 =	vadd.f32 v63, v5;
	[tilespmem:s2+$0x9040] =	vst v4  }
0x534: {  	[tilespmem:s2+$0x9050] =	vst v2  }
0x535: {  	[tilespmem:s2+$0x9060] =	vst v3  }
0x536: {  	s0 =	sld [smem:$0x7FC];
	_ =	sdelay $0x2  }
0x537: {  	[hbm4b:s0+s1] =	stream.linear.scatter [tilespmem:s5], [sflag:$0x4], $0x2000, $0x38;
	[tilespmem:$0x11000] =	vst v63  }
0x538: {  	_ =	swait.ge [sflag:s29], $0x2000  }
0x539: {  	[sflag:s29] =	ssyncset.done $0x0  }
0x53a: {  	[sflag:s29] =	ssyncadd.s32 $0xFFFFE000  }
0x53b: {  	_ =	swait.ge [sflag:s30], $0x2000  }
0x53c: {  	s9 =	sld [smem:$0x7FD];
	_ =	sdelay $0x1  }
0x53d: {  	s31 =	sadd.s32 $0x1, s31  }
0x53e: {  	p0 =	sne.s32 s31, s9  }
.Ltmp8:
0x53f: {  	_ = 	snop;
	(pc) =	sbr.rel @p0 .LBB2_1-.Ltmp8, $3  }
0x540: {  	_ =	sdelay $0x1  }
0x541: {  	[sflag:s30] =	ssyncset.done $0x0  }
0x542: {  	[sflag:s30] =	ssyncadd.s32 $0xFFFFE000  }
0x543: {  	_ =	sfence.sel $0x180000  }
0x544: {  	[bflag:$0x0] =	sbarrier.arrive $0xFFFF  }
0x545: {  	_ =	strace $0x9000004A  }
0x546: {  	s0 =	stileid.u32;
	[bflag:$0x2] =	sbarrier.arrive $0xFFFF  }
0x547: {  	p0 =	sne.s32 s0, $0x0;
	s0 =	rddreg [dreg:$0x2]  }
0x548: {  	s0 =	sadd.s32 @!p0 $0x100000, s0  }
0x549: {  	[sflag:s0] =	ssyncadd.tile.s32 @!p0 $0x1;
	_ =	shalt  }
.Lfunc_end2:
_tile_overlayer_lowered:
.L_overlay_start_2:
0x54a: {  	(tag) =	ssettag $0x2  }
0x54b: {  	s0 =	rddreg [dreg:$0x0];
	s2 =	stileid.u32  }
0x54c: {  	s1 =	rddreg [dreg:$0x1];
	p0 =	sne.s32 s2, $0x0  }
0x54d: {  	s3 =	rddreg [dreg:$0x2];
	[bflag:$0x3] =	sbarrier.arrive $0xFFFF;
	s2 =	simm.s32 @!p0 $0x1C05  }
0x54e: {  	[timem:s3], [sflag:s2] =	dma.local @!p0 [hbm:s0], s1  }
0x54f: {  	s0 =	simm.s32 @!p0 $0x5  }
0x550: {  	_ =	swait.ge @!p0 [sflag:s0], s1  }
0x551: {  	s1 =	ssub.s32 @!p0 $0x0, s1;
	[sflag:s0] =	ssyncset.done @!p0 $0x0  }
0x552: {  	[sflag:s0] =	ssyncadd.s32 @!p0 s1  }
0x553: {  	[bflag:$0x3] =	sbarrier.arrive $0xFFFF  }
0x554: {  	_ =	shalt  }

</sc_bundles>
